<compile_context>
chip_gen: v7x
topology: tpu7x:2x2x1
jax: 0.10.2.dev20260603
libtpu: 0.0.44.dev20260713+nightly
codegen_flags: <defaults>
</compile_context>

<pallas_src>
import jax
import jax.numpy as jnp
from jax import lax
from jax.experimental import pallas as pl
from jax.experimental.pallas import tpu as pltpu
from jax.experimental.pallas import tpu_sc as plsc

N_NODES = 10000
N_EDGES = 320000
NODEDIM = 128
EDGEDIM = 16

NW = 32
CHUNK = 128
NCHUNKS = N_EDGES // CHUNK
CPW = 88
NCHUNKS_PAD = 2504


def _tables_body(nodes8_ref, wr8_ref, ws8_ref, tr_ref, ts_ref):
    n = nodes8_ref[...]
    tr_ref[...] = jnp.dot(n, wr8_ref[...], preferred_element_type=jnp.float32)
    ts_ref[...] = jnp.dot(n, ws8_ref[...], preferred_element_type=jnp.float32)


BG = 125


def _base_body(edges_t_ref, wet_ref, bcol_ref, out_ref):
    bt = (
        jnp.dot(wet_ref[...], edges_t_ref[...], preferred_element_type=jnp.float32)
        + bcol_ref[...]
    )
    for g in range(BG):
        out_ref[g] = bt[:, g * CHUNK:(g + 1) * CHUNK]


BROWS = CHUNK // 8


EPW = CPW * CHUNK
FLAT = CHUNK * EDGEDIM
PC = 2


def _sc_body(tr_hbm, ts_hbm, ridx_hbm, sidx_hbm, base_hbm, out_hbm,
             ridx_v, sidx_v, buf_r, buf_b, buf_w, sem_r, sem_s, sem_st):
    cid = lax.axis_index("c")
    sid = lax.axis_index("s")
    wid = sid * 2 + cid

    def _start_of(w):
        return ((w * NCHUNKS) // NW) & ~7

    start = pl.multiple_of(_start_of(wid), 8)
    nxt = jnp.where(wid == NW - 1, NCHUNKS, _start_of(wid + 1))
    cnt = nxt - start
    e0 = pl.multiple_of(jnp.minimum(start * CHUNK, N_EDGES - EPW), CHUNK)
    off = start * CHUNK - e0
    pltpu.sync_copy(ridx_hbm.at[pl.ds(e0, EPW)], ridx_v)
    pltpu.sync_copy(sidx_hbm.at[pl.ds(e0, EPW)], sidx_v)

    def issue_r(g, k):
        le = pl.multiple_of(off + g * CHUNK, CHUNK)
        c = start + g
        for q in range(PC):
            pltpu.async_copy(
                tr_hbm.at[ridx_v.at[pl.ds(le + q * CHUNK, CHUNK)]],
                buf_r[k].at[pl.ds(q * CHUNK, CHUNK)], sem_r[k])
        pltpu.async_copy(base_hbm.at[pl.ds(c, PC)], buf_b[k], sem_r[k])

    def issue_s(g, k):
        le = pl.multiple_of(off + g * CHUNK, CHUNK)
        for q in range(PC):
            pltpu.async_copy(
                ts_hbm.at[sidx_v.at[pl.ds(le + q * CHUNK, CHUNK)]],
                buf_r[k].at[pl.ds(q * CHUNK, CHUNK)], sem_s[k], add=True)

    def wait_r(k):
        for q in range(PC):
            pltpu.make_async_copy(
                tr_hbm.at[pl.ds(0, CHUNK)],
                buf_r[k].at[pl.ds(0, CHUNK)], sem_r[k]).wait()
        pltpu.make_async_copy(base_hbm.at[pl.ds(0, PC)], buf_b[k], sem_r[k]).wait()

    def wait_s(k):
        for q in range(PC):
            pltpu.make_async_copy(
                ts_hbm.at[pl.ds(0, CHUNK)],
                buf_r[k].at[pl.ds(0, CHUNK)], sem_s[k]).wait()

    def wait_st(k):
        pltpu.make_async_copy(
            buf_w[k].at[0], out_hbm.at[0, pl.ds(0, PC)], sem_st[k]).wait()
        pltpu.make_async_copy(
            buf_w[k].at[1], out_hbm.at[1, pl.ds(0, PC)], sem_st[k]).wait()

    iota16 = lax.iota(jnp.int32, 16)
    zero16 = iota16 & 0

    def phase(g, k, k2, p):
        wait_s(k)

        @pl.when(p >= 1)
        def _():
            wait_st(k)

        for q in range(PC):

            @plsc.parallel_loop(0, EDGEDIM * 8, unroll=16)
            def _(i):
                f = i >> 3
                eg = i & 7
                rows = iota16 + (eg * 16 + q * CHUNK)
                cols = zero16 + f
                vr = plsc.load_gather(buf_r[k], [rows, cols])
                buf_w[k][f >> 3, q, f & 7, pl.ds(eg * 16, 16)] = (
                    buf_b[k][q, f, pl.ds(eg * 16, 16)] + vr
                )

        c = start + g
        pltpu.async_copy(buf_w[k].at[0], out_hbm.at[0, pl.ds(c, PC)], sem_st[k])
        pltpu.async_copy(buf_w[k].at[1], out_hbm.at[1, pl.ds(c, PC)], sem_st[k])

        @pl.when(g + PC < cnt)
        def _():
            wait_r(k2)
            issue_s(g + PC, k2)

        @pl.when(g + 2 * PC < cnt)
        def _():
            issue_r(g + 2 * PC, k)

    issue_r(0, 0)
    issue_r(PC, 1)
    wait_r(0)
    issue_s(0, 0)

    def pair_body(p, carry):
        phase(2 * PC * p, 0, 1, p)
        phase(2 * PC * p + PC, 1, 0, p)
        return carry

    lax.fori_loop(0, cnt // (2 * PC), pair_body, 0)
    wait_st(0)
    wait_st(1)


_sc_gather_add = pl.kernel(
    _sc_body,
    out_type=jax.ShapeDtypeStruct((2, NCHUNKS, 8, 128), jnp.float32),
    mesh=plsc.VectorSubcoreMesh(core_axis_name="c", subcore_axis_name="s"),
    scratch_types=[
        pltpu.VMEM((EPW,), jnp.int32),
        pltpu.VMEM((EPW,), jnp.int32),
        [pltpu.VMEM((PC * CHUNK, EDGEDIM), jnp.float32) for _ in range(2)],
        [pltpu.VMEM((PC, EDGEDIM, CHUNK), jnp.float32) for _ in range(2)],
        [pltpu.VMEM((2, PC, 8, CHUNK), jnp.float32) for _ in range(2)],
        [pltpu.SemaphoreType.DMA for _ in range(2)],
        [pltpu.SemaphoreType.DMA for _ in range(2)],
        [pltpu.SemaphoreType.DMA for _ in range(2)],
    ],
    compiler_params=pltpu.CompilerParams(
        use_tc_tiling_on_sc=False, needs_layout_passes=False),
)


def kernel(nodes, edges, senders, receivers, W, b):
    f32 = jnp.float32
    w_e = W[:EDGEDIM]
    w_r = W[EDGEDIM:EDGEDIM + NODEDIM]
    w_s = W[EDGEDIM + NODEDIM:]

    eye8 = jnp.eye(8, dtype=f32)
    wr8 = jnp.kron(eye8, w_r)
    ws8 = jnp.kron(eye8, w_s)
    nodes8 = nodes.reshape(N_NODES // 8, 8 * NODEDIM)
    tr8, ts8 = pl.pallas_call(
        _tables_body,
        out_shape=(
            jax.ShapeDtypeStruct((N_NODES // 8, 128), f32),
            jax.ShapeDtypeStruct((N_NODES // 8, 128), f32),
        ),
    )(nodes8, wr8, ws8)
    table_r = tr8.reshape(N_NODES, EDGEDIM)
    table_s = ts8.reshape(N_NODES, EDGEDIM)

    edges_t = edges.T
    w_et = w_e.T
    b_col = b.reshape(EDGEDIM, 1)
    base_sc = pl.pallas_call(
        _base_body,
        grid=(NCHUNKS // BG,),
        in_specs=[
            pl.BlockSpec((EDGEDIM, BG * CHUNK), lambda i: (0, i)),
            pl.BlockSpec((EDGEDIM, EDGEDIM), lambda i: (0, 0)),
            pl.BlockSpec((EDGEDIM, 1), lambda i: (0, 0)),
        ],
        out_specs=pl.BlockSpec((BG, EDGEDIM, CHUNK), lambda i: (i, 0, 0)),
        out_shape=jax.ShapeDtypeStruct((NCHUNKS, EDGEDIM, CHUNK), f32),
    )(edges_t, w_et, b_col)

    out4 = _sc_gather_add(table_r, table_s, receivers, senders, base_sc)
    return out4.transpose(1, 3, 0, 2).reshape(N_EDGES, EDGEDIM)

# --- scband reference (transcript-rebuilt; emitter-appended) ---
"""Pipeline reference for scband-edge-block-78872779424030 (READ-ONLY COPY).

The authoritative reference and input builder live on the scoring server;
editing this copy changes nothing except your own understanding.
"""

import jax, jax.numpy as jnp
import numpy as np

N_NODES = 10000
N_EDGES = 320000
NODEDIM = 128
EDGEDIM = 16


def setup_inputs(seed: int = 0) -> dict:
    key = jax.random.key(seed)
    k1, k2, k3, k4, k5, k6 = jax.random.split(key, 6)
    nodes = jax.random.normal(k1, (N_NODES, NODEDIM), dtype=jnp.float32)
    edges = jax.random.normal(k2, (N_EDGES, EDGEDIM), dtype=jnp.float32)
    senders = jax.random.randint(k3, (N_EDGES,), 0, N_NODES, dtype=jnp.int32)
    receivers = jax.random.randint(k4, (N_EDGES,), 0, N_NODES, dtype=jnp.int32)
    fan_in = EDGEDIM + 2 * NODEDIM  # 272, matches nn.Linear(N_features, edgedim)
    limit = 1.0 / np.sqrt(fan_in)
    W = jax.random.uniform(k5, (fan_in, EDGEDIM), minval=-limit, maxval=limit, dtype=jnp.float32)
    b = jax.random.uniform(k6, (EDGEDIM,), minval=-limit, maxval=limit, dtype=jnp.float32)
    return {"nodes": nodes, "edges": edges, "senders": senders, "receivers": receivers, "W": W, "b": b}


def reference(nodes, edges, senders, receivers, W, b):
    # EdgeBlock.forward with use_edges=True, use_receiver_nodes=True,
    # use_sender_nodes=True, use_globals=False.
    recv_feats = jnp.take(nodes, receivers, axis=0)   # broadcast_receiver_nodes_to_edges
    send_feats = jnp.take(nodes, senders, axis=0)     # broadcast_sender_nodes_to_edges
    collected_edges = jnp.concatenate([edges, recv_feats, send_feats], axis=-1)
    updated_edges = collected_edges @ W + b           # self.edgefn (nn.Linear)
    return updated_edges

if __name__ == "__main__":
    import jax
    _d = setup_inputs()
    print(jax.jit(kernel)(*tuple(_d.values())))

</pallas_src>

<mosaic_0001>
#map = affine_map<(d0, d1) -> (0, 0)>
#map1 = affine_map<(d0, d1) -> (0)>
#map2 = affine_map<(d0, d1) -> (0, 0, 0)>
#map3 = affine_map<(d0, d1) -> (0, 0, 0, 0)>
module attributes {stable_mosaic.version = 14 : i64} {
  func.func @_sc_body(%arg0: i32, %arg1: i32, %arg2: memref<10000x16xf32, #tpu.memory_space<hbm>>, %arg3: memref<10000x16xf32, #tpu.memory_space<hbm>>, %arg4: memref<320000xi32, #tpu.memory_space<hbm>>, %arg5: memref<320000xi32, #tpu.memory_space<hbm>>, %arg6: memref<2500x16x128xf32, #tpu.memory_space<hbm>>, %arg7: memref<2x2500x8x128xf32, #tpu.memory_space<hbm>>, %arg8: memref<11264xi32, #tpu.memory_space<vmem>>, %arg9: memref<11264xi32, #tpu.memory_space<vmem>>, %arg10: memref<256x16xf32, #tpu.memory_space<vmem>>, %arg11: memref<256x16xf32, #tpu.memory_space<vmem>>, %arg12: memref<2x16x128xf32, #tpu.memory_space<vmem>>, %arg13: memref<2x16x128xf32, #tpu.memory_space<vmem>>, %arg14: memref<2x2x8x128xf32, #tpu.memory_space<vmem>>, %arg15: memref<2x2x8x128xf32, #tpu.memory_space<vmem>>, %arg16: memref<!tpu.dma_semaphore, #tpu.memory_space<semaphore_mem>>, %arg17: memref<!tpu.dma_semaphore, #tpu.memory_space<semaphore_mem>>, %arg18: memref<!tpu.dma_semaphore, #tpu.memory_space<semaphore_mem>>, %arg19: memref<!tpu.dma_semaphore, #tpu.memory_space<semaphore_mem>>, %arg20: memref<!tpu.dma_semaphore, #tpu.memory_space<semaphore_mem>>, %arg21: memref<!tpu.dma_semaphore, #tpu.memory_space<semaphore_mem>>) attributes {dimension_semantics = [#tpu.dimension_semantics<core_parallel>, #tpu.dimension_semantics<subcore_parallel>], iteration_bounds = array<i64: 2, 16>, scalar_prefetch = 0 : i64, scratch_operands = 14 : i64, tpu.core_type = #tpu.core_type<sc_vector_subcore>, window_params = [{transform_indices = #map}, {transform_indices = #map}, {transform_indices = #map1}, {transform_indices = #map1}, {transform_indices = #map2}, {transform_indices = #map3}]} {
    %mul3A = arith.constant 2 : i32
    %mul3A_0 = arith.muli %arg1, %mul3A : i32
    %add3A = arith.addi %mul3A_0, %arg0 : i32
    %mul3A_1 = arith.constant 2500 : i32
    %mul3A_2 = arith.muli %add3A, %mul3A_1 : i32
    %jit3A = arith.constant 32 : i32
    %div3A = arith.divsi %mul3A_2, %jit3A : i32
    %sign3A = arith.constant 0 : i32
    %sign3A_3 = arith.cmpi sgt, %mul3A_2, %sign3A : i32
    %sign3A_4 = arith.extui %sign3A_3 : i1 to i32
    %sign3A_5 = arith.constant 0 : i32
    %sign3A_6 = arith.cmpi slt, %mul3A_2, %sign3A_5 : i32
    %sign3A_7 = arith.extui %sign3A_6 : i1 to i32
    %sign3A_8 = arith.subi %sign3A_4, %sign3A_7 : i32
    %sign3A_9 = arith.constant 0 : i32
    %sign3A_10 = arith.cmpi sgt, %jit3A, %sign3A_9 : i32
    %sign3A_11 = arith.extui %sign3A_10 : i1 to i32
    %sign3A_12 = arith.constant 0 : i32
    %sign3A_13 = arith.cmpi slt, %jit3A, %sign3A_12 : i32
    %sign3A_14 = arith.extui %sign3A_13 : i1 to i32
    %sign3A_15 = arith.subi %sign3A_11, %sign3A_14 : i32
    %ne3A = arith.cmpi ne, %sign3A_8, %sign3A_15 : i32
    %rem3A = arith.remsi %mul3A_2, %jit3A : i32
    %ne3A_16 = arith.constant 0 : i32
    %ne3A_17 = arith.cmpi ne, %rem3A, %ne3A_16 : i32
    %and3A = arith.andi %ne3A, %ne3A_17 : i1
    %sub3A = arith.constant 1 : i32
    %sub3A_18 = arith.subi %div3A, %sub3A : i32
    %select_n3A = arith.select %and3A, %sub3A_18, %div3A : i32
    %and3A_19 = arith.constant -8 : i32
    %and3A_20 = arith.andi %select_n3A, %and3A_19 : i32
    %multiple_of3A = tpu.assume_multiple %and3A_20, 8 : i32
    %eq3A = arith.constant 31 : i32
    %eq3A_21 = arith.cmpi eq, %add3A, %eq3A : i32
    %add3A_22 = arith.constant 1 : i32
    %add3A_23 = arith.addi %add3A, %add3A_22 : i32
    %mul3A_24 = arith.constant 2500 : i32
    %mul3A_25 = arith.muli %add3A_23, %mul3A_24 : i32
    %jit3A_26 = arith.constant 32 : i32
    %div3A_27 = arith.divsi %mul3A_25, %jit3A_26 : i32
    %sign3A_28 = arith.constant 0 : i32
    %sign3A_29 = arith.cmpi sgt, %mul3A_25, %sign3A_28 : i32
    %sign3A_30 = arith.extui %sign3A_29 : i1 to i32
    %sign3A_31 = arith.constant 0 : i32
    %sign3A_32 = arith.cmpi slt, %mul3A_25, %sign3A_31 : i32
    %sign3A_33 = arith.extui %sign3A_32 : i1 to i32
    %sign3A_34 = arith.subi %sign3A_30, %sign3A_33 : i32
    %sign3A_35 = arith.constant 0 : i32
    %sign3A_36 = arith.cmpi sgt, %jit3A_26, %sign3A_35 : i32
    %sign3A_37 = arith.extui %sign3A_36 : i1 to i32
    %sign3A_38 = arith.constant 0 : i32
    %sign3A_39 = arith.cmpi slt, %jit3A_26, %sign3A_38 : i32
    %sign3A_40 = arith.extui %sign3A_39 : i1 to i32
    %sign3A_41 = arith.subi %sign3A_37, %sign3A_40 : i32
    %ne3A_42 = arith.cmpi ne, %sign3A_34, %sign3A_41 : i32
    %rem3A_43 = arith.remsi %mul3A_25, %jit3A_26 : i32
    %ne3A_44 = arith.constant 0 : i32
    %ne3A_45 = arith.cmpi ne, %rem3A_43, %ne3A_44 : i32
    %and3A_46 = arith.andi %ne3A_42, %ne3A_45 : i1
    %sub3A_47 = arith.constant 1 : i32
    %sub3A_48 = arith.subi %div3A_27, %sub3A_47 : i32
    %select_n3A_49 = arith.select %and3A_46, %sub3A_48, %div3A_27 : i32
    %and3A_50 = arith.constant -8 : i32
    %and3A_51 = arith.andi %select_n3A_49, %and3A_50 : i32
    %jit3A_52 = arith.constant 2500 : i32
    %select_n3A_53 = arith.select %eq3A_21, %jit3A_52, %and3A_51 : i32
    %sub3A_54 = arith.subi %select_n3A_53, %multiple_of3A : i32
    %mul3A_55 = arith.constant 128 : i32
    %mul3A_56 = arith.muli %multiple_of3A, %mul3A_55 : i32
    %min3A = arith.constant 308736 : i32
    %min3A_57 = arith.minsi %mul3A_56, %min3A : i32
    %multiple_of3A_58 = tpu.assume_multiple %min3A_57, 128 : i32
    %mul3A_59 = arith.constant 128 : i32
    %mul3A_60 = arith.muli %multiple_of3A, %mul3A_59 : i32
    %sub3A_61 = arith.subi %mul3A_60, %multiple_of3A_58 : i32
    "tpu.region"() ({
      %run_scoped3A = tpu.sem_alloc : memref<!tpu.dma_semaphore, #tpu.memory_space<semaphore_mem>>
      %dma_start3A_295 = tpu.memref_slice %arg4[%multiple_of3A_58] : memref<320000xi32, #tpu.memory_space<hbm>> -> memref<11264xi32, #tpu.memory_space<hbm>>
      %dma_start3A_296 = tpu.memref_slice %arg4[%multiple_of3A_58] : memref<320000xi32, #tpu.memory_space<hbm>> -> memref<11264xi32, #tpu.memory_space<hbm>>
      tpu.enqueue_dma source(%dma_start3A_296 : memref<11264xi32, #tpu.memory_space<hbm>>) target(%arg8 : memref<11264xi32, #tpu.memory_space<vmem>>) target_semaphore(%run_scoped3A : memref<!tpu.dma_semaphore, #tpu.memory_space<semaphore_mem>>)
      %dma_wait3A_297 = tpu.memref_slice %arg4[%multiple_of3A_58] : memref<320000xi32, #tpu.memory_space<hbm>> -> memref<11264xi32, #tpu.memory_space<hbm>>
      %dma_wait3A_298 = tpu.memref_slice %arg4[%multiple_of3A_58] : memref<320000xi32, #tpu.memory_space<hbm>> -> memref<11264xi32, #tpu.memory_space<hbm>>
      tpu.wait_dma2 semaphore(%run_scoped3A : memref<!tpu.dma_semaphore, #tpu.memory_space<semaphore_mem>>) src(%dma_wait3A_298 : memref<11264xi32, #tpu.memory_space<hbm>>) dst(%arg8 : memref<11264xi32, #tpu.memory_space<vmem>>)
      tpu.yield
    }) : () -> ()
    "tpu.region"() ({
      %run_scoped3A = tpu.sem_alloc : memref<!tpu.dma_semaphore, #tpu.memory_space<semaphore_mem>>
      %dma_start3A_295 = tpu.memref_slice %arg5[%multiple_of3A_58] : memref<320000xi32, #tpu.memory_space<hbm>> -> memref<11264xi32, #tpu.memory_space<hbm>>
      %dma_start3A_296 = tpu.memref_slice %arg5[%multiple_of3A_58] : memref<320000xi32, #tpu.memory_space<hbm>> -> memref<11264xi32, #tpu.memory_space<hbm>>
      tpu.enqueue_dma source(%dma_start3A_296 : memref<11264xi32, #tpu.memory_space<hbm>>) target(%arg9 : memref<11264xi32, #tpu.memory_space<vmem>>) target_semaphore(%run_scoped3A : memref<!tpu.dma_semaphore, #tpu.memory_space<semaphore_mem>>)
      %dma_wait3A_297 = tpu.memref_slice %arg5[%multiple_of3A_58] : memref<320000xi32, #tpu.memory_space<hbm>> -> memref<11264xi32, #tpu.memory_space<hbm>>
      %dma_wait3A_298 = tpu.memref_slice %arg5[%multiple_of3A_58] : memref<320000xi32, #tpu.memory_space<hbm>> -> memref<11264xi32, #tpu.memory_space<hbm>>
      tpu.wait_dma2 semaphore(%run_scoped3A : memref<!tpu.dma_semaphore, #tpu.memory_space<semaphore_mem>>) src(%dma_wait3A_298 : memref<11264xi32, #tpu.memory_space<hbm>>) dst(%arg9 : memref<11264xi32, #tpu.memory_space<vmem>>)
      tpu.yield
    }) : () -> ()
    %iota3A = tpu.iota {dimensions = array<i32: 0>} : vector<16xi32>
    %and3A_62 = arith.constant 0 : i32
    %and3A_63 = vector.broadcast %and3A_62 : i32 to vector<16xi32>
    %and3A_64 = arith.andi %iota3A, %and3A_63 : vector<16xi32>
    %add3A_65 = arith.constant 0 : i32
    %add3A_66 = arith.addi %sub3A_61, %add3A_65 : i32
    %multiple_of3A_67 = tpu.assume_multiple %add3A_66, 128 : i32
    %add3A_68 = arith.constant 0 : i32
    %add3A_69 = arith.addi %multiple_of3A, %add3A_68 : i32
    %add3A_70 = arith.constant 0 : i32
    %add3A_71 = arith.addi %multiple_of3A_67, %add3A_70 : i32
    %dma_start3A = arith.constant 0 : i32
    %dma_start3A_72 = arith.constant 0 : i32
    %dma_start3A_73 = tpu.memref_slice %arg10[%dma_start3A, %dma_start3A_72] : memref<256x16xf32, #tpu.memory_space<vmem>> -> memref<128x16xf32, #tpu.memory_space<vmem>>
    %dma_start3A_74 = tpu.memref_slice %arg8[%add3A_71] : memref<11264xi32, #tpu.memory_space<vmem>> -> memref<128xi32, #tpu.memory_space<vmem>>
    %dma_start3A_75 = arith.constant 0 : i32
    %dma_start3A_76 = arith.constant 0 : i32
    %dma_start3A_77 = tpu.memref_slice %arg2[%dma_start3A_75, %dma_start3A_76] : memref<10000x16xf32, #tpu.memory_space<hbm>> -> memref<10000x16xf32, #tpu.memory_space<hbm>>
    tpu.enqueue_indirect_dma source(%dma_start3A_77 : memref<10000x16xf32, #tpu.memory_space<hbm>>) target(%dma_start3A_73 : memref<128x16xf32, #tpu.memory_space<vmem>>) offsets(%dma_start3A_74 : memref<128xi32, #tpu.memory_space<vmem>>) semaphore(%arg16 : memref<!tpu.dma_semaphore, #tpu.memory_space<semaphore_mem>>)
    %add3A_78 = arith.constant 128 : i32
    %add3A_79 = arith.addi %multiple_of3A_67, %add3A_78 : i32
    %dma_start3A_80 = arith.constant 128 : i32
    %dma_start3A_81 = arith.constant 0 : i32
    %dma_start3A_82 = tpu.memref_slice %arg10[%dma_start3A_80, %dma_start3A_81] : memref<256x16xf32, #tpu.memory_space<vmem>> -> memref<128x16xf32, #tpu.memory_space<vmem>>
    %dma_start3A_83 = tpu.memref_slice %arg8[%add3A_79] : memref<11264xi32, #tpu.memory_space<vmem>> -> memref<128xi32, #tpu.memory_space<vmem>>
    %dma_start3A_84 = arith.constant 0 : i32
    %dma_start3A_85 = arith.constant 0 : i32
    %dma_start3A_86 = tpu.memref_slice %arg2[%dma_start3A_84, %dma_start3A_85] : memref<10000x16xf32, #tpu.memory_space<hbm>> -> memref<10000x16xf32, #tpu.memory_space<hbm>>
    tpu.enqueue_indirect_dma source(%dma_start3A_86 : memref<10000x16xf32, #tpu.memory_space<hbm>>) target(%dma_start3A_82 : memref<128x16xf32, #tpu.memory_space<vmem>>) offsets(%dma_start3A_83 : memref<128xi32, #tpu.memory_space<vmem>>) semaphore(%arg16 : memref<!tpu.dma_semaphore, #tpu.memory_space<semaphore_mem>>)
    %dma_start3A_87 = arith.constant 0 : i32
    %dma_start3A_88 = arith.constant 0 : i32
    %dma_start3A_89 = tpu.memref_slice %arg6[%add3A_69, %dma_start3A_87, %dma_start3A_88] : memref<2500x16x128xf32, #tpu.memory_space<hbm>> -> memref<2x16x128xf32, #tpu.memory_space<hbm>>
    %dma_start3A_90 = arith.constant 0 : i32
    %dma_start3A_91 = arith.constant 0 : i32
    %dma_start3A_92 = tpu.memref_slice %arg6[%add3A_69, %dma_start3A_90, %dma_start3A_91] : memref<2500x16x128xf32, #tpu.memory_space<hbm>> -> memref<2x16x128xf32, #tpu.memory_space<hbm>>
    tpu.enqueue_dma source(%dma_start3A_92 : memref<2x16x128xf32, #tpu.memory_space<hbm>>) target(%arg12 : memref<2x16x128xf32, #tpu.memory_space<vmem>>) target_semaphore(%arg16 : memref<!tpu.dma_semaphore, #tpu.memory_space<semaphore_mem>>)
    %add3A_93 = arith.constant 256 : i32
    %add3A_94 = arith.addi %sub3A_61, %add3A_93 : i32
    %multiple_of3A_95 = tpu.assume_multiple %add3A_94, 128 : i32
    %add3A_96 = arith.constant 2 : i32
    %add3A_97 = arith.addi %multiple_of3A, %add3A_96 : i32
    %add3A_98 = arith.constant 0 : i32
    %add3A_99 = arith.addi %multiple_of3A_95, %add3A_98 : i32
    %dma_start3A_100 = arith.constant 0 : i32
    %dma_start3A_101 = arith.constant 0 : i32
    %dma_start3A_102 = tpu.memref_slice %arg11[%dma_start3A_100, %dma_start3A_101] : memref<256x16xf32, #tpu.memory_space<vmem>> -> memref<128x16xf32, #tpu.memory_space<vmem>>
    %dma_start3A_103 = tpu.memref_slice %arg8[%add3A_99] : memref<11264xi32, #tpu.memory_space<vmem>> -> memref<128xi32, #tpu.memory_space<vmem>>
    %dma_start3A_104 = arith.constant 0 : i32
    %dma_start3A_105 = arith.constant 0 : i32
    %dma_start3A_106 = tpu.memref_slice %arg2[%dma_start3A_104, %dma_start3A_105] : memref<10000x16xf32, #tpu.memory_space<hbm>> -> memref<10000x16xf32, #tpu.memory_space<hbm>>
    tpu.enqueue_indirect_dma source(%dma_start3A_106 : memref<10000x16xf32, #tpu.memory_space<hbm>>) target(%dma_start3A_102 : memref<128x16xf32, #tpu.memory_space<vmem>>) offsets(%dma_start3A_103 : memref<128xi32, #tpu.memory_space<vmem>>) semaphore(%arg17 : memref<!tpu.dma_semaphore, #tpu.memory_space<semaphore_mem>>)
    %add3A_107 = arith.constant 128 : i32
    %add3A_108 = arith.addi %multiple_of3A_95, %add3A_107 : i32
    %dma_start3A_109 = arith.constant 128 : i32
    %dma_start3A_110 = arith.constant 0 : i32
    %dma_start3A_111 = tpu.memref_slice %arg11[%dma_start3A_109, %dma_start3A_110] : memref<256x16xf32, #tpu.memory_space<vmem>> -> memref<128x16xf32, #tpu.memory_space<vmem>>
    %dma_start3A_112 = tpu.memref_slice %arg8[%add3A_108] : memref<11264xi32, #tpu.memory_space<vmem>> -> memref<128xi32, #tpu.memory_space<vmem>>
    %dma_start3A_113 = arith.constant 0 : i32
    %dma_start3A_114 = arith.constant 0 : i32
    %dma_start3A_115 = tpu.memref_slice %arg2[%dma_start3A_113, %dma_start3A_114] : memref<10000x16xf32, #tpu.memory_space<hbm>> -> memref<10000x16xf32, #tpu.memory_space<hbm>>
    tpu.enqueue_indirect_dma source(%dma_start3A_115 : memref<10000x16xf32, #tpu.memory_space<hbm>>) target(%dma_start3A_111 : memref<128x16xf32, #tpu.memory_space<vmem>>) offsets(%dma_start3A_112 : memref<128xi32, #tpu.memory_space<vmem>>) semaphore(%arg17 : memref<!tpu.dma_semaphore, #tpu.memory_space<semaphore_mem>>)
    %dma_start3A_116 = arith.constant 0 : i32
    %dma_start3A_117 = arith.constant 0 : i32
    %dma_start3A_118 = tpu.memref_slice %arg6[%add3A_97, %dma_start3A_116, %dma_start3A_117] : memref<2500x16x128xf32, #tpu.memory_space<hbm>> -> memref<2x16x128xf32, #tpu.memory_space<hbm>>
    %dma_start3A_119 = arith.constant 0 : i32
    %dma_start3A_120 = arith.constant 0 : i32
    %dma_start3A_121 = tpu.memref_slice %arg6[%add3A_97, %dma_start3A_119, %dma_start3A_120] : memref<2500x16x128xf32, #tpu.memory_space<hbm>> -> memref<2x16x128xf32, #tpu.memory_space<hbm>>
    tpu.enqueue_dma source(%dma_start3A_121 : memref<2x16x128xf32, #tpu.memory_space<hbm>>) target(%arg13 : memref<2x16x128xf32, #tpu.memory_space<vmem>>) target_semaphore(%arg17 : memref<!tpu.dma_semaphore, #tpu.memory_space<semaphore_mem>>)
    %dma_wait3A = arith.constant 0 : i32
    %dma_wait3A_122 = arith.constant 0 : i32
    %dma_wait3A_123 = tpu.memref_slice %arg10[%dma_wait3A, %dma_wait3A_122] : memref<256x16xf32, #tpu.memory_space<vmem>> -> memref<128x16xf32, #tpu.memory_space<vmem>>
    %dma_wait3A_124 = arith.constant 0 : i32
    %dma_wait3A_125 = arith.constant 0 : i32
    %dma_wait3A_126 = tpu.memref_slice %arg2[%dma_wait3A_124, %dma_wait3A_125] : memref<10000x16xf32, #tpu.memory_space<hbm>> -> memref<128x16xf32, #tpu.memory_space<hbm>>
    %dma_wait3A_127 = arith.constant 0 : i32
    %dma_wait3A_128 = arith.constant 0 : i32
    %dma_wait3A_129 = tpu.memref_slice %arg10[%dma_wait3A_127, %dma_wait3A_128] : memref<256x16xf32, #tpu.memory_space<vmem>> -> memref<128x16xf32, #tpu.memory_space<vmem>>
    %dma_wait3A_130 = arith.constant 0 : i32
    %dma_wait3A_131 = arith.constant 0 : i32
    %dma_wait3A_132 = tpu.memref_slice %arg2[%dma_wait3A_130, %dma_wait3A_131] : memref<10000x16xf32, #tpu.memory_space<hbm>> -> memref<128x16xf32, #tpu.memory_space<hbm>>
    tpu.wait_dma2 semaphore(%arg16 : memref<!tpu.dma_semaphore, #tpu.memory_space<semaphore_mem>>) src(%dma_wait3A_132 : memref<128x16xf32, #tpu.memory_space<hbm>>) dst(%dma_wait3A_129 : memref<128x16xf32, #tpu.memory_space<vmem>>)
    %dma_wait3A_133 = arith.constant 0 : i32
    %dma_wait3A_134 = arith.constant 0 : i32
    %dma_wait3A_135 = tpu.memref_slice %arg10[%dma_wait3A_133, %dma_wait3A_134] : memref<256x16xf32, #tpu.memory_space<vmem>> -> memref<128x16xf32, #tpu.memory_space<vmem>>
    %dma_wait3A_136 = arith.constant 0 : i32
    %dma_wait3A_137 = arith.constant 0 : i32
    %dma_wait3A_138 = tpu.memref_slice %arg2[%dma_wait3A_136, %dma_wait3A_137] : memref<10000x16xf32, #tpu.memory_space<hbm>> -> memref<128x16xf32, #tpu.memory_space<hbm>>
    %dma_wait3A_139 = arith.constant 0 : i32
    %dma_wait3A_140 = arith.constant 0 : i32
    %dma_wait3A_141 = tpu.memref_slice %arg10[%dma_wait3A_139, %dma_wait3A_140] : memref<256x16xf32, #tpu.memory_space<vmem>> -> memref<128x16xf32, #tpu.memory_space<vmem>>
    %dma_wait3A_142 = arith.constant 0 : i32
    %dma_wait3A_143 = arith.constant 0 : i32
    %dma_wait3A_144 = tpu.memref_slice %arg2[%dma_wait3A_142, %dma_wait3A_143] : memref<10000x16xf32, #tpu.memory_space<hbm>> -> memref<128x16xf32, #tpu.memory_space<hbm>>
    tpu.wait_dma2 semaphore(%arg16 : memref<!tpu.dma_semaphore, #tpu.memory_space<semaphore_mem>>) src(%dma_wait3A_144 : memref<128x16xf32, #tpu.memory_space<hbm>>) dst(%dma_wait3A_141 : memref<128x16xf32, #tpu.memory_space<vmem>>)
    %dma_wait3A_145 = arith.constant 0 : i32
    %dma_wait3A_146 = arith.constant 0 : i32
    %dma_wait3A_147 = arith.constant 0 : i32
    %dma_wait3A_148 = tpu.memref_slice %arg6[%dma_wait3A_145, %dma_wait3A_146, %dma_wait3A_147] : memref<2500x16x128xf32, #tpu.memory_space<hbm>> -> memref<2x16x128xf32, #tpu.memory_space<hbm>>
    %dma_wait3A_149 = arith.constant 0 : i32
    %dma_wait3A_150 = arith.constant 0 : i32
    %dma_wait3A_151 = arith.constant 0 : i32
    %dma_wait3A_152 = tpu.memref_slice %arg6[%dma_wait3A_149, %dma_wait3A_150, %dma_wait3A_151] : memref<2500x16x128xf32, #tpu.memory_space<hbm>> -> memref<2x16x128xf32, #tpu.memory_space<hbm>>
    tpu.wait_dma2 semaphore(%arg16 : memref<!tpu.dma_semaphore, #tpu.memory_space<semaphore_mem>>) src(%dma_wait3A_152 : memref<2x16x128xf32, #tpu.memory_space<hbm>>) dst(%arg12 : memref<2x16x128xf32, #tpu.memory_space<vmem>>)
    %add3A_153 = arith.constant 0 : i32
    %add3A_154 = arith.addi %sub3A_61, %add3A_153 : i32
    %multiple_of3A_155 = tpu.assume_multiple %add3A_154, 128 : i32
    %add3A_156 = arith.constant 0 : i32
    %add3A_157 = arith.addi %multiple_of3A_155, %add3A_156 : i32
    %dma_start3A_158 = arith.constant 0 : i32
    %dma_start3A_159 = arith.constant 0 : i32
    %dma_start3A_160 = tpu.memref_slice %arg10[%dma_start3A_158, %dma_start3A_159] : memref<256x16xf32, #tpu.memory_space<vmem>> -> memref<128x16xf32, #tpu.memory_space<vmem>>
    %dma_start3A_161 = tpu.memref_slice %arg9[%add3A_157] : memref<11264xi32, #tpu.memory_space<vmem>> -> memref<128xi32, #tpu.memory_space<vmem>>
    %dma_start3A_162 = arith.constant 0 : i32
    %dma_start3A_163 = arith.constant 0 : i32
    %dma_start3A_164 = tpu.memref_slice %arg3[%dma_start3A_162, %dma_start3A_163] : memref<10000x16xf32, #tpu.memory_space<hbm>> -> memref<10000x16xf32, #tpu.memory_space<hbm>>
    tpu.enqueue_indirect_dma source(%dma_start3A_164 : memref<10000x16xf32, #tpu.memory_space<hbm>>) target(%dma_start3A_160 : memref<128x16xf32, #tpu.memory_space<vmem>>) offsets(%dma_start3A_161 : memref<128xi32, #tpu.memory_space<vmem>>) semaphore(%arg18 : memref<!tpu.dma_semaphore, #tpu.memory_space<semaphore_mem>>) {add = true}
    %add3A_165 = arith.constant 128 : i32
    %add3A_166 = arith.addi %multiple_of3A_155, %add3A_165 : i32
    %dma_start3A_167 = arith.constant 128 : i32
    %dma_start3A_168 = arith.constant 0 : i32
    %dma_start3A_169 = tpu.memref_slice %arg10[%dma_start3A_167, %dma_start3A_168] : memref<256x16xf32, #tpu.memory_space<vmem>> -> memref<128x16xf32, #tpu.memory_space<vmem>>
    %dma_start3A_170 = tpu.memref_slice %arg9[%add3A_166] : memref<11264xi32, #tpu.memory_space<vmem>> -> memref<128xi32, #tpu.memory_space<vmem>>
    %dma_start3A_171 = arith.constant 0 : i32
    %dma_start3A_172 = arith.constant 0 : i32
    %dma_start3A_173 = tpu.memref_slice %arg3[%dma_start3A_171, %dma_start3A_172] : memref<10000x16xf32, #tpu.memory_space<hbm>> -> memref<10000x16xf32, #tpu.memory_space<hbm>>
    tpu.enqueue_indirect_dma source(%dma_start3A_173 : memref<10000x16xf32, #tpu.memory_space<hbm>>) target(%dma_start3A_169 : memref<128x16xf32, #tpu.memory_space<vmem>>) offsets(%dma_start3A_170 : memref<128xi32, #tpu.memory_space<vmem>>) semaphore(%arg18 : memref<!tpu.dma_semaphore, #tpu.memory_space<semaphore_mem>>) {add = true}
    %jit3A_174 = arith.constant 4 : i32
    %div3A_175 = arith.divsi %sub3A_54, %jit3A_174 : i32
    %sign3A_176 = arith.constant 0 : i32
    %sign3A_177 = arith.cmpi sgt, %sub3A_54, %sign3A_176 : i32
    %sign3A_178 = arith.extui %sign3A_177 : i1 to i32
    %sign3A_179 = arith.constant 0 : i32
    %sign3A_180 = arith.cmpi slt, %sub3A_54, %sign3A_179 : i32
    %sign3A_181 = arith.extui %sign3A_180 : i1 to i32
    %sign3A_182 = arith.subi %sign3A_178, %sign3A_181 : i32
    %sign3A_183 = arith.constant 0 : i32
    %sign3A_184 = arith.cmpi sgt, %jit3A_174, %sign3A_183 : i32
    %sign3A_185 = arith.extui %sign3A_184 : i1 to i32
    %sign3A_186 = arith.constant 0 : i32
    %sign3A_187 = arith.cmpi slt, %jit3A_174, %sign3A_186 : i32
    %sign3A_188 = arith.extui %sign3A_187 : i1 to i32
    %sign3A_189 = arith.subi %sign3A_185, %sign3A_188 : i32
    %ne3A_190 = arith.cmpi ne, %sign3A_182, %sign3A_189 : i32
    %rem3A_191 = arith.remsi %sub3A_54, %jit3A_174 : i32
    %ne3A_192 = arith.constant 0 : i32
    %ne3A_193 = arith.cmpi ne, %rem3A_191, %ne3A_192 : i32
    %and3A_194 = arith.andi %ne3A_190, %ne3A_193 : i1
    %sub3A_195 = arith.constant 1 : i32
    %sub3A_196 = arith.subi %div3A_175, %sub3A_195 : i32
    %select_n3A_197 = arith.select %and3A_194, %sub3A_196, %div3A_175 : i32
    %while3A = arith.constant 0 : i32
    %while3A_198 = arith.constant 0 : i32
    %while3A_199 = arith.subi %select_n3A_197, %while3A_198 : i32
    %while3A_200 = arith.addi %while3A_198, %while3A_199 : i32
    %while3A_201 = arith.constant 1 : i32
    %while3A_202 = arith.divsi %while3A_199, %while3A_201 : i32
    %while3A_203 = arith.muli %while3A_202, %while3A_201 : i32
    %while3A_204 = arith.addi %while3A_198, %while3A_203 : i32
    %while3A_205 = arith.constant 1 : i32
    scf.for %while3A_295 = %while3A_198 to %while3A_204 step %while3A_205  : i32 {
      %mul3A_296 = arith.constant 4 : i32
      %mul3A_297 = arith.muli %mul3A_296, %while3A_295 : i32
      %dma_wait3A_298 = arith.constant 0 : i32
      %dma_wait3A_299 = arith.constant 0 : i32
      %dma_wait3A_300 = tpu.memref_slice %arg10[%dma_wait3A_298, %dma_wait3A_299] : memref<256x16xf32, #tpu.memory_space<vmem>> -> memref<128x16xf32, #tpu.memory_space<vmem>>
      %dma_wait3A_301 = arith.constant 0 : i32
      %dma_wait3A_302 = arith.constant 0 : i32
      %dma_wait3A_303 = tpu.memref_slice %arg3[%dma_wait3A_301, %dma_wait3A_302] : memref<10000x16xf32, #tpu.memory_space<hbm>> -> memref<128x16xf32, #tpu.memory_space<hbm>>
      %dma_wait3A_304 = arith.constant 0 : i32
      %dma_wait3A_305 = arith.constant 0 : i32
      %dma_wait3A_306 = tpu.memref_slice %arg10[%dma_wait3A_304, %dma_wait3A_305] : memref<256x16xf32, #tpu.memory_space<vmem>> -> memref<128x16xf32, #tpu.memory_space<vmem>>
      %dma_wait3A_307 = arith.constant 0 : i32
      %dma_wait3A_308 = arith.constant 0 : i32
      %dma_wait3A_309 = tpu.memref_slice %arg3[%dma_wait3A_307, %dma_wait3A_308] : memref<10000x16xf32, #tpu.memory_space<hbm>> -> memref<128x16xf32, #tpu.memory_space<hbm>>
      tpu.wait_dma2 semaphore(%arg18 : memref<!tpu.dma_semaphore, #tpu.memory_space<semaphore_mem>>) src(%dma_wait3A_309 : memref<128x16xf32, #tpu.memory_space<hbm>>) dst(%dma_wait3A_306 : memref<128x16xf32, #tpu.memory_space<vmem>>)
      %dma_wait3A_310 = arith.constant 0 : i32
      %dma_wait3A_311 = arith.constant 0 : i32
      %dma_wait3A_312 = tpu.memref_slice %arg10[%dma_wait3A_310, %dma_wait3A_311] : memref<256x16xf32, #tpu.memory_space<vmem>> -> memref<128x16xf32, #tpu.memory_space<vmem>>
      %dma_wait3A_313 = arith.constant 0 : i32
      %dma_wait3A_314 = arith.constant 0 : i32
      %dma_wait3A_315 = tpu.memref_slice %arg3[%dma_wait3A_313, %dma_wait3A_314] : memref<10000x16xf32, #tpu.memory_space<hbm>> -> memref<128x16xf32, #tpu.memory_space<hbm>>
      %dma_wait3A_316 = arith.constant 0 : i32
      %dma_wait3A_317 = arith.constant 0 : i32
      %dma_wait3A_318 = tpu.memref_slice %arg10[%dma_wait3A_316, %dma_wait3A_317] : memref<256x16xf32, #tpu.memory_space<vmem>> -> memref<128x16xf32, #tpu.memory_space<vmem>>
      %dma_wait3A_319 = arith.constant 0 : i32
      %dma_wait3A_320 = arith.constant 0 : i32
      %dma_wait3A_321 = tpu.memref_slice %arg3[%dma_wait3A_319, %dma_wait3A_320] : memref<10000x16xf32, #tpu.memory_space<hbm>> -> memref<128x16xf32, #tpu.memory_space<hbm>>
      tpu.wait_dma2 semaphore(%arg18 : memref<!tpu.dma_semaphore, #tpu.memory_space<semaphore_mem>>) src(%dma_wait3A_321 : memref<128x16xf32, #tpu.memory_space<hbm>>) dst(%dma_wait3A_318 : memref<128x16xf32, #tpu.memory_space<vmem>>)
      %ge3A = arith.constant 1 : i32
      %ge3A_322 = arith.cmpi sge, %while3A_295, %ge3A : i32
      %convert_element_type3A = arith.extui %ge3A_322 : i1 to i32
      %cond3A = arith.constant 0 : i32
      %cond3A_323 = arith.cmpi ne, %convert_element_type3A, %cond3A : i32
      scf.if %cond3A_323 {
        %dma_wait3A_473 = arith.constant 0 : i32
        %dma_wait3A_474 = arith.constant 0 : i32
        %dma_wait3A_475 = arith.constant 0 : i32
        %dma_wait3A_476 = arith.constant 0 : i32
        %dma_wait3A_477 = arith.constant 0 : i32
        %dma_wait3A_478 = tpu.memref_slice %arg14[%dma_wait3A_473, %dma_wait3A_475, %dma_wait3A_476, %dma_wait3A_477] : memref<2x2x8x128xf32, #tpu.memory_space<vmem>> -> memref<1x2x8x128xf32, #tpu.memory_space<vmem>>
        %dma_wait3A_479 = tpu.memref_squeeze %dma_wait3A_478 : memref<1x2x8x128xf32, #tpu.memory_space<vmem>> -> memref<2x8x128xf32, #tpu.memory_space<vmem>>
        %dma_wait3A_480 = arith.constant 0 : i32
        %dma_wait3A_481 = arith.constant 0 : i32
        %dma_wait3A_482 = arith.constant 0 : i32
        %dma_wait3A_483 = tpu.memref_slice %arg7[%dma_wait3A_474, %dma_wait3A_480, %dma_wait3A_481, %dma_wait3A_482] : memref<2x2500x8x128xf32, #tpu.memory_space<hbm>> -> memref<1x2x8x128xf32, #tpu.memory_space<hbm>>
        %dma_wait3A_484 = tpu.memref_squeeze %dma_wait3A_483 : memref<1x2x8x128xf32, #tpu.memory_space<hbm>> -> memref<2x8x128xf32, #tpu.memory_space<hbm>>
        %dma_wait3A_485 = arith.constant 0 : i32
        %dma_wait3A_486 = arith.constant 0 : i32
        %dma_wait3A_487 = arith.constant 0 : i32
        %dma_wait3A_488 = tpu.memref_slice %arg7[%dma_wait3A_474, %dma_wait3A_485, %dma_wait3A_486, %dma_wait3A_487] : memref<2x2500x8x128xf32, #tpu.memory_space<hbm>> -> memref<1x2x8x128xf32, #tpu.memory_space<hbm>>
        %dma_wait3A_489 = tpu.memref_squeeze %dma_wait3A_488 : memref<1x2x8x128xf32, #tpu.memory_space<hbm>> -> memref<2x8x128xf32, #tpu.memory_space<hbm>>
        %dma_wait3A_490 = arith.constant 0 : i32
        %dma_wait3A_491 = arith.constant 0 : i32
        %dma_wait3A_492 = arith.constant 0 : i32
        %dma_wait3A_493 = tpu.memref_slice %arg14[%dma_wait3A_473, %dma_wait3A_490, %dma_wait3A_491, %dma_wait3A_492] : memref<2x2x8x128xf32, #tpu.memory_space<vmem>> -> memref<1x2x8x128xf32, #tpu.memory_space<vmem>>
        %dma_wait3A_494 = tpu.memref_squeeze %dma_wait3A_493 : memref<1x2x8x128xf32, #tpu.memory_space<vmem>> -> memref<2x8x128xf32, #tpu.memory_space<vmem>>
        tpu.wait_dma2 semaphore(%arg20 : memref<!tpu.dma_semaphore, #tpu.memory_space<semaphore_mem>>) src(%dma_wait3A_494 : memref<2x8x128xf32, #tpu.memory_space<vmem>>) dst(%dma_wait3A_489 : memref<2x8x128xf32, #tpu.memory_space<hbm>>)
        %dma_wait3A_495 = arith.constant 1 : i32
        %dma_wait3A_496 = arith.constant 1 : i32
        %dma_wait3A_497 = arith.constant 0 : i32
        %dma_wait3A_498 = arith.constant 0 : i32
        %dma_wait3A_499 = arith.constant 0 : i32
        %dma_wait3A_500 = tpu.memref_slice %arg14[%dma_wait3A_495, %dma_wait3A_497, %dma_wait3A_498, %dma_wait3A_499] : memref<2x2x8x128xf32, #tpu.memory_space<vmem>> -> memref<1x2x8x128xf32, #tpu.memory_space<vmem>>
        %dma_wait3A_501 = tpu.memref_squeeze %dma_wait3A_500 : memref<1x2x8x128xf32, #tpu.memory_space<vmem>> -> memref<2x8x128xf32, #tpu.memory_space<vmem>>
        %dma_wait3A_502 = arith.constant 0 : i32
        %dma_wait3A_503 = arith.constant 0 : i32
        %dma_wait3A_504 = arith.constant 0 : i32
        %dma_wait3A_505 = tpu.memref_slice %arg7[%dma_wait3A_496, %dma_wait3A_502, %dma_wait3A_503, %dma_wait3A_504] : memref<2x2500x8x128xf32, #tpu.memory_space<hbm>> -> memref<1x2x8x128xf32, #tpu.memory_space<hbm>>
        %dma_wait3A_506 = tpu.memref_squeeze %dma_wait3A_505 : memref<1x2x8x128xf32, #tpu.memory_space<hbm>> -> memref<2x8x128xf32, #tpu.memory_space<hbm>>
        %dma_wait3A_507 = arith.constant 0 : i32
        %dma_wait3A_508 = arith.constant 0 : i32
        %dma_wait3A_509 = arith.constant 0 : i32
        %dma_wait3A_510 = tpu.memref_slice %arg7[%dma_wait3A_496, %dma_wait3A_507, %dma_wait3A_508, %dma_wait3A_509] : memref<2x2500x8x128xf32, #tpu.memory_space<hbm>> -> memref<1x2x8x128xf32, #tpu.memory_space<hbm>>
        %dma_wait3A_511 = tpu.memref_squeeze %dma_wait3A_510 : memref<1x2x8x128xf32, #tpu.memory_space<hbm>> -> memref<2x8x128xf32, #tpu.memory_space<hbm>>
        %dma_wait3A_512 = arith.constant 0 : i32
        %dma_wait3A_513 = arith.constant 0 : i32
        %dma_wait3A_514 = arith.constant 0 : i32
        %dma_wait3A_515 = tpu.memref_slice %arg14[%dma_wait3A_495, %dma_wait3A_512, %dma_wait3A_513, %dma_wait3A_514] : memref<2x2x8x128xf32, #tpu.memory_space<vmem>> -> memref<1x2x8x128xf32, #tpu.memory_space<vmem>>
        %dma_wait3A_516 = tpu.memref_squeeze %dma_wait3A_515 : memref<1x2x8x128xf32, #tpu.memory_space<vmem>> -> memref<2x8x128xf32, #tpu.memory_space<vmem>>
        tpu.wait_dma2 semaphore(%arg20 : memref<!tpu.dma_semaphore, #tpu.memory_space<semaphore_mem>>) src(%dma_wait3A_516 : memref<2x8x128xf32, #tpu.memory_space<vmem>>) dst(%dma_wait3A_511 : memref<2x8x128xf32, #tpu.memory_space<hbm>>)
      } else {
      }
      %parallel_loop3A = arith.constant 0 : i32
      %parallel_loop3A_324 = arith.constant 128 : i32
      %parallel_loop3A_325 = arith.constant 1 : i32
      scf.for %parallel_loop3A_473 = %parallel_loop3A to %parallel_loop3A_324 step %parallel_loop3A_325  : i32 {
        %parallel_loop3A_474 = arith.constant 3 : i32
        %parallel_loop3A_475 = arith.shrsi %parallel_loop3A_473, %parallel_loop3A_474 : i32
        %parallel_loop3A_476 = arith.constant 7 : i32
        %parallel_loop3A_477 = arith.andi %parallel_loop3A_473, %parallel_loop3A_476 : i32
        %parallel_loop3A_478 = arith.constant 16 : i32
        %parallel_loop3A_479 = arith.muli %parallel_loop3A_477, %parallel_loop3A_478 : i32
        %parallel_loop3A_480 = arith.constant 0 : i32
        %parallel_loop3A_481 = arith.addi %parallel_loop3A_479, %parallel_loop3A_480 : i32
        %parallel_loop3A_482 = vector.broadcast %parallel_loop3A_481 : i32 to vector<16xi32>
        %parallel_loop3A_483 = arith.addi %iota3A, %parallel_loop3A_482 : vector<16xi32>
        %parallel_loop3A_484 = vector.broadcast %parallel_loop3A_475 : i32 to vector<16xi32>
        %parallel_loop3A_485 = arith.addi %and3A_64, %parallel_loop3A_484 : vector<16xi32>
        %parallel_loop3A_486 = tpu.vector_load_idx %arg10[%parallel_loop3A_483, %parallel_loop3A_485] : memref<256x16xf32, #tpu.memory_space<vmem>>[vector<16xi32>, vector<16xi32>], vector<16xf32>,
        %parallel_loop3A_487 = arith.constant 16 : i32
        %parallel_loop3A_488 = arith.muli %parallel_loop3A_477, %parallel_loop3A_487 : i32
        %parallel_loop3A_489 = arith.constant 0 : i32
        %parallel_loop3A_490 = arith.index_cast %parallel_loop3A_489 : i32 to index
        %parallel_loop3A_491 = arith.index_cast %parallel_loop3A_475 : i32 to index
        %parallel_loop3A_492 = arith.index_cast %parallel_loop3A_488 : i32 to index
        %parallel_loop3A_493 = tpu.vector_load %arg12[%parallel_loop3A_490, %parallel_loop3A_491, %parallel_loop3A_492] {strides = array<i32>} : memref<2x16x128xf32, #tpu.memory_space<vmem>>, vector<16xf32>,
        %parallel_loop3A_494 = arith.addf %parallel_loop3A_493, %parallel_loop3A_486 : vector<16xf32>
        %parallel_loop3A_495 = arith.constant 3 : i32
        %parallel_loop3A_496 = arith.shrsi %parallel_loop3A_475, %parallel_loop3A_495 : i32
        %parallel_loop3A_497 = arith.constant 7 : i32
        %parallel_loop3A_498 = arith.andi %parallel_loop3A_475, %parallel_loop3A_497 : i32
        %parallel_loop3A_499 = arith.constant 16 : i32
        %parallel_loop3A_500 = arith.muli %parallel_loop3A_477, %parallel_loop3A_499 : i32
        %parallel_loop3A_501 = arith.constant 0 : i32
        %parallel_loop3A_502 = arith.index_cast %parallel_loop3A_496 : i32 to index
        %parallel_loop3A_503 = arith.index_cast %parallel_loop3A_501 : i32 to index
        %parallel_loop3A_504 = arith.index_cast %parallel_loop3A_498 : i32 to index
        %parallel_loop3A_505 = arith.index_cast %parallel_loop3A_500 : i32 to index
        %parallel_loop3A_506 = tpu.vector_load %arg14[%parallel_loop3A_502, %parallel_loop3A_503, %parallel_loop3A_504, %parallel_loop3A_505] {strides = array<i32>} : memref<2x2x8x128xf32, #tpu.memory_space<vmem>>, vector<16xf32>,
        tpu.vector_store %arg14[%parallel_loop3A_502, %parallel_loop3A_503, %parallel_loop3A_504, %parallel_loop3A_505], %parallel_loop3A_494 {strides = array<i32>} : memref<2x2x8x128xf32, #tpu.memory_space<vmem>>, vector<16xf32>,
      } {sc.loop_unroll_factor = 16 : i64, sc.parallel_access}
      %parallel_loop3A_326 = arith.constant 0 : i32
      %parallel_loop3A_327 = arith.constant 128 : i32
      %parallel_loop3A_328 = arith.constant 1 : i32
      scf.for %parallel_loop3A_473 = %parallel_loop3A_326 to %parallel_loop3A_327 step %parallel_loop3A_328  : i32 {
        %parallel_loop3A_474 = arith.constant 3 : i32
        %parallel_loop3A_475 = arith.shrsi %parallel_loop3A_473, %parallel_loop3A_474 : i32
        %parallel_loop3A_476 = arith.constant 7 : i32
        %parallel_loop3A_477 = arith.andi %parallel_loop3A_473, %parallel_loop3A_476 : i32
        %parallel_loop3A_478 = arith.constant 16 : i32
        %parallel_loop3A_479 = arith.muli %parallel_loop3A_477, %parallel_loop3A_478 : i32
        %parallel_loop3A_480 = arith.constant 128 : i32
        %parallel_loop3A_481 = arith.addi %parallel_loop3A_479, %parallel_loop3A_480 : i32
        %parallel_loop3A_482 = vector.broadcast %parallel_loop3A_481 : i32 to vector<16xi32>
        %parallel_loop3A_483 = arith.addi %iota3A, %parallel_loop3A_482 : vector<16xi32>
        %parallel_loop3A_484 = vector.broadcast %parallel_loop3A_475 : i32 to vector<16xi32>
        %parallel_loop3A_485 = arith.addi %and3A_64, %parallel_loop3A_484 : vector<16xi32>
        %parallel_loop3A_486 = tpu.vector_load_idx %arg10[%parallel_loop3A_483, %parallel_loop3A_485] : memref<256x16xf32, #tpu.memory_space<vmem>>[vector<16xi32>, vector<16xi32>], vector<16xf32>,
        %parallel_loop3A_487 = arith.constant 16 : i32
        %parallel_loop3A_488 = arith.muli %parallel_loop3A_477, %parallel_loop3A_487 : i32
        %parallel_loop3A_489 = arith.constant 1 : i32
        %parallel_loop3A_490 = arith.index_cast %parallel_loop3A_489 : i32 to index
        %parallel_loop3A_491 = arith.index_cast %parallel_loop3A_475 : i32 to index
        %parallel_loop3A_492 = arith.index_cast %parallel_loop3A_488 : i32 to index
        %parallel_loop3A_493 = tpu.vector_load %arg12[%parallel_loop3A_490, %parallel_loop3A_491, %parallel_loop3A_492] {strides = array<i32>} : memref<2x16x128xf32, #tpu.memory_space<vmem>>, vector<16xf32>,
        %parallel_loop3A_494 = arith.addf %parallel_loop3A_493, %parallel_loop3A_486 : vector<16xf32>
        %parallel_loop3A_495 = arith.constant 3 : i32
        %parallel_loop3A_496 = arith.shrsi %parallel_loop3A_475, %parallel_loop3A_495 : i32
        %parallel_loop3A_497 = arith.constant 7 : i32
        %parallel_loop3A_498 = arith.andi %parallel_loop3A_475, %parallel_loop3A_497 : i32
        %parallel_loop3A_499 = arith.constant 16 : i32
        %parallel_loop3A_500 = arith.muli %parallel_loop3A_477, %parallel_loop3A_499 : i32
        %parallel_loop3A_501 = arith.constant 1 : i32
        %parallel_loop3A_502 = arith.index_cast %parallel_loop3A_496 : i32 to index
        %parallel_loop3A_503 = arith.index_cast %parallel_loop3A_501 : i32 to index
        %parallel_loop3A_504 = arith.index_cast %parallel_loop3A_498 : i32 to index
        %parallel_loop3A_505 = arith.index_cast %parallel_loop3A_500 : i32 to index
        %parallel_loop3A_506 = tpu.vector_load %arg14[%parallel_loop3A_502, %parallel_loop3A_503, %parallel_loop3A_504, %parallel_loop3A_505] {strides = array<i32>} : memref<2x2x8x128xf32, #tpu.memory_space<vmem>>, vector<16xf32>,
        tpu.vector_store %arg14[%parallel_loop3A_502, %parallel_loop3A_503, %parallel_loop3A_504, %parallel_loop3A_505], %parallel_loop3A_494 {strides = array<i32>} : memref<2x2x8x128xf32, #tpu.memory_space<vmem>>, vector<16xf32>,
      } {sc.loop_unroll_factor = 16 : i64, sc.parallel_access}
      %add3A_329 = arith.addi %multiple_of3A, %mul3A_297 : i32
      %dma_start3A_330 = arith.constant 0 : i32
      %dma_start3A_331 = arith.constant 0 : i32
      %dma_start3A_332 = arith.constant 0 : i32
      %dma_start3A_333 = arith.constant 0 : i32
      %dma_start3A_334 = arith.constant 0 : i32
      %dma_start3A_335 = tpu.memref_slice %arg14[%dma_start3A_330, %dma_start3A_332, %dma_start3A_333, %dma_start3A_334] : memref<2x2x8x128xf32, #tpu.memory_space<vmem>> -> memref<1x2x8x128xf32, #tpu.memory_space<vmem>>
      %dma_start3A_336 = tpu.memref_squeeze %dma_start3A_335 : memref<1x2x8x128xf32, #tpu.memory_space<vmem>> -> memref<2x8x128xf32, #tpu.memory_space<vmem>>
      %dma_start3A_337 = arith.constant 0 : i32
      %dma_start3A_338 = arith.constant 0 : i32
      %dma_start3A_339 = tpu.memref_slice %arg7[%dma_start3A_331, %add3A_329, %dma_start3A_337, %dma_start3A_338] : memref<2x2500x8x128xf32, #tpu.memory_space<hbm>> -> memref<1x2x8x128xf32, #tpu.memory_space<hbm>>
      %dma_start3A_340 = tpu.memref_squeeze %dma_start3A_339 : memref<1x2x8x128xf32, #tpu.memory_space<hbm>> -> memref<2x8x128xf32, #tpu.memory_space<hbm>>
      %dma_start3A_341 = arith.constant 0 : i32
      %dma_start3A_342 = arith.constant 0 : i32
      %dma_start3A_343 = tpu.memref_slice %arg7[%dma_start3A_331, %add3A_329, %dma_start3A_341, %dma_start3A_342] : memref<2x2500x8x128xf32, #tpu.memory_space<hbm>> -> memref<1x2x8x128xf32, #tpu.memory_space<hbm>>
      %dma_start3A_344 = tpu.memref_squeeze %dma_start3A_343 : memref<1x2x8x128xf32, #tpu.memory_space<hbm>> -> memref<2x8x128xf32, #tpu.memory_space<hbm>>
      %dma_start3A_345 = arith.constant 0 : i32
      %dma_start3A_346 = arith.constant 0 : i32
      %dma_start3A_347 = arith.constant 0 : i32
      %dma_start3A_348 = tpu.memref_slice %arg14[%dma_start3A_330, %dma_start3A_345, %dma_start3A_346, %dma_start3A_347] : memref<2x2x8x128xf32, #tpu.memory_space<vmem>> -> memref<1x2x8x128xf32, #tpu.memory_space<vmem>>
      %dma_start3A_349 = tpu.memref_squeeze %dma_start3A_348 : memref<1x2x8x128xf32, #tpu.memory_space<vmem>> -> memref<2x8x128xf32, #tpu.memory_space<vmem>>
      tpu.enqueue_dma source(%dma_start3A_349 : memref<2x8x128xf32, #tpu.memory_space<vmem>>) target(%dma_start3A_344 : memref<2x8x128xf32, #tpu.memory_space<hbm>>) target_semaphore(%arg20 : memref<!tpu.dma_semaphore, #tpu.memory_space<semaphore_mem>>)
      %dma_start3A_350 = arith.constant 1 : i32
      %dma_start3A_351 = arith.constant 1 : i32
      %dma_start3A_352 = arith.constant 0 : i32
      %dma_start3A_353 = arith.constant 0 : i32
      %dma_start3A_354 = arith.constant 0 : i32
      %dma_start3A_355 = tpu.memref_slice %arg14[%dma_start3A_350, %dma_start3A_352, %dma_start3A_353, %dma_start3A_354] : memref<2x2x8x128xf32, #tpu.memory_space<vmem>> -> memref<1x2x8x128xf32, #tpu.memory_space<vmem>>
      %dma_start3A_356 = tpu.memref_squeeze %dma_start3A_355 : memref<1x2x8x128xf32, #tpu.memory_space<vmem>> -> memref<2x8x128xf32, #tpu.memory_space<vmem>>
      %dma_start3A_357 = arith.constant 0 : i32
      %dma_start3A_358 = arith.constant 0 : i32
      %dma_start3A_359 = tpu.memref_slice %arg7[%dma_start3A_351, %add3A_329, %dma_start3A_357, %dma_start3A_358] : memref<2x2500x8x128xf32, #tpu.memory_space<hbm>> -> memref<1x2x8x128xf32, #tpu.memory_space<hbm>>
      %dma_start3A_360 = tpu.memref_squeeze %dma_start3A_359 : memref<1x2x8x128xf32, #tpu.memory_space<hbm>> -> memref<2x8x128xf32, #tpu.memory_space<hbm>>
      %dma_start3A_361 = arith.constant 0 : i32
      %dma_start3A_362 = arith.constant 0 : i32
      %dma_start3A_363 = tpu.memref_slice %arg7[%dma_start3A_351, %add3A_329, %dma_start3A_361, %dma_start3A_362] : memref<2x2500x8x128xf32, #tpu.memory_space<hbm>> -> memref<1x2x8x128xf32, #tpu.memory_space<hbm>>
      %dma_start3A_364 = tpu.memref_squeeze %dma_start3A_363 : memref<1x2x8x128xf32, #tpu.memory_space<hbm>> -> memref<2x8x128xf32, #tpu.memory_space<hbm>>
      %dma_start3A_365 = arith.constant 0 : i32
      %dma_start3A_366 = arith.constant 0 : i32
      %dma_start3A_367 = arith.constant 0 : i32
      %dma_start3A_368 = tpu.memref_slice %arg14[%dma_start3A_350, %dma_start3A_365, %dma_start3A_366, %dma_start3A_367] : memref<2x2x8x128xf32, #tpu.memory_space<vmem>> -> memref<1x2x8x128xf32, #tpu.memory_space<vmem>>
      %dma_start3A_369 = tpu.memref_squeeze %dma_start3A_368 : memref<1x2x8x128xf32, #tpu.memory_space<vmem>> -> memref<2x8x128xf32, #tpu.memory_space<vmem>>
      tpu.enqueue_dma source(%dma_start3A_369 : memref<2x8x128xf32, #tpu.memory_space<vmem>>) target(%dma_start3A_364 : memref<2x8x128xf32, #tpu.memory_space<hbm>>) target_semaphore(%arg20 : memref<!tpu.dma_semaphore, #tpu.memory_space<semaphore_mem>>)
      %add3A_370 = arith.constant 2 : i32
      %add3A_371 = arith.addi %mul3A_297, %add3A_370 : i32
      %lt3A = arith.cmpi slt, %add3A_371, %sub3A_54 : i32
      %convert_element_type3A_372 = arith.extui %lt3A : i1 to i32
      %cond3A_373 = arith.constant 0 : i32
      %cond3A_374 = arith.cmpi ne, %convert_element_type3A_372, %cond3A_373 : i32
      scf.if %cond3A_374 {
        %dma_wait3A_473 = arith.constant 0 : i32
        %dma_wait3A_474 = arith.constant 0 : i32
        %dma_wait3A_475 = tpu.memref_slice %arg11[%dma_wait3A_473, %dma_wait3A_474] : memref<256x16xf32, #tpu.memory_space<vmem>> -> memref<128x16xf32, #tpu.memory_space<vmem>>
        %dma_wait3A_476 = arith.constant 0 : i32
        %dma_wait3A_477 = arith.constant 0 : i32
        %dma_wait3A_478 = tpu.memref_slice %arg2[%dma_wait3A_476, %dma_wait3A_477] : memref<10000x16xf32, #tpu.memory_space<hbm>> -> memref<128x16xf32, #tpu.memory_space<hbm>>
        %dma_wait3A_479 = arith.constant 0 : i32
        %dma_wait3A_480 = arith.constant 0 : i32
        %dma_wait3A_481 = tpu.memref_slice %arg11[%dma_wait3A_479, %dma_wait3A_480] : memref<256x16xf32, #tpu.memory_space<vmem>> -> memref<128x16xf32, #tpu.memory_space<vmem>>
        %dma_wait3A_482 = arith.constant 0 : i32
        %dma_wait3A_483 = arith.constant 0 : i32
        %dma_wait3A_484 = tpu.memref_slice %arg2[%dma_wait3A_482, %dma_wait3A_483] : memref<10000x16xf32, #tpu.memory_space<hbm>> -> memref<128x16xf32, #tpu.memory_space<hbm>>
        tpu.wait_dma2 semaphore(%arg17 : memref<!tpu.dma_semaphore, #tpu.memory_space<semaphore_mem>>) src(%dma_wait3A_484 : memref<128x16xf32, #tpu.memory_space<hbm>>) dst(%dma_wait3A_481 : memref<128x16xf32, #tpu.memory_space<vmem>>)
        %dma_wait3A_485 = arith.constant 0 : i32
        %dma_wait3A_486 = arith.constant 0 : i32
        %dma_wait3A_487 = tpu.memref_slice %arg11[%dma_wait3A_485, %dma_wait3A_486] : memref<256x16xf32, #tpu.memory_space<vmem>> -> memref<128x16xf32, #tpu.memory_space<vmem>>
        %dma_wait3A_488 = arith.constant 0 : i32
        %dma_wait3A_489 = arith.constant 0 : i32
        %dma_wait3A_490 = tpu.memref_slice %arg2[%dma_wait3A_488, %dma_wait3A_489] : memref<10000x16xf32, #tpu.memory_space<hbm>> -> memref<128x16xf32, #tpu.memory_space<hbm>>
        %dma_wait3A_491 = arith.constant 0 : i32
        %dma_wait3A_492 = arith.constant 0 : i32
        %dma_wait3A_493 = tpu.memref_slice %arg11[%dma_wait3A_491, %dma_wait3A_492] : memref<256x16xf32, #tpu.memory_space<vmem>> -> memref<128x16xf32, #tpu.memory_space<vmem>>
        %dma_wait3A_494 = arith.constant 0 : i32
        %dma_wait3A_495 = arith.constant 0 : i32
        %dma_wait3A_496 = tpu.memref_slice %arg2[%dma_wait3A_494, %dma_wait3A_495] : memref<10000x16xf32, #tpu.memory_space<hbm>> -> memref<128x16xf32, #tpu.memory_space<hbm>>
        tpu.wait_dma2 semaphore(%arg17 : memref<!tpu.dma_semaphore, #tpu.memory_space<semaphore_mem>>) src(%dma_wait3A_496 : memref<128x16xf32, #tpu.memory_space<hbm>>) dst(%dma_wait3A_493 : memref<128x16xf32, #tpu.memory_space<vmem>>)
        %dma_wait3A_497 = arith.constant 0 : i32
        %dma_wait3A_498 = arith.constant 0 : i32
        %dma_wait3A_499 = arith.constant 0 : i32
        %dma_wait3A_500 = tpu.memref_slice %arg6[%dma_wait3A_497, %dma_wait3A_498, %dma_wait3A_499] : memref<2500x16x128xf32, #tpu.memory_space<hbm>> -> memref<2x16x128xf32, #tpu.memory_space<hbm>>
        %dma_wait3A_501 = arith.constant 0 : i32
        %dma_wait3A_502 = arith.constant 0 : i32
        %dma_wait3A_503 = arith.constant 0 : i32
        %dma_wait3A_504 = tpu.memref_slice %arg6[%dma_wait3A_501, %dma_wait3A_502, %dma_wait3A_503] : memref<2500x16x128xf32, #tpu.memory_space<hbm>> -> memref<2x16x128xf32, #tpu.memory_space<hbm>>
        tpu.wait_dma2 semaphore(%arg17 : memref<!tpu.dma_semaphore, #tpu.memory_space<semaphore_mem>>) src(%dma_wait3A_504 : memref<2x16x128xf32, #tpu.memory_space<hbm>>) dst(%arg13 : memref<2x16x128xf32, #tpu.memory_space<vmem>>)
        %add3A_505 = arith.constant 2 : i32
        %add3A_506 = arith.addi %mul3A_297, %add3A_505 : i32
        %mul3A_507 = arith.constant 128 : i32
        %mul3A_508 = arith.muli %add3A_506, %mul3A_507 : i32
        %add3A_509 = arith.addi %sub3A_61, %mul3A_508 : i32
        %multiple_of3A_510 = tpu.assume_multiple %add3A_509, 128 : i32
        %add3A_511 = arith.constant 0 : i32
        %add3A_512 = arith.addi %multiple_of3A_510, %add3A_511 : i32
        %dma_start3A_513 = arith.constant 0 : i32
        %dma_start3A_514 = arith.constant 0 : i32
        %dma_start3A_515 = tpu.memref_slice %arg11[%dma_start3A_513, %dma_start3A_514] : memref<256x16xf32, #tpu.memory_space<vmem>> -> memref<128x16xf32, #tpu.memory_space<vmem>>
        %dma_start3A_516 = tpu.memref_slice %arg9[%add3A_512] : memref<11264xi32, #tpu.memory_space<vmem>> -> memref<128xi32, #tpu.memory_space<vmem>>
        %dma_start3A_517 = arith.constant 0 : i32
        %dma_start3A_518 = arith.constant 0 : i32
        %dma_start3A_519 = tpu.memref_slice %arg3[%dma_start3A_517, %dma_start3A_518] : memref<10000x16xf32, #tpu.memory_space<hbm>> -> memref<10000x16xf32, #tpu.memory_space<hbm>>
        tpu.enqueue_indirect_dma source(%dma_start3A_519 : memref<10000x16xf32, #tpu.memory_space<hbm>>) target(%dma_start3A_515 : memref<128x16xf32, #tpu.memory_space<vmem>>) offsets(%dma_start3A_516 : memref<128xi32, #tpu.memory_space<vmem>>) semaphore(%arg19 : memref<!tpu.dma_semaphore, #tpu.memory_space<semaphore_mem>>) {add = true}
        %add3A_520 = arith.constant 128 : i32
        %add3A_521 = arith.addi %multiple_of3A_510, %add3A_520 : i32
        %dma_start3A_522 = arith.constant 128 : i32
        %dma_start3A_523 = arith.constant 0 : i32
        %dma_start3A_524 = tpu.memref_slice %arg11[%dma_start3A_522, %dma_start3A_523] : memref<256x16xf32, #tpu.memory_space<vmem>> -> memref<128x16xf32, #tpu.memory_space<vmem>>
        %dma_start3A_525 = tpu.memref_slice %arg9[%add3A_521] : memref<11264xi32, #tpu.memory_space<vmem>> -> memref<128xi32, #tpu.memory_space<vmem>>
        %dma_start3A_526 = arith.constant 0 : i32
        %dma_start3A_527 = arith.constant 0 : i32
        %dma_start3A_528 = tpu.memref_slice %arg3[%dma_start3A_526, %dma_start3A_527] : memref<10000x16xf32, #tpu.memory_space<hbm>> -> memref<10000x16xf32, #tpu.memory_space<hbm>>
        tpu.enqueue_indirect_dma source(%dma_start3A_528 : memref<10000x16xf32, #tpu.memory_space<hbm>>) target(%dma_start3A_524 : memref<128x16xf32, #tpu.memory_space<vmem>>) offsets(%dma_start3A_525 : memref<128xi32, #tpu.memory_space<vmem>>) semaphore(%arg19 : memref<!tpu.dma_semaphore, #tpu.memory_space<semaphore_mem>>) {add = true}
      } else {
      }
      %add3A_375 = arith.constant 4 : i32
      %add3A_376 = arith.addi %mul3A_297, %add3A_375 : i32
      %lt3A_377 = arith.cmpi slt, %add3A_376, %sub3A_54 : i32
      %convert_element_type3A_378 = arith.extui %lt3A_377 : i1 to i32
      %cond3A_379 = arith.constant 0 : i32
      %cond3A_380 = arith.cmpi ne, %convert_element_type3A_378, %cond3A_379 : i32
      scf.if %cond3A_380 {
        %add3A_473 = arith.constant 4 : i32
        %add3A_474 = arith.addi %mul3A_297, %add3A_473 : i32
        %mul3A_475 = arith.constant 128 : i32
        %mul3A_476 = arith.muli %add3A_474, %mul3A_475 : i32
        %add3A_477 = arith.addi %sub3A_61, %mul3A_476 : i32
        %multiple_of3A_478 = tpu.assume_multiple %add3A_477, 128 : i32
        %add3A_479 = arith.addi %multiple_of3A, %add3A_474 : i32
        %add3A_480 = arith.constant 0 : i32
        %add3A_481 = arith.addi %multiple_of3A_478, %add3A_480 : i32
        %dma_start3A_482 = arith.constant 0 : i32
        %dma_start3A_483 = arith.constant 0 : i32
        %dma_start3A_484 = tpu.memref_slice %arg10[%dma_start3A_482, %dma_start3A_483] : memref<256x16xf32, #tpu.memory_space<vmem>> -> memref<128x16xf32, #tpu.memory_space<vmem>>
        %dma_start3A_485 = tpu.memref_slice %arg8[%add3A_481] : memref<11264xi32, #tpu.memory_space<vmem>> -> memref<128xi32, #tpu.memory_space<vmem>>
        %dma_start3A_486 = arith.constant 0 : i32
        %dma_start3A_487 = arith.constant 0 : i32
        %dma_start3A_488 = tpu.memref_slice %arg2[%dma_start3A_486, %dma_start3A_487] : memref<10000x16xf32, #tpu.memory_space<hbm>> -> memref<10000x16xf32, #tpu.memory_space<hbm>>
        tpu.enqueue_indirect_dma source(%dma_start3A_488 : memref<10000x16xf32, #tpu.memory_space<hbm>>) target(%dma_start3A_484 : memref<128x16xf32, #tpu.memory_space<vmem>>) offsets(%dma_start3A_485 : memref<128xi32, #tpu.memory_space<vmem>>) semaphore(%arg16 : memref<!tpu.dma_semaphore, #tpu.memory_space<semaphore_mem>>)
        %add3A_489 = arith.constant 128 : i32
        %add3A_490 = arith.addi %multiple_of3A_478, %add3A_489 : i32
        %dma_start3A_491 = arith.constant 128 : i32
        %dma_start3A_492 = arith.constant 0 : i32
        %dma_start3A_493 = tpu.memref_slice %arg10[%dma_start3A_491, %dma_start3A_492] : memref<256x16xf32, #tpu.memory_space<vmem>> -> memref<128x16xf32, #tpu.memory_space<vmem>>
        %dma_start3A_494 = tpu.memref_slice %arg8[%add3A_490] : memref<11264xi32, #tpu.memory_space<vmem>> -> memref<128xi32, #tpu.memory_space<vmem>>
        %dma_start3A_495 = arith.constant 0 : i32
        %dma_start3A_496 = arith.constant 0 : i32
        %dma_start3A_497 = tpu.memref_slice %arg2[%dma_start3A_495, %dma_start3A_496] : memref<10000x16xf32, #tpu.memory_space<hbm>> -> memref<10000x16xf32, #tpu.memory_space<hbm>>
        tpu.enqueue_indirect_dma source(%dma_start3A_497 : memref<10000x16xf32, #tpu.memory_space<hbm>>) target(%dma_start3A_493 : memref<128x16xf32, #tpu.memory_space<vmem>>) offsets(%dma_start3A_494 : memref<128xi32, #tpu.memory_space<vmem>>) semaphore(%arg16 : memref<!tpu.dma_semaphore, #tpu.memory_space<semaphore_mem>>)
        %dma_start3A_498 = arith.constant 0 : i32
        %dma_start3A_499 = arith.constant 0 : i32
        %dma_start3A_500 = tpu.memref_slice %arg6[%add3A_479, %dma_start3A_498, %dma_start3A_499] : memref<2500x16x128xf32, #tpu.memory_space<hbm>> -> memref<2x16x128xf32, #tpu.memory_space<hbm>>
        %dma_start3A_501 = arith.constant 0 : i32
        %dma_start3A_502 = arith.constant 0 : i32
        %dma_start3A_503 = tpu.memref_slice %arg6[%add3A_479, %dma_start3A_501, %dma_start3A_502] : memref<2500x16x128xf32, #tpu.memory_space<hbm>> -> memref<2x16x128xf32, #tpu.memory_space<hbm>>
        tpu.enqueue_dma source(%dma_start3A_503 : memref<2x16x128xf32, #tpu.memory_space<hbm>>) target(%arg12 : memref<2x16x128xf32, #tpu.memory_space<vmem>>) target_semaphore(%arg16 : memref<!tpu.dma_semaphore, #tpu.memory_space<semaphore_mem>>)
      } else {
      }
      %mul3A_381 = arith.constant 4 : i32
      %mul3A_382 = arith.muli %mul3A_381, %while3A_295 : i32
      %add3A_383 = arith.constant 2 : i32
      %add3A_384 = arith.addi %mul3A_382, %add3A_383 : i32
      %dma_wait3A_385 = arith.constant 0 : i32
      %dma_wait3A_386 = arith.constant 0 : i32
      %dma_wait3A_387 = tpu.memref_slice %arg11[%dma_wait3A_385, %dma_wait3A_386] : memref<256x16xf32, #tpu.memory_space<vmem>> -> memref<128x16xf32, #tpu.memory_space<vmem>>
      %dma_wait3A_388 = arith.constant 0 : i32
      %dma_wait3A_389 = arith.constant 0 : i32
      %dma_wait3A_390 = tpu.memref_slice %arg3[%dma_wait3A_388, %dma_wait3A_389] : memref<10000x16xf32, #tpu.memory_space<hbm>> -> memref<128x16xf32, #tpu.memory_space<hbm>>
      %dma_wait3A_391 = arith.constant 0 : i32
      %dma_wait3A_392 = arith.constant 0 : i32
      %dma_wait3A_393 = tpu.memref_slice %arg11[%dma_wait3A_391, %dma_wait3A_392] : memref<256x16xf32, #tpu.memory_space<vmem>> -> memref<128x16xf32, #tpu.memory_space<vmem>>
      %dma_wait3A_394 = arith.constant 0 : i32
      %dma_wait3A_395 = arith.constant 0 : i32
      %dma_wait3A_396 = tpu.memref_slice %arg3[%dma_wait3A_394, %dma_wait3A_395] : memref<10000x16xf32, #tpu.memory_space<hbm>> -> memref<128x16xf32, #tpu.memory_space<hbm>>
      tpu.wait_dma2 semaphore(%arg19 : memref<!tpu.dma_semaphore, #tpu.memory_space<semaphore_mem>>) src(%dma_wait3A_396 : memref<128x16xf32, #tpu.memory_space<hbm>>) dst(%dma_wait3A_393 : memref<128x16xf32, #tpu.memory_space<vmem>>)
      %dma_wait3A_397 = arith.constant 0 : i32
      %dma_wait3A_398 = arith.constant 0 : i32
      %dma_wait3A_399 = tpu.memref_slice %arg11[%dma_wait3A_397, %dma_wait3A_398] : memref<256x16xf32, #tpu.memory_space<vmem>> -> memref<128x16xf32, #tpu.memory_space<vmem>>
      %dma_wait3A_400 = arith.constant 0 : i32
      %dma_wait3A_401 = arith.constant 0 : i32
      %dma_wait3A_402 = tpu.memref_slice %arg3[%dma_wait3A_400, %dma_wait3A_401] : memref<10000x16xf32, #tpu.memory_space<hbm>> -> memref<128x16xf32, #tpu.memory_space<hbm>>
      %dma_wait3A_403 = arith.constant 0 : i32
      %dma_wait3A_404 = arith.constant 0 : i32
      %dma_wait3A_405 = tpu.memref_slice %arg11[%dma_wait3A_403, %dma_wait3A_404] : memref<256x16xf32, #tpu.memory_space<vmem>> -> memref<128x16xf32, #tpu.memory_space<vmem>>
      %dma_wait3A_406 = arith.constant 0 : i32
      %dma_wait3A_407 = arith.constant 0 : i32
      %dma_wait3A_408 = tpu.memref_slice %arg3[%dma_wait3A_406, %dma_wait3A_407] : memref<10000x16xf32, #tpu.memory_space<hbm>> -> memref<128x16xf32, #tpu.memory_space<hbm>>
      tpu.wait_dma2 semaphore(%arg19 : memref<!tpu.dma_semaphore, #tpu.memory_space<semaphore_mem>>) src(%dma_wait3A_408 : memref<128x16xf32, #tpu.memory_space<hbm>>) dst(%dma_wait3A_405 : memref<128x16xf32, #tpu.memory_space<vmem>>)
      %ge3A_409 = arith.constant 1 : i32
      %ge3A_410 = arith.cmpi sge, %while3A_295, %ge3A_409 : i32
      %convert_element_type3A_411 = arith.extui %ge3A_410 : i1 to i32
      %cond3A_412 = arith.constant 0 : i32
      %cond3A_413 = arith.cmpi ne, %convert_element_type3A_411, %cond3A_412 : i32
      scf.if %cond3A_413 {
        %dma_wait3A_473 = arith.constant 0 : i32
        %dma_wait3A_474 = arith.constant 0 : i32
        %dma_wait3A_475 = arith.constant 0 : i32
        %dma_wait3A_476 = arith.constant 0 : i32
        %dma_wait3A_477 = arith.constant 0 : i32
        %dma_wait3A_478 = tpu.memref_slice %arg15[%dma_wait3A_473, %dma_wait3A_475, %dma_wait3A_476, %dma_wait3A_477] : memref<2x2x8x128xf32, #tpu.memory_space<vmem>> -> memref<1x2x8x128xf32, #tpu.memory_space<vmem>>
        %dma_wait3A_479 = tpu.memref_squeeze %dma_wait3A_478 : memref<1x2x8x128xf32, #tpu.memory_space<vmem>> -> memref<2x8x128xf32, #tpu.memory_space<vmem>>
        %dma_wait3A_480 = arith.constant 0 : i32
        %dma_wait3A_481 = arith.constant 0 : i32
        %dma_wait3A_482 = arith.constant 0 : i32
        %dma_wait3A_483 = tpu.memref_slice %arg7[%dma_wait3A_474, %dma_wait3A_480, %dma_wait3A_481, %dma_wait3A_482] : memref<2x2500x8x128xf32, #tpu.memory_space<hbm>> -> memref<1x2x8x128xf32, #tpu.memory_space<hbm>>
        %dma_wait3A_484 = tpu.memref_squeeze %dma_wait3A_483 : memref<1x2x8x128xf32, #tpu.memory_space<hbm>> -> memref<2x8x128xf32, #tpu.memory_space<hbm>>
        %dma_wait3A_485 = arith.constant 0 : i32
        %dma_wait3A_486 = arith.constant 0 : i32
        %dma_wait3A_487 = arith.constant 0 : i32
        %dma_wait3A_488 = tpu.memref_slice %arg7[%dma_wait3A_474, %dma_wait3A_485, %dma_wait3A_486, %dma_wait3A_487] : memref<2x2500x8x128xf32, #tpu.memory_space<hbm>> -> memref<1x2x8x128xf32, #tpu.memory_space<hbm>>
        %dma_wait3A_489 = tpu.memref_squeeze %dma_wait3A_488 : memref<1x2x8x128xf32, #tpu.memory_space<hbm>> -> memref<2x8x128xf32, #tpu.memory_space<hbm>>
        %dma_wait3A_490 = arith.constant 0 : i32
        %dma_wait3A_491 = arith.constant 0 : i32
        %dma_wait3A_492 = arith.constant 0 : i32
        %dma_wait3A_493 = tpu.memref_slice %arg15[%dma_wait3A_473, %dma_wait3A_490, %dma_wait3A_491, %dma_wait3A_492] : memref<2x2x8x128xf32, #tpu.memory_space<vmem>> -> memref<1x2x8x128xf32, #tpu.memory_space<vmem>>
        %dma_wait3A_494 = tpu.memref_squeeze %dma_wait3A_493 : memref<1x2x8x128xf32, #tpu.memory_space<vmem>> -> memref<2x8x128xf32, #tpu.memory_space<vmem>>
        tpu.wait_dma2 semaphore(%arg21 : memref<!tpu.dma_semaphore, #tpu.memory_space<semaphore_mem>>) src(%dma_wait3A_494 : memref<2x8x128xf32, #tpu.memory_space<vmem>>) dst(%dma_wait3A_489 : memref<2x8x128xf32, #tpu.memory_space<hbm>>)
        %dma_wait3A_495 = arith.constant 1 : i32
        %dma_wait3A_496 = arith.constant 1 : i32
        %dma_wait3A_497 = arith.constant 0 : i32
        %dma_wait3A_498 = arith.constant 0 : i32
        %dma_wait3A_499 = arith.constant 0 : i32
        %dma_wait3A_500 = tpu.memref_slice %arg15[%dma_wait3A_495, %dma_wait3A_497, %dma_wait3A_498, %dma_wait3A_499] : memref<2x2x8x128xf32, #tpu.memory_space<vmem>> -> memref<1x2x8x128xf32, #tpu.memory_space<vmem>>
        %dma_wait3A_501 = tpu.memref_squeeze %dma_wait3A_500 : memref<1x2x8x128xf32, #tpu.memory_space<vmem>> -> memref<2x8x128xf32, #tpu.memory_space<vmem>>
        %dma_wait3A_502 = arith.constant 0 : i32
        %dma_wait3A_503 = arith.constant 0 : i32
        %dma_wait3A_504 = arith.constant 0 : i32
        %dma_wait3A_505 = tpu.memref_slice %arg7[%dma_wait3A_496, %dma_wait3A_502, %dma_wait3A_503, %dma_wait3A_504] : memref<2x2500x8x128xf32, #tpu.memory_space<hbm>> -> memref<1x2x8x128xf32, #tpu.memory_space<hbm>>
        %dma_wait3A_506 = tpu.memref_squeeze %dma_wait3A_505 : memref<1x2x8x128xf32, #tpu.memory_space<hbm>> -> memref<2x8x128xf32, #tpu.memory_space<hbm>>
        %dma_wait3A_507 = arith.constant 0 : i32
        %dma_wait3A_508 = arith.constant 0 : i32
        %dma_wait3A_509 = arith.constant 0 : i32
        %dma_wait3A_510 = tpu.memref_slice %arg7[%dma_wait3A_496, %dma_wait3A_507, %dma_wait3A_508, %dma_wait3A_509] : memref<2x2500x8x128xf32, #tpu.memory_space<hbm>> -> memref<1x2x8x128xf32, #tpu.memory_space<hbm>>
        %dma_wait3A_511 = tpu.memref_squeeze %dma_wait3A_510 : memref<1x2x8x128xf32, #tpu.memory_space<hbm>> -> memref<2x8x128xf32, #tpu.memory_space<hbm>>
        %dma_wait3A_512 = arith.constant 0 : i32
        %dma_wait3A_513 = arith.constant 0 : i32
        %dma_wait3A_514 = arith.constant 0 : i32
        %dma_wait3A_515 = tpu.memref_slice %arg15[%dma_wait3A_495, %dma_wait3A_512, %dma_wait3A_513, %dma_wait3A_514] : memref<2x2x8x128xf32, #tpu.memory_space<vmem>> -> memref<1x2x8x128xf32, #tpu.memory_space<vmem>>
        %dma_wait3A_516 = tpu.memref_squeeze %dma_wait3A_515 : memref<1x2x8x128xf32, #tpu.memory_space<vmem>> -> memref<2x8x128xf32, #tpu.memory_space<vmem>>
        tpu.wait_dma2 semaphore(%arg21 : memref<!tpu.dma_semaphore, #tpu.memory_space<semaphore_mem>>) src(%dma_wait3A_516 : memref<2x8x128xf32, #tpu.memory_space<vmem>>) dst(%dma_wait3A_511 : memref<2x8x128xf32, #tpu.memory_space<hbm>>)
      } else {
      }
      %parallel_loop3A_414 = arith.constant 0 : i32
      %parallel_loop3A_415 = arith.constant 128 : i32
      %parallel_loop3A_416 = arith.constant 1 : i32
      scf.for %parallel_loop3A_473 = %parallel_loop3A_414 to %parallel_loop3A_415 step %parallel_loop3A_416  : i32 {
        %parallel_loop3A_474 = arith.constant 3 : i32
        %parallel_loop3A_475 = arith.shrsi %parallel_loop3A_473, %parallel_loop3A_474 : i32
        %parallel_loop3A_476 = arith.constant 7 : i32
        %parallel_loop3A_477 = arith.andi %parallel_loop3A_473, %parallel_loop3A_476 : i32
        %parallel_loop3A_478 = arith.constant 16 : i32
        %parallel_loop3A_479 = arith.muli %parallel_loop3A_477, %parallel_loop3A_478 : i32
        %parallel_loop3A_480 = arith.constant 0 : i32
        %parallel_loop3A_481 = arith.addi %parallel_loop3A_479, %parallel_loop3A_480 : i32
        %parallel_loop3A_482 = vector.broadcast %parallel_loop3A_481 : i32 to vector<16xi32>
        %parallel_loop3A_483 = arith.addi %iota3A, %parallel_loop3A_482 : vector<16xi32>
        %parallel_loop3A_484 = vector.broadcast %parallel_loop3A_475 : i32 to vector<16xi32>
        %parallel_loop3A_485 = arith.addi %and3A_64, %parallel_loop3A_484 : vector<16xi32>
        %parallel_loop3A_486 = tpu.vector_load_idx %arg11[%parallel_loop3A_483, %parallel_loop3A_485] : memref<256x16xf32, #tpu.memory_space<vmem>>[vector<16xi32>, vector<16xi32>], vector<16xf32>,
        %parallel_loop3A_487 = arith.constant 16 : i32
        %parallel_loop3A_488 = arith.muli %parallel_loop3A_477, %parallel_loop3A_487 : i32
        %parallel_loop3A_489 = arith.constant 0 : i32
        %parallel_loop3A_490 = arith.index_cast %parallel_loop3A_489 : i32 to index
        %parallel_loop3A_491 = arith.index_cast %parallel_loop3A_475 : i32 to index
        %parallel_loop3A_492 = arith.index_cast %parallel_loop3A_488 : i32 to index
        %parallel_loop3A_493 = tpu.vector_load %arg13[%parallel_loop3A_490, %parallel_loop3A_491, %parallel_loop3A_492] {strides = array<i32>} : memref<2x16x128xf32, #tpu.memory_space<vmem>>, vector<16xf32>,
        %parallel_loop3A_494 = arith.addf %parallel_loop3A_493, %parallel_loop3A_486 : vector<16xf32>
        %parallel_loop3A_495 = arith.constant 3 : i32
        %parallel_loop3A_496 = arith.shrsi %parallel_loop3A_475, %parallel_loop3A_495 : i32
        %parallel_loop3A_497 = arith.constant 7 : i32
        %parallel_loop3A_498 = arith.andi %parallel_loop3A_475, %parallel_loop3A_497 : i32
        %parallel_loop3A_499 = arith.constant 16 : i32
        %parallel_loop3A_500 = arith.muli %parallel_loop3A_477, %parallel_loop3A_499 : i32
        %parallel_loop3A_501 = arith.constant 0 : i32
        %parallel_loop3A_502 = arith.index_cast %parallel_loop3A_496 : i32 to index
        %parallel_loop3A_503 = arith.index_cast %parallel_loop3A_501 : i32 to index
        %parallel_loop3A_504 = arith.index_cast %parallel_loop3A_498 : i32 to index
        %parallel_loop3A_505 = arith.index_cast %parallel_loop3A_500 : i32 to index
        %parallel_loop3A_506 = tpu.vector_load %arg15[%parallel_loop3A_502, %parallel_loop3A_503, %parallel_loop3A_504, %parallel_loop3A_505] {strides = array<i32>} : memref<2x2x8x128xf32, #tpu.memory_space<vmem>>, vector<16xf32>,
        tpu.vector_store %arg15[%parallel_loop3A_502, %parallel_loop3A_503, %parallel_loop3A_504, %parallel_loop3A_505], %parallel_loop3A_494 {strides = array<i32>} : memref<2x2x8x128xf32, #tpu.memory_space<vmem>>, vector<16xf32>,
      } {sc.loop_unroll_factor = 16 : i64, sc.parallel_access}
      %parallel_loop3A_417 = arith.constant 0 : i32
      %parallel_loop3A_418 = arith.constant 128 : i32
      %parallel_loop3A_419 = arith.constant 1 : i32
      scf.for %parallel_loop3A_473 = %parallel_loop3A_417 to %parallel_loop3A_418 step %parallel_loop3A_419  : i32 {
        %parallel_loop3A_474 = arith.constant 3 : i32
        %parallel_loop3A_475 = arith.shrsi %parallel_loop3A_473, %parallel_loop3A_474 : i32
        %parallel_loop3A_476 = arith.constant 7 : i32
        %parallel_loop3A_477 = arith.andi %parallel_loop3A_473, %parallel_loop3A_476 : i32
        %parallel_loop3A_478 = arith.constant 16 : i32
        %parallel_loop3A_479 = arith.muli %parallel_loop3A_477, %parallel_loop3A_478 : i32
        %parallel_loop3A_480 = arith.constant 128 : i32
        %parallel_loop3A_481 = arith.addi %parallel_loop3A_479, %parallel_loop3A_480 : i32
        %parallel_loop3A_482 = vector.broadcast %parallel_loop3A_481 : i32 to vector<16xi32>
        %parallel_loop3A_483 = arith.addi %iota3A, %parallel_loop3A_482 : vector<16xi32>
        %parallel_loop3A_484 = vector.broadcast %parallel_loop3A_475 : i32 to vector<16xi32>
        %parallel_loop3A_485 = arith.addi %and3A_64, %parallel_loop3A_484 : vector<16xi32>
        %parallel_loop3A_486 = tpu.vector_load_idx %arg11[%parallel_loop3A_483, %parallel_loop3A_485] : memref<256x16xf32, #tpu.memory_space<vmem>>[vector<16xi32>, vector<16xi32>], vector<16xf32>,
        %parallel_loop3A_487 = arith.constant 16 : i32
        %parallel_loop3A_488 = arith.muli %parallel_loop3A_477, %parallel_loop3A_487 : i32
        %parallel_loop3A_489 = arith.constant 1 : i32
        %parallel_loop3A_490 = arith.index_cast %parallel_loop3A_489 : i32 to index
        %parallel_loop3A_491 = arith.index_cast %parallel_loop3A_475 : i32 to index
        %parallel_loop3A_492 = arith.index_cast %parallel_loop3A_488 : i32 to index
        %parallel_loop3A_493 = tpu.vector_load %arg13[%parallel_loop3A_490, %parallel_loop3A_491, %parallel_loop3A_492] {strides = array<i32>} : memref<2x16x128xf32, #tpu.memory_space<vmem>>, vector<16xf32>,
        %parallel_loop3A_494 = arith.addf %parallel_loop3A_493, %parallel_loop3A_486 : vector<16xf32>
        %parallel_loop3A_495 = arith.constant 3 : i32
        %parallel_loop3A_496 = arith.shrsi %parallel_loop3A_475, %parallel_loop3A_495 : i32
        %parallel_loop3A_497 = arith.constant 7 : i32
        %parallel_loop3A_498 = arith.andi %parallel_loop3A_475, %parallel_loop3A_497 : i32
        %parallel_loop3A_499 = arith.constant 16 : i32
        %parallel_loop3A_500 = arith.muli %parallel_loop3A_477, %parallel_loop3A_499 : i32
        %parallel_loop3A_501 = arith.constant 1 : i32
        %parallel_loop3A_502 = arith.index_cast %parallel_loop3A_496 : i32 to index
        %parallel_loop3A_503 = arith.index_cast %parallel_loop3A_501 : i32 to index
        %parallel_loop3A_504 = arith.index_cast %parallel_loop3A_498 : i32 to index
        %parallel_loop3A_505 = arith.index_cast %parallel_loop3A_500 : i32 to index
        %parallel_loop3A_506 = tpu.vector_load %arg15[%parallel_loop3A_502, %parallel_loop3A_503, %parallel_loop3A_504, %parallel_loop3A_505] {strides = array<i32>} : memref<2x2x8x128xf32, #tpu.memory_space<vmem>>, vector<16xf32>,
        tpu.vector_store %arg15[%parallel_loop3A_502, %parallel_loop3A_503, %parallel_loop3A_504, %parallel_loop3A_505], %parallel_loop3A_494 {strides = array<i32>} : memref<2x2x8x128xf32, #tpu.memory_space<vmem>>, vector<16xf32>,
      } {sc.loop_unroll_factor = 16 : i64, sc.parallel_access}
      %add3A_420 = arith.addi %multiple_of3A, %add3A_384 : i32
      %dma_start3A_421 = arith.constant 0 : i32
      %dma_start3A_422 = arith.constant 0 : i32
      %dma_start3A_423 = arith.constant 0 : i32
      %dma_start3A_424 = arith.constant 0 : i32
      %dma_start3A_425 = arith.constant 0 : i32
      %dma_start3A_426 = tpu.memref_slice %arg15[%dma_start3A_421, %dma_start3A_423, %dma_start3A_424, %dma_start3A_425] : memref<2x2x8x128xf32, #tpu.memory_space<vmem>> -> memref<1x2x8x128xf32, #tpu.memory_space<vmem>>
      %dma_start3A_427 = tpu.memref_squeeze %dma_start3A_426 : memref<1x2x8x128xf32, #tpu.memory_space<vmem>> -> memref<2x8x128xf32, #tpu.memory_space<vmem>>
      %dma_start3A_428 = arith.constant 0 : i32
      %dma_start3A_429 = arith.constant 0 : i32
      %dma_start3A_430 = tpu.memref_slice %arg7[%dma_start3A_422, %add3A_420, %dma_start3A_428, %dma_start3A_429] : memref<2x2500x8x128xf32, #tpu.memory_space<hbm>> -> memref<1x2x8x128xf32, #tpu.memory_space<hbm>>
      %dma_start3A_431 = tpu.memref_squeeze %dma_start3A_430 : memref<1x2x8x128xf32, #tpu.memory_space<hbm>> -> memref<2x8x128xf32, #tpu.memory_space<hbm>>
      %dma_start3A_432 = arith.constant 0 : i32
      %dma_start3A_433 = arith.constant 0 : i32
      %dma_start3A_434 = tpu.memref_slice %arg7[%dma_start3A_422, %add3A_420, %dma_start3A_432, %dma_start3A_433] : memref<2x2500x8x128xf32, #tpu.memory_space<hbm>> -> memref<1x2x8x128xf32, #tpu.memory_space<hbm>>
      %dma_start3A_435 = tpu.memref_squeeze %dma_start3A_434 : memref<1x2x8x128xf32, #tpu.memory_space<hbm>> -> memref<2x8x128xf32, #tpu.memory_space<hbm>>
      %dma_start3A_436 = arith.constant 0 : i32
      %dma_start3A_437 = arith.constant 0 : i32
      %dma_start3A_438 = arith.constant 0 : i32
      %dma_start3A_439 = tpu.memref_slice %arg15[%dma_start3A_421, %dma_start3A_436, %dma_start3A_437, %dma_start3A_438] : memref<2x2x8x128xf32, #tpu.memory_space<vmem>> -> memref<1x2x8x128xf32, #tpu.memory_space<vmem>>
      %dma_start3A_440 = tpu.memref_squeeze %dma_start3A_439 : memref<1x2x8x128xf32, #tpu.memory_space<vmem>> -> memref<2x8x128xf32, #tpu.memory_space<vmem>>
      tpu.enqueue_dma source(%dma_start3A_440 : memref<2x8x128xf32, #tpu.memory_space<vmem>>) target(%dma_start3A_435 : memref<2x8x128xf32, #tpu.memory_space<hbm>>) target_semaphore(%arg21 : memref<!tpu.dma_semaphore, #tpu.memory_space<semaphore_mem>>)
      %dma_start3A_441 = arith.constant 1 : i32
      %dma_start3A_442 = arith.constant 1 : i32
      %dma_start3A_443 = arith.constant 0 : i32
      %dma_start3A_444 = arith.constant 0 : i32
      %dma_start3A_445 = arith.constant 0 : i32
      %dma_start3A_446 = tpu.memref_slice %arg15[%dma_start3A_441, %dma_start3A_443, %dma_start3A_444, %dma_start3A_445] : memref<2x2x8x128xf32, #tpu.memory_space<vmem>> -> memref<1x2x8x128xf32, #tpu.memory_space<vmem>>
      %dma_start3A_447 = tpu.memref_squeeze %dma_start3A_446 : memref<1x2x8x128xf32, #tpu.memory_space<vmem>> -> memref<2x8x128xf32, #tpu.memory_space<vmem>>
      %dma_start3A_448 = arith.constant 0 : i32
      %dma_start3A_449 = arith.constant 0 : i32
      %dma_start3A_450 = tpu.memref_slice %arg7[%dma_start3A_442, %add3A_420, %dma_start3A_448, %dma_start3A_449] : memref<2x2500x8x128xf32, #tpu.memory_space<hbm>> -> memref<1x2x8x128xf32, #tpu.memory_space<hbm>>
      %dma_start3A_451 = tpu.memref_squeeze %dma_start3A_450 : memref<1x2x8x128xf32, #tpu.memory_space<hbm>> -> memref<2x8x128xf32, #tpu.memory_space<hbm>>
      %dma_start3A_452 = arith.constant 0 : i32
      %dma_start3A_453 = arith.constant 0 : i32
      %dma_start3A_454 = tpu.memref_slice %arg7[%dma_start3A_442, %add3A_420, %dma_start3A_452, %dma_start3A_453] : memref<2x2500x8x128xf32, #tpu.memory_space<hbm>> -> memref<1x2x8x128xf32, #tpu.memory_space<hbm>>
      %dma_start3A_455 = tpu.memref_squeeze %dma_start3A_454 : memref<1x2x8x128xf32, #tpu.memory_space<hbm>> -> memref<2x8x128xf32, #tpu.memory_space<hbm>>
      %dma_start3A_456 = arith.constant 0 : i32
      %dma_start3A_457 = arith.constant 0 : i32
      %dma_start3A_458 = arith.constant 0 : i32
      %dma_start3A_459 = tpu.memref_slice %arg15[%dma_start3A_441, %dma_start3A_456, %dma_start3A_457, %dma_start3A_458] : memref<2x2x8x128xf32, #tpu.memory_space<vmem>> -> memref<1x2x8x128xf32, #tpu.memory_space<vmem>>
      %dma_start3A_460 = tpu.memref_squeeze %dma_start3A_459 : memref<1x2x8x128xf32, #tpu.memory_space<vmem>> -> memref<2x8x128xf32, #tpu.memory_space<vmem>>
      tpu.enqueue_dma source(%dma_start3A_460 : memref<2x8x128xf32, #tpu.memory_space<vmem>>) target(%dma_start3A_455 : memref<2x8x128xf32, #tpu.memory_space<hbm>>) target_semaphore(%arg21 : memref<!tpu.dma_semaphore, #tpu.memory_space<semaphore_mem>>)
      %add3A_461 = arith.constant 2 : i32
      %add3A_462 = arith.addi %add3A_384, %add3A_461 : i32
      %lt3A_463 = arith.cmpi slt, %add3A_462, %sub3A_54 : i32
      %convert_element_type3A_464 = arith.extui %lt3A_463 : i1 to i32
      %cond3A_465 = arith.constant 0 : i32
      %cond3A_466 = arith.cmpi ne, %convert_element_type3A_464, %cond3A_465 : i32
      scf.if %cond3A_466 {
        %dma_wait3A_473 = arith.constant 0 : i32
        %dma_wait3A_474 = arith.constant 0 : i32
        %dma_wait3A_475 = tpu.memref_slice %arg10[%dma_wait3A_473, %dma_wait3A_474] : memref<256x16xf32, #tpu.memory_space<vmem>> -> memref<128x16xf32, #tpu.memory_space<vmem>>
        %dma_wait3A_476 = arith.constant 0 : i32
        %dma_wait3A_477 = arith.constant 0 : i32
        %dma_wait3A_478 = tpu.memref_slice %arg2[%dma_wait3A_476, %dma_wait3A_477] : memref<10000x16xf32, #tpu.memory_space<hbm>> -> memref<128x16xf32, #tpu.memory_space<hbm>>
        %dma_wait3A_479 = arith.constant 0 : i32
        %dma_wait3A_480 = arith.constant 0 : i32
        %dma_wait3A_481 = tpu.memref_slice %arg10[%dma_wait3A_479, %dma_wait3A_480] : memref<256x16xf32, #tpu.memory_space<vmem>> -> memref<128x16xf32, #tpu.memory_space<vmem>>
        %dma_wait3A_482 = arith.constant 0 : i32
        %dma_wait3A_483 = arith.constant 0 : i32
        %dma_wait3A_484 = tpu.memref_slice %arg2[%dma_wait3A_482, %dma_wait3A_483] : memref<10000x16xf32, #tpu.memory_space<hbm>> -> memref<128x16xf32, #tpu.memory_space<hbm>>
        tpu.wait_dma2 semaphore(%arg16 : memref<!tpu.dma_semaphore, #tpu.memory_space<semaphore_mem>>) src(%dma_wait3A_484 : memref<128x16xf32, #tpu.memory_space<hbm>>) dst(%dma_wait3A_481 : memref<128x16xf32, #tpu.memory_space<vmem>>)
        %dma_wait3A_485 = arith.constant 0 : i32
        %dma_wait3A_486 = arith.constant 0 : i32
        %dma_wait3A_487 = tpu.memref_slice %arg10[%dma_wait3A_485, %dma_wait3A_486] : memref<256x16xf32, #tpu.memory_space<vmem>> -> memref<128x16xf32, #tpu.memory_space<vmem>>
        %dma_wait3A_488 = arith.constant 0 : i32
        %dma_wait3A_489 = arith.constant 0 : i32
        %dma_wait3A_490 = tpu.memref_slice %arg2[%dma_wait3A_488, %dma_wait3A_489] : memref<10000x16xf32, #tpu.memory_space<hbm>> -> memref<128x16xf32, #tpu.memory_space<hbm>>
        %dma_wait3A_491 = arith.constant 0 : i32
        %dma_wait3A_492 = arith.constant 0 : i32
        %dma_wait3A_493 = tpu.memref_slice %arg10[%dma_wait3A_491, %dma_wait3A_492] : memref<256x16xf32, #tpu.memory_space<vmem>> -> memref<128x16xf32, #tpu.memory_space<vmem>>
        %dma_wait3A_494 = arith.constant 0 : i32
        %dma_wait3A_495 = arith.constant 0 : i32
        %dma_wait3A_496 = tpu.memref_slice %arg2[%dma_wait3A_494, %dma_wait3A_495] : memref<10000x16xf32, #tpu.memory_space<hbm>> -> memref<128x16xf32, #tpu.memory_space<hbm>>
        tpu.wait_dma2 semaphore(%arg16 : memref<!tpu.dma_semaphore, #tpu.memory_space<semaphore_mem>>) src(%dma_wait3A_496 : memref<128x16xf32, #tpu.memory_space<hbm>>) dst(%dma_wait3A_493 : memref<128x16xf32, #tpu.memory_space<vmem>>)
        %dma_wait3A_497 = arith.constant 0 : i32
        %dma_wait3A_498 = arith.constant 0 : i32
        %dma_wait3A_499 = arith.constant 0 : i32
        %dma_wait3A_500 = tpu.memref_slice %arg6[%dma_wait3A_497, %dma_wait3A_498, %dma_wait3A_499] : memref<2500x16x128xf32, #tpu.memory_space<hbm>> -> memref<2x16x128xf32, #tpu.memory_space<hbm>>
        %dma_wait3A_501 = arith.constant 0 : i32
        %dma_wait3A_502 = arith.constant 0 : i32
        %dma_wait3A_503 = arith.constant 0 : i32
        %dma_wait3A_504 = tpu.memref_slice %arg6[%dma_wait3A_501, %dma_wait3A_502, %dma_wait3A_503] : memref<2500x16x128xf32, #tpu.memory_space<hbm>> -> memref<2x16x128xf32, #tpu.memory_space<hbm>>
        tpu.wait_dma2 semaphore(%arg16 : memref<!tpu.dma_semaphore, #tpu.memory_space<semaphore_mem>>) src(%dma_wait3A_504 : memref<2x16x128xf32, #tpu.memory_space<hbm>>) dst(%arg12 : memref<2x16x128xf32, #tpu.memory_space<vmem>>)
        %add3A_505 = arith.constant 2 : i32
        %add3A_506 = arith.addi %add3A_384, %add3A_505 : i32
        %mul3A_507 = arith.constant 128 : i32
        %mul3A_508 = arith.muli %add3A_506, %mul3A_507 : i32
        %add3A_509 = arith.addi %sub3A_61, %mul3A_508 : i32
        %multiple_of3A_510 = tpu.assume_multiple %add3A_509, 128 : i32
        %add3A_511 = arith.constant 0 : i32
        %add3A_512 = arith.addi %multiple_of3A_510, %add3A_511 : i32
        %dma_start3A_513 = arith.constant 0 : i32
        %dma_start3A_514 = arith.constant 0 : i32
        %dma_start3A_515 = tpu.memref_slice %arg10[%dma_start3A_513, %dma_start3A_514] : memref<256x16xf32, #tpu.memory_space<vmem>> -> memref<128x16xf32, #tpu.memory_space<vmem>>
        %dma_start3A_516 = tpu.memref_slice %arg9[%add3A_512] : memref<11264xi32, #tpu.memory_space<vmem>> -> memref<128xi32, #tpu.memory_space<vmem>>
        %dma_start3A_517 = arith.constant 0 : i32
        %dma_start3A_518 = arith.constant 0 : i32
        %dma_start3A_519 = tpu.memref_slice %arg3[%dma_start3A_517, %dma_start3A_518] : memref<10000x16xf32, #tpu.memory_space<hbm>> -> memref<10000x16xf32, #tpu.memory_space<hbm>>
        tpu.enqueue_indirect_dma source(%dma_start3A_519 : memref<10000x16xf32, #tpu.memory_space<hbm>>) target(%dma_start3A_515 : memref<128x16xf32, #tpu.memory_space<vmem>>) offsets(%dma_start3A_516 : memref<128xi32, #tpu.memory_space<vmem>>) semaphore(%arg18 : memref<!tpu.dma_semaphore, #tpu.memory_space<semaphore_mem>>) {add = true}
        %add3A_520 = arith.constant 128 : i32
        %add3A_521 = arith.addi %multiple_of3A_510, %add3A_520 : i32
        %dma_start3A_522 = arith.constant 128 : i32
        %dma_start3A_523 = arith.constant 0 : i32
        %dma_start3A_524 = tpu.memref_slice %arg10[%dma_start3A_522, %dma_start3A_523] : memref<256x16xf32, #tpu.memory_space<vmem>> -> memref<128x16xf32, #tpu.memory_space<vmem>>
        %dma_start3A_525 = tpu.memref_slice %arg9[%add3A_521] : memref<11264xi32, #tpu.memory_space<vmem>> -> memref<128xi32, #tpu.memory_space<vmem>>
        %dma_start3A_526 = arith.constant 0 : i32
        %dma_start3A_527 = arith.constant 0 : i32
        %dma_start3A_528 = tpu.memref_slice %arg3[%dma_start3A_526, %dma_start3A_527] : memref<10000x16xf32, #tpu.memory_space<hbm>> -> memref<10000x16xf32, #tpu.memory_space<hbm>>
        tpu.enqueue_indirect_dma source(%dma_start3A_528 : memref<10000x16xf32, #tpu.memory_space<hbm>>) target(%dma_start3A_524 : memref<128x16xf32, #tpu.memory_space<vmem>>) offsets(%dma_start3A_525 : memref<128xi32, #tpu.memory_space<vmem>>) semaphore(%arg18 : memref<!tpu.dma_semaphore, #tpu.memory_space<semaphore_mem>>) {add = true}
      } else {
      }
      %add3A_467 = arith.constant 4 : i32
      %add3A_468 = arith.addi %add3A_384, %add3A_467 : i32
      %lt3A_469 = arith.cmpi slt, %add3A_468, %sub3A_54 : i32
      %convert_element_type3A_470 = arith.extui %lt3A_469 : i1 to i32
      %cond3A_471 = arith.constant 0 : i32
      %cond3A_472 = arith.cmpi ne, %convert_element_type3A_470, %cond3A_471 : i32
      scf.if %cond3A_472 {
        %add3A_473 = arith.constant 4 : i32
        %add3A_474 = arith.addi %add3A_384, %add3A_473 : i32
        %mul3A_475 = arith.constant 128 : i32
        %mul3A_476 = arith.muli %add3A_474, %mul3A_475 : i32
        %add3A_477 = arith.addi %sub3A_61, %mul3A_476 : i32
        %multiple_of3A_478 = tpu.assume_multiple %add3A_477, 128 : i32
        %add3A_479 = arith.addi %multiple_of3A, %add3A_474 : i32
        %add3A_480 = arith.constant 0 : i32
        %add3A_481 = arith.addi %multiple_of3A_478, %add3A_480 : i32
        %dma_start3A_482 = arith.constant 0 : i32
        %dma_start3A_483 = arith.constant 0 : i32
        %dma_start3A_484 = tpu.memref_slice %arg11[%dma_start3A_482, %dma_start3A_483] : memref<256x16xf32, #tpu.memory_space<vmem>> -> memref<128x16xf32, #tpu.memory_space<vmem>>
        %dma_start3A_485 = tpu.memref_slice %arg8[%add3A_481] : memref<11264xi32, #tpu.memory_space<vmem>> -> memref<128xi32, #tpu.memory_space<vmem>>
        %dma_start3A_486 = arith.constant 0 : i32
        %dma_start3A_487 = arith.constant 0 : i32
        %dma_start3A_488 = tpu.memref_slice %arg2[%dma_start3A_486, %dma_start3A_487] : memref<10000x16xf32, #tpu.memory_space<hbm>> -> memref<10000x16xf32, #tpu.memory_space<hbm>>
        tpu.enqueue_indirect_dma source(%dma_start3A_488 : memref<10000x16xf32, #tpu.memory_space<hbm>>) target(%dma_start3A_484 : memref<128x16xf32, #tpu.memory_space<vmem>>) offsets(%dma_start3A_485 : memref<128xi32, #tpu.memory_space<vmem>>) semaphore(%arg17 : memref<!tpu.dma_semaphore, #tpu.memory_space<semaphore_mem>>)
        %add3A_489 = arith.constant 128 : i32
        %add3A_490 = arith.addi %multiple_of3A_478, %add3A_489 : i32
        %dma_start3A_491 = arith.constant 128 : i32
        %dma_start3A_492 = arith.constant 0 : i32
        %dma_start3A_493 = tpu.memref_slice %arg11[%dma_start3A_491, %dma_start3A_492] : memref<256x16xf32, #tpu.memory_space<vmem>> -> memref<128x16xf32, #tpu.memory_space<vmem>>
        %dma_start3A_494 = tpu.memref_slice %arg8[%add3A_490] : memref<11264xi32, #tpu.memory_space<vmem>> -> memref<128xi32, #tpu.memory_space<vmem>>
        %dma_start3A_495 = arith.constant 0 : i32
        %dma_start3A_496 = arith.constant 0 : i32
        %dma_start3A_497 = tpu.memref_slice %arg2[%dma_start3A_495, %dma_start3A_496] : memref<10000x16xf32, #tpu.memory_space<hbm>> -> memref<10000x16xf32, #tpu.memory_space<hbm>>
        tpu.enqueue_indirect_dma source(%dma_start3A_497 : memref<10000x16xf32, #tpu.memory_space<hbm>>) target(%dma_start3A_493 : memref<128x16xf32, #tpu.memory_space<vmem>>) offsets(%dma_start3A_494 : memref<128xi32, #tpu.memory_space<vmem>>) semaphore(%arg17 : memref<!tpu.dma_semaphore, #tpu.memory_space<semaphore_mem>>)
        %dma_start3A_498 = arith.constant 0 : i32
        %dma_start3A_499 = arith.constant 0 : i32
        %dma_start3A_500 = tpu.memref_slice %arg6[%add3A_479, %dma_start3A_498, %dma_start3A_499] : memref<2500x16x128xf32, #tpu.memory_space<hbm>> -> memref<2x16x128xf32, #tpu.memory_space<hbm>>
        %dma_start3A_501 = arith.constant 0 : i32
        %dma_start3A_502 = arith.constant 0 : i32
        %dma_start3A_503 = tpu.memref_slice %arg6[%add3A_479, %dma_start3A_501, %dma_start3A_502] : memref<2500x16x128xf32, #tpu.memory_space<hbm>> -> memref<2x16x128xf32, #tpu.memory_space<hbm>>
        tpu.enqueue_dma source(%dma_start3A_503 : memref<2x16x128xf32, #tpu.memory_space<hbm>>) target(%arg13 : memref<2x16x128xf32, #tpu.memory_space<vmem>>) target_semaphore(%arg17 : memref<!tpu.dma_semaphore, #tpu.memory_space<semaphore_mem>>)
      } else {
      }
    }
    %while3A_206 = arith.constant 1 : i32
    scf.for %while3A_295 = %while3A_204 to %while3A_200 step %while3A_206  : i32 {
      %mul3A_296 = arith.constant 4 : i32
      %mul3A_297 = arith.muli %mul3A_296, %while3A_295 : i32
      %dma_wait3A_298 = arith.constant 0 : i32
      %dma_wait3A_299 = arith.constant 0 : i32
      %dma_wait3A_300 = tpu.memref_slice %arg10[%dma_wait3A_298, %dma_wait3A_299] : memref<256x16xf32, #tpu.memory_space<vmem>> -> memref<128x16xf32, #tpu.memory_space<vmem>>
      %dma_wait3A_301 = arith.constant 0 : i32
      %dma_wait3A_302 = arith.constant 0 : i32
      %dma_wait3A_303 = tpu.memref_slice %arg3[%dma_wait3A_301, %dma_wait3A_302] : memref<10000x16xf32, #tpu.memory_space<hbm>> -> memref<128x16xf32, #tpu.memory_space<hbm>>
      %dma_wait3A_304 = arith.constant 0 : i32
      %dma_wait3A_305 = arith.constant 0 : i32
      %dma_wait3A_306 = tpu.memref_slice %arg10[%dma_wait3A_304, %dma_wait3A_305] : memref<256x16xf32, #tpu.memory_space<vmem>> -> memref<128x16xf32, #tpu.memory_space<vmem>>
      %dma_wait3A_307 = arith.constant 0 : i32
      %dma_wait3A_308 = arith.constant 0 : i32
      %dma_wait3A_309 = tpu.memref_slice %arg3[%dma_wait3A_307, %dma_wait3A_308] : memref<10000x16xf32, #tpu.memory_space<hbm>> -> memref<128x16xf32, #tpu.memory_space<hbm>>
      tpu.wait_dma2 semaphore(%arg18 : memref<!tpu.dma_semaphore, #tpu.memory_space<semaphore_mem>>) src(%dma_wait3A_309 : memref<128x16xf32, #tpu.memory_space<hbm>>) dst(%dma_wait3A_306 : memref<128x16xf32, #tpu.memory_space<vmem>>)
      %dma_wait3A_310 = arith.constant 0 : i32
      %dma_wait3A_311 = arith.constant 0 : i32
      %dma_wait3A_312 = tpu.memref_slice %arg10[%dma_wait3A_310, %dma_wait3A_311] : memref<256x16xf32, #tpu.memory_space<vmem>> -> memref<128x16xf32, #tpu.memory_space<vmem>>
      %dma_wait3A_313 = arith.constant 0 : i32
      %dma_wait3A_314 = arith.constant 0 : i32
      %dma_wait3A_315 = tpu.memref_slice %arg3[%dma_wait3A_313, %dma_wait3A_314] : memref<10000x16xf32, #tpu.memory_space<hbm>> -> memref<128x16xf32, #tpu.memory_space<hbm>>
      %dma_wait3A_316 = arith.constant 0 : i32
      %dma_wait3A_317 = arith.constant 0 : i32
      %dma_wait3A_318 = tpu.memref_slice %arg10[%dma_wait3A_316, %dma_wait3A_317] : memref<256x16xf32, #tpu.memory_space<vmem>> -> memref<128x16xf32, #tpu.memory_space<vmem>>
      %dma_wait3A_319 = arith.constant 0 : i32
      %dma_wait3A_320 = arith.constant 0 : i32
      %dma_wait3A_321 = tpu.memref_slice %arg3[%dma_wait3A_319, %dma_wait3A_320] : memref<10000x16xf32, #tpu.memory_space<hbm>> -> memref<128x16xf32, #tpu.memory_space<hbm>>
      tpu.wait_dma2 semaphore(%arg18 : memref<!tpu.dma_semaphore, #tpu.memory_space<semaphore_mem>>) src(%dma_wait3A_321 : memref<128x16xf32, #tpu.memory_space<hbm>>) dst(%dma_wait3A_318 : memref<128x16xf32, #tpu.memory_space<vmem>>)
      %ge3A = arith.constant 1 : i32
      %ge3A_322 = arith.cmpi sge, %while3A_295, %ge3A : i32
      %convert_element_type3A = arith.extui %ge3A_322 : i1 to i32
      %cond3A = arith.constant 0 : i32
      %cond3A_323 = arith.cmpi ne, %convert_element_type3A, %cond3A : i32
      scf.if %cond3A_323 {
        %dma_wait3A_473 = arith.constant 0 : i32
        %dma_wait3A_474 = arith.constant 0 : i32
        %dma_wait3A_475 = arith.constant 0 : i32
        %dma_wait3A_476 = arith.constant 0 : i32
        %dma_wait3A_477 = arith.constant 0 : i32
        %dma_wait3A_478 = tpu.memref_slice %arg14[%dma_wait3A_473, %dma_wait3A_475, %dma_wait3A_476, %dma_wait3A_477] : memref<2x2x8x128xf32, #tpu.memory_space<vmem>> -> memref<1x2x8x128xf32, #tpu.memory_space<vmem>>
        %dma_wait3A_479 = tpu.memref_squeeze %dma_wait3A_478 : memref<1x2x8x128xf32, #tpu.memory_space<vmem>> -> memref<2x8x128xf32, #tpu.memory_space<vmem>>
        %dma_wait3A_480 = arith.constant 0 : i32
        %dma_wait3A_481 = arith.constant 0 : i32
        %dma_wait3A_482 = arith.constant 0 : i32
        %dma_wait3A_483 = tpu.memref_slice %arg7[%dma_wait3A_474, %dma_wait3A_480, %dma_wait3A_481, %dma_wait3A_482] : memref<2x2500x8x128xf32, #tpu.memory_space<hbm>> -> memref<1x2x8x128xf32, #tpu.memory_space<hbm>>
        %dma_wait3A_484 = tpu.memref_squeeze %dma_wait3A_483 : memref<1x2x8x128xf32, #tpu.memory_space<hbm>> -> memref<2x8x128xf32, #tpu.memory_space<hbm>>
        %dma_wait3A_485 = arith.constant 0 : i32
        %dma_wait3A_486 = arith.constant 0 : i32
        %dma_wait3A_487 = arith.constant 0 : i32
        %dma_wait3A_488 = tpu.memref_slice %arg7[%dma_wait3A_474, %dma_wait3A_485, %dma_wait3A_486, %dma_wait3A_487] : memref<2x2500x8x128xf32, #tpu.memory_space<hbm>> -> memref<1x2x8x128xf32, #tpu.memory_space<hbm>>
        %dma_wait3A_489 = tpu.memref_squeeze %dma_wait3A_488 : memref<1x2x8x128xf32, #tpu.memory_space<hbm>> -> memref<2x8x128xf32, #tpu.memory_space<hbm>>
        %dma_wait3A_490 = arith.constant 0 : i32
        %dma_wait3A_491 = arith.constant 0 : i32
        %dma_wait3A_492 = arith.constant 0 : i32
        %dma_wait3A_493 = tpu.memref_slice %arg14[%dma_wait3A_473, %dma_wait3A_490, %dma_wait3A_491, %dma_wait3A_492] : memref<2x2x8x128xf32, #tpu.memory_space<vmem>> -> memref<1x2x8x128xf32, #tpu.memory_space<vmem>>
        %dma_wait3A_494 = tpu.memref_squeeze %dma_wait3A_493 : memref<1x2x8x128xf32, #tpu.memory_space<vmem>> -> memref<2x8x128xf32, #tpu.memory_space<vmem>>
        tpu.wait_dma2 semaphore(%arg20 : memref<!tpu.dma_semaphore, #tpu.memory_space<semaphore_mem>>) src(%dma_wait3A_494 : memref<2x8x128xf32, #tpu.memory_space<vmem>>) dst(%dma_wait3A_489 : memref<2x8x128xf32, #tpu.memory_space<hbm>>)
        %dma_wait3A_495 = arith.constant 1 : i32
        %dma_wait3A_496 = arith.constant 1 : i32
        %dma_wait3A_497 = arith.constant 0 : i32
        %dma_wait3A_498 = arith.constant 0 : i32
        %dma_wait3A_499 = arith.constant 0 : i32
        %dma_wait3A_500 = tpu.memref_slice %arg14[%dma_wait3A_495, %dma_wait3A_497, %dma_wait3A_498, %dma_wait3A_499] : memref<2x2x8x128xf32, #tpu.memory_space<vmem>> -> memref<1x2x8x128xf32, #tpu.memory_space<vmem>>
        %dma_wait3A_501 = tpu.memref_squeeze %dma_wait3A_500 : memref<1x2x8x128xf32, #tpu.memory_space<vmem>> -> memref<2x8x128xf32, #tpu.memory_space<vmem>>
        %dma_wait3A_502 = arith.constant 0 : i32
        %dma_wait3A_503 = arith.constant 0 : i32
        %dma_wait3A_504 = arith.constant 0 : i32
        %dma_wait3A_505 = tpu.memref_slice %arg7[%dma_wait3A_496, %dma_wait3A_502, %dma_wait3A_503, %dma_wait3A_504] : memref<2x2500x8x128xf32, #tpu.memory_space<hbm>> -> memref<1x2x8x128xf32, #tpu.memory_space<hbm>>
        %dma_wait3A_506 = tpu.memref_squeeze %dma_wait3A_505 : memref<1x2x8x128xf32, #tpu.memory_space<hbm>> -> memref<2x8x128xf32, #tpu.memory_space<hbm>>
        %dma_wait3A_507 = arith.constant 0 : i32
        %dma_wait3A_508 = arith.constant 0 : i32
        %dma_wait3A_509 = arith.constant 0 : i32
        %dma_wait3A_510 = tpu.memref_slice %arg7[%dma_wait3A_496, %dma_wait3A_507, %dma_wait3A_508, %dma_wait3A_509] : memref<2x2500x8x128xf32, #tpu.memory_space<hbm>> -> memref<1x2x8x128xf32, #tpu.memory_space<hbm>>
        %dma_wait3A_511 = tpu.memref_squeeze %dma_wait3A_510 : memref<1x2x8x128xf32, #tpu.memory_space<hbm>> -> memref<2x8x128xf32, #tpu.memory_space<hbm>>
        %dma_wait3A_512 = arith.constant 0 : i32
        %dma_wait3A_513 = arith.constant 0 : i32
        %dma_wait3A_514 = arith.constant 0 : i32
        %dma_wait3A_515 = tpu.memref_slice %arg14[%dma_wait3A_495, %dma_wait3A_512, %dma_wait3A_513, %dma_wait3A_514] : memref<2x2x8x128xf32, #tpu.memory_space<vmem>> -> memref<1x2x8x128xf32, #tpu.memory_space<vmem>>
        %dma_wait3A_516 = tpu.memref_squeeze %dma_wait3A_515 : memref<1x2x8x128xf32, #tpu.memory_space<vmem>> -> memref<2x8x128xf32, #tpu.memory_space<vmem>>
        tpu.wait_dma2 semaphore(%arg20 : memref<!tpu.dma_semaphore, #tpu.memory_space<semaphore_mem>>) src(%dma_wait3A_516 : memref<2x8x128xf32, #tpu.memory_space<vmem>>) dst(%dma_wait3A_511 : memref<2x8x128xf32, #tpu.memory_space<hbm>>)
      } else {
      }
      %parallel_loop3A = arith.constant 0 : i32
      %parallel_loop3A_324 = arith.constant 128 : i32
      %parallel_loop3A_325 = arith.constant 1 : i32
      scf.for %parallel_loop3A_473 = %parallel_loop3A to %parallel_loop3A_324 step %parallel_loop3A_325  : i32 {
        %parallel_loop3A_474 = arith.constant 3 : i32
        %parallel_loop3A_475 = arith.shrsi %parallel_loop3A_473, %parallel_loop3A_474 : i32
        %parallel_loop3A_476 = arith.constant 7 : i32
        %parallel_loop3A_477 = arith.andi %parallel_loop3A_473, %parallel_loop3A_476 : i32
        %parallel_loop3A_478 = arith.constant 16 : i32
        %parallel_loop3A_479 = arith.muli %parallel_loop3A_477, %parallel_loop3A_478 : i32
        %parallel_loop3A_480 = arith.constant 0 : i32
        %parallel_loop3A_481 = arith.addi %parallel_loop3A_479, %parallel_loop3A_480 : i32
        %parallel_loop3A_482 = vector.broadcast %parallel_loop3A_481 : i32 to vector<16xi32>
        %parallel_loop3A_483 = arith.addi %iota3A, %parallel_loop3A_482 : vector<16xi32>
        %parallel_loop3A_484 = vector.broadcast %parallel_loop3A_475 : i32 to vector<16xi32>
        %parallel_loop3A_485 = arith.addi %and3A_64, %parallel_loop3A_484 : vector<16xi32>
        %parallel_loop3A_486 = tpu.vector_load_idx %arg10[%parallel_loop3A_483, %parallel_loop3A_485] : memref<256x16xf32, #tpu.memory_space<vmem>>[vector<16xi32>, vector<16xi32>], vector<16xf32>,
        %parallel_loop3A_487 = arith.constant 16 : i32
        %parallel_loop3A_488 = arith.muli %parallel_loop3A_477, %parallel_loop3A_487 : i32
        %parallel_loop3A_489 = arith.constant 0 : i32
        %parallel_loop3A_490 = arith.index_cast %parallel_loop3A_489 : i32 to index
        %parallel_loop3A_491 = arith.index_cast %parallel_loop3A_475 : i32 to index
        %parallel_loop3A_492 = arith.index_cast %parallel_loop3A_488 : i32 to index
        %parallel_loop3A_493 = tpu.vector_load %arg12[%parallel_loop3A_490, %parallel_loop3A_491, %parallel_loop3A_492] {strides = array<i32>} : memref<2x16x128xf32, #tpu.memory_space<vmem>>, vector<16xf32>,
        %parallel_loop3A_494 = arith.addf %parallel_loop3A_493, %parallel_loop3A_486 : vector<16xf32>
        %parallel_loop3A_495 = arith.constant 3 : i32
        %parallel_loop3A_496 = arith.shrsi %parallel_loop3A_475, %parallel_loop3A_495 : i32
        %parallel_loop3A_497 = arith.constant 7 : i32
        %parallel_loop3A_498 = arith.andi %parallel_loop3A_475, %parallel_loop3A_497 : i32
        %parallel_loop3A_499 = arith.constant 16 : i32
        %parallel_loop3A_500 = arith.muli %parallel_loop3A_477, %parallel_loop3A_499 : i32
        %parallel_loop3A_501 = arith.constant 0 : i32
        %parallel_loop3A_502 = arith.index_cast %parallel_loop3A_496 : i32 to index
        %parallel_loop3A_503 = arith.index_cast %parallel_loop3A_501 : i32 to index
        %parallel_loop3A_504 = arith.index_cast %parallel_loop3A_498 : i32 to index
        %parallel_loop3A_505 = arith.index_cast %parallel_loop3A_500 : i32 to index
        %parallel_loop3A_506 = tpu.vector_load %arg14[%parallel_loop3A_502, %parallel_loop3A_503, %parallel_loop3A_504, %parallel_loop3A_505] {strides = array<i32>} : memref<2x2x8x128xf32, #tpu.memory_space<vmem>>, vector<16xf32>,
        tpu.vector_store %arg14[%parallel_loop3A_502, %parallel_loop3A_503, %parallel_loop3A_504, %parallel_loop3A_505], %parallel_loop3A_494 {strides = array<i32>} : memref<2x2x8x128xf32, #tpu.memory_space<vmem>>, vector<16xf32>,
      } {sc.loop_unroll_factor = 16 : i64, sc.parallel_access}
      %parallel_loop3A_326 = arith.constant 0 : i32
      %parallel_loop3A_327 = arith.constant 128 : i32
      %parallel_loop3A_328 = arith.constant 1 : i32
      scf.for %parallel_loop3A_473 = %parallel_loop3A_326 to %parallel_loop3A_327 step %parallel_loop3A_328  : i32 {
        %parallel_loop3A_474 = arith.constant 3 : i32
        %parallel_loop3A_475 = arith.shrsi %parallel_loop3A_473, %parallel_loop3A_474 : i32
        %parallel_loop3A_476 = arith.constant 7 : i32
        %parallel_loop3A_477 = arith.andi %parallel_loop3A_473, %parallel_loop3A_476 : i32
        %parallel_loop3A_478 = arith.constant 16 : i32
        %parallel_loop3A_479 = arith.muli %parallel_loop3A_477, %parallel_loop3A_478 : i32
        %parallel_loop3A_480 = arith.constant 128 : i32
        %parallel_loop3A_481 = arith.addi %parallel_loop3A_479, %parallel_loop3A_480 : i32
        %parallel_loop3A_482 = vector.broadcast %parallel_loop3A_481 : i32 to vector<16xi32>
        %parallel_loop3A_483 = arith.addi %iota3A, %parallel_loop3A_482 : vector<16xi32>
        %parallel_loop3A_484 = vector.broadcast %parallel_loop3A_475 : i32 to vector<16xi32>
        %parallel_loop3A_485 = arith.addi %and3A_64, %parallel_loop3A_484 : vector<16xi32>
        %parallel_loop3A_486 = tpu.vector_load_idx %arg10[%parallel_loop3A_483, %parallel_loop3A_485] : memref<256x16xf32, #tpu.memory_space<vmem>>[vector<16xi32>, vector<16xi32>], vector<16xf32>,
        %parallel_loop3A_487 = arith.constant 16 : i32
        %parallel_loop3A_488 = arith.muli %parallel_loop3A_477, %parallel_loop3A_487 : i32
        %parallel_loop3A_489 = arith.constant 1 : i32
        %parallel_loop3A_490 = arith.index_cast %parallel_loop3A_489 : i32 to index
        %parallel_loop3A_491 = arith.index_cast %parallel_loop3A_475 : i32 to index
        %parallel_loop3A_492 = arith.index_cast %parallel_loop3A_488 : i32 to index
        %parallel_loop3A_493 = tpu.vector_load %arg12[%parallel_loop3A_490, %parallel_loop3A_491, %parallel_loop3A_492] {strides = array<i32>} : memref<2x16x128xf32, #tpu.memory_space<vmem>>, vector<16xf32>,
        %parallel_loop3A_494 = arith.addf %parallel_loop3A_493, %parallel_loop3A_486 : vector<16xf32>
        %parallel_loop3A_495 = arith.constant 3 : i32
        %parallel_loop3A_496 = arith.shrsi %parallel_loop3A_475, %parallel_loop3A_495 : i32
        %parallel_loop3A_497 = arith.constant 7 : i32
        %parallel_loop3A_498 = arith.andi %parallel_loop3A_475, %parallel_loop3A_497 : i32
        %parallel_loop3A_499 = arith.constant 16 : i32
        %parallel_loop3A_500 = arith.muli %parallel_loop3A_477, %parallel_loop3A_499 : i32
        %parallel_loop3A_501 = arith.constant 1 : i32
        %parallel_loop3A_502 = arith.index_cast %parallel_loop3A_496 : i32 to index
        %parallel_loop3A_503 = arith.index_cast %parallel_loop3A_501 : i32 to index
        %parallel_loop3A_504 = arith.index_cast %parallel_loop3A_498 : i32 to index
        %parallel_loop3A_505 = arith.index_cast %parallel_loop3A_500 : i32 to index
        %parallel_loop3A_506 = tpu.vector_load %arg14[%parallel_loop3A_502, %parallel_loop3A_503, %parallel_loop3A_504, %parallel_loop3A_505] {strides = array<i32>} : memref<2x2x8x128xf32, #tpu.memory_space<vmem>>, vector<16xf32>,
        tpu.vector_store %arg14[%parallel_loop3A_502, %parallel_loop3A_503, %parallel_loop3A_504, %parallel_loop3A_505], %parallel_loop3A_494 {strides = array<i32>} : memref<2x2x8x128xf32, #tpu.memory_space<vmem>>, vector<16xf32>,
      } {sc.loop_unroll_factor = 16 : i64, sc.parallel_access}
      %add3A_329 = arith.addi %multiple_of3A, %mul3A_297 : i32
      %dma_start3A_330 = arith.constant 0 : i32
      %dma_start3A_331 = arith.constant 0 : i32
      %dma_start3A_332 = arith.constant 0 : i32
      %dma_start3A_333 = arith.constant 0 : i32
      %dma_start3A_334 = arith.constant 0 : i32
      %dma_start3A_335 = tpu.memref_slice %arg14[%dma_start3A_330, %dma_start3A_332, %dma_start3A_333, %dma_start3A_334] : memref<2x2x8x128xf32, #tpu.memory_space<vmem>> -> memref<1x2x8x128xf32, #tpu.memory_space<vmem>>
      %dma_start3A_336 = tpu.memref_squeeze %dma_start3A_335 : memref<1x2x8x128xf32, #tpu.memory_space<vmem>> -> memref<2x8x128xf32, #tpu.memory_space<vmem>>
      %dma_start3A_337 = arith.constant 0 : i32
      %dma_start3A_338 = arith.constant 0 : i32
      %dma_start3A_339 = tpu.memref_slice %arg7[%dma_start3A_331, %add3A_329, %dma_start3A_337, %dma_start3A_338] : memref<2x2500x8x128xf32, #tpu.memory_space<hbm>> -> memref<1x2x8x128xf32, #tpu.memory_space<hbm>>
      %dma_start3A_340 = tpu.memref_squeeze %dma_start3A_339 : memref<1x2x8x128xf32, #tpu.memory_space<hbm>> -> memref<2x8x128xf32, #tpu.memory_space<hbm>>
      %dma_start3A_341 = arith.constant 0 : i32
      %dma_start3A_342 = arith.constant 0 : i32
      %dma_start3A_343 = tpu.memref_slice %arg7[%dma_start3A_331, %add3A_329, %dma_start3A_341, %dma_start3A_342] : memref<2x2500x8x128xf32, #tpu.memory_space<hbm>> -> memref<1x2x8x128xf32, #tpu.memory_space<hbm>>
      %dma_start3A_344 = tpu.memref_squeeze %dma_start3A_343 : memref<1x2x8x128xf32, #tpu.memory_space<hbm>> -> memref<2x8x128xf32, #tpu.memory_space<hbm>>
      %dma_start3A_345 = arith.constant 0 : i32
      %dma_start3A_346 = arith.constant 0 : i32
      %dma_start3A_347 = arith.constant 0 : i32
      %dma_start3A_348 = tpu.memref_slice %arg14[%dma_start3A_330, %dma_start3A_345, %dma_start3A_346, %dma_start3A_347] : memref<2x2x8x128xf32, #tpu.memory_space<vmem>> -> memref<1x2x8x128xf32, #tpu.memory_space<vmem>>
      %dma_start3A_349 = tpu.memref_squeeze %dma_start3A_348 : memref<1x2x8x128xf32, #tpu.memory_space<vmem>> -> memref<2x8x128xf32, #tpu.memory_space<vmem>>
      tpu.enqueue_dma source(%dma_start3A_349 : memref<2x8x128xf32, #tpu.memory_space<vmem>>) target(%dma_start3A_344 : memref<2x8x128xf32, #tpu.memory_space<hbm>>) target_semaphore(%arg20 : memref<!tpu.dma_semaphore, #tpu.memory_space<semaphore_mem>>)
      %dma_start3A_350 = arith.constant 1 : i32
      %dma_start3A_351 = arith.constant 1 : i32
      %dma_start3A_352 = arith.constant 0 : i32
      %dma_start3A_353 = arith.constant 0 : i32
      %dma_start3A_354 = arith.constant 0 : i32
      %dma_start3A_355 = tpu.memref_slice %arg14[%dma_start3A_350, %dma_start3A_352, %dma_start3A_353, %dma_start3A_354] : memref<2x2x8x128xf32, #tpu.memory_space<vmem>> -> memref<1x2x8x128xf32, #tpu.memory_space<vmem>>
      %dma_start3A_356 = tpu.memref_squeeze %dma_start3A_355 : memref<1x2x8x128xf32, #tpu.memory_space<vmem>> -> memref<2x8x128xf32, #tpu.memory_space<vmem>>
      %dma_start3A_357 = arith.constant 0 : i32
      %dma_start3A_358 = arith.constant 0 : i32
      %dma_start3A_359 = tpu.memref_slice %arg7[%dma_start3A_351, %add3A_329, %dma_start3A_357, %dma_start3A_358] : memref<2x2500x8x128xf32, #tpu.memory_space<hbm>> -> memref<1x2x8x128xf32, #tpu.memory_space<hbm>>
      %dma_start3A_360 = tpu.memref_squeeze %dma_start3A_359 : memref<1x2x8x128xf32, #tpu.memory_space<hbm>> -> memref<2x8x128xf32, #tpu.memory_space<hbm>>
      %dma_start3A_361 = arith.constant 0 : i32
      %dma_start3A_362 = arith.constant 0 : i32
      %dma_start3A_363 = tpu.memref_slice %arg7[%dma_start3A_351, %add3A_329, %dma_start3A_361, %dma_start3A_362] : memref<2x2500x8x128xf32, #tpu.memory_space<hbm>> -> memref<1x2x8x128xf32, #tpu.memory_space<hbm>>
      %dma_start3A_364 = tpu.memref_squeeze %dma_start3A_363 : memref<1x2x8x128xf32, #tpu.memory_space<hbm>> -> memref<2x8x128xf32, #tpu.memory_space<hbm>>
      %dma_start3A_365 = arith.constant 0 : i32
      %dma_start3A_366 = arith.constant 0 : i32
      %dma_start3A_367 = arith.constant 0 : i32
      %dma_start3A_368 = tpu.memref_slice %arg14[%dma_start3A_350, %dma_start3A_365, %dma_start3A_366, %dma_start3A_367] : memref<2x2x8x128xf32, #tpu.memory_space<vmem>> -> memref<1x2x8x128xf32, #tpu.memory_space<vmem>>
      %dma_start3A_369 = tpu.memref_squeeze %dma_start3A_368 : memref<1x2x8x128xf32, #tpu.memory_space<vmem>> -> memref<2x8x128xf32, #tpu.memory_space<vmem>>
      tpu.enqueue_dma source(%dma_start3A_369 : memref<2x8x128xf32, #tpu.memory_space<vmem>>) target(%dma_start3A_364 : memref<2x8x128xf32, #tpu.memory_space<hbm>>) target_semaphore(%arg20 : memref<!tpu.dma_semaphore, #tpu.memory_space<semaphore_mem>>)
      %add3A_370 = arith.constant 2 : i32
      %add3A_371 = arith.addi %mul3A_297, %add3A_370 : i32
      %lt3A = arith.cmpi slt, %add3A_371, %sub3A_54 : i32
      %convert_element_type3A_372 = arith.extui %lt3A : i1 to i32
      %cond3A_373 = arith.constant 0 : i32
      %cond3A_374 = arith.cmpi ne, %convert_element_type3A_372, %cond3A_373 : i32
      scf.if %cond3A_374 {
        %dma_wait3A_473 = arith.constant 0 : i32
        %dma_wait3A_474 = arith.constant 0 : i32
        %dma_wait3A_475 = tpu.memref_slice %arg11[%dma_wait3A_473, %dma_wait3A_474] : memref<256x16xf32, #tpu.memory_space<vmem>> -> memref<128x16xf32, #tpu.memory_space<vmem>>
        %dma_wait3A_476 = arith.constant 0 : i32
        %dma_wait3A_477 = arith.constant 0 : i32
        %dma_wait3A_478 = tpu.memref_slice %arg2[%dma_wait3A_476, %dma_wait3A_477] : memref<10000x16xf32, #tpu.memory_space<hbm>> -> memref<128x16xf32, #tpu.memory_space<hbm>>
        %dma_wait3A_479 = arith.constant 0 : i32
        %dma_wait3A_480 = arith.constant 0 : i32
        %dma_wait3A_481 = tpu.memref_slice %arg11[%dma_wait3A_479, %dma_wait3A_480] : memref<256x16xf32, #tpu.memory_space<vmem>> -> memref<128x16xf32, #tpu.memory_space<vmem>>
        %dma_wait3A_482 = arith.constant 0 : i32
        %dma_wait3A_483 = arith.constant 0 : i32
        %dma_wait3A_484 = tpu.memref_slice %arg2[%dma_wait3A_482, %dma_wait3A_483] : memref<10000x16xf32, #tpu.memory_space<hbm>> -> memref<128x16xf32, #tpu.memory_space<hbm>>
        tpu.wait_dma2 semaphore(%arg17 : memref<!tpu.dma_semaphore, #tpu.memory_space<semaphore_mem>>) src(%dma_wait3A_484 : memref<128x16xf32, #tpu.memory_space<hbm>>) dst(%dma_wait3A_481 : memref<128x16xf32, #tpu.memory_space<vmem>>)
        %dma_wait3A_485 = arith.constant 0 : i32
        %dma_wait3A_486 = arith.constant 0 : i32
        %dma_wait3A_487 = tpu.memref_slice %arg11[%dma_wait3A_485, %dma_wait3A_486] : memref<256x16xf32, #tpu.memory_space<vmem>> -> memref<128x16xf32, #tpu.memory_space<vmem>>
        %dma_wait3A_488 = arith.constant 0 : i32
        %dma_wait3A_489 = arith.constant 0 : i32
        %dma_wait3A_490 = tpu.memref_slice %arg2[%dma_wait3A_488, %dma_wait3A_489] : memref<10000x16xf32, #tpu.memory_space<hbm>> -> memref<128x16xf32, #tpu.memory_space<hbm>>
        %dma_wait3A_491 = arith.constant 0 : i32
        %dma_wait3A_492 = arith.constant 0 : i32
        %dma_wait3A_493 = tpu.memref_slice %arg11[%dma_wait3A_491, %dma_wait3A_492] : memref<256x16xf32, #tpu.memory_space<vmem>> -> memref<128x16xf32, #tpu.memory_space<vmem>>
        %dma_wait3A_494 = arith.constant 0 : i32
        %dma_wait3A_495 = arith.constant 0 : i32
        %dma_wait3A_496 = tpu.memref_slice %arg2[%dma_wait3A_494, %dma_wait3A_495] : memref<10000x16xf32, #tpu.memory_space<hbm>> -> memref<128x16xf32, #tpu.memory_space<hbm>>
        tpu.wait_dma2 semaphore(%arg17 : memref<!tpu.dma_semaphore, #tpu.memory_space<semaphore_mem>>) src(%dma_wait3A_496 : memref<128x16xf32, #tpu.memory_space<hbm>>) dst(%dma_wait3A_493 : memref<128x16xf32, #tpu.memory_space<vmem>>)
        %dma_wait3A_497 = arith.constant 0 : i32
        %dma_wait3A_498 = arith.constant 0 : i32
        %dma_wait3A_499 = arith.constant 0 : i32
        %dma_wait3A_500 = tpu.memref_slice %arg6[%dma_wait3A_497, %dma_wait3A_498, %dma_wait3A_499] : memref<2500x16x128xf32, #tpu.memory_space<hbm>> -> memref<2x16x128xf32, #tpu.memory_space<hbm>>
        %dma_wait3A_501 = arith.constant 0 : i32
        %dma_wait3A_502 = arith.constant 0 : i32
        %dma_wait3A_503 = arith.constant 0 : i32
        %dma_wait3A_504 = tpu.memref_slice %arg6[%dma_wait3A_501, %dma_wait3A_502, %dma_wait3A_503] : memref<2500x16x128xf32, #tpu.memory_space<hbm>> -> memref<2x16x128xf32, #tpu.memory_space<hbm>>
        tpu.wait_dma2 semaphore(%arg17 : memref<!tpu.dma_semaphore, #tpu.memory_space<semaphore_mem>>) src(%dma_wait3A_504 : memref<2x16x128xf32, #tpu.memory_space<hbm>>) dst(%arg13 : memref<2x16x128xf32, #tpu.memory_space<vmem>>)
        %add3A_505 = arith.constant 2 : i32
        %add3A_506 = arith.addi %mul3A_297, %add3A_505 : i32
        %mul3A_507 = arith.constant 128 : i32
        %mul3A_508 = arith.muli %add3A_506, %mul3A_507 : i32
        %add3A_509 = arith.addi %sub3A_61, %mul3A_508 : i32
        %multiple_of3A_510 = tpu.assume_multiple %add3A_509, 128 : i32
        %add3A_511 = arith.constant 0 : i32
        %add3A_512 = arith.addi %multiple_of3A_510, %add3A_511 : i32
        %dma_start3A_513 = arith.constant 0 : i32
        %dma_start3A_514 = arith.constant 0 : i32
        %dma_start3A_515 = tpu.memref_slice %arg11[%dma_start3A_513, %dma_start3A_514] : memref<256x16xf32, #tpu.memory_space<vmem>> -> memref<128x16xf32, #tpu.memory_space<vmem>>
        %dma_start3A_516 = tpu.memref_slice %arg9[%add3A_512] : memref<11264xi32, #tpu.memory_space<vmem>> -> memref<128xi32, #tpu.memory_space<vmem>>
        %dma_start3A_517 = arith.constant 0 : i32
        %dma_start3A_518 = arith.constant 0 : i32
        %dma_start3A_519 = tpu.memref_slice %arg3[%dma_start3A_517, %dma_start3A_518] : memref<10000x16xf32, #tpu.memory_space<hbm>> -> memref<10000x16xf32, #tpu.memory_space<hbm>>
        tpu.enqueue_indirect_dma source(%dma_start3A_519 : memref<10000x16xf32, #tpu.memory_space<hbm>>) target(%dma_start3A_515 : memref<128x16xf32, #tpu.memory_space<vmem>>) offsets(%dma_start3A_516 : memref<128xi32, #tpu.memory_space<vmem>>) semaphore(%arg19 : memref<!tpu.dma_semaphore, #tpu.memory_space<semaphore_mem>>) {add = true}
        %add3A_520 = arith.constant 128 : i32
        %add3A_521 = arith.addi %multiple_of3A_510, %add3A_520 : i32
        %dma_start3A_522 = arith.constant 128 : i32
        %dma_start3A_523 = arith.constant 0 : i32
        %dma_start3A_524 = tpu.memref_slice %arg11[%dma_start3A_522, %dma_start3A_523] : memref<256x16xf32, #tpu.memory_space<vmem>> -> memref<128x16xf32, #tpu.memory_space<vmem>>
        %dma_start3A_525 = tpu.memref_slice %arg9[%add3A_521] : memref<11264xi32, #tpu.memory_space<vmem>> -> memref<128xi32, #tpu.memory_space<vmem>>
        %dma_start3A_526 = arith.constant 0 : i32
        %dma_start3A_527 = arith.constant 0 : i32
        %dma_start3A_528 = tpu.memref_slice %arg3[%dma_start3A_526, %dma_start3A_527] : memref<10000x16xf32, #tpu.memory_space<hbm>> -> memref<10000x16xf32, #tpu.memory_space<hbm>>
        tpu.enqueue_indirect_dma source(%dma_start3A_528 : memref<10000x16xf32, #tpu.memory_space<hbm>>) target(%dma_start3A_524 : memref<128x16xf32, #tpu.memory_space<vmem>>) offsets(%dma_start3A_525 : memref<128xi32, #tpu.memory_space<vmem>>) semaphore(%arg19 : memref<!tpu.dma_semaphore, #tpu.memory_space<semaphore_mem>>) {add = true}
      } else {
      }
      %add3A_375 = arith.constant 4 : i32
      %add3A_376 = arith.addi %mul3A_297, %add3A_375 : i32
      %lt3A_377 = arith.cmpi slt, %add3A_376, %sub3A_54 : i32
      %convert_element_type3A_378 = arith.extui %lt3A_377 : i1 to i32
      %cond3A_379 = arith.constant 0 : i32
      %cond3A_380 = arith.cmpi ne, %convert_element_type3A_378, %cond3A_379 : i32
      scf.if %cond3A_380 {
        %add3A_473 = arith.constant 4 : i32
        %add3A_474 = arith.addi %mul3A_297, %add3A_473 : i32
        %mul3A_475 = arith.constant 128 : i32
        %mul3A_476 = arith.muli %add3A_474, %mul3A_475 : i32
        %add3A_477 = arith.addi %sub3A_61, %mul3A_476 : i32
        %multiple_of3A_478 = tpu.assume_multiple %add3A_477, 128 : i32
        %add3A_479 = arith.addi %multiple_of3A, %add3A_474 : i32
        %add3A_480 = arith.constant 0 : i32
        %add3A_481 = arith.addi %multiple_of3A_478, %add3A_480 : i32
        %dma_start3A_482 = arith.constant 0 : i32
        %dma_start3A_483 = arith.constant 0 : i32
        %dma_start3A_484 = tpu.memref_slice %arg10[%dma_start3A_482, %dma_start3A_483] : memref<256x16xf32, #tpu.memory_space<vmem>> -> memref<128x16xf32, #tpu.memory_space<vmem>>
        %dma_start3A_485 = tpu.memref_slice %arg8[%add3A_481] : memref<11264xi32, #tpu.memory_space<vmem>> -> memref<128xi32, #tpu.memory_space<vmem>>
        %dma_start3A_486 = arith.constant 0 : i32
        %dma_start3A_487 = arith.constant 0 : i32
        %dma_start3A_488 = tpu.memref_slice %arg2[%dma_start3A_486, %dma_start3A_487] : memref<10000x16xf32, #tpu.memory_space<hbm>> -> memref<10000x16xf32, #tpu.memory_space<hbm>>
        tpu.enqueue_indirect_dma source(%dma_start3A_488 : memref<10000x16xf32, #tpu.memory_space<hbm>>) target(%dma_start3A_484 : memref<128x16xf32, #tpu.memory_space<vmem>>) offsets(%dma_start3A_485 : memref<128xi32, #tpu.memory_space<vmem>>) semaphore(%arg16 : memref<!tpu.dma_semaphore, #tpu.memory_space<semaphore_mem>>)
        %add3A_489 = arith.constant 128 : i32
        %add3A_490 = arith.addi %multiple_of3A_478, %add3A_489 : i32
        %dma_start3A_491 = arith.constant 128 : i32
        %dma_start3A_492 = arith.constant 0 : i32
        %dma_start3A_493 = tpu.memref_slice %arg10[%dma_start3A_491, %dma_start3A_492] : memref<256x16xf32, #tpu.memory_space<vmem>> -> memref<128x16xf32, #tpu.memory_space<vmem>>
        %dma_start3A_494 = tpu.memref_slice %arg8[%add3A_490] : memref<11264xi32, #tpu.memory_space<vmem>> -> memref<128xi32, #tpu.memory_space<vmem>>
        %dma_start3A_495 = arith.constant 0 : i32
        %dma_start3A_496 = arith.constant 0 : i32
        %dma_start3A_497 = tpu.memref_slice %arg2[%dma_start3A_495, %dma_start3A_496] : memref<10000x16xf32, #tpu.memory_space<hbm>> -> memref<10000x16xf32, #tpu.memory_space<hbm>>
        tpu.enqueue_indirect_dma source(%dma_start3A_497 : memref<10000x16xf32, #tpu.memory_space<hbm>>) target(%dma_start3A_493 : memref<128x16xf32, #tpu.memory_space<vmem>>) offsets(%dma_start3A_494 : memref<128xi32, #tpu.memory_space<vmem>>) semaphore(%arg16 : memref<!tpu.dma_semaphore, #tpu.memory_space<semaphore_mem>>)
        %dma_start3A_498 = arith.constant 0 : i32
        %dma_start3A_499 = arith.constant 0 : i32
        %dma_start3A_500 = tpu.memref_slice %arg6[%add3A_479, %dma_start3A_498, %dma_start3A_499] : memref<2500x16x128xf32, #tpu.memory_space<hbm>> -> memref<2x16x128xf32, #tpu.memory_space<hbm>>
        %dma_start3A_501 = arith.constant 0 : i32
        %dma_start3A_502 = arith.constant 0 : i32
        %dma_start3A_503 = tpu.memref_slice %arg6[%add3A_479, %dma_start3A_501, %dma_start3A_502] : memref<2500x16x128xf32, #tpu.memory_space<hbm>> -> memref<2x16x128xf32, #tpu.memory_space<hbm>>
        tpu.enqueue_dma source(%dma_start3A_503 : memref<2x16x128xf32, #tpu.memory_space<hbm>>) target(%arg12 : memref<2x16x128xf32, #tpu.memory_space<vmem>>) target_semaphore(%arg16 : memref<!tpu.dma_semaphore, #tpu.memory_space<semaphore_mem>>)
      } else {
      }
      %mul3A_381 = arith.constant 4 : i32
      %mul3A_382 = arith.muli %mul3A_381, %while3A_295 : i32
      %add3A_383 = arith.constant 2 : i32
      %add3A_384 = arith.addi %mul3A_382, %add3A_383 : i32
      %dma_wait3A_385 = arith.constant 0 : i32
      %dma_wait3A_386 = arith.constant 0 : i32
      %dma_wait3A_387 = tpu.memref_slice %arg11[%dma_wait3A_385, %dma_wait3A_386] : memref<256x16xf32, #tpu.memory_space<vmem>> -> memref<128x16xf32, #tpu.memory_space<vmem>>
      %dma_wait3A_388 = arith.constant 0 : i32
      %dma_wait3A_389 = arith.constant 0 : i32
      %dma_wait3A_390 = tpu.memref_slice %arg3[%dma_wait3A_388, %dma_wait3A_389] : memref<10000x16xf32, #tpu.memory_space<hbm>> -> memref<128x16xf32, #tpu.memory_space<hbm>>
      %dma_wait3A_391 = arith.constant 0 : i32
      %dma_wait3A_392 = arith.constant 0 : i32
      %dma_wait3A_393 = tpu.memref_slice %arg11[%dma_wait3A_391, %dma_wait3A_392] : memref<256x16xf32, #tpu.memory_space<vmem>> -> memref<128x16xf32, #tpu.memory_space<vmem>>
      %dma_wait3A_394 = arith.constant 0 : i32
      %dma_wait3A_395 = arith.constant 0 : i32
      %dma_wait3A_396 = tpu.memref_slice %arg3[%dma_wait3A_394, %dma_wait3A_395] : memref<10000x16xf32, #tpu.memory_space<hbm>> -> memref<128x16xf32, #tpu.memory_space<hbm>>
      tpu.wait_dma2 semaphore(%arg19 : memref<!tpu.dma_semaphore, #tpu.memory_space<semaphore_mem>>) src(%dma_wait3A_396 : memref<128x16xf32, #tpu.memory_space<hbm>>) dst(%dma_wait3A_393 : memref<128x16xf32, #tpu.memory_space<vmem>>)
      %dma_wait3A_397 = arith.constant 0 : i32
      %dma_wait3A_398 = arith.constant 0 : i32
      %dma_wait3A_399 = tpu.memref_slice %arg11[%dma_wait3A_397, %dma_wait3A_398] : memref<256x16xf32, #tpu.memory_space<vmem>> -> memref<128x16xf32, #tpu.memory_space<vmem>>
      %dma_wait3A_400 = arith.constant 0 : i32
      %dma_wait3A_401 = arith.constant 0 : i32
      %dma_wait3A_402 = tpu.memref_slice %arg3[%dma_wait3A_400, %dma_wait3A_401] : memref<10000x16xf32, #tpu.memory_space<hbm>> -> memref<128x16xf32, #tpu.memory_space<hbm>>
      %dma_wait3A_403 = arith.constant 0 : i32
      %dma_wait3A_404 = arith.constant 0 : i32
      %dma_wait3A_405 = tpu.memref_slice %arg11[%dma_wait3A_403, %dma_wait3A_404] : memref<256x16xf32, #tpu.memory_space<vmem>> -> memref<128x16xf32, #tpu.memory_space<vmem>>
      %dma_wait3A_406 = arith.constant 0 : i32
      %dma_wait3A_407 = arith.constant 0 : i32
      %dma_wait3A_408 = tpu.memref_slice %arg3[%dma_wait3A_406, %dma_wait3A_407] : memref<10000x16xf32, #tpu.memory_space<hbm>> -> memref<128x16xf32, #tpu.memory_space<hbm>>
      tpu.wait_dma2 semaphore(%arg19 : memref<!tpu.dma_semaphore, #tpu.memory_space<semaphore_mem>>) src(%dma_wait3A_408 : memref<128x16xf32, #tpu.memory_space<hbm>>) dst(%dma_wait3A_405 : memref<128x16xf32, #tpu.memory_space<vmem>>)
      %ge3A_409 = arith.constant 1 : i32
      %ge3A_410 = arith.cmpi sge, %while3A_295, %ge3A_409 : i32
      %convert_element_type3A_411 = arith.extui %ge3A_410 : i1 to i32
      %cond3A_412 = arith.constant 0 : i32
      %cond3A_413 = arith.cmpi ne, %convert_element_type3A_411, %cond3A_412 : i32
      scf.if %cond3A_413 {
        %dma_wait3A_473 = arith.constant 0 : i32
        %dma_wait3A_474 = arith.constant 0 : i32
        %dma_wait3A_475 = arith.constant 0 : i32
        %dma_wait3A_476 = arith.constant 0 : i32
        %dma_wait3A_477 = arith.constant 0 : i32
        %dma_wait3A_478 = tpu.memref_slice %arg15[%dma_wait3A_473, %dma_wait3A_475, %dma_wait3A_476, %dma_wait3A_477] : memref<2x2x8x128xf32, #tpu.memory_space<vmem>> -> memref<1x2x8x128xf32, #tpu.memory_space<vmem>>
        %dma_wait3A_479 = tpu.memref_squeeze %dma_wait3A_478 : memref<1x2x8x128xf32, #tpu.memory_space<vmem>> -> memref<2x8x128xf32, #tpu.memory_space<vmem>>
        %dma_wait3A_480 = arith.constant 0 : i32
        %dma_wait3A_481 = arith.constant 0 : i32
        %dma_wait3A_482 = arith.constant 0 : i32
        %dma_wait3A_483 = tpu.memref_slice %arg7[%dma_wait3A_474, %dma_wait3A_480, %dma_wait3A_481, %dma_wait3A_482] : memref<2x2500x8x128xf32, #tpu.memory_space<hbm>> -> memref<1x2x8x128xf32, #tpu.memory_space<hbm>>
        %dma_wait3A_484 = tpu.memref_squeeze %dma_wait3A_483 : memref<1x2x8x128xf32, #tpu.memory_space<hbm>> -> memref<2x8x128xf32, #tpu.memory_space<hbm>>
        %dma_wait3A_485 = arith.constant 0 : i32
        %dma_wait3A_486 = arith.constant 0 : i32
        %dma_wait3A_487 = arith.constant 0 : i32
        %dma_wait3A_488 = tpu.memref_slice %arg7[%dma_wait3A_474, %dma_wait3A_485, %dma_wait3A_486, %dma_wait3A_487] : memref<2x2500x8x128xf32, #tpu.memory_space<hbm>> -> memref<1x2x8x128xf32, #tpu.memory_space<hbm>>
        %dma_wait3A_489 = tpu.memref_squeeze %dma_wait3A_488 : memref<1x2x8x128xf32, #tpu.memory_space<hbm>> -> memref<2x8x128xf32, #tpu.memory_space<hbm>>
        %dma_wait3A_490 = arith.constant 0 : i32
        %dma_wait3A_491 = arith.constant 0 : i32
        %dma_wait3A_492 = arith.constant 0 : i32
        %dma_wait3A_493 = tpu.memref_slice %arg15[%dma_wait3A_473, %dma_wait3A_490, %dma_wait3A_491, %dma_wait3A_492] : memref<2x2x8x128xf32, #tpu.memory_space<vmem>> -> memref<1x2x8x128xf32, #tpu.memory_space<vmem>>
        %dma_wait3A_494 = tpu.memref_squeeze %dma_wait3A_493 : memref<1x2x8x128xf32, #tpu.memory_space<vmem>> -> memref<2x8x128xf32, #tpu.memory_space<vmem>>
        tpu.wait_dma2 semaphore(%arg21 : memref<!tpu.dma_semaphore, #tpu.memory_space<semaphore_mem>>) src(%dma_wait3A_494 : memref<2x8x128xf32, #tpu.memory_space<vmem>>) dst(%dma_wait3A_489 : memref<2x8x128xf32, #tpu.memory_space<hbm>>)
        %dma_wait3A_495 = arith.constant 1 : i32
        %dma_wait3A_496 = arith.constant 1 : i32
        %dma_wait3A_497 = arith.constant 0 : i32
        %dma_wait3A_498 = arith.constant 0 : i32
        %dma_wait3A_499 = arith.constant 0 : i32
        %dma_wait3A_500 = tpu.memref_slice %arg15[%dma_wait3A_495, %dma_wait3A_497, %dma_wait3A_498, %dma_wait3A_499] : memref<2x2x8x128xf32, #tpu.memory_space<vmem>> -> memref<1x2x8x128xf32, #tpu.memory_space<vmem>>
        %dma_wait3A_501 = tpu.memref_squeeze %dma_wait3A_500 : memref<1x2x8x128xf32, #tpu.memory_space<vmem>> -> memref<2x8x128xf32, #tpu.memory_space<vmem>>
        %dma_wait3A_502 = arith.constant 0 : i32
        %dma_wait3A_503 = arith.constant 0 : i32
        %dma_wait3A_504 = arith.constant 0 : i32
        %dma_wait3A_505 = tpu.memref_slice %arg7[%dma_wait3A_496, %dma_wait3A_502, %dma_wait3A_503, %dma_wait3A_504] : memref<2x2500x8x128xf32, #tpu.memory_space<hbm>> -> memref<1x2x8x128xf32, #tpu.memory_space<hbm>>
        %dma_wait3A_506 = tpu.memref_squeeze %dma_wait3A_505 : memref<1x2x8x128xf32, #tpu.memory_space<hbm>> -> memref<2x8x128xf32, #tpu.memory_space<hbm>>
        %dma_wait3A_507 = arith.constant 0 : i32
        %dma_wait3A_508 = arith.constant 0 : i32
        %dma_wait3A_509 = arith.constant 0 : i32
        %dma_wait3A_510 = tpu.memref_slice %arg7[%dma_wait3A_496, %dma_wait3A_507, %dma_wait3A_508, %dma_wait3A_509] : memref<2x2500x8x128xf32, #tpu.memory_space<hbm>> -> memref<1x2x8x128xf32, #tpu.memory_space<hbm>>
        %dma_wait3A_511 = tpu.memref_squeeze %dma_wait3A_510 : memref<1x2x8x128xf32, #tpu.memory_space<hbm>> -> memref<2x8x128xf32, #tpu.memory_space<hbm>>
        %dma_wait3A_512 = arith.constant 0 : i32
        %dma_wait3A_513 = arith.constant 0 : i32
        %dma_wait3A_514 = arith.constant 0 : i32
        %dma_wait3A_515 = tpu.memref_slice %arg15[%dma_wait3A_495, %dma_wait3A_512, %dma_wait3A_513, %dma_wait3A_514] : memref<2x2x8x128xf32, #tpu.memory_space<vmem>> -> memref<1x2x8x128xf32, #tpu.memory_space<vmem>>
        %dma_wait3A_516 = tpu.memref_squeeze %dma_wait3A_515 : memref<1x2x8x128xf32, #tpu.memory_space<vmem>> -> memref<2x8x128xf32, #tpu.memory_space<vmem>>
        tpu.wait_dma2 semaphore(%arg21 : memref<!tpu.dma_semaphore, #tpu.memory_space<semaphore_mem>>) src(%dma_wait3A_516 : memref<2x8x128xf32, #tpu.memory_space<vmem>>) dst(%dma_wait3A_511 : memref<2x8x128xf32, #tpu.memory_space<hbm>>)
      } else {
      }
      %parallel_loop3A_414 = arith.constant 0 : i32
      %parallel_loop3A_415 = arith.constant 128 : i32
      %parallel_loop3A_416 = arith.constant 1 : i32
      scf.for %parallel_loop3A_473 = %parallel_loop3A_414 to %parallel_loop3A_415 step %parallel_loop3A_416  : i32 {
        %parallel_loop3A_474 = arith.constant 3 : i32
        %parallel_loop3A_475 = arith.shrsi %parallel_loop3A_473, %parallel_loop3A_474 : i32
        %parallel_loop3A_476 = arith.constant 7 : i32
        %parallel_loop3A_477 = arith.andi %parallel_loop3A_473, %parallel_loop3A_476 : i32
        %parallel_loop3A_478 = arith.constant 16 : i32
        %parallel_loop3A_479 = arith.muli %parallel_loop3A_477, %parallel_loop3A_478 : i32
        %parallel_loop3A_480 = arith.constant 0 : i32
        %parallel_loop3A_481 = arith.addi %parallel_loop3A_479, %parallel_loop3A_480 : i32
        %parallel_loop3A_482 = vector.broadcast %parallel_loop3A_481 : i32 to vector<16xi32>
        %parallel_loop3A_483 = arith.addi %iota3A, %parallel_loop3A_482 : vector<16xi32>
        %parallel_loop3A_484 = vector.broadcast %parallel_loop3A_475 : i32 to vector<16xi32>
        %parallel_loop3A_485 = arith.addi %and3A_64, %parallel_loop3A_484 : vector<16xi32>
        %parallel_loop3A_486 = tpu.vector_load_idx %arg11[%parallel_loop3A_483, %parallel_loop3A_485] : memref<256x16xf32, #tpu.memory_space<vmem>>[vector<16xi32>, vector<16xi32>], vector<16xf32>,
        %parallel_loop3A_487 = arith.constant 16 : i32
        %parallel_loop3A_488 = arith.muli %parallel_loop3A_477, %parallel_loop3A_487 : i32
        %parallel_loop3A_489 = arith.constant 0 : i32
        %parallel_loop3A_490 = arith.index_cast %parallel_loop3A_489 : i32 to index
        %parallel_loop3A_491 = arith.index_cast %parallel_loop3A_475 : i32 to index
        %parallel_loop3A_492 = arith.index_cast %parallel_loop3A_488 : i32 to index
        %parallel_loop3A_493 = tpu.vector_load %arg13[%parallel_loop3A_490, %parallel_loop3A_491, %parallel_loop3A_492] {strides = array<i32>} : memref<2x16x128xf32, #tpu.memory_space<vmem>>, vector<16xf32>,
        %parallel_loop3A_494 = arith.addf %parallel_loop3A_493, %parallel_loop3A_486 : vector<16xf32>
        %parallel_loop3A_495 = arith.constant 3 : i32
        %parallel_loop3A_496 = arith.shrsi %parallel_loop3A_475, %parallel_loop3A_495 : i32
        %parallel_loop3A_497 = arith.constant 7 : i32
        %parallel_loop3A_498 = arith.andi %parallel_loop3A_475, %parallel_loop3A_497 : i32
        %parallel_loop3A_499 = arith.constant 16 : i32
        %parallel_loop3A_500 = arith.muli %parallel_loop3A_477, %parallel_loop3A_499 : i32
        %parallel_loop3A_501 = arith.constant 0 : i32
        %parallel_loop3A_502 = arith.index_cast %parallel_loop3A_496 : i32 to index
        %parallel_loop3A_503 = arith.index_cast %parallel_loop3A_501 : i32 to index
        %parallel_loop3A_504 = arith.index_cast %parallel_loop3A_498 : i32 to index
        %parallel_loop3A_505 = arith.index_cast %parallel_loop3A_500 : i32 to index
        %parallel_loop3A_506 = tpu.vector_load %arg15[%parallel_loop3A_502, %parallel_loop3A_503, %parallel_loop3A_504, %parallel_loop3A_505] {strides = array<i32>} : memref<2x2x8x128xf32, #tpu.memory_space<vmem>>, vector<16xf32>,
        tpu.vector_store %arg15[%parallel_loop3A_502, %parallel_loop3A_503, %parallel_loop3A_504, %parallel_loop3A_505], %parallel_loop3A_494 {strides = array<i32>} : memref<2x2x8x128xf32, #tpu.memory_space<vmem>>, vector<16xf32>,
      } {sc.loop_unroll_factor = 16 : i64, sc.parallel_access}
      %parallel_loop3A_417 = arith.constant 0 : i32
      %parallel_loop3A_418 = arith.constant 128 : i32
      %parallel_loop3A_419 = arith.constant 1 : i32
      scf.for %parallel_loop3A_473 = %parallel_loop3A_417 to %parallel_loop3A_418 step %parallel_loop3A_419  : i32 {
        %parallel_loop3A_474 = arith.constant 3 : i32
        %parallel_loop3A_475 = arith.shrsi %parallel_loop3A_473, %parallel_loop3A_474 : i32
        %parallel_loop3A_476 = arith.constant 7 : i32
        %parallel_loop3A_477 = arith.andi %parallel_loop3A_473, %parallel_loop3A_476 : i32
        %parallel_loop3A_478 = arith.constant 16 : i32
        %parallel_loop3A_479 = arith.muli %parallel_loop3A_477, %parallel_loop3A_478 : i32
        %parallel_loop3A_480 = arith.constant 128 : i32
        %parallel_loop3A_481 = arith.addi %parallel_loop3A_479, %parallel_loop3A_480 : i32
        %parallel_loop3A_482 = vector.broadcast %parallel_loop3A_481 : i32 to vector<16xi32>
        %parallel_loop3A_483 = arith.addi %iota3A, %parallel_loop3A_482 : vector<16xi32>
        %parallel_loop3A_484 = vector.broadcast %parallel_loop3A_475 : i32 to vector<16xi32>
        %parallel_loop3A_485 = arith.addi %and3A_64, %parallel_loop3A_484 : vector<16xi32>
        %parallel_loop3A_486 = tpu.vector_load_idx %arg11[%parallel_loop3A_483, %parallel_loop3A_485] : memref<256x16xf32, #tpu.memory_space<vmem>>[vector<16xi32>, vector<16xi32>], vector<16xf32>,
        %parallel_loop3A_487 = arith.constant 16 : i32
        %parallel_loop3A_488 = arith.muli %parallel_loop3A_477, %parallel_loop3A_487 : i32
        %parallel_loop3A_489 = arith.constant 1 : i32
        %parallel_loop3A_490 = arith.index_cast %parallel_loop3A_489 : i32 to index
        %parallel_loop3A_491 = arith.index_cast %parallel_loop3A_475 : i32 to index
        %parallel_loop3A_492 = arith.index_cast %parallel_loop3A_488 : i32 to index
        %parallel_loop3A_493 = tpu.vector_load %arg13[%parallel_loop3A_490, %parallel_loop3A_491, %parallel_loop3A_492] {strides = array<i32>} : memref<2x16x128xf32, #tpu.memory_space<vmem>>, vector<16xf32>,
        %parallel_loop3A_494 = arith.addf %parallel_loop3A_493, %parallel_loop3A_486 : vector<16xf32>
        %parallel_loop3A_495 = arith.constant 3 : i32
        %parallel_loop3A_496 = arith.shrsi %parallel_loop3A_475, %parallel_loop3A_495 : i32
        %parallel_loop3A_497 = arith.constant 7 : i32
        %parallel_loop3A_498 = arith.andi %parallel_loop3A_475, %parallel_loop3A_497 : i32
        %parallel_loop3A_499 = arith.constant 16 : i32
        %parallel_loop3A_500 = arith.muli %parallel_loop3A_477, %parallel_loop3A_499 : i32
        %parallel_loop3A_501 = arith.constant 1 : i32
        %parallel_loop3A_502 = arith.index_cast %parallel_loop3A_496 : i32 to index
        %parallel_loop3A_503 = arith.index_cast %parallel_loop3A_501 : i32 to index
        %parallel_loop3A_504 = arith.index_cast %parallel_loop3A_498 : i32 to index
        %parallel_loop3A_505 = arith.index_cast %parallel_loop3A_500 : i32 to index
        %parallel_loop3A_506 = tpu.vector_load %arg15[%parallel_loop3A_502, %parallel_loop3A_503, %parallel_loop3A_504, %parallel_loop3A_505] {strides = array<i32>} : memref<2x2x8x128xf32, #tpu.memory_space<vmem>>, vector<16xf32>,
        tpu.vector_store %arg15[%parallel_loop3A_502, %parallel_loop3A_503, %parallel_loop3A_504, %parallel_loop3A_505], %parallel_loop3A_494 {strides = array<i32>} : memref<2x2x8x128xf32, #tpu.memory_space<vmem>>, vector<16xf32>,
      } {sc.loop_unroll_factor = 16 : i64, sc.parallel_access}
      %add3A_420 = arith.addi %multiple_of3A, %add3A_384 : i32
      %dma_start3A_421 = arith.constant 0 : i32
      %dma_start3A_422 = arith.constant 0 : i32
      %dma_start3A_423 = arith.constant 0 : i32
      %dma_start3A_424 = arith.constant 0 : i32
      %dma_start3A_425 = arith.constant 0 : i32
      %dma_start3A_426 = tpu.memref_slice %arg15[%dma_start3A_421, %dma_start3A_423, %dma_start3A_424, %dma_start3A_425] : memref<2x2x8x128xf32, #tpu.memory_space<vmem>> -> memref<1x2x8x128xf32, #tpu.memory_space<vmem>>
      %dma_start3A_427 = tpu.memref_squeeze %dma_start3A_426 : memref<1x2x8x128xf32, #tpu.memory_space<vmem>> -> memref<2x8x128xf32, #tpu.memory_space<vmem>>
      %dma_start3A_428 = arith.constant 0 : i32
      %dma_start3A_429 = arith.constant 0 : i32
      %dma_start3A_430 = tpu.memref_slice %arg7[%dma_start3A_422, %add3A_420, %dma_start3A_428, %dma_start3A_429] : memref<2x2500x8x128xf32, #tpu.memory_space<hbm>> -> memref<1x2x8x128xf32, #tpu.memory_space<hbm>>
      %dma_start3A_431 = tpu.memref_squeeze %dma_start3A_430 : memref<1x2x8x128xf32, #tpu.memory_space<hbm>> -> memref<2x8x128xf32, #tpu.memory_space<hbm>>
      %dma_start3A_432 = arith.constant 0 : i32
      %dma_start3A_433 = arith.constant 0 : i32
      %dma_start3A_434 = tpu.memref_slice %arg7[%dma_start3A_422, %add3A_420, %dma_start3A_432, %dma_start3A_433] : memref<2x2500x8x128xf32, #tpu.memory_space<hbm>> -> memref<1x2x8x128xf32, #tpu.memory_space<hbm>>
      %dma_start3A_435 = tpu.memref_squeeze %dma_start3A_434 : memref<1x2x8x128xf32, #tpu.memory_space<hbm>> -> memref<2x8x128xf32, #tpu.memory_space<hbm>>
      %dma_start3A_436 = arith.constant 0 : i32
      %dma_start3A_437 = arith.constant 0 : i32
      %dma_start3A_438 = arith.constant 0 : i32
      %dma_start3A_439 = tpu.memref_slice %arg15[%dma_start3A_421, %dma_start3A_436, %dma_start3A_437, %dma_start3A_438] : memref<2x2x8x128xf32, #tpu.memory_space<vmem>> -> memref<1x2x8x128xf32, #tpu.memory_space<vmem>>
      %dma_start3A_440 = tpu.memref_squeeze %dma_start3A_439 : memref<1x2x8x128xf32, #tpu.memory_space<vmem>> -> memref<2x8x128xf32, #tpu.memory_space<vmem>>
      tpu.enqueue_dma source(%dma_start3A_440 : memref<2x8x128xf32, #tpu.memory_space<vmem>>) target(%dma_start3A_435 : memref<2x8x128xf32, #tpu.memory_space<hbm>>) target_semaphore(%arg21 : memref<!tpu.dma_semaphore, #tpu.memory_space<semaphore_mem>>)
      %dma_start3A_441 = arith.constant 1 : i32
      %dma_start3A_442 = arith.constant 1 : i32
      %dma_start3A_443 = arith.constant 0 : i32
      %dma_start3A_444 = arith.constant 0 : i32
      %dma_start3A_445 = arith.constant 0 : i32
      %dma_start3A_446 = tpu.memref_slice %arg15[%dma_start3A_441, %dma_start3A_443, %dma_start3A_444, %dma_start3A_445] : memref<2x2x8x128xf32, #tpu.memory_space<vmem>> -> memref<1x2x8x128xf32, #tpu.memory_space<vmem>>
      %dma_start3A_447 = tpu.memref_squeeze %dma_start3A_446 : memref<1x2x8x128xf32, #tpu.memory_space<vmem>> -> memref<2x8x128xf32, #tpu.memory_space<vmem>>
      %dma_start3A_448 = arith.constant 0 : i32
      %dma_start3A_449 = arith.constant 0 : i32
      %dma_start3A_450 = tpu.memref_slice %arg7[%dma_start3A_442, %add3A_420, %dma_start3A_448, %dma_start3A_449] : memref<2x2500x8x128xf32, #tpu.memory_space<hbm>> -> memref<1x2x8x128xf32, #tpu.memory_space<hbm>>
      %dma_start3A_451 = tpu.memref_squeeze %dma_start3A_450 : memref<1x2x8x128xf32, #tpu.memory_space<hbm>> -> memref<2x8x128xf32, #tpu.memory_space<hbm>>
      %dma_start3A_452 = arith.constant 0 : i32
      %dma_start3A_453 = arith.constant 0 : i32
      %dma_start3A_454 = tpu.memref_slice %arg7[%dma_start3A_442, %add3A_420, %dma_start3A_452, %dma_start3A_453] : memref<2x2500x8x128xf32, #tpu.memory_space<hbm>> -> memref<1x2x8x128xf32, #tpu.memory_space<hbm>>
      %dma_start3A_455 = tpu.memref_squeeze %dma_start3A_454 : memref<1x2x8x128xf32, #tpu.memory_space<hbm>> -> memref<2x8x128xf32, #tpu.memory_space<hbm>>
      %dma_start3A_456 = arith.constant 0 : i32
      %dma_start3A_457 = arith.constant 0 : i32
      %dma_start3A_458 = arith.constant 0 : i32
      %dma_start3A_459 = tpu.memref_slice %arg15[%dma_start3A_441, %dma_start3A_456, %dma_start3A_457, %dma_start3A_458] : memref<2x2x8x128xf32, #tpu.memory_space<vmem>> -> memref<1x2x8x128xf32, #tpu.memory_space<vmem>>
      %dma_start3A_460 = tpu.memref_squeeze %dma_start3A_459 : memref<1x2x8x128xf32, #tpu.memory_space<vmem>> -> memref<2x8x128xf32, #tpu.memory_space<vmem>>
      tpu.enqueue_dma source(%dma_start3A_460 : memref<2x8x128xf32, #tpu.memory_space<vmem>>) target(%dma_start3A_455 : memref<2x8x128xf32, #tpu.memory_space<hbm>>) target_semaphore(%arg21 : memref<!tpu.dma_semaphore, #tpu.memory_space<semaphore_mem>>)
      %add3A_461 = arith.constant 2 : i32
      %add3A_462 = arith.addi %add3A_384, %add3A_461 : i32
      %lt3A_463 = arith.cmpi slt, %add3A_462, %sub3A_54 : i32
      %convert_element_type3A_464 = arith.extui %lt3A_463 : i1 to i32
      %cond3A_465 = arith.constant 0 : i32
      %cond3A_466 = arith.cmpi ne, %convert_element_type3A_464, %cond3A_465 : i32
      scf.if %cond3A_466 {
        %dma_wait3A_473 = arith.constant 0 : i32
        %dma_wait3A_474 = arith.constant 0 : i32
        %dma_wait3A_475 = tpu.memref_slice %arg10[%dma_wait3A_473, %dma_wait3A_474] : memref<256x16xf32, #tpu.memory_space<vmem>> -> memref<128x16xf32, #tpu.memory_space<vmem>>
        %dma_wait3A_476 = arith.constant 0 : i32
        %dma_wait3A_477 = arith.constant 0 : i32
        %dma_wait3A_478 = tpu.memref_slice %arg2[%dma_wait3A_476, %dma_wait3A_477] : memref<10000x16xf32, #tpu.memory_space<hbm>> -> memref<128x16xf32, #tpu.memory_space<hbm>>
        %dma_wait3A_479 = arith.constant 0 : i32
        %dma_wait3A_480 = arith.constant 0 : i32
        %dma_wait3A_481 = tpu.memref_slice %arg10[%dma_wait3A_479, %dma_wait3A_480] : memref<256x16xf32, #tpu.memory_space<vmem>> -> memref<128x16xf32, #tpu.memory_space<vmem>>
        %dma_wait3A_482 = arith.constant 0 : i32
        %dma_wait3A_483 = arith.constant 0 : i32
        %dma_wait3A_484 = tpu.memref_slice %arg2[%dma_wait3A_482, %dma_wait3A_483] : memref<10000x16xf32, #tpu.memory_space<hbm>> -> memref<128x16xf32, #tpu.memory_space<hbm>>
        tpu.wait_dma2 semaphore(%arg16 : memref<!tpu.dma_semaphore, #tpu.memory_space<semaphore_mem>>) src(%dma_wait3A_484 : memref<128x16xf32, #tpu.memory_space<hbm>>) dst(%dma_wait3A_481 : memref<128x16xf32, #tpu.memory_space<vmem>>)
        %dma_wait3A_485 = arith.constant 0 : i32
        %dma_wait3A_486 = arith.constant 0 : i32
        %dma_wait3A_487 = tpu.memref_slice %arg10[%dma_wait3A_485, %dma_wait3A_486] : memref<256x16xf32, #tpu.memory_space<vmem>> -> memref<128x16xf32, #tpu.memory_space<vmem>>
        %dma_wait3A_488 = arith.constant 0 : i32
        %dma_wait3A_489 = arith.constant 0 : i32
        %dma_wait3A_490 = tpu.memref_slice %arg2[%dma_wait3A_488, %dma_wait3A_489] : memref<10000x16xf32, #tpu.memory_space<hbm>> -> memref<128x16xf32, #tpu.memory_space<hbm>>
        %dma_wait3A_491 = arith.constant 0 : i32
        %dma_wait3A_492 = arith.constant 0 : i32
        %dma_wait3A_493 = tpu.memref_slice %arg10[%dma_wait3A_491, %dma_wait3A_492] : memref<256x16xf32, #tpu.memory_space<vmem>> -> memref<128x16xf32, #tpu.memory_space<vmem>>
        %dma_wait3A_494 = arith.constant 0 : i32
        %dma_wait3A_495 = arith.constant 0 : i32
        %dma_wait3A_496 = tpu.memref_slice %arg2[%dma_wait3A_494, %dma_wait3A_495] : memref<10000x16xf32, #tpu.memory_space<hbm>> -> memref<128x16xf32, #tpu.memory_space<hbm>>
        tpu.wait_dma2 semaphore(%arg16 : memref<!tpu.dma_semaphore, #tpu.memory_space<semaphore_mem>>) src(%dma_wait3A_496 : memref<128x16xf32, #tpu.memory_space<hbm>>) dst(%dma_wait3A_493 : memref<128x16xf32, #tpu.memory_space<vmem>>)
        %dma_wait3A_497 = arith.constant 0 : i32
        %dma_wait3A_498 = arith.constant 0 : i32
        %dma_wait3A_499 = arith.constant 0 : i32
        %dma_wait3A_500 = tpu.memref_slice %arg6[%dma_wait3A_497, %dma_wait3A_498, %dma_wait3A_499] : memref<2500x16x128xf32, #tpu.memory_space<hbm>> -> memref<2x16x128xf32, #tpu.memory_space<hbm>>
        %dma_wait3A_501 = arith.constant 0 : i32
        %dma_wait3A_502 = arith.constant 0 : i32
        %dma_wait3A_503 = arith.constant 0 : i32
        %dma_wait3A_504 = tpu.memref_slice %arg6[%dma_wait3A_501, %dma_wait3A_502, %dma_wait3A_503] : memref<2500x16x128xf32, #tpu.memory_space<hbm>> -> memref<2x16x128xf32, #tpu.memory_space<hbm>>
        tpu.wait_dma2 semaphore(%arg16 : memref<!tpu.dma_semaphore, #tpu.memory_space<semaphore_mem>>) src(%dma_wait3A_504 : memref<2x16x128xf32, #tpu.memory_space<hbm>>) dst(%arg12 : memref<2x16x128xf32, #tpu.memory_space<vmem>>)
        %add3A_505 = arith.constant 2 : i32
        %add3A_506 = arith.addi %add3A_384, %add3A_505 : i32
        %mul3A_507 = arith.constant 128 : i32
        %mul3A_508 = arith.muli %add3A_506, %mul3A_507 : i32
        %add3A_509 = arith.addi %sub3A_61, %mul3A_508 : i32
        %multiple_of3A_510 = tpu.assume_multiple %add3A_509, 128 : i32
        %add3A_511 = arith.constant 0 : i32
        %add3A_512 = arith.addi %multiple_of3A_510, %add3A_511 : i32
        %dma_start3A_513 = arith.constant 0 : i32
        %dma_start3A_514 = arith.constant 0 : i32
        %dma_start3A_515 = tpu.memref_slice %arg10[%dma_start3A_513, %dma_start3A_514] : memref<256x16xf32, #tpu.memory_space<vmem>> -> memref<128x16xf32, #tpu.memory_space<vmem>>
        %dma_start3A_516 = tpu.memref_slice %arg9[%add3A_512] : memref<11264xi32, #tpu.memory_space<vmem>> -> memref<128xi32, #tpu.memory_space<vmem>>
        %dma_start3A_517 = arith.constant 0 : i32
        %dma_start3A_518 = arith.constant 0 : i32
        %dma_start3A_519 = tpu.memref_slice %arg3[%dma_start3A_517, %dma_start3A_518] : memref<10000x16xf32, #tpu.memory_space<hbm>> -> memref<10000x16xf32, #tpu.memory_space<hbm>>
        tpu.enqueue_indirect_dma source(%dma_start3A_519 : memref<10000x16xf32, #tpu.memory_space<hbm>>) target(%dma_start3A_515 : memref<128x16xf32, #tpu.memory_space<vmem>>) offsets(%dma_start3A_516 : memref<128xi32, #tpu.memory_space<vmem>>) semaphore(%arg18 : memref<!tpu.dma_semaphore, #tpu.memory_space<semaphore_mem>>) {add = true}
        %add3A_520 = arith.constant 128 : i32
        %add3A_521 = arith.addi %multiple_of3A_510, %add3A_520 : i32
        %dma_start3A_522 = arith.constant 128 : i32
        %dma_start3A_523 = arith.constant 0 : i32
        %dma_start3A_524 = tpu.memref_slice %arg10[%dma_start3A_522, %dma_start3A_523] : memref<256x16xf32, #tpu.memory_space<vmem>> -> memref<128x16xf32, #tpu.memory_space<vmem>>
        %dma_start3A_525 = tpu.memref_slice %arg9[%add3A_521] : memref<11264xi32, #tpu.memory_space<vmem>> -> memref<128xi32, #tpu.memory_space<vmem>>
        %dma_start3A_526 = arith.constant 0 : i32
        %dma_start3A_527 = arith.constant 0 : i32
        %dma_start3A_528 = tpu.memref_slice %arg3[%dma_start3A_526, %dma_start3A_527] : memref<10000x16xf32, #tpu.memory_space<hbm>> -> memref<10000x16xf32, #tpu.memory_space<hbm>>
        tpu.enqueue_indirect_dma source(%dma_start3A_528 : memref<10000x16xf32, #tpu.memory_space<hbm>>) target(%dma_start3A_524 : memref<128x16xf32, #tpu.memory_space<vmem>>) offsets(%dma_start3A_525 : memref<128xi32, #tpu.memory_space<vmem>>) semaphore(%arg18 : memref<!tpu.dma_semaphore, #tpu.memory_space<semaphore_mem>>) {add = true}
      } else {
      }
      %add3A_467 = arith.constant 4 : i32
      %add3A_468 = arith.addi %add3A_384, %add3A_467 : i32
      %lt3A_469 = arith.cmpi slt, %add3A_468, %sub3A_54 : i32
      %convert_element_type3A_470 = arith.extui %lt3A_469 : i1 to i32
      %cond3A_471 = arith.constant 0 : i32
      %cond3A_472 = arith.cmpi ne, %convert_element_type3A_470, %cond3A_471 : i32
      scf.if %cond3A_472 {
        %add3A_473 = arith.constant 4 : i32
        %add3A_474 = arith.addi %add3A_384, %add3A_473 : i32
        %mul3A_475 = arith.constant 128 : i32
        %mul3A_476 = arith.muli %add3A_474, %mul3A_475 : i32
        %add3A_477 = arith.addi %sub3A_61, %mul3A_476 : i32
        %multiple_of3A_478 = tpu.assume_multiple %add3A_477, 128 : i32
        %add3A_479 = arith.addi %multiple_of3A, %add3A_474 : i32
        %add3A_480 = arith.constant 0 : i32
        %add3A_481 = arith.addi %multiple_of3A_478, %add3A_480 : i32
        %dma_start3A_482 = arith.constant 0 : i32
        %dma_start3A_483 = arith.constant 0 : i32
        %dma_start3A_484 = tpu.memref_slice %arg11[%dma_start3A_482, %dma_start3A_483] : memref<256x16xf32, #tpu.memory_space<vmem>> -> memref<128x16xf32, #tpu.memory_space<vmem>>
        %dma_start3A_485 = tpu.memref_slice %arg8[%add3A_481] : memref<11264xi32, #tpu.memory_space<vmem>> -> memref<128xi32, #tpu.memory_space<vmem>>
        %dma_start3A_486 = arith.constant 0 : i32
        %dma_start3A_487 = arith.constant 0 : i32
        %dma_start3A_488 = tpu.memref_slice %arg2[%dma_start3A_486, %dma_start3A_487] : memref<10000x16xf32, #tpu.memory_space<hbm>> -> memref<10000x16xf32, #tpu.memory_space<hbm>>
        tpu.enqueue_indirect_dma source(%dma_start3A_488 : memref<10000x16xf32, #tpu.memory_space<hbm>>) target(%dma_start3A_484 : memref<128x16xf32, #tpu.memory_space<vmem>>) offsets(%dma_start3A_485 : memref<128xi32, #tpu.memory_space<vmem>>) semaphore(%arg17 : memref<!tpu.dma_semaphore, #tpu.memory_space<semaphore_mem>>)
        %add3A_489 = arith.constant 128 : i32
        %add3A_490 = arith.addi %multiple_of3A_478, %add3A_489 : i32
        %dma_start3A_491 = arith.constant 128 : i32
        %dma_start3A_492 = arith.constant 0 : i32
        %dma_start3A_493 = tpu.memref_slice %arg11[%dma_start3A_491, %dma_start3A_492] : memref<256x16xf32, #tpu.memory_space<vmem>> -> memref<128x16xf32, #tpu.memory_space<vmem>>
        %dma_start3A_494 = tpu.memref_slice %arg8[%add3A_490] : memref<11264xi32, #tpu.memory_space<vmem>> -> memref<128xi32, #tpu.memory_space<vmem>>
        %dma_start3A_495 = arith.constant 0 : i32
        %dma_start3A_496 = arith.constant 0 : i32
        %dma_start3A_497 = tpu.memref_slice %arg2[%dma_start3A_495, %dma_start3A_496] : memref<10000x16xf32, #tpu.memory_space<hbm>> -> memref<10000x16xf32, #tpu.memory_space<hbm>>
        tpu.enqueue_indirect_dma source(%dma_start3A_497 : memref<10000x16xf32, #tpu.memory_space<hbm>>) target(%dma_start3A_493 : memref<128x16xf32, #tpu.memory_space<vmem>>) offsets(%dma_start3A_494 : memref<128xi32, #tpu.memory_space<vmem>>) semaphore(%arg17 : memref<!tpu.dma_semaphore, #tpu.memory_space<semaphore_mem>>)
        %dma_start3A_498 = arith.constant 0 : i32
        %dma_start3A_499 = arith.constant 0 : i32
        %dma_start3A_500 = tpu.memref_slice %arg6[%add3A_479, %dma_start3A_498, %dma_start3A_499] : memref<2500x16x128xf32, #tpu.memory_space<hbm>> -> memref<2x16x128xf32, #tpu.memory_space<hbm>>
        %dma_start3A_501 = arith.constant 0 : i32
        %dma_start3A_502 = arith.constant 0 : i32
        %dma_start3A_503 = tpu.memref_slice %arg6[%add3A_479, %dma_start3A_501, %dma_start3A_502] : memref<2500x16x128xf32, #tpu.memory_space<hbm>> -> memref<2x16x128xf32, #tpu.memory_space<hbm>>
        tpu.enqueue_dma source(%dma_start3A_503 : memref<2x16x128xf32, #tpu.memory_space<hbm>>) target(%arg13 : memref<2x16x128xf32, #tpu.memory_space<vmem>>) target_semaphore(%arg17 : memref<!tpu.dma_semaphore, #tpu.memory_space<semaphore_mem>>)
      } else {
      }
    }
    %dma_wait3A_207 = arith.constant 0 : i32
    %dma_wait3A_208 = arith.constant 0 : i32
    %dma_wait3A_209 = arith.constant 0 : i32
    %dma_wait3A_210 = arith.constant 0 : i32
    %dma_wait3A_211 = arith.constant 0 : i32
    %dma_wait3A_212 = tpu.memref_slice %arg14[%dma_wait3A_207, %dma_wait3A_209, %dma_wait3A_210, %dma_wait3A_211] : memref<2x2x8x128xf32, #tpu.memory_space<vmem>> -> memref<1x2x8x128xf32, #tpu.memory_space<vmem>>
    %dma_wait3A_213 = tpu.memref_squeeze %dma_wait3A_212 : memref<1x2x8x128xf32, #tpu.memory_space<vmem>> -> memref<2x8x128xf32, #tpu.memory_space<vmem>>
    %dma_wait3A_214 = arith.constant 0 : i32
    %dma_wait3A_215 = arith.constant 0 : i32
    %dma_wait3A_216 = arith.constant 0 : i32
    %dma_wait3A_217 = tpu.memref_slice %arg7[%dma_wait3A_208, %dma_wait3A_214, %dma_wait3A_215, %dma_wait3A_216] : memref<2x2500x8x128xf32, #tpu.memory_space<hbm>> -> memref<1x2x8x128xf32, #tpu.memory_space<hbm>>
    %dma_wait3A_218 = tpu.memref_squeeze %dma_wait3A_217 : memref<1x2x8x128xf32, #tpu.memory_space<hbm>> -> memref<2x8x128xf32, #tpu.memory_space<hbm>>
    %dma_wait3A_219 = arith.constant 0 : i32
    %dma_wait3A_220 = arith.constant 0 : i32
    %dma_wait3A_221 = arith.constant 0 : i32
    %dma_wait3A_222 = tpu.memref_slice %arg7[%dma_wait3A_208, %dma_wait3A_219, %dma_wait3A_220, %dma_wait3A_221] : memref<2x2500x8x128xf32, #tpu.memory_space<hbm>> -> memref<1x2x8x128xf32, #tpu.memory_space<hbm>>
    %dma_wait3A_223 = tpu.memref_squeeze %dma_wait3A_222 : memref<1x2x8x128xf32, #tpu.memory_space<hbm>> -> memref<2x8x128xf32, #tpu.memory_space<hbm>>
    %dma_wait3A_224 = arith.constant 0 : i32
    %dma_wait3A_225 = arith.constant 0 : i32
    %dma_wait3A_226 = arith.constant 0 : i32
    %dma_wait3A_227 = tpu.memref_slice %arg14[%dma_wait3A_207, %dma_wait3A_224, %dma_wait3A_225, %dma_wait3A_226] : memref<2x2x8x128xf32, #tpu.memory_space<vmem>> -> memref<1x2x8x128xf32, #tpu.memory_space<vmem>>
    %dma_wait3A_228 = tpu.memref_squeeze %dma_wait3A_227 : memref<1x2x8x128xf32, #tpu.memory_space<vmem>> -> memref<2x8x128xf32, #tpu.memory_space<vmem>>
    tpu.wait_dma2 semaphore(%arg20 : memref<!tpu.dma_semaphore, #tpu.memory_space<semaphore_mem>>) src(%dma_wait3A_228 : memref<2x8x128xf32, #tpu.memory_space<vmem>>) dst(%dma_wait3A_223 : memref<2x8x128xf32, #tpu.memory_space<hbm>>)
    %dma_wait3A_229 = arith.constant 1 : i32
    %dma_wait3A_230 = arith.constant 1 : i32
    %dma_wait3A_231 = arith.constant 0 : i32
    %dma_wait3A_232 = arith.constant 0 : i32
    %dma_wait3A_233 = arith.constant 0 : i32
    %dma_wait3A_234 = tpu.memref_slice %arg14[%dma_wait3A_229, %dma_wait3A_231, %dma_wait3A_232, %dma_wait3A_233] : memref<2x2x8x128xf32, #tpu.memory_space<vmem>> -> memref<1x2x8x128xf32, #tpu.memory_space<vmem>>
    %dma_wait3A_235 = tpu.memref_squeeze %dma_wait3A_234 : memref<1x2x8x128xf32, #tpu.memory_space<vmem>> -> memref<2x8x128xf32, #tpu.memory_space<vmem>>
    %dma_wait3A_236 = arith.constant 0 : i32
    %dma_wait3A_237 = arith.constant 0 : i32
    %dma_wait3A_238 = arith.constant 0 : i32
    %dma_wait3A_239 = tpu.memref_slice %arg7[%dma_wait3A_230, %dma_wait3A_236, %dma_wait3A_237, %dma_wait3A_238] : memref<2x2500x8x128xf32, #tpu.memory_space<hbm>> -> memref<1x2x8x128xf32, #tpu.memory_space<hbm>>
    %dma_wait3A_240 = tpu.memref_squeeze %dma_wait3A_239 : memref<1x2x8x128xf32, #tpu.memory_space<hbm>> -> memref<2x8x128xf32, #tpu.memory_space<hbm>>
    %dma_wait3A_241 = arith.constant 0 : i32
    %dma_wait3A_242 = arith.constant 0 : i32
    %dma_wait3A_243 = arith.constant 0 : i32
    %dma_wait3A_244 = tpu.memref_slice %arg7[%dma_wait3A_230, %dma_wait3A_241, %dma_wait3A_242, %dma_wait3A_243] : memref<2x2500x8x128xf32, #tpu.memory_space<hbm>> -> memref<1x2x8x128xf32, #tpu.memory_space<hbm>>
    %dma_wait3A_245 = tpu.memref_squeeze %dma_wait3A_244 : memref<1x2x8x128xf32, #tpu.memory_space<hbm>> -> memref<2x8x128xf32, #tpu.memory_space<hbm>>
    %dma_wait3A_246 = arith.constant 0 : i32
    %dma_wait3A_247 = arith.constant 0 : i32
    %dma_wait3A_248 = arith.constant 0 : i32
    %dma_wait3A_249 = tpu.memref_slice %arg14[%dma_wait3A_229, %dma_wait3A_246, %dma_wait3A_247, %dma_wait3A_248] : memref<2x2x8x128xf32, #tpu.memory_space<vmem>> -> memref<1x2x8x128xf32, #tpu.memory_space<vmem>>
    %dma_wait3A_250 = tpu.memref_squeeze %dma_wait3A_249 : memref<1x2x8x128xf32, #tpu.memory_space<vmem>> -> memref<2x8x128xf32, #tpu.memory_space<vmem>>
    tpu.wait_dma2 semaphore(%arg20 : memref<!tpu.dma_semaphore, #tpu.memory_space<semaphore_mem>>) src(%dma_wait3A_250 : memref<2x8x128xf32, #tpu.memory_space<vmem>>) dst(%dma_wait3A_245 : memref<2x8x128xf32, #tpu.memory_space<hbm>>)
    %dma_wait3A_251 = arith.constant 0 : i32
    %dma_wait3A_252 = arith.constant 0 : i32
    %dma_wait3A_253 = arith.constant 0 : i32
    %dma_wait3A_254 = arith.constant 0 : i32
    %dma_wait3A_255 = arith.constant 0 : i32
    %dma_wait3A_256 = tpu.memref_slice %arg15[%dma_wait3A_251, %dma_wait3A_253, %dma_wait3A_254, %dma_wait3A_255] : memref<2x2x8x128xf32, #tpu.memory_space<vmem>> -> memref<1x2x8x128xf32, #tpu.memory_space<vmem>>
    %dma_wait3A_257 = tpu.memref_squeeze %dma_wait3A_256 : memref<1x2x8x128xf32, #tpu.memory_space<vmem>> -> memref<2x8x128xf32, #tpu.memory_space<vmem>>
    %dma_wait3A_258 = arith.constant 0 : i32
    %dma_wait3A_259 = arith.constant 0 : i32
    %dma_wait3A_260 = arith.constant 0 : i32
    %dma_wait3A_261 = tpu.memref_slice %arg7[%dma_wait3A_252, %dma_wait3A_258, %dma_wait3A_259, %dma_wait3A_260] : memref<2x2500x8x128xf32, #tpu.memory_space<hbm>> -> memref<1x2x8x128xf32, #tpu.memory_space<hbm>>
    %dma_wait3A_262 = tpu.memref_squeeze %dma_wait3A_261 : memref<1x2x8x128xf32, #tpu.memory_space<hbm>> -> memref<2x8x128xf32, #tpu.memory_space<hbm>>
    %dma_wait3A_263 = arith.constant 0 : i32
    %dma_wait3A_264 = arith.constant 0 : i32
    %dma_wait3A_265 = arith.constant 0 : i32
    %dma_wait3A_266 = tpu.memref_slice %arg7[%dma_wait3A_252, %dma_wait3A_263, %dma_wait3A_264, %dma_wait3A_265] : memref<2x2500x8x128xf32, #tpu.memory_space<hbm>> -> memref<1x2x8x128xf32, #tpu.memory_space<hbm>>
    %dma_wait3A_267 = tpu.memref_squeeze %dma_wait3A_266 : memref<1x2x8x128xf32, #tpu.memory_space<hbm>> -> memref<2x8x128xf32, #tpu.memory_space<hbm>>
    %dma_wait3A_268 = arith.constant 0 : i32
    %dma_wait3A_269 = arith.constant 0 : i32
    %dma_wait3A_270 = arith.constant 0 : i32
    %dma_wait3A_271 = tpu.memref_slice %arg15[%dma_wait3A_251, %dma_wait3A_268, %dma_wait3A_269, %dma_wait3A_270] : memref<2x2x8x128xf32, #tpu.memory_space<vmem>> -> memref<1x2x8x128xf32, #tpu.memory_space<vmem>>
    %dma_wait3A_272 = tpu.memref_squeeze %dma_wait3A_271 : memref<1x2x8x128xf32, #tpu.memory_space<vmem>> -> memref<2x8x128xf32, #tpu.memory_space<vmem>>
    tpu.wait_dma2 semaphore(%arg21 : memref<!tpu.dma_semaphore, #tpu.memory_space<semaphore_mem>>) src(%dma_wait3A_272 : memref<2x8x128xf32, #tpu.memory_space<vmem>>) dst(%dma_wait3A_267 : memref<2x8x128xf32, #tpu.memory_space<hbm>>)
    %dma_wait3A_273 = arith.constant 1 : i32
    %dma_wait3A_274 = arith.constant 1 : i32
    %dma_wait3A_275 = arith.constant 0 : i32
    %dma_wait3A_276 = arith.constant 0 : i32
    %dma_wait3A_277 = arith.constant 0 : i32
    %dma_wait3A_278 = tpu.memref_slice %arg15[%dma_wait3A_273, %dma_wait3A_275, %dma_wait3A_276, %dma_wait3A_277] : memref<2x2x8x128xf32, #tpu.memory_space<vmem>> -> memref<1x2x8x128xf32, #tpu.memory_space<vmem>>
    %dma_wait3A_279 = tpu.memref_squeeze %dma_wait3A_278 : memref<1x2x8x128xf32, #tpu.memory_space<vmem>> -> memref<2x8x128xf32, #tpu.memory_space<vmem>>
    %dma_wait3A_280 = arith.constant 0 : i32
    %dma_wait3A_281 = arith.constant 0 : i32
    %dma_wait3A_282 = arith.constant 0 : i32
    %dma_wait3A_283 = tpu.memref_slice %arg7[%dma_wait3A_274, %dma_wait3A_280, %dma_wait3A_281, %dma_wait3A_282] : memref<2x2500x8x128xf32, #tpu.memory_space<hbm>> -> memref<1x2x8x128xf32, #tpu.memory_space<hbm>>
    %dma_wait3A_284 = tpu.memref_squeeze %dma_wait3A_283 : memref<1x2x8x128xf32, #tpu.memory_space<hbm>> -> memref<2x8x128xf32, #tpu.memory_space<hbm>>
    %dma_wait3A_285 = arith.constant 0 : i32
    %dma_wait3A_286 = arith.constant 0 : i32
    %dma_wait3A_287 = arith.constant 0 : i32
    %dma_wait3A_288 = tpu.memref_slice %arg7[%dma_wait3A_274, %dma_wait3A_285, %dma_wait3A_286, %dma_wait3A_287] : memref<2x2500x8x128xf32, #tpu.memory_space<hbm>> -> memref<1x2x8x128xf32, #tpu.memory_space<hbm>>
    %dma_wait3A_289 = tpu.memref_squeeze %dma_wait3A_288 : memref<1x2x8x128xf32, #tpu.memory_space<hbm>> -> memref<2x8x128xf32, #tpu.memory_space<hbm>>
    %dma_wait3A_290 = arith.constant 0 : i32
    %dma_wait3A_291 = arith.constant 0 : i32
    %dma_wait3A_292 = arith.constant 0 : i32
    %dma_wait3A_293 = tpu.memref_slice %arg15[%dma_wait3A_273, %dma_wait3A_290, %dma_wait3A_291, %dma_wait3A_292] : memref<2x2x8x128xf32, #tpu.memory_space<vmem>> -> memref<1x2x8x128xf32, #tpu.memory_space<vmem>>
    %dma_wait3A_294 = tpu.memref_squeeze %dma_wait3A_293 : memref<1x2x8x128xf32, #tpu.memory_space<vmem>> -> memref<2x8x128xf32, #tpu.memory_space<vmem>>
    tpu.wait_dma2 semaphore(%arg21 : memref<!tpu.dma_semaphore, #tpu.memory_space<semaphore_mem>>) src(%dma_wait3A_294 : memref<2x8x128xf32, #tpu.memory_space<vmem>>) dst(%dma_wait3A_289 : memref<2x8x128xf32, #tpu.memory_space<hbm>>)
    return
  }
}

module attributes {stable_mosaic.version = 14 : i64} {
  func.func @_tables_body(%arg0: memref<1250x1024xf32, #tpu.memory_space<vmem>>, %arg1: memref<1024x128xf32, #tpu.memory_space<vmem>>, %arg2: memref<1024x128xf32, #tpu.memory_space<vmem>>, %arg3: memref<1250x128xf32, #tpu.memory_space<vmem>>, %arg4: memref<1250x128xf32, #tpu.memory_space<vmem>>) attributes {dimension_semantics = [], scalar_prefetch = 0 : i64, scratch_operands = 0 : i64, tpu.core_type = #tpu.core_type<tc>} {
    %get3A = arith.constant 0 : index
    %get3A_0 = arith.constant 0 : index
    %get3A_1 = vector.load %arg0[%get3A, %get3A_0] : memref<1250x1024xf32, #tpu.memory_space<vmem>>, vector<1250x1024xf32>
    %get3A_2 = arith.constant 0 : index
    %get3A_3 = arith.constant 0 : index
    %get3A_4 = vector.load %arg1[%get3A_2, %get3A_3] : memref<1024x128xf32, #tpu.memory_space<vmem>>, vector<1024x128xf32>
    %dot_general3A = arith.constant dense<0.000000e+00> : vector<1250x128xf32>
    %dot_general3A_5 = tpu.matmul %get3A_1, %get3A_4, %dot_general3A {dimension_numbers = #tpu.dot_dimension_numbers<[1], [0], [0], [1], [0, 0, 1, 1], [], []>, transpose_lhs_hint = false} : vector<1250x1024xf32>, vector<1024x128xf32>, vector<1250x128xf32> -> vector<1250x128xf32>
    %swap3A = arith.constant 0 : index
    %swap3A_6 = arith.constant 0 : index
    %swap3A_7 = vector.load %arg3[%swap3A, %swap3A_6] : memref<1250x128xf32, #tpu.memory_space<vmem>>, vector<1250x128xf32>
    tpu.vector_store %arg3[%swap3A, %swap3A_6], %dot_general3A_5 {strides = array<i32>} : memref<1250x128xf32, #tpu.memory_space<vmem>>, vector<1250x128xf32>,
    %get3A_8 = arith.constant 0 : index
    %get3A_9 = arith.constant 0 : index
    %get3A_10 = vector.load %arg2[%get3A_8, %get3A_9] : memref<1024x128xf32, #tpu.memory_space<vmem>>, vector<1024x128xf32>
    %dot_general3A_11 = arith.constant dense<0.000000e+00> : vector<1250x128xf32>
    %dot_general3A_12 = tpu.matmul %get3A_1, %get3A_10, %dot_general3A_11 {dimension_numbers = #tpu.dot_dimension_numbers<[1], [0], [0], [1], [0, 0, 1, 1], [], []>, transpose_lhs_hint = false} : vector<1250x1024xf32>, vector<1024x128xf32>, vector<1250x128xf32> -> vector<1250x128xf32>
    %swap3A_13 = arith.constant 0 : index
    %swap3A_14 = arith.constant 0 : index
    %swap3A_15 = vector.load %arg4[%swap3A_13, %swap3A_14] : memref<1250x128xf32, #tpu.memory_space<vmem>>, vector<1250x128xf32>
    tpu.vector_store %arg4[%swap3A_13, %swap3A_14], %dot_general3A_12 {strides = array<i32>} : memref<1250x128xf32, #tpu.memory_space<vmem>>, vector<1250x128xf32>,
    return
  }
}

module attributes {stable_mosaic.version = 14 : i64} {
  func.func @_base_body(%arg0: i32, %arg1: memref<16x16000xf32, #tpu.memory_space<vmem>>, %arg2: memref<16x16xf32, #tpu.memory_space<vmem>>, %arg3: memref<16x1xf32, #tpu.memory_space<vmem>>, %arg4: memref<125x16x128xf32, #tpu.memory_space<vmem>>) attributes {dimension_semantics = [#tpu.dimension_semantics<arbitrary>], iteration_bounds = array<i64: 20>, scalar_prefetch = 0 : i64, scratch_operands = 0 : i64, tpu.core_type = #tpu.core_type<tc>, window_params = [{transform_indices = @transform_0, window_bounds = array<i64: 16, 16000>}, {pipeline_mode = #tpu.pipeline_mode<synchronous>, transform_indices = @transform_1, window_bounds = array<i64: 16, 16>}, {pipeline_mode = #tpu.pipeline_mode<synchronous>, transform_indices = @transform_2, window_bounds = array<i64: 16, 1>}, {transform_indices = @transform_3, window_bounds = array<i64: 125, 16, 128>}]} {
    %get3A = arith.constant 0 : index
    %get3A_0 = arith.constant 0 : index
    %get3A_1 = vector.load %arg2[%get3A, %get3A_0] : memref<16x16xf32, #tpu.memory_space<vmem>>, vector<16x16xf32>
    %get3A_2 = arith.constant 0 : index
    %get3A_3 = arith.constant 0 : index
    %get3A_4 = vector.load %arg1[%get3A_2, %get3A_3] : memref<16x16000xf32, #tpu.memory_space<vmem>>, vector<16x16000xf32>
    %dot_general3A = arith.constant dense<0.000000e+00> : vector<16x16000xf32>
    %dot_general3A_5 = tpu.matmul %get3A_1, %get3A_4, %dot_general3A {dimension_numbers = #tpu.dot_dimension_numbers<[1], [0], [0], [1], [0, 0, 1, 1], [], []>, transpose_lhs_hint = false} : vector<16x16xf32>, vector<16x16000xf32>, vector<16x16000xf32> -> vector<16x16000xf32>
    %get3A_6 = arith.constant 0 : index
    %get3A_7 = arith.constant 0 : index
    %get3A_8 = vector.load %arg3[%get3A_6, %get3A_7] : memref<16x1xf32, #tpu.memory_space<vmem>>, vector<16x1xf32>
    %add3A = vector.broadcast %get3A_8 : vector<16x1xf32> to vector<16x16000xf32>
    %add3A_9 = arith.addf %dot_general3A_5, %add3A : vector<16x16000xf32>
    %slice3A = vector.extract_strided_slice %add3A_9 {offsets = [0, 0], sizes = [16, 128], strides = [1, 1]} : vector<16x16000xf32> to vector<16x128xf32>
    %swap3A = arith.constant 0 : index
    %swap3A_10 = arith.constant 0 : index
    %swap3A_11 = arith.constant 0 : index
    %swap3A_12 = vector.load %arg4[%swap3A, %swap3A_10, %swap3A_11] : memref<125x16x128xf32, #tpu.memory_space<vmem>>, vector<1x16x128xf32>
    %swap3A_13 = vector.shape_cast %swap3A_12 : vector<1x16x128xf32> to vector<16x128xf32>
    %swap3A_14 = vector.shape_cast %slice3A : vector<16x128xf32> to vector<1x16x128xf32>
    tpu.vector_store %arg4[%swap3A, %swap3A_10, %swap3A_11], %swap3A_14 {strides = array<i32>} : memref<125x16x128xf32, #tpu.memory_space<vmem>>, vector<1x16x128xf32>,
    %slice3A_15 = vector.extract_strided_slice %add3A_9 {offsets = [0, 128], sizes = [16, 128], strides = [1, 1]} : vector<16x16000xf32> to vector<16x128xf32>
    %swap3A_16 = arith.constant 1 : index
    %swap3A_17 = arith.constant 0 : index
    %swap3A_18 = arith.constant 0 : index
    %swap3A_19 = vector.load %arg4[%swap3A_16, %swap3A_17, %swap3A_18] : memref<125x16x128xf32, #tpu.memory_space<vmem>>, vector<1x16x128xf32>
    %swap3A_20 = vector.shape_cast %swap3A_19 : vector<1x16x128xf32> to vector<16x128xf32>
    %swap3A_21 = vector.shape_cast %slice3A_15 : vector<16x128xf32> to vector<1x16x128xf32>
    tpu.vector_store %arg4[%swap3A_16, %swap3A_17, %swap3A_18], %swap3A_21 {strides = array<i32>} : memref<125x16x128xf32, #tpu.memory_space<vmem>>, vector<1x16x128xf32>,
    %slice3A_22 = vector.extract_strided_slice %add3A_9 {offsets = [0, 256], sizes = [16, 128], strides = [1, 1]} : vector<16x16000xf32> to vector<16x128xf32>
    %swap3A_23 = arith.constant 2 : index
    %swap3A_24 = arith.constant 0 : index
    %swap3A_25 = arith.constant 0 : index
    %swap3A_26 = vector.load %arg4[%swap3A_23, %swap3A_24, %swap3A_25] : memref<125x16x128xf32, #tpu.memory_space<vmem>>, vector<1x16x128xf32>
    %swap3A_27 = vector.shape_cast %swap3A_26 : vector<1x16x128xf32> to vector<16x128xf32>
    %swap3A_28 = vector.shape_cast %slice3A_22 : vector<16x128xf32> to vector<1x16x128xf32>
    tpu.vector_store %arg4[%swap3A_23, %swap3A_24, %swap3A_25], %swap3A_28 {strides = array<i32>} : memref<125x16x128xf32, #tpu.memory_space<vmem>>, vector<1x16x128xf32>,
    %slice3A_29 = vector.extract_strided_slice %add3A_9 {offsets = [0, 384], sizes = [16, 128], strides = [1, 1]} : vector<16x16000xf32> to vector<16x128xf32>
    %swap3A_30 = arith.constant 3 : index
    %swap3A_31 = arith.constant 0 : index
    %swap3A_32 = arith.constant 0 : index
    %swap3A_33 = vector.load %arg4[%swap3A_30, %swap3A_31, %swap3A_32] : memref<125x16x128xf32, #tpu.memory_space<vmem>>, vector<1x16x128xf32>
    %swap3A_34 = vector.shape_cast %swap3A_33 : vector<1x16x128xf32> to vector<16x128xf32>
    %swap3A_35 = vector.shape_cast %slice3A_29 : vector<16x128xf32> to vector<1x16x128xf32>
    tpu.vector_store %arg4[%swap3A_30, %swap3A_31, %swap3A_32], %swap3A_35 {strides = array<i32>} : memref<125x16x128xf32, #tpu.memory_space<vmem>>, vector<1x16x128xf32>,
    %slice3A_36 = vector.extract_strided_slice %add3A_9 {offsets = [0, 512], sizes = [16, 128], strides = [1, 1]} : vector<16x16000xf32> to vector<16x128xf32>
    %swap3A_37 = arith.constant 4 : index
    %swap3A_38 = arith.constant 0 : index
    %swap3A_39 = arith.constant 0 : index
    %swap3A_40 = vector.load %arg4[%swap3A_37, %swap3A_38, %swap3A_39] : memref<125x16x128xf32, #tpu.memory_space<vmem>>, vector<1x16x128xf32>
    %swap3A_41 = vector.shape_cast %swap3A_40 : vector<1x16x128xf32> to vector<16x128xf32>
    %swap3A_42 = vector.shape_cast %slice3A_36 : vector<16x128xf32> to vector<1x16x128xf32>
    tpu.vector_store %arg4[%swap3A_37, %swap3A_38, %swap3A_39], %swap3A_42 {strides = array<i32>} : memref<125x16x128xf32, #tpu.memory_space<vmem>>, vector<1x16x128xf32>,
    %slice3A_43 = vector.extract_strided_slice %add3A_9 {offsets = [0, 640], sizes = [16, 128], strides = [1, 1]} : vector<16x16000xf32> to vector<16x128xf32>
    %swap3A_44 = arith.constant 5 : index
    %swap3A_45 = arith.constant 0 : index
    %swap3A_46 = arith.constant 0 : index
    %swap3A_47 = vector.load %arg4[%swap3A_44, %swap3A_45, %swap3A_46] : memref<125x16x128xf32, #tpu.memory_space<vmem>>, vector<1x16x128xf32>
    %swap3A_48 = vector.shape_cast %swap3A_47 : vector<1x16x128xf32> to vector<16x128xf32>
    %swap3A_49 = vector.shape_cast %slice3A_43 : vector<16x128xf32> to vector<1x16x128xf32>
    tpu.vector_store %arg4[%swap3A_44, %swap3A_45, %swap3A_46], %swap3A_49 {strides = array<i32>} : memref<125x16x128xf32, #tpu.memory_space<vmem>>, vector<1x16x128xf32>,
    %slice3A_50 = vector.extract_strided_slice %add3A_9 {offsets = [0, 768], sizes = [16, 128], strides = [1, 1]} : vector<16x16000xf32> to vector<16x128xf32>
    %swap3A_51 = arith.constant 6 : index
    %swap3A_52 = arith.constant 0 : index
    %swap3A_53 = arith.constant 0 : index
    %swap3A_54 = vector.load %arg4[%swap3A_51, %swap3A_52, %swap3A_53] : memref<125x16x128xf32, #tpu.memory_space<vmem>>, vector<1x16x128xf32>
    %swap3A_55 = vector.shape_cast %swap3A_54 : vector<1x16x128xf32> to vector<16x128xf32>
    %swap3A_56 = vector.shape_cast %slice3A_50 : vector<16x128xf32> to vector<1x16x128xf32>
    tpu.vector_store %arg4[%swap3A_51, %swap3A_52, %swap3A_53], %swap3A_56 {strides = array<i32>} : memref<125x16x128xf32, #tpu.memory_space<vmem>>, vector<1x16x128xf32>,
    %slice3A_57 = vector.extract_strided_slice %add3A_9 {offsets = [0, 896], sizes = [16, 128], strides = [1, 1]} : vector<16x16000xf32> to vector<16x128xf32>
    %swap3A_58 = arith.constant 7 : index
    %swap3A_59 = arith.constant 0 : index
    %swap3A_60 = arith.constant 0 : index
    %swap3A_61 = vector.load %arg4[%swap3A_58, %swap3A_59, %swap3A_60] : memref<125x16x128xf32, #tpu.memory_space<vmem>>, vector<1x16x128xf32>
    %swap3A_62 = vector.shape_cast %swap3A_61 : vector<1x16x128xf32> to vector<16x128xf32>
    %swap3A_63 = vector.shape_cast %slice3A_57 : vector<16x128xf32> to vector<1x16x128xf32>
    tpu.vector_store %arg4[%swap3A_58, %swap3A_59, %swap3A_60], %swap3A_63 {strides = array<i32>} : memref<125x16x128xf32, #tpu.memory_space<vmem>>, vector<1x16x128xf32>,
    %slice3A_64 = vector.extract_strided_slice %add3A_9 {offsets = [0, 1024], sizes = [16, 128], strides = [1, 1]} : vector<16x16000xf32> to vector<16x128xf32>
    %swap3A_65 = arith.constant 8 : index
    %swap3A_66 = arith.constant 0 : index
    %swap3A_67 = arith.constant 0 : index
    %swap3A_68 = vector.load %arg4[%swap3A_65, %swap3A_66, %swap3A_67] : memref<125x16x128xf32, #tpu.memory_space<vmem>>, vector<1x16x128xf32>
    %swap3A_69 = vector.shape_cast %swap3A_68 : vector<1x16x128xf32> to vector<16x128xf32>
    %swap3A_70 = vector.shape_cast %slice3A_64 : vector<16x128xf32> to vector<1x16x128xf32>
    tpu.vector_store %arg4[%swap3A_65, %swap3A_66, %swap3A_67], %swap3A_70 {strides = array<i32>} : memref<125x16x128xf32, #tpu.memory_space<vmem>>, vector<1x16x128xf32>,
    %slice3A_71 = vector.extract_strided_slice %add3A_9 {offsets = [0, 1152], sizes = [16, 128], strides = [1, 1]} : vector<16x16000xf32> to vector<16x128xf32>
    %swap3A_72 = arith.constant 9 : index
    %swap3A_73 = arith.constant 0 : index
    %swap3A_74 = arith.constant 0 : index
    %swap3A_75 = vector.load %arg4[%swap3A_72, %swap3A_73, %swap3A_74] : memref<125x16x128xf32, #tpu.memory_space<vmem>>, vector<1x16x128xf32>
    %swap3A_76 = vector.shape_cast %swap3A_75 : vector<1x16x128xf32> to vector<16x128xf32>
    %swap3A_77 = vector.shape_cast %slice3A_71 : vector<16x128xf32> to vector<1x16x128xf32>
    tpu.vector_store %arg4[%swap3A_72, %swap3A_73, %swap3A_74], %swap3A_77 {strides = array<i32>} : memref<125x16x128xf32, #tpu.memory_space<vmem>>, vector<1x16x128xf32>,
    %slice3A_78 = vector.extract_strided_slice %add3A_9 {offsets = [0, 1280], sizes = [16, 128], strides = [1, 1]} : vector<16x16000xf32> to vector<16x128xf32>
    %swap3A_79 = arith.constant 10 : index
    %swap3A_80 = arith.constant 0 : index
    %swap3A_81 = arith.constant 0 : index
    %swap3A_82 = vector.load %arg4[%swap3A_79, %swap3A_80, %swap3A_81] : memref<125x16x128xf32, #tpu.memory_space<vmem>>, vector<1x16x128xf32>
    %swap3A_83 = vector.shape_cast %swap3A_82 : vector<1x16x128xf32> to vector<16x128xf32>
    %swap3A_84 = vector.shape_cast %slice3A_78 : vector<16x128xf32> to vector<1x16x128xf32>
    tpu.vector_store %arg4[%swap3A_79, %swap3A_80, %swap3A_81], %swap3A_84 {strides = array<i32>} : memref<125x16x128xf32, #tpu.memory_space<vmem>>, vector<1x16x128xf32>,
    %slice3A_85 = vector.extract_strided_slice %add3A_9 {offsets = [0, 1408], sizes = [16, 128], strides = [1, 1]} : vector<16x16000xf32> to vector<16x128xf32>
    %swap3A_86 = arith.constant 11 : index
    %swap3A_87 = arith.constant 0 : index
    %swap3A_88 = arith.constant 0 : index
    %swap3A_89 = vector.load %arg4[%swap3A_86, %swap3A_87, %swap3A_88] : memref<125x16x128xf32, #tpu.memory_space<vmem>>, vector<1x16x128xf32>
    %swap3A_90 = vector.shape_cast %swap3A_89 : vector<1x16x128xf32> to vector<16x128xf32>
    %swap3A_91 = vector.shape_cast %slice3A_85 : vector<16x128xf32> to vector<1x16x128xf32>
    tpu.vector_store %arg4[%swap3A_86, %swap3A_87, %swap3A_88], %swap3A_91 {strides = array<i32>} : memref<125x16x128xf32, #tpu.memory_space<vmem>>, vector<1x16x128xf32>,
    %slice3A_92 = vector.extract_strided_slice %add3A_9 {offsets = [0, 1536], sizes = [16, 128], strides = [1, 1]} : vector<16x16000xf32> to vector<16x128xf32>
    %swap3A_93 = arith.constant 12 : index
    %swap3A_94 = arith.constant 0 : index
    %swap3A_95 = arith.constant 0 : index
    %swap3A_96 = vector.load %arg4[%swap3A_93, %swap3A_94, %swap3A_95] : memref<125x16x128xf32, #tpu.memory_space<vmem>>, vector<1x16x128xf32>
    %swap3A_97 = vector.shape_cast %swap3A_96 : vector<1x16x128xf32> to vector<16x128xf32>
    %swap3A_98 = vector.shape_cast %slice3A_92 : vector<16x128xf32> to vector<1x16x128xf32>
    tpu.vector_store %arg4[%swap3A_93, %swap3A_94, %swap3A_95], %swap3A_98 {strides = array<i32>} : memref<125x16x128xf32, #tpu.memory_space<vmem>>, vector<1x16x128xf32>,
    %slice3A_99 = vector.extract_strided_slice %add3A_9 {offsets = [0, 1664], sizes = [16, 128], strides = [1, 1]} : vector<16x16000xf32> to vector<16x128xf32>
    %swap3A_100 = arith.constant 13 : index
    %swap3A_101 = arith.constant 0 : index
    %swap3A_102 = arith.constant 0 : index
    %swap3A_103 = vector.load %arg4[%swap3A_100, %swap3A_101, %swap3A_102] : memref<125x16x128xf32, #tpu.memory_space<vmem>>, vector<1x16x128xf32>
    %swap3A_104 = vector.shape_cast %swap3A_103 : vector<1x16x128xf32> to vector<16x128xf32>
    %swap3A_105 = vector.shape_cast %slice3A_99 : vector<16x128xf32> to vector<1x16x128xf32>
    tpu.vector_store %arg4[%swap3A_100, %swap3A_101, %swap3A_102], %swap3A_105 {strides = array<i32>} : memref<125x16x128xf32, #tpu.memory_space<vmem>>, vector<1x16x128xf32>,
    %slice3A_106 = vector.extract_strided_slice %add3A_9 {offsets = [0, 1792], sizes = [16, 128], strides = [1, 1]} : vector<16x16000xf32> to vector<16x128xf32>
    %swap3A_107 = arith.constant 14 : index
    %swap3A_108 = arith.constant 0 : index
    %swap3A_109 = arith.constant 0 : index
    %swap3A_110 = vector.load %arg4[%swap3A_107, %swap3A_108, %swap3A_109] : memref<125x16x128xf32, #tpu.memory_space<vmem>>, vector<1x16x128xf32>
    %swap3A_111 = vector.shape_cast %swap3A_110 : vector<1x16x128xf32> to vector<16x128xf32>
    %swap3A_112 = vector.shape_cast %slice3A_106 : vector<16x128xf32> to vector<1x16x128xf32>
    tpu.vector_store %arg4[%swap3A_107, %swap3A_108, %swap3A_109], %swap3A_112 {strides = array<i32>} : memref<125x16x128xf32, #tpu.memory_space<vmem>>, vector<1x16x128xf32>,
    %slice3A_113 = vector.extract_strided_slice %add3A_9 {offsets = [0, 1920], sizes = [16, 128], strides = [1, 1]} : vector<16x16000xf32> to vector<16x128xf32>
    %swap3A_114 = arith.constant 15 : index
    %swap3A_115 = arith.constant 0 : index
    %swap3A_116 = arith.constant 0 : index
    %swap3A_117 = vector.load %arg4[%swap3A_114, %swap3A_115, %swap3A_116] : memref<125x16x128xf32, #tpu.memory_space<vmem>>, vector<1x16x128xf32>
    %swap3A_118 = vector.shape_cast %swap3A_117 : vector<1x16x128xf32> to vector<16x128xf32>
    %swap3A_119 = vector.shape_cast %slice3A_113 : vector<16x128xf32> to vector<1x16x128xf32>
    tpu.vector_store %arg4[%swap3A_114, %swap3A_115, %swap3A_116], %swap3A_119 {strides = array<i32>} : memref<125x16x128xf32, #tpu.memory_space<vmem>>, vector<1x16x128xf32>,
    %slice3A_120 = vector.extract_strided_slice %add3A_9 {offsets = [0, 2048], sizes = [16, 128], strides = [1, 1]} : vector<16x16000xf32> to vector<16x128xf32>
    %swap3A_121 = arith.constant 16 : index
    %swap3A_122 = arith.constant 0 : index
    %swap3A_123 = arith.constant 0 : index
    %swap3A_124 = vector.load %arg4[%swap3A_121, %swap3A_122, %swap3A_123] : memref<125x16x128xf32, #tpu.memory_space<vmem>>, vector<1x16x128xf32>
    %swap3A_125 = vector.shape_cast %swap3A_124 : vector<1x16x128xf32> to vector<16x128xf32>
    %swap3A_126 = vector.shape_cast %slice3A_120 : vector<16x128xf32> to vector<1x16x128xf32>
    tpu.vector_store %arg4[%swap3A_121, %swap3A_122, %swap3A_123], %swap3A_126 {strides = array<i32>} : memref<125x16x128xf32, #tpu.memory_space<vmem>>, vector<1x16x128xf32>,
    %slice3A_127 = vector.extract_strided_slice %add3A_9 {offsets = [0, 2176], sizes = [16, 128], strides = [1, 1]} : vector<16x16000xf32> to vector<16x128xf32>
    %swap3A_128 = arith.constant 17 : index
    %swap3A_129 = arith.constant 0 : index
    %swap3A_130 = arith.constant 0 : index
    %swap3A_131 = vector.load %arg4[%swap3A_128, %swap3A_129, %swap3A_130] : memref<125x16x128xf32, #tpu.memory_space<vmem>>, vector<1x16x128xf32>
    %swap3A_132 = vector.shape_cast %swap3A_131 : vector<1x16x128xf32> to vector<16x128xf32>
    %swap3A_133 = vector.shape_cast %slice3A_127 : vector<16x128xf32> to vector<1x16x128xf32>
    tpu.vector_store %arg4[%swap3A_128, %swap3A_129, %swap3A_130], %swap3A_133 {strides = array<i32>} : memref<125x16x128xf32, #tpu.memory_space<vmem>>, vector<1x16x128xf32>,
    %slice3A_134 = vector.extract_strided_slice %add3A_9 {offsets = [0, 2304], sizes = [16, 128], strides = [1, 1]} : vector<16x16000xf32> to vector<16x128xf32>
    %swap3A_135 = arith.constant 18 : index
    %swap3A_136 = arith.constant 0 : index
    %swap3A_137 = arith.constant 0 : index
    %swap3A_138 = vector.load %arg4[%swap3A_135, %swap3A_136, %swap3A_137] : memref<125x16x128xf32, #tpu.memory_space<vmem>>, vector<1x16x128xf32>
    %swap3A_139 = vector.shape_cast %swap3A_138 : vector<1x16x128xf32> to vector<16x128xf32>
    %swap3A_140 = vector.shape_cast %slice3A_134 : vector<16x128xf32> to vector<1x16x128xf32>
    tpu.vector_store %arg4[%swap3A_135, %swap3A_136, %swap3A_137], %swap3A_140 {strides = array<i32>} : memref<125x16x128xf32, #tpu.memory_space<vmem>>, vector<1x16x128xf32>,
    %slice3A_141 = vector.extract_strided_slice %add3A_9 {offsets = [0, 2432], sizes = [16, 128], strides = [1, 1]} : vector<16x16000xf32> to vector<16x128xf32>
    %swap3A_142 = arith.constant 19 : index
    %swap3A_143 = arith.constant 0 : index
    %swap3A_144 = arith.constant 0 : index
    %swap3A_145 = vector.load %arg4[%swap3A_142, %swap3A_143, %swap3A_144] : memref<125x16x128xf32, #tpu.memory_space<vmem>>, vector<1x16x128xf32>
    %swap3A_146 = vector.shape_cast %swap3A_145 : vector<1x16x128xf32> to vector<16x128xf32>
    %swap3A_147 = vector.shape_cast %slice3A_141 : vector<16x128xf32> to vector<1x16x128xf32>
    tpu.vector_store %arg4[%swap3A_142, %swap3A_143, %swap3A_144], %swap3A_147 {strides = array<i32>} : memref<125x16x128xf32, #tpu.memory_space<vmem>>, vector<1x16x128xf32>,
    %slice3A_148 = vector.extract_strided_slice %add3A_9 {offsets = [0, 2560], sizes = [16, 128], strides = [1, 1]} : vector<16x16000xf32> to vector<16x128xf32>
    %swap3A_149 = arith.constant 20 : index
    %swap3A_150 = arith.constant 0 : index
    %swap3A_151 = arith.constant 0 : index
    %swap3A_152 = vector.load %arg4[%swap3A_149, %swap3A_150, %swap3A_151] : memref<125x16x128xf32, #tpu.memory_space<vmem>>, vector<1x16x128xf32>
    %swap3A_153 = vector.shape_cast %swap3A_152 : vector<1x16x128xf32> to vector<16x128xf32>
    %swap3A_154 = vector.shape_cast %slice3A_148 : vector<16x128xf32> to vector<1x16x128xf32>
    tpu.vector_store %arg4[%swap3A_149, %swap3A_150, %swap3A_151], %swap3A_154 {strides = array<i32>} : memref<125x16x128xf32, #tpu.memory_space<vmem>>, vector<1x16x128xf32>,
    %slice3A_155 = vector.extract_strided_slice %add3A_9 {offsets = [0, 2688], sizes = [16, 128], strides = [1, 1]} : vector<16x16000xf32> to vector<16x128xf32>
    %swap3A_156 = arith.constant 21 : index
    %swap3A_157 = arith.constant 0 : index
    %swap3A_158 = arith.constant 0 : index
    %swap3A_159 = vector.load %arg4[%swap3A_156, %swap3A_157, %swap3A_158] : memref<125x16x128xf32, #tpu.memory_space<vmem>>, vector<1x16x128xf32>
    %swap3A_160 = vector.shape_cast %swap3A_159 : vector<1x16x128xf32> to vector<16x128xf32>
    %swap3A_161 = vector.shape_cast %slice3A_155 : vector<16x128xf32> to vector<1x16x128xf32>
    tpu.vector_store %arg4[%swap3A_156, %swap3A_157, %swap3A_158], %swap3A_161 {strides = array<i32>} : memref<125x16x128xf32, #tpu.memory_space<vmem>>, vector<1x16x128xf32>,
    %slice3A_162 = vector.extract_strided_slice %add3A_9 {offsets = [0, 2816], sizes = [16, 128], strides = [1, 1]} : vector<16x16000xf32> to vector<16x128xf32>
    %swap3A_163 = arith.constant 22 : index
    %swap3A_164 = arith.constant 0 : index
    %swap3A_165 = arith.constant 0 : index
    %swap3A_166 = vector.load %arg4[%swap3A_163, %swap3A_164, %swap3A_165] : memref<125x16x128xf32, #tpu.memory_space<vmem>>, vector<1x16x128xf32>
    %swap3A_167 = vector.shape_cast %swap3A_166 : vector<1x16x128xf32> to vector<16x128xf32>
    %swap3A_168 = vector.shape_cast %slice3A_162 : vector<16x128xf32> to vector<1x16x128xf32>
    tpu.vector_store %arg4[%swap3A_163, %swap3A_164, %swap3A_165], %swap3A_168 {strides = array<i32>} : memref<125x16x128xf32, #tpu.memory_space<vmem>>, vector<1x16x128xf32>,
    %slice3A_169 = vector.extract_strided_slice %add3A_9 {offsets = [0, 2944], sizes = [16, 128], strides = [1, 1]} : vector<16x16000xf32> to vector<16x128xf32>
    %swap3A_170 = arith.constant 23 : index
    %swap3A_171 = arith.constant 0 : index
    %swap3A_172 = arith.constant 0 : index
    %swap3A_173 = vector.load %arg4[%swap3A_170, %swap3A_171, %swap3A_172] : memref<125x16x128xf32, #tpu.memory_space<vmem>>, vector<1x16x128xf32>
    %swap3A_174 = vector.shape_cast %swap3A_173 : vector<1x16x128xf32> to vector<16x128xf32>
    %swap3A_175 = vector.shape_cast %slice3A_169 : vector<16x128xf32> to vector<1x16x128xf32>
    tpu.vector_store %arg4[%swap3A_170, %swap3A_171, %swap3A_172], %swap3A_175 {strides = array<i32>} : memref<125x16x128xf32, #tpu.memory_space<vmem>>, vector<1x16x128xf32>,
    %slice3A_176 = vector.extract_strided_slice %add3A_9 {offsets = [0, 3072], sizes = [16, 128], strides = [1, 1]} : vector<16x16000xf32> to vector<16x128xf32>
    %swap3A_177 = arith.constant 24 : index
    %swap3A_178 = arith.constant 0 : index
    %swap3A_179 = arith.constant 0 : index
    %swap3A_180 = vector.load %arg4[%swap3A_177, %swap3A_178, %swap3A_179] : memref<125x16x128xf32, #tpu.memory_space<vmem>>, vector<1x16x128xf32>
    %swap3A_181 = vector.shape_cast %swap3A_180 : vector<1x16x128xf32> to vector<16x128xf32>
    %swap3A_182 = vector.shape_cast %slice3A_176 : vector<16x128xf32> to vector<1x16x128xf32>
    tpu.vector_store %arg4[%swap3A_177, %swap3A_178, %swap3A_179], %swap3A_182 {strides = array<i32>} : memref<125x16x128xf32, #tpu.memory_space<vmem>>, vector<1x16x128xf32>,
    %slice3A_183 = vector.extract_strided_slice %add3A_9 {offsets = [0, 3200], sizes = [16, 128], strides = [1, 1]} : vector<16x16000xf32> to vector<16x128xf32>
    %swap3A_184 = arith.constant 25 : index
    %swap3A_185 = arith.constant 0 : index
    %swap3A_186 = arith.constant 0 : index
    %swap3A_187 = vector.load %arg4[%swap3A_184, %swap3A_185, %swap3A_186] : memref<125x16x128xf32, #tpu.memory_space<vmem>>, vector<1x16x128xf32>
    %swap3A_188 = vector.shape_cast %swap3A_187 : vector<1x16x128xf32> to vector<16x128xf32>
    %swap3A_189 = vector.shape_cast %slice3A_183 : vector<16x128xf32> to vector<1x16x128xf32>
    tpu.vector_store %arg4[%swap3A_184, %swap3A_185, %swap3A_186], %swap3A_189 {strides = array<i32>} : memref<125x16x128xf32, #tpu.memory_space<vmem>>, vector<1x16x128xf32>,
    %slice3A_190 = vector.extract_strided_slice %add3A_9 {offsets = [0, 3328], sizes = [16, 128], strides = [1, 1]} : vector<16x16000xf32> to vector<16x128xf32>
    %swap3A_191 = arith.constant 26 : index
    %swap3A_192 = arith.constant 0 : index
    %swap3A_193 = arith.constant 0 : index
    %swap3A_194 = vector.load %arg4[%swap3A_191, %swap3A_192, %swap3A_193] : memref<125x16x128xf32, #tpu.memory_space<vmem>>, vector<1x16x128xf32>
    %swap3A_195 = vector.shape_cast %swap3A_194 : vector<1x16x128xf32> to vector<16x128xf32>
    %swap3A_196 = vector.shape_cast %slice3A_190 : vector<16x128xf32> to vector<1x16x128xf32>
    tpu.vector_store %arg4[%swap3A_191, %swap3A_192, %swap3A_193], %swap3A_196 {strides = array<i32>} : memref<125x16x128xf32, #tpu.memory_space<vmem>>, vector<1x16x128xf32>,
    %slice3A_197 = vector.extract_strided_slice %add3A_9 {offsets = [0, 3456], sizes = [16, 128], strides = [1, 1]} : vector<16x16000xf32> to vector<16x128xf32>
    %swap3A_198 = arith.constant 27 : index
    %swap3A_199 = arith.constant 0 : index
    %swap3A_200 = arith.constant 0 : index
    %swap3A_201 = vector.load %arg4[%swap3A_198, %swap3A_199, %swap3A_200] : memref<125x16x128xf32, #tpu.memory_space<vmem>>, vector<1x16x128xf32>
    %swap3A_202 = vector.shape_cast %swap3A_201 : vector<1x16x128xf32> to vector<16x128xf32>
    %swap3A_203 = vector.shape_cast %slice3A_197 : vector<16x128xf32> to vector<1x16x128xf32>
    tpu.vector_store %arg4[%swap3A_198, %swap3A_199, %swap3A_200], %swap3A_203 {strides = array<i32>} : memref<125x16x128xf32, #tpu.memory_space<vmem>>, vector<1x16x128xf32>,
    %slice3A_204 = vector.extract_strided_slice %add3A_9 {offsets = [0, 3584], sizes = [16, 128], strides = [1, 1]} : vector<16x16000xf32> to vector<16x128xf32>
    %swap3A_205 = arith.constant 28 : index
    %swap3A_206 = arith.constant 0 : index
    %swap3A_207 = arith.constant 0 : index
    %swap3A_208 = vector.load %arg4[%swap3A_205, %swap3A_206, %swap3A_207] : memref<125x16x128xf32, #tpu.memory_space<vmem>>, vector<1x16x128xf32>
    %swap3A_209 = vector.shape_cast %swap3A_208 : vector<1x16x128xf32> to vector<16x128xf32>
    %swap3A_210 = vector.shape_cast %slice3A_204 : vector<16x128xf32> to vector<1x16x128xf32>
    tpu.vector_store %arg4[%swap3A_205, %swap3A_206, %swap3A_207], %swap3A_210 {strides = array<i32>} : memref<125x16x128xf32, #tpu.memory_space<vmem>>, vector<1x16x128xf32>,
    %slice3A_211 = vector.extract_strided_slice %add3A_9 {offsets = [0, 3712], sizes = [16, 128], strides = [1, 1]} : vector<16x16000xf32> to vector<16x128xf32>
    %swap3A_212 = arith.constant 29 : index
    %swap3A_213 = arith.constant 0 : index
    %swap3A_214 = arith.constant 0 : index
    %swap3A_215 = vector.load %arg4[%swap3A_212, %swap3A_213, %swap3A_214] : memref<125x16x128xf32, #tpu.memory_space<vmem>>, vector<1x16x128xf32>
    %swap3A_216 = vector.shape_cast %swap3A_215 : vector<1x16x128xf32> to vector<16x128xf32>
    %swap3A_217 = vector.shape_cast %slice3A_211 : vector<16x128xf32> to vector<1x16x128xf32>
    tpu.vector_store %arg4[%swap3A_212, %swap3A_213, %swap3A_214], %swap3A_217 {strides = array<i32>} : memref<125x16x128xf32, #tpu.memory_space<vmem>>, vector<1x16x128xf32>,
    %slice3A_218 = vector.extract_strided_slice %add3A_9 {offsets = [0, 3840], sizes = [16, 128], strides = [1, 1]} : vector<16x16000xf32> to vector<16x128xf32>
    %swap3A_219 = arith.constant 30 : index
    %swap3A_220 = arith.constant 0 : index
    %swap3A_221 = arith.constant 0 : index
    %swap3A_222 = vector.load %arg4[%swap3A_219, %swap3A_220, %swap3A_221] : memref<125x16x128xf32, #tpu.memory_space<vmem>>, vector<1x16x128xf32>
    %swap3A_223 = vector.shape_cast %swap3A_222 : vector<1x16x128xf32> to vector<16x128xf32>
    %swap3A_224 = vector.shape_cast %slice3A_218 : vector<16x128xf32> to vector<1x16x128xf32>
    tpu.vector_store %arg4[%swap3A_219, %swap3A_220, %swap3A_221], %swap3A_224 {strides = array<i32>} : memref<125x16x128xf32, #tpu.memory_space<vmem>>, vector<1x16x128xf32>,
    %slice3A_225 = vector.extract_strided_slice %add3A_9 {offsets = [0, 3968], sizes = [16, 128], strides = [1, 1]} : vector<16x16000xf32> to vector<16x128xf32>
    %swap3A_226 = arith.constant 31 : index
    %swap3A_227 = arith.constant 0 : index
    %swap3A_228 = arith.constant 0 : index
    %swap3A_229 = vector.load %arg4[%swap3A_226, %swap3A_227, %swap3A_228] : memref<125x16x128xf32, #tpu.memory_space<vmem>>, vector<1x16x128xf32>
    %swap3A_230 = vector.shape_cast %swap3A_229 : vector<1x16x128xf32> to vector<16x128xf32>
    %swap3A_231 = vector.shape_cast %slice3A_225 : vector<16x128xf32> to vector<1x16x128xf32>
    tpu.vector_store %arg4[%swap3A_226, %swap3A_227, %swap3A_228], %swap3A_231 {strides = array<i32>} : memref<125x16x128xf32, #tpu.memory_space<vmem>>, vector<1x16x128xf32>,
    %slice3A_232 = vector.extract_strided_slice %add3A_9 {offsets = [0, 4096], sizes = [16, 128], strides = [1, 1]} : vector<16x16000xf32> to vector<16x128xf32>
    %swap3A_233 = arith.constant 32 : index
    %swap3A_234 = arith.constant 0 : index
    %swap3A_235 = arith.constant 0 : index
    %swap3A_236 = vector.load %arg4[%swap3A_233, %swap3A_234, %swap3A_235] : memref<125x16x128xf32, #tpu.memory_space<vmem>>, vector<1x16x128xf32>
    %swap3A_237 = vector.shape_cast %swap3A_236 : vector<1x16x128xf32> to vector<16x128xf32>
    %swap3A_238 = vector.shape_cast %slice3A_232 : vector<16x128xf32> to vector<1x16x128xf32>
    tpu.vector_store %arg4[%swap3A_233, %swap3A_234, %swap3A_235], %swap3A_238 {strides = array<i32>} : memref<125x16x128xf32, #tpu.memory_space<vmem>>, vector<1x16x128xf32>,
    %slice3A_239 = vector.extract_strided_slice %add3A_9 {offsets = [0, 4224], sizes = [16, 128], strides = [1, 1]} : vector<16x16000xf32> to vector<16x128xf32>
    %swap3A_240 = arith.constant 33 : index
    %swap3A_241 = arith.constant 0 : index
    %swap3A_242 = arith.constant 0 : index
    %swap3A_243 = vector.load %arg4[%swap3A_240, %swap3A_241, %swap3A_242] : memref<125x16x128xf32, #tpu.memory_space<vmem>>, vector<1x16x128xf32>
    %swap3A_244 = vector.shape_cast %swap3A_243 : vector<1x16x128xf32> to vector<16x128xf32>
    %swap3A_245 = vector.shape_cast %slice3A_239 : vector<16x128xf32> to vector<1x16x128xf32>
    tpu.vector_store %arg4[%swap3A_240, %swap3A_241, %swap3A_242], %swap3A_245 {strides = array<i32>} : memref<125x16x128xf32, #tpu.memory_space<vmem>>, vector<1x16x128xf32>,
    %slice3A_246 = vector.extract_strided_slice %add3A_9 {offsets = [0, 4352], sizes = [16, 128], strides = [1, 1]} : vector<16x16000xf32> to vector<16x128xf32>
    %swap3A_247 = arith.constant 34 : index
    %swap3A_248 = arith.constant 0 : index
    %swap3A_249 = arith.constant 0 : index
    %swap3A_250 = vector.load %arg4[%swap3A_247, %swap3A_248, %swap3A_249] : memref<125x16x128xf32, #tpu.memory_space<vmem>>, vector<1x16x128xf32>
    %swap3A_251 = vector.shape_cast %swap3A_250 : vector<1x16x128xf32> to vector<16x128xf32>
    %swap3A_252 = vector.shape_cast %slice3A_246 : vector<16x128xf32> to vector<1x16x128xf32>
    tpu.vector_store %arg4[%swap3A_247, %swap3A_248, %swap3A_249], %swap3A_252 {strides = array<i32>} : memref<125x16x128xf32, #tpu.memory_space<vmem>>, vector<1x16x128xf32>,
    %slice3A_253 = vector.extract_strided_slice %add3A_9 {offsets = [0, 4480], sizes = [16, 128], strides = [1, 1]} : vector<16x16000xf32> to vector<16x128xf32>
    %swap3A_254 = arith.constant 35 : index
    %swap3A_255 = arith.constant 0 : index
    %swap3A_256 = arith.constant 0 : index
    %swap3A_257 = vector.load %arg4[%swap3A_254, %swap3A_255, %swap3A_256] : memref<125x16x128xf32, #tpu.memory_space<vmem>>, vector<1x16x128xf32>
    %swap3A_258 = vector.shape_cast %swap3A_257 : vector<1x16x128xf32> to vector<16x128xf32>
    %swap3A_259 = vector.shape_cast %slice3A_253 : vector<16x128xf32> to vector<1x16x128xf32>
    tpu.vector_store %arg4[%swap3A_254, %swap3A_255, %swap3A_256], %swap3A_259 {strides = array<i32>} : memref<125x16x128xf32, #tpu.memory_space<vmem>>, vector<1x16x128xf32>,
    %slice3A_260 = vector.extract_strided_slice %add3A_9 {offsets = [0, 4608], sizes = [16, 128], strides = [1, 1]} : vector<16x16000xf32> to vector<16x128xf32>
    %swap3A_261 = arith.constant 36 : index
    %swap3A_262 = arith.constant 0 : index
    %swap3A_263 = arith.constant 0 : index
    %swap3A_264 = vector.load %arg4[%swap3A_261, %swap3A_262, %swap3A_263] : memref<125x16x128xf32, #tpu.memory_space<vmem>>, vector<1x16x128xf32>
    %swap3A_265 = vector.shape_cast %swap3A_264 : vector<1x16x128xf32> to vector<16x128xf32>
    %swap3A_266 = vector.shape_cast %slice3A_260 : vector<16x128xf32> to vector<1x16x128xf32>
    tpu.vector_store %arg4[%swap3A_261, %swap3A_262, %swap3A_263], %swap3A_266 {strides = array<i32>} : memref<125x16x128xf32, #tpu.memory_space<vmem>>, vector<1x16x128xf32>,
    %slice3A_267 = vector.extract_strided_slice %add3A_9 {offsets = [0, 4736], sizes = [16, 128], strides = [1, 1]} : vector<16x16000xf32> to vector<16x128xf32>
    %swap3A_268 = arith.constant 37 : index
    %swap3A_269 = arith.constant 0 : index
    %swap3A_270 = arith.constant 0 : index
    %swap3A_271 = vector.load %arg4[%swap3A_268, %swap3A_269, %swap3A_270] : memref<125x16x128xf32, #tpu.memory_space<vmem>>, vector<1x16x128xf32>
    %swap3A_272 = vector.shape_cast %swap3A_271 : vector<1x16x128xf32> to vector<16x128xf32>
    %swap3A_273 = vector.shape_cast %slice3A_267 : vector<16x128xf32> to vector<1x16x128xf32>
    tpu.vector_store %arg4[%swap3A_268, %swap3A_269, %swap3A_270], %swap3A_273 {strides = array<i32>} : memref<125x16x128xf32, #tpu.memory_space<vmem>>, vector<1x16x128xf32>,
    %slice3A_274 = vector.extract_strided_slice %add3A_9 {offsets = [0, 4864], sizes = [16, 128], strides = [1, 1]} : vector<16x16000xf32> to vector<16x128xf32>
    %swap3A_275 = arith.constant 38 : index
    %swap3A_276 = arith.constant 0 : index
    %swap3A_277 = arith.constant 0 : index
    %swap3A_278 = vector.load %arg4[%swap3A_275, %swap3A_276, %swap3A_277] : memref<125x16x128xf32, #tpu.memory_space<vmem>>, vector<1x16x128xf32>
    %swap3A_279 = vector.shape_cast %swap3A_278 : vector<1x16x128xf32> to vector<16x128xf32>
    %swap3A_280 = vector.shape_cast %slice3A_274 : vector<16x128xf32> to vector<1x16x128xf32>
    tpu.vector_store %arg4[%swap3A_275, %swap3A_276, %swap3A_277], %swap3A_280 {strides = array<i32>} : memref<125x16x128xf32, #tpu.memory_space<vmem>>, vector<1x16x128xf32>,
    %slice3A_281 = vector.extract_strided_slice %add3A_9 {offsets = [0, 4992], sizes = [16, 128], strides = [1, 1]} : vector<16x16000xf32> to vector<16x128xf32>
    %swap3A_282 = arith.constant 39 : index
    %swap3A_283 = arith.constant 0 : index
    %swap3A_284 = arith.constant 0 : index
    %swap3A_285 = vector.load %arg4[%swap3A_282, %swap3A_283, %swap3A_284] : memref<125x16x128xf32, #tpu.memory_space<vmem>>, vector<1x16x128xf32>
    %swap3A_286 = vector.shape_cast %swap3A_285 : vector<1x16x128xf32> to vector<16x128xf32>
    %swap3A_287 = vector.shape_cast %slice3A_281 : vector<16x128xf32> to vector<1x16x128xf32>
    tpu.vector_store %arg4[%swap3A_282, %swap3A_283, %swap3A_284], %swap3A_287 {strides = array<i32>} : memref<125x16x128xf32, #tpu.memory_space<vmem>>, vector<1x16x128xf32>,
    %slice3A_288 = vector.extract_strided_slice %add3A_9 {offsets = [0, 5120], sizes = [16, 128], strides = [1, 1]} : vector<16x16000xf32> to vector<16x128xf32>
    %swap3A_289 = arith.constant 40 : index
    %swap3A_290 = arith.constant 0 : index
    %swap3A_291 = arith.constant 0 : index
    %swap3A_292 = vector.load %arg4[%swap3A_289, %swap3A_290, %swap3A_291] : memref<125x16x128xf32, #tpu.memory_space<vmem>>, vector<1x16x128xf32>
    %swap3A_293 = vector.shape_cast %swap3A_292 : vector<1x16x128xf32> to vector<16x128xf32>
    %swap3A_294 = vector.shape_cast %slice3A_288 : vector<16x128xf32> to vector<1x16x128xf32>
    tpu.vector_store %arg4[%swap3A_289, %swap3A_290, %swap3A_291], %swap3A_294 {strides = array<i32>} : memref<125x16x128xf32, #tpu.memory_space<vmem>>, vector<1x16x128xf32>,
    %slice3A_295 = vector.extract_strided_slice %add3A_9 {offsets = [0, 5248], sizes = [16, 128], strides = [1, 1]} : vector<16x16000xf32> to vector<16x128xf32>
    %swap3A_296 = arith.constant 41 : index
    %swap3A_297 = arith.constant 0 : index
    %swap3A_298 = arith.constant 0 : index
    %swap3A_299 = vector.load %arg4[%swap3A_296, %swap3A_297, %swap3A_298] : memref<125x16x128xf32, #tpu.memory_space<vmem>>, vector<1x16x128xf32>
    %swap3A_300 = vector.shape_cast %swap3A_299 : vector<1x16x128xf32> to vector<16x128xf32>
    %swap3A_301 = vector.shape_cast %slice3A_295 : vector<16x128xf32> to vector<1x16x128xf32>
    tpu.vector_store %arg4[%swap3A_296, %swap3A_297, %swap3A_298], %swap3A_301 {strides = array<i32>} : memref<125x16x128xf32, #tpu.memory_space<vmem>>, vector<1x16x128xf32>,
    %slice3A_302 = vector.extract_strided_slice %add3A_9 {offsets = [0, 5376], sizes = [16, 128], strides = [1, 1]} : vector<16x16000xf32> to vector<16x128xf32>
    %swap3A_303 = arith.constant 42 : index
    %swap3A_304 = arith.constant 0 : index
    %swap3A_305 = arith.constant 0 : index
    %swap3A_306 = vector.load %arg4[%swap3A_303, %swap3A_304, %swap3A_305] : memref<125x16x128xf32, #tpu.memory_space<vmem>>, vector<1x16x128xf32>
    %swap3A_307 = vector.shape_cast %swap3A_306 : vector<1x16x128xf32> to vector<16x128xf32>
    %swap3A_308 = vector.shape_cast %slice3A_302 : vector<16x128xf32> to vector<1x16x128xf32>
    tpu.vector_store %arg4[%swap3A_303, %swap3A_304, %swap3A_305], %swap3A_308 {strides = array<i32>} : memref<125x16x128xf32, #tpu.memory_space<vmem>>, vector<1x16x128xf32>,
    %slice3A_309 = vector.extract_strided_slice %add3A_9 {offsets = [0, 5504], sizes = [16, 128], strides = [1, 1]} : vector<16x16000xf32> to vector<16x128xf32>
    %swap3A_310 = arith.constant 43 : index
    %swap3A_311 = arith.constant 0 : index
    %swap3A_312 = arith.constant 0 : index
    %swap3A_313 = vector.load %arg4[%swap3A_310, %swap3A_311, %swap3A_312] : memref<125x16x128xf32, #tpu.memory_space<vmem>>, vector<1x16x128xf32>
    %swap3A_314 = vector.shape_cast %swap3A_313 : vector<1x16x128xf32> to vector<16x128xf32>
    %swap3A_315 = vector.shape_cast %slice3A_309 : vector<16x128xf32> to vector<1x16x128xf32>
    tpu.vector_store %arg4[%swap3A_310, %swap3A_311, %swap3A_312], %swap3A_315 {strides = array<i32>} : memref<125x16x128xf32, #tpu.memory_space<vmem>>, vector<1x16x128xf32>,
    %slice3A_316 = vector.extract_strided_slice %add3A_9 {offsets = [0, 5632], sizes = [16, 128], strides = [1, 1]} : vector<16x16000xf32> to vector<16x128xf32>
    %swap3A_317 = arith.constant 44 : index
    %swap3A_318 = arith.constant 0 : index
    %swap3A_319 = arith.constant 0 : index
    %swap3A_320 = vector.load %arg4[%swap3A_317, %swap3A_318, %swap3A_319] : memref<125x16x128xf32, #tpu.memory_space<vmem>>, vector<1x16x128xf32>
    %swap3A_321 = vector.shape_cast %swap3A_320 : vector<1x16x128xf32> to vector<16x128xf32>
    %swap3A_322 = vector.shape_cast %slice3A_316 : vector<16x128xf32> to vector<1x16x128xf32>
    tpu.vector_store %arg4[%swap3A_317, %swap3A_318, %swap3A_319], %swap3A_322 {strides = array<i32>} : memref<125x16x128xf32, #tpu.memory_space<vmem>>, vector<1x16x128xf32>,
    %slice3A_323 = vector.extract_strided_slice %add3A_9 {offsets = [0, 5760], sizes = [16, 128], strides = [1, 1]} : vector<16x16000xf32> to vector<16x128xf32>
    %swap3A_324 = arith.constant 45 : index
    %swap3A_325 = arith.constant 0 : index
    %swap3A_326 = arith.constant 0 : index
    %swap3A_327 = vector.load %arg4[%swap3A_324, %swap3A_325, %swap3A_326] : memref<125x16x128xf32, #tpu.memory_space<vmem>>, vector<1x16x128xf32>
    %swap3A_328 = vector.shape_cast %swap3A_327 : vector<1x16x128xf32> to vector<16x128xf32>
    %swap3A_329 = vector.shape_cast %slice3A_323 : vector<16x128xf32> to vector<1x16x128xf32>
    tpu.vector_store %arg4[%swap3A_324, %swap3A_325, %swap3A_326], %swap3A_329 {strides = array<i32>} : memref<125x16x128xf32, #tpu.memory_space<vmem>>, vector<1x16x128xf32>,
    %slice3A_330 = vector.extract_strided_slice %add3A_9 {offsets = [0, 5888], sizes = [16, 128], strides = [1, 1]} : vector<16x16000xf32> to vector<16x128xf32>
    %swap3A_331 = arith.constant 46 : index
    %swap3A_332 = arith.constant 0 : index
    %swap3A_333 = arith.constant 0 : index
    %swap3A_334 = vector.load %arg4[%swap3A_331, %swap3A_332, %swap3A_333] : memref<125x16x128xf32, #tpu.memory_space<vmem>>, vector<1x16x128xf32>
    %swap3A_335 = vector.shape_cast %swap3A_334 : vector<1x16x128xf32> to vector<16x128xf32>
    %swap3A_336 = vector.shape_cast %slice3A_330 : vector<16x128xf32> to vector<1x16x128xf32>
    tpu.vector_store %arg4[%swap3A_331, %swap3A_332, %swap3A_333], %swap3A_336 {strides = array<i32>} : memref<125x16x128xf32, #tpu.memory_space<vmem>>, vector<1x16x128xf32>,
    %slice3A_337 = vector.extract_strided_slice %add3A_9 {offsets = [0, 6016], sizes = [16, 128], strides = [1, 1]} : vector<16x16000xf32> to vector<16x128xf32>
    %swap3A_338 = arith.constant 47 : index
    %swap3A_339 = arith.constant 0 : index
    %swap3A_340 = arith.constant 0 : index
    %swap3A_341 = vector.load %arg4[%swap3A_338, %swap3A_339, %swap3A_340] : memref<125x16x128xf32, #tpu.memory_space<vmem>>, vector<1x16x128xf32>
    %swap3A_342 = vector.shape_cast %swap3A_341 : vector<1x16x128xf32> to vector<16x128xf32>
    %swap3A_343 = vector.shape_cast %slice3A_337 : vector<16x128xf32> to vector<1x16x128xf32>
    tpu.vector_store %arg4[%swap3A_338, %swap3A_339, %swap3A_340], %swap3A_343 {strides = array<i32>} : memref<125x16x128xf32, #tpu.memory_space<vmem>>, vector<1x16x128xf32>,
    %slice3A_344 = vector.extract_strided_slice %add3A_9 {offsets = [0, 6144], sizes = [16, 128], strides = [1, 1]} : vector<16x16000xf32> to vector<16x128xf32>
    %swap3A_345 = arith.constant 48 : index
    %swap3A_346 = arith.constant 0 : index
    %swap3A_347 = arith.constant 0 : index
    %swap3A_348 = vector.load %arg4[%swap3A_345, %swap3A_346, %swap3A_347] : memref<125x16x128xf32, #tpu.memory_space<vmem>>, vector<1x16x128xf32>
    %swap3A_349 = vector.shape_cast %swap3A_348 : vector<1x16x128xf32> to vector<16x128xf32>
    %swap3A_350 = vector.shape_cast %slice3A_344 : vector<16x128xf32> to vector<1x16x128xf32>
    tpu.vector_store %arg4[%swap3A_345, %swap3A_346, %swap3A_347], %swap3A_350 {strides = array<i32>} : memref<125x16x128xf32, #tpu.memory_space<vmem>>, vector<1x16x128xf32>,
    %slice3A_351 = vector.extract_strided_slice %add3A_9 {offsets = [0, 6272], sizes = [16, 128], strides = [1, 1]} : vector<16x16000xf32> to vector<16x128xf32>
    %swap3A_352 = arith.constant 49 : index
    %swap3A_353 = arith.constant 0 : index
    %swap3A_354 = arith.constant 0 : index
    %swap3A_355 = vector.load %arg4[%swap3A_352, %swap3A_353, %swap3A_354] : memref<125x16x128xf32, #tpu.memory_space<vmem>>, vector<1x16x128xf32>
    %swap3A_356 = vector.shape_cast %swap3A_355 : vector<1x16x128xf32> to vector<16x128xf32>
    %swap3A_357 = vector.shape_cast %slice3A_351 : vector<16x128xf32> to vector<1x16x128xf32>
    tpu.vector_store %arg4[%swap3A_352, %swap3A_353, %swap3A_354], %swap3A_357 {strides = array<i32>} : memref<125x16x128xf32, #tpu.memory_space<vmem>>, vector<1x16x128xf32>,
    %slice3A_358 = vector.extract_strided_slice %add3A_9 {offsets = [0, 6400], sizes = [16, 128], strides = [1, 1]} : vector<16x16000xf32> to vector<16x128xf32>
    %swap3A_359 = arith.constant 50 : index
    %swap3A_360 = arith.constant 0 : index
    %swap3A_361 = arith.constant 0 : index
    %swap3A_362 = vector.load %arg4[%swap3A_359, %swap3A_360, %swap3A_361] : memref<125x16x128xf32, #tpu.memory_space<vmem>>, vector<1x16x128xf32>
    %swap3A_363 = vector.shape_cast %swap3A_362 : vector<1x16x128xf32> to vector<16x128xf32>
    %swap3A_364 = vector.shape_cast %slice3A_358 : vector<16x128xf32> to vector<1x16x128xf32>
    tpu.vector_store %arg4[%swap3A_359, %swap3A_360, %swap3A_361], %swap3A_364 {strides = array<i32>} : memref<125x16x128xf32, #tpu.memory_space<vmem>>, vector<1x16x128xf32>,
    %slice3A_365 = vector.extract_strided_slice %add3A_9 {offsets = [0, 6528], sizes = [16, 128], strides = [1, 1]} : vector<16x16000xf32> to vector<16x128xf32>
    %swap3A_366 = arith.constant 51 : index
    %swap3A_367 = arith.constant 0 : index
    %swap3A_368 = arith.constant 0 : index
    %swap3A_369 = vector.load %arg4[%swap3A_366, %swap3A_367, %swap3A_368] : memref<125x16x128xf32, #tpu.memory_space<vmem>>, vector<1x16x128xf32>
    %swap3A_370 = vector.shape_cast %swap3A_369 : vector<1x16x128xf32> to vector<16x128xf32>
    %swap3A_371 = vector.shape_cast %slice3A_365 : vector<16x128xf32> to vector<1x16x128xf32>
    tpu.vector_store %arg4[%swap3A_366, %swap3A_367, %swap3A_368], %swap3A_371 {strides = array<i32>} : memref<125x16x128xf32, #tpu.memory_space<vmem>>, vector<1x16x128xf32>,
    %slice3A_372 = vector.extract_strided_slice %add3A_9 {offsets = [0, 6656], sizes = [16, 128], strides = [1, 1]} : vector<16x16000xf32> to vector<16x128xf32>
    %swap3A_373 = arith.constant 52 : index
    %swap3A_374 = arith.constant 0 : index
    %swap3A_375 = arith.constant 0 : index
    %swap3A_376 = vector.load %arg4[%swap3A_373, %swap3A_374, %swap3A_375] : memref<125x16x128xf32, #tpu.memory_space<vmem>>, vector<1x16x128xf32>
    %swap3A_377 = vector.shape_cast %swap3A_376 : vector<1x16x128xf32> to vector<16x128xf32>
    %swap3A_378 = vector.shape_cast %slice3A_372 : vector<16x128xf32> to vector<1x16x128xf32>
    tpu.vector_store %arg4[%swap3A_373, %swap3A_374, %swap3A_375], %swap3A_378 {strides = array<i32>} : memref<125x16x128xf32, #tpu.memory_space<vmem>>, vector<1x16x128xf32>,
    %slice3A_379 = vector.extract_strided_slice %add3A_9 {offsets = [0, 6784], sizes = [16, 128], strides = [1, 1]} : vector<16x16000xf32> to vector<16x128xf32>
    %swap3A_380 = arith.constant 53 : index
    %swap3A_381 = arith.constant 0 : index
    %swap3A_382 = arith.constant 0 : index
    %swap3A_383 = vector.load %arg4[%swap3A_380, %swap3A_381, %swap3A_382] : memref<125x16x128xf32, #tpu.memory_space<vmem>>, vector<1x16x128xf32>
    %swap3A_384 = vector.shape_cast %swap3A_383 : vector<1x16x128xf32> to vector<16x128xf32>
    %swap3A_385 = vector.shape_cast %slice3A_379 : vector<16x128xf32> to vector<1x16x128xf32>
    tpu.vector_store %arg4[%swap3A_380, %swap3A_381, %swap3A_382], %swap3A_385 {strides = array<i32>} : memref<125x16x128xf32, #tpu.memory_space<vmem>>, vector<1x16x128xf32>,
    %slice3A_386 = vector.extract_strided_slice %add3A_9 {offsets = [0, 6912], sizes = [16, 128], strides = [1, 1]} : vector<16x16000xf32> to vector<16x128xf32>
    %swap3A_387 = arith.constant 54 : index
    %swap3A_388 = arith.constant 0 : index
    %swap3A_389 = arith.constant 0 : index
    %swap3A_390 = vector.load %arg4[%swap3A_387, %swap3A_388, %swap3A_389] : memref<125x16x128xf32, #tpu.memory_space<vmem>>, vector<1x16x128xf32>
    %swap3A_391 = vector.shape_cast %swap3A_390 : vector<1x16x128xf32> to vector<16x128xf32>
    %swap3A_392 = vector.shape_cast %slice3A_386 : vector<16x128xf32> to vector<1x16x128xf32>
    tpu.vector_store %arg4[%swap3A_387, %swap3A_388, %swap3A_389], %swap3A_392 {strides = array<i32>} : memref<125x16x128xf32, #tpu.memory_space<vmem>>, vector<1x16x128xf32>,
    %slice3A_393 = vector.extract_strided_slice %add3A_9 {offsets = [0, 7040], sizes = [16, 128], strides = [1, 1]} : vector<16x16000xf32> to vector<16x128xf32>
    %swap3A_394 = arith.constant 55 : index
    %swap3A_395 = arith.constant 0 : index
    %swap3A_396 = arith.constant 0 : index
    %swap3A_397 = vector.load %arg4[%swap3A_394, %swap3A_395, %swap3A_396] : memref<125x16x128xf32, #tpu.memory_space<vmem>>, vector<1x16x128xf32>
    %swap3A_398 = vector.shape_cast %swap3A_397 : vector<1x16x128xf32> to vector<16x128xf32>
    %swap3A_399 = vector.shape_cast %slice3A_393 : vector<16x128xf32> to vector<1x16x128xf32>
    tpu.vector_store %arg4[%swap3A_394, %swap3A_395, %swap3A_396], %swap3A_399 {strides = array<i32>} : memref<125x16x128xf32, #tpu.memory_space<vmem>>, vector<1x16x128xf32>,
    %slice3A_400 = vector.extract_strided_slice %add3A_9 {offsets = [0, 7168], sizes = [16, 128], strides = [1, 1]} : vector<16x16000xf32> to vector<16x128xf32>
    %swap3A_401 = arith.constant 56 : index
    %swap3A_402 = arith.constant 0 : index
    %swap3A_403 = arith.constant 0 : index
    %swap3A_404 = vector.load %arg4[%swap3A_401, %swap3A_402, %swap3A_403] : memref<125x16x128xf32, #tpu.memory_space<vmem>>, vector<1x16x128xf32>
    %swap3A_405 = vector.shape_cast %swap3A_404 : vector<1x16x128xf32> to vector<16x128xf32>
    %swap3A_406 = vector.shape_cast %slice3A_400 : vector<16x128xf32> to vector<1x16x128xf32>
    tpu.vector_store %arg4[%swap3A_401, %swap3A_402, %swap3A_403], %swap3A_406 {strides = array<i32>} : memref<125x16x128xf32, #tpu.memory_space<vmem>>, vector<1x16x128xf32>,
    %slice3A_407 = vector.extract_strided_slice %add3A_9 {offsets = [0, 7296], sizes = [16, 128], strides = [1, 1]} : vector<16x16000xf32> to vector<16x128xf32>
    %swap3A_408 = arith.constant 57 : index
    %swap3A_409 = arith.constant 0 : index
    %swap3A_410 = arith.constant 0 : index
    %swap3A_411 = vector.load %arg4[%swap3A_408, %swap3A_409, %swap3A_410] : memref<125x16x128xf32, #tpu.memory_space<vmem>>, vector<1x16x128xf32>
    %swap3A_412 = vector.shape_cast %swap3A_411 : vector<1x16x128xf32> to vector<16x128xf32>
    %swap3A_413 = vector.shape_cast %slice3A_407 : vector<16x128xf32> to vector<1x16x128xf32>
    tpu.vector_store %arg4[%swap3A_408, %swap3A_409, %swap3A_410], %swap3A_413 {strides = array<i32>} : memref<125x16x128xf32, #tpu.memory_space<vmem>>, vector<1x16x128xf32>,
    %slice3A_414 = vector.extract_strided_slice %add3A_9 {offsets = [0, 7424], sizes = [16, 128], strides = [1, 1]} : vector<16x16000xf32> to vector<16x128xf32>
    %swap3A_415 = arith.constant 58 : index
    %swap3A_416 = arith.constant 0 : index
    %swap3A_417 = arith.constant 0 : index
    %swap3A_418 = vector.load %arg4[%swap3A_415, %swap3A_416, %swap3A_417] : memref<125x16x128xf32, #tpu.memory_space<vmem>>, vector<1x16x128xf32>
    %swap3A_419 = vector.shape_cast %swap3A_418 : vector<1x16x128xf32> to vector<16x128xf32>
    %swap3A_420 = vector.shape_cast %slice3A_414 : vector<16x128xf32> to vector<1x16x128xf32>
    tpu.vector_store %arg4[%swap3A_415, %swap3A_416, %swap3A_417], %swap3A_420 {strides = array<i32>} : memref<125x16x128xf32, #tpu.memory_space<vmem>>, vector<1x16x128xf32>,
    %slice3A_421 = vector.extract_strided_slice %add3A_9 {offsets = [0, 7552], sizes = [16, 128], strides = [1, 1]} : vector<16x16000xf32> to vector<16x128xf32>
    %swap3A_422 = arith.constant 59 : index
    %swap3A_423 = arith.constant 0 : index
    %swap3A_424 = arith.constant 0 : index
    %swap3A_425 = vector.load %arg4[%swap3A_422, %swap3A_423, %swap3A_424] : memref<125x16x128xf32, #tpu.memory_space<vmem>>, vector<1x16x128xf32>
    %swap3A_426 = vector.shape_cast %swap3A_425 : vector<1x16x128xf32> to vector<16x128xf32>
    %swap3A_427 = vector.shape_cast %slice3A_421 : vector<16x128xf32> to vector<1x16x128xf32>
    tpu.vector_store %arg4[%swap3A_422, %swap3A_423, %swap3A_424], %swap3A_427 {strides = array<i32>} : memref<125x16x128xf32, #tpu.memory_space<vmem>>, vector<1x16x128xf32>,
    %slice3A_428 = vector.extract_strided_slice %add3A_9 {offsets = [0, 7680], sizes = [16, 128], strides = [1, 1]} : vector<16x16000xf32> to vector<16x128xf32>
    %swap3A_429 = arith.constant 60 : index
    %swap3A_430 = arith.constant 0 : index
    %swap3A_431 = arith.constant 0 : index
    %swap3A_432 = vector.load %arg4[%swap3A_429, %swap3A_430, %swap3A_431] : memref<125x16x128xf32, #tpu.memory_space<vmem>>, vector<1x16x128xf32>
    %swap3A_433 = vector.shape_cast %swap3A_432 : vector<1x16x128xf32> to vector<16x128xf32>
    %swap3A_434 = vector.shape_cast %slice3A_428 : vector<16x128xf32> to vector<1x16x128xf32>
    tpu.vector_store %arg4[%swap3A_429, %swap3A_430, %swap3A_431], %swap3A_434 {strides = array<i32>} : memref<125x16x128xf32, #tpu.memory_space<vmem>>, vector<1x16x128xf32>,
    %slice3A_435 = vector.extract_strided_slice %add3A_9 {offsets = [0, 7808], sizes = [16, 128], strides = [1, 1]} : vector<16x16000xf32> to vector<16x128xf32>
    %swap3A_436 = arith.constant 61 : index
    %swap3A_437 = arith.constant 0 : index
    %swap3A_438 = arith.constant 0 : index
    %swap3A_439 = vector.load %arg4[%swap3A_436, %swap3A_437, %swap3A_438] : memref<125x16x128xf32, #tpu.memory_space<vmem>>, vector<1x16x128xf32>
    %swap3A_440 = vector.shape_cast %swap3A_439 : vector<1x16x128xf32> to vector<16x128xf32>
    %swap3A_441 = vector.shape_cast %slice3A_435 : vector<16x128xf32> to vector<1x16x128xf32>
    tpu.vector_store %arg4[%swap3A_436, %swap3A_437, %swap3A_438], %swap3A_441 {strides = array<i32>} : memref<125x16x128xf32, #tpu.memory_space<vmem>>, vector<1x16x128xf32>,
    %slice3A_442 = vector.extract_strided_slice %add3A_9 {offsets = [0, 7936], sizes = [16, 128], strides = [1, 1]} : vector<16x16000xf32> to vector<16x128xf32>
    %swap3A_443 = arith.constant 62 : index
    %swap3A_444 = arith.constant 0 : index
    %swap3A_445 = arith.constant 0 : index
    %swap3A_446 = vector.load %arg4[%swap3A_443, %swap3A_444, %swap3A_445] : memref<125x16x128xf32, #tpu.memory_space<vmem>>, vector<1x16x128xf32>
    %swap3A_447 = vector.shape_cast %swap3A_446 : vector<1x16x128xf32> to vector<16x128xf32>
    %swap3A_448 = vector.shape_cast %slice3A_442 : vector<16x128xf32> to vector<1x16x128xf32>
    tpu.vector_store %arg4[%swap3A_443, %swap3A_444, %swap3A_445], %swap3A_448 {strides = array<i32>} : memref<125x16x128xf32, #tpu.memory_space<vmem>>, vector<1x16x128xf32>,
    %slice3A_449 = vector.extract_strided_slice %add3A_9 {offsets = [0, 8064], sizes = [16, 128], strides = [1, 1]} : vector<16x16000xf32> to vector<16x128xf32>
    %swap3A_450 = arith.constant 63 : index
    %swap3A_451 = arith.constant 0 : index
    %swap3A_452 = arith.constant 0 : index
    %swap3A_453 = vector.load %arg4[%swap3A_450, %swap3A_451, %swap3A_452] : memref<125x16x128xf32, #tpu.memory_space<vmem>>, vector<1x16x128xf32>
    %swap3A_454 = vector.shape_cast %swap3A_453 : vector<1x16x128xf32> to vector<16x128xf32>
    %swap3A_455 = vector.shape_cast %slice3A_449 : vector<16x128xf32> to vector<1x16x128xf32>
    tpu.vector_store %arg4[%swap3A_450, %swap3A_451, %swap3A_452], %swap3A_455 {strides = array<i32>} : memref<125x16x128xf32, #tpu.memory_space<vmem>>, vector<1x16x128xf32>,
    %slice3A_456 = vector.extract_strided_slice %add3A_9 {offsets = [0, 8192], sizes = [16, 128], strides = [1, 1]} : vector<16x16000xf32> to vector<16x128xf32>
    %swap3A_457 = arith.constant 64 : index
    %swap3A_458 = arith.constant 0 : index
    %swap3A_459 = arith.constant 0 : index
    %swap3A_460 = vector.load %arg4[%swap3A_457, %swap3A_458, %swap3A_459] : memref<125x16x128xf32, #tpu.memory_space<vmem>>, vector<1x16x128xf32>
    %swap3A_461 = vector.shape_cast %swap3A_460 : vector<1x16x128xf32> to vector<16x128xf32>
    %swap3A_462 = vector.shape_cast %slice3A_456 : vector<16x128xf32> to vector<1x16x128xf32>
    tpu.vector_store %arg4[%swap3A_457, %swap3A_458, %swap3A_459], %swap3A_462 {strides = array<i32>} : memref<125x16x128xf32, #tpu.memory_space<vmem>>, vector<1x16x128xf32>,
    %slice3A_463 = vector.extract_strided_slice %add3A_9 {offsets = [0, 8320], sizes = [16, 128], strides = [1, 1]} : vector<16x16000xf32> to vector<16x128xf32>
    %swap3A_464 = arith.constant 65 : index
    %swap3A_465 = arith.constant 0 : index
    %swap3A_466 = arith.constant 0 : index
    %swap3A_467 = vector.load %arg4[%swap3A_464, %swap3A_465, %swap3A_466] : memref<125x16x128xf32, #tpu.memory_space<vmem>>, vector<1x16x128xf32>
    %swap3A_468 = vector.shape_cast %swap3A_467 : vector<1x16x128xf32> to vector<16x128xf32>
    %swap3A_469 = vector.shape_cast %slice3A_463 : vector<16x128xf32> to vector<1x16x128xf32>
    tpu.vector_store %arg4[%swap3A_464, %swap3A_465, %swap3A_466], %swap3A_469 {strides = array<i32>} : memref<125x16x128xf32, #tpu.memory_space<vmem>>, vector<1x16x128xf32>,
    %slice3A_470 = vector.extract_strided_slice %add3A_9 {offsets = [0, 8448], sizes = [16, 128], strides = [1, 1]} : vector<16x16000xf32> to vector<16x128xf32>
    %swap3A_471 = arith.constant 66 : index
    %swap3A_472 = arith.constant 0 : index
    %swap3A_473 = arith.constant 0 : index
    %swap3A_474 = vector.load %arg4[%swap3A_471, %swap3A_472, %swap3A_473] : memref<125x16x128xf32, #tpu.memory_space<vmem>>, vector<1x16x128xf32>
    %swap3A_475 = vector.shape_cast %swap3A_474 : vector<1x16x128xf32> to vector<16x128xf32>
    %swap3A_476 = vector.shape_cast %slice3A_470 : vector<16x128xf32> to vector<1x16x128xf32>
    tpu.vector_store %arg4[%swap3A_471, %swap3A_472, %swap3A_473], %swap3A_476 {strides = array<i32>} : memref<125x16x128xf32, #tpu.memory_space<vmem>>, vector<1x16x128xf32>,
    %slice3A_477 = vector.extract_strided_slice %add3A_9 {offsets = [0, 8576], sizes = [16, 128], strides = [1, 1]} : vector<16x16000xf32> to vector<16x128xf32>
    %swap3A_478 = arith.constant 67 : index
    %swap3A_479 = arith.constant 0 : index
    %swap3A_480 = arith.constant 0 : index
    %swap3A_481 = vector.load %arg4[%swap3A_478, %swap3A_479, %swap3A_480] : memref<125x16x128xf32, #tpu.memory_space<vmem>>, vector<1x16x128xf32>
    %swap3A_482 = vector.shape_cast %swap3A_481 : vector<1x16x128xf32> to vector<16x128xf32>
    %swap3A_483 = vector.shape_cast %slice3A_477 : vector<16x128xf32> to vector<1x16x128xf32>
    tpu.vector_store %arg4[%swap3A_478, %swap3A_479, %swap3A_480], %swap3A_483 {strides = array<i32>} : memref<125x16x128xf32, #tpu.memory_space<vmem>>, vector<1x16x128xf32>,
    %slice3A_484 = vector.extract_strided_slice %add3A_9 {offsets = [0, 8704], sizes = [16, 128], strides = [1, 1]} : vector<16x16000xf32> to vector<16x128xf32>
    %swap3A_485 = arith.constant 68 : index
    %swap3A_486 = arith.constant 0 : index
    %swap3A_487 = arith.constant 0 : index
    %swap3A_488 = vector.load %arg4[%swap3A_485, %swap3A_486, %swap3A_487] : memref<125x16x128xf32, #tpu.memory_space<vmem>>, vector<1x16x128xf32>
    %swap3A_489 = vector.shape_cast %swap3A_488 : vector<1x16x128xf32> to vector<16x128xf32>
    %swap3A_490 = vector.shape_cast %slice3A_484 : vector<16x128xf32> to vector<1x16x128xf32>
    tpu.vector_store %arg4[%swap3A_485, %swap3A_486, %swap3A_487], %swap3A_490 {strides = array<i32>} : memref<125x16x128xf32, #tpu.memory_space<vmem>>, vector<1x16x128xf32>,
    %slice3A_491 = vector.extract_strided_slice %add3A_9 {offsets = [0, 8832], sizes = [16, 128], strides = [1, 1]} : vector<16x16000xf32> to vector<16x128xf32>
    %swap3A_492 = arith.constant 69 : index
    %swap3A_493 = arith.constant 0 : index
    %swap3A_494 = arith.constant 0 : index
    %swap3A_495 = vector.load %arg4[%swap3A_492, %swap3A_493, %swap3A_494] : memref<125x16x128xf32, #tpu.memory_space<vmem>>, vector<1x16x128xf32>
    %swap3A_496 = vector.shape_cast %swap3A_495 : vector<1x16x128xf32> to vector<16x128xf32>
    %swap3A_497 = vector.shape_cast %slice3A_491 : vector<16x128xf32> to vector<1x16x128xf32>
    tpu.vector_store %arg4[%swap3A_492, %swap3A_493, %swap3A_494], %swap3A_497 {strides = array<i32>} : memref<125x16x128xf32, #tpu.memory_space<vmem>>, vector<1x16x128xf32>,
    %slice3A_498 = vector.extract_strided_slice %add3A_9 {offsets = [0, 8960], sizes = [16, 128], strides = [1, 1]} : vector<16x16000xf32> to vector<16x128xf32>
    %swap3A_499 = arith.constant 70 : index
    %swap3A_500 = arith.constant 0 : index
    %swap3A_501 = arith.constant 0 : index
    %swap3A_502 = vector.load %arg4[%swap3A_499, %swap3A_500, %swap3A_501] : memref<125x16x128xf32, #tpu.memory_space<vmem>>, vector<1x16x128xf32>
    %swap3A_503 = vector.shape_cast %swap3A_502 : vector<1x16x128xf32> to vector<16x128xf32>
    %swap3A_504 = vector.shape_cast %slice3A_498 : vector<16x128xf32> to vector<1x16x128xf32>
    tpu.vector_store %arg4[%swap3A_499, %swap3A_500, %swap3A_501], %swap3A_504 {strides = array<i32>} : memref<125x16x128xf32, #tpu.memory_space<vmem>>, vector<1x16x128xf32>,
    %slice3A_505 = vector.extract_strided_slice %add3A_9 {offsets = [0, 9088], sizes = [16, 128], strides = [1, 1]} : vector<16x16000xf32> to vector<16x128xf32>
    %swap3A_506 = arith.constant 71 : index
    %swap3A_507 = arith.constant 0 : index
    %swap3A_508 = arith.constant 0 : index
    %swap3A_509 = vector.load %arg4[%swap3A_506, %swap3A_507, %swap3A_508] : memref<125x16x128xf32, #tpu.memory_space<vmem>>, vector<1x16x128xf32>
    %swap3A_510 = vector.shape_cast %swap3A_509 : vector<1x16x128xf32> to vector<16x128xf32>
    %swap3A_511 = vector.shape_cast %slice3A_505 : vector<16x128xf32> to vector<1x16x128xf32>
    tpu.vector_store %arg4[%swap3A_506, %swap3A_507, %swap3A_508], %swap3A_511 {strides = array<i32>} : memref<125x16x128xf32, #tpu.memory_space<vmem>>, vector<1x16x128xf32>,
    %slice3A_512 = vector.extract_strided_slice %add3A_9 {offsets = [0, 9216], sizes = [16, 128], strides = [1, 1]} : vector<16x16000xf32> to vector<16x128xf32>
    %swap3A_513 = arith.constant 72 : index
    %swap3A_514 = arith.constant 0 : index
    %swap3A_515 = arith.constant 0 : index
    %swap3A_516 = vector.load %arg4[%swap3A_513, %swap3A_514, %swap3A_515] : memref<125x16x128xf32, #tpu.memory_space<vmem>>, vector<1x16x128xf32>
    %swap3A_517 = vector.shape_cast %swap3A_516 : vector<1x16x128xf32> to vector<16x128xf32>
    %swap3A_518 = vector.shape_cast %slice3A_512 : vector<16x128xf32> to vector<1x16x128xf32>
    tpu.vector_store %arg4[%swap3A_513, %swap3A_514, %swap3A_515], %swap3A_518 {strides = array<i32>} : memref<125x16x128xf32, #tpu.memory_space<vmem>>, vector<1x16x128xf32>,
    %slice3A_519 = vector.extract_strided_slice %add3A_9 {offsets = [0, 9344], sizes = [16, 128], strides = [1, 1]} : vector<16x16000xf32> to vector<16x128xf32>
    %swap3A_520 = arith.constant 73 : index
    %swap3A_521 = arith.constant 0 : index
    %swap3A_522 = arith.constant 0 : index
    %swap3A_523 = vector.load %arg4[%swap3A_520, %swap3A_521, %swap3A_522] : memref<125x16x128xf32, #tpu.memory_space<vmem>>, vector<1x16x128xf32>
    %swap3A_524 = vector.shape_cast %swap3A_523 : vector<1x16x128xf32> to vector<16x128xf32>
    %swap3A_525 = vector.shape_cast %slice3A_519 : vector<16x128xf32> to vector<1x16x128xf32>
    tpu.vector_store %arg4[%swap3A_520, %swap3A_521, %swap3A_522], %swap3A_525 {strides = array<i32>} : memref<125x16x128xf32, #tpu.memory_space<vmem>>, vector<1x16x128xf32>,
    %slice3A_526 = vector.extract_strided_slice %add3A_9 {offsets = [0, 9472], sizes = [16, 128], strides = [1, 1]} : vector<16x16000xf32> to vector<16x128xf32>
    %swap3A_527 = arith.constant 74 : index
    %swap3A_528 = arith.constant 0 : index
    %swap3A_529 = arith.constant 0 : index
    %swap3A_530 = vector.load %arg4[%swap3A_527, %swap3A_528, %swap3A_529] : memref<125x16x128xf32, #tpu.memory_space<vmem>>, vector<1x16x128xf32>
    %swap3A_531 = vector.shape_cast %swap3A_530 : vector<1x16x128xf32> to vector<16x128xf32>
    %swap3A_532 = vector.shape_cast %slice3A_526 : vector<16x128xf32> to vector<1x16x128xf32>
    tpu.vector_store %arg4[%swap3A_527, %swap3A_528, %swap3A_529], %swap3A_532 {strides = array<i32>} : memref<125x16x128xf32, #tpu.memory_space<vmem>>, vector<1x16x128xf32>,
    %slice3A_533 = vector.extract_strided_slice %add3A_9 {offsets = [0, 9600], sizes = [16, 128], strides = [1, 1]} : vector<16x16000xf32> to vector<16x128xf32>
    %swap3A_534 = arith.constant 75 : index
    %swap3A_535 = arith.constant 0 : index
    %swap3A_536 = arith.constant 0 : index
    %swap3A_537 = vector.load %arg4[%swap3A_534, %swap3A_535, %swap3A_536] : memref<125x16x128xf32, #tpu.memory_space<vmem>>, vector<1x16x128xf32>
    %swap3A_538 = vector.shape_cast %swap3A_537 : vector<1x16x128xf32> to vector<16x128xf32>
    %swap3A_539 = vector.shape_cast %slice3A_533 : vector<16x128xf32> to vector<1x16x128xf32>
    tpu.vector_store %arg4[%swap3A_534, %swap3A_535, %swap3A_536], %swap3A_539 {strides = array<i32>} : memref<125x16x128xf32, #tpu.memory_space<vmem>>, vector<1x16x128xf32>,
    %slice3A_540 = vector.extract_strided_slice %add3A_9 {offsets = [0, 9728], sizes = [16, 128], strides = [1, 1]} : vector<16x16000xf32> to vector<16x128xf32>
    %swap3A_541 = arith.constant 76 : index
    %swap3A_542 = arith.constant 0 : index
    %swap3A_543 = arith.constant 0 : index
    %swap3A_544 = vector.load %arg4[%swap3A_541, %swap3A_542, %swap3A_543] : memref<125x16x128xf32, #tpu.memory_space<vmem>>, vector<1x16x128xf32>
    %swap3A_545 = vector.shape_cast %swap3A_544 : vector<1x16x128xf32> to vector<16x128xf32>
    %swap3A_546 = vector.shape_cast %slice3A_540 : vector<16x128xf32> to vector<1x16x128xf32>
    tpu.vector_store %arg4[%swap3A_541, %swap3A_542, %swap3A_543], %swap3A_546 {strides = array<i32>} : memref<125x16x128xf32, #tpu.memory_space<vmem>>, vector<1x16x128xf32>,
    %slice3A_547 = vector.extract_strided_slice %add3A_9 {offsets = [0, 9856], sizes = [16, 128], strides = [1, 1]} : vector<16x16000xf32> to vector<16x128xf32>
    %swap3A_548 = arith.constant 77 : index
    %swap3A_549 = arith.constant 0 : index
    %swap3A_550 = arith.constant 0 : index
    %swap3A_551 = vector.load %arg4[%swap3A_548, %swap3A_549, %swap3A_550] : memref<125x16x128xf32, #tpu.memory_space<vmem>>, vector<1x16x128xf32>
    %swap3A_552 = vector.shape_cast %swap3A_551 : vector<1x16x128xf32> to vector<16x128xf32>
    %swap3A_553 = vector.shape_cast %slice3A_547 : vector<16x128xf32> to vector<1x16x128xf32>
    tpu.vector_store %arg4[%swap3A_548, %swap3A_549, %swap3A_550], %swap3A_553 {strides = array<i32>} : memref<125x16x128xf32, #tpu.memory_space<vmem>>, vector<1x16x128xf32>,
    %slice3A_554 = vector.extract_strided_slice %add3A_9 {offsets = [0, 9984], sizes = [16, 128], strides = [1, 1]} : vector<16x16000xf32> to vector<16x128xf32>
    %swap3A_555 = arith.constant 78 : index
    %swap3A_556 = arith.constant 0 : index
    %swap3A_557 = arith.constant 0 : index
    %swap3A_558 = vector.load %arg4[%swap3A_555, %swap3A_556, %swap3A_557] : memref<125x16x128xf32, #tpu.memory_space<vmem>>, vector<1x16x128xf32>
    %swap3A_559 = vector.shape_cast %swap3A_558 : vector<1x16x128xf32> to vector<16x128xf32>
    %swap3A_560 = vector.shape_cast %slice3A_554 : vector<16x128xf32> to vector<1x16x128xf32>
    tpu.vector_store %arg4[%swap3A_555, %swap3A_556, %swap3A_557], %swap3A_560 {strides = array<i32>} : memref<125x16x128xf32, #tpu.memory_space<vmem>>, vector<1x16x128xf32>,
    %slice3A_561 = vector.extract_strided_slice %add3A_9 {offsets = [0, 10112], sizes = [16, 128], strides = [1, 1]} : vector<16x16000xf32> to vector<16x128xf32>
    %swap3A_562 = arith.constant 79 : index
    %swap3A_563 = arith.constant 0 : index
    %swap3A_564 = arith.constant 0 : index
    %swap3A_565 = vector.load %arg4[%swap3A_562, %swap3A_563, %swap3A_564] : memref<125x16x128xf32, #tpu.memory_space<vmem>>, vector<1x16x128xf32>
    %swap3A_566 = vector.shape_cast %swap3A_565 : vector<1x16x128xf32> to vector<16x128xf32>
    %swap3A_567 = vector.shape_cast %slice3A_561 : vector<16x128xf32> to vector<1x16x128xf32>
    tpu.vector_store %arg4[%swap3A_562, %swap3A_563, %swap3A_564], %swap3A_567 {strides = array<i32>} : memref<125x16x128xf32, #tpu.memory_space<vmem>>, vector<1x16x128xf32>,
    %slice3A_568 = vector.extract_strided_slice %add3A_9 {offsets = [0, 10240], sizes = [16, 128], strides = [1, 1]} : vector<16x16000xf32> to vector<16x128xf32>
    %swap3A_569 = arith.constant 80 : index
    %swap3A_570 = arith.constant 0 : index
    %swap3A_571 = arith.constant 0 : index
    %swap3A_572 = vector.load %arg4[%swap3A_569, %swap3A_570, %swap3A_571] : memref<125x16x128xf32, #tpu.memory_space<vmem>>, vector<1x16x128xf32>
    %swap3A_573 = vector.shape_cast %swap3A_572 : vector<1x16x128xf32> to vector<16x128xf32>
    %swap3A_574 = vector.shape_cast %slice3A_568 : vector<16x128xf32> to vector<1x16x128xf32>
    tpu.vector_store %arg4[%swap3A_569, %swap3A_570, %swap3A_571], %swap3A_574 {strides = array<i32>} : memref<125x16x128xf32, #tpu.memory_space<vmem>>, vector<1x16x128xf32>,
    %slice3A_575 = vector.extract_strided_slice %add3A_9 {offsets = [0, 10368], sizes = [16, 128], strides = [1, 1]} : vector<16x16000xf32> to vector<16x128xf32>
    %swap3A_576 = arith.constant 81 : index
    %swap3A_577 = arith.constant 0 : index
    %swap3A_578 = arith.constant 0 : index
    %swap3A_579 = vector.load %arg4[%swap3A_576, %swap3A_577, %swap3A_578] : memref<125x16x128xf32, #tpu.memory_space<vmem>>, vector<1x16x128xf32>
    %swap3A_580 = vector.shape_cast %swap3A_579 : vector<1x16x128xf32> to vector<16x128xf32>
    %swap3A_581 = vector.shape_cast %slice3A_575 : vector<16x128xf32> to vector<1x16x128xf32>
    tpu.vector_store %arg4[%swap3A_576, %swap3A_577, %swap3A_578], %swap3A_581 {strides = array<i32>} : memref<125x16x128xf32, #tpu.memory_space<vmem>>, vector<1x16x128xf32>,
    %slice3A_582 = vector.extract_strided_slice %add3A_9 {offsets = [0, 10496], sizes = [16, 128], strides = [1, 1]} : vector<16x16000xf32> to vector<16x128xf32>
    %swap3A_583 = arith.constant 82 : index
    %swap3A_584 = arith.constant 0 : index
    %swap3A_585 = arith.constant 0 : index
    %swap3A_586 = vector.load %arg4[%swap3A_583, %swap3A_584, %swap3A_585] : memref<125x16x128xf32, #tpu.memory_space<vmem>>, vector<1x16x128xf32>
    %swap3A_587 = vector.shape_cast %swap3A_586 : vector<1x16x128xf32> to vector<16x128xf32>
    %swap3A_588 = vector.shape_cast %slice3A_582 : vector<16x128xf32> to vector<1x16x128xf32>
    tpu.vector_store %arg4[%swap3A_583, %swap3A_584, %swap3A_585], %swap3A_588 {strides = array<i32>} : memref<125x16x128xf32, #tpu.memory_space<vmem>>, vector<1x16x128xf32>,
    %slice3A_589 = vector.extract_strided_slice %add3A_9 {offsets = [0, 10624], sizes = [16, 128], strides = [1, 1]} : vector<16x16000xf32> to vector<16x128xf32>
    %swap3A_590 = arith.constant 83 : index
    %swap3A_591 = arith.constant 0 : index
    %swap3A_592 = arith.constant 0 : index
    %swap3A_593 = vector.load %arg4[%swap3A_590, %swap3A_591, %swap3A_592] : memref<125x16x128xf32, #tpu.memory_space<vmem>>, vector<1x16x128xf32>
    %swap3A_594 = vector.shape_cast %swap3A_593 : vector<1x16x128xf32> to vector<16x128xf32>
    %swap3A_595 = vector.shape_cast %slice3A_589 : vector<16x128xf32> to vector<1x16x128xf32>
    tpu.vector_store %arg4[%swap3A_590, %swap3A_591, %swap3A_592], %swap3A_595 {strides = array<i32>} : memref<125x16x128xf32, #tpu.memory_space<vmem>>, vector<1x16x128xf32>,
    %slice3A_596 = vector.extract_strided_slice %add3A_9 {offsets = [0, 10752], sizes = [16, 128], strides = [1, 1]} : vector<16x16000xf32> to vector<16x128xf32>
    %swap3A_597 = arith.constant 84 : index
    %swap3A_598 = arith.constant 0 : index
    %swap3A_599 = arith.constant 0 : index
    %swap3A_600 = vector.load %arg4[%swap3A_597, %swap3A_598, %swap3A_599] : memref<125x16x128xf32, #tpu.memory_space<vmem>>, vector<1x16x128xf32>
    %swap3A_601 = vector.shape_cast %swap3A_600 : vector<1x16x128xf32> to vector<16x128xf32>
    %swap3A_602 = vector.shape_cast %slice3A_596 : vector<16x128xf32> to vector<1x16x128xf32>
    tpu.vector_store %arg4[%swap3A_597, %swap3A_598, %swap3A_599], %swap3A_602 {strides = array<i32>} : memref<125x16x128xf32, #tpu.memory_space<vmem>>, vector<1x16x128xf32>,
    %slice3A_603 = vector.extract_strided_slice %add3A_9 {offsets = [0, 10880], sizes = [16, 128], strides = [1, 1]} : vector<16x16000xf32> to vector<16x128xf32>
    %swap3A_604 = arith.constant 85 : index
    %swap3A_605 = arith.constant 0 : index
    %swap3A_606 = arith.constant 0 : index
    %swap3A_607 = vector.load %arg4[%swap3A_604, %swap3A_605, %swap3A_606] : memref<125x16x128xf32, #tpu.memory_space<vmem>>, vector<1x16x128xf32>
    %swap3A_608 = vector.shape_cast %swap3A_607 : vector<1x16x128xf32> to vector<16x128xf32>
    %swap3A_609 = vector.shape_cast %slice3A_603 : vector<16x128xf32> to vector<1x16x128xf32>
    tpu.vector_store %arg4[%swap3A_604, %swap3A_605, %swap3A_606], %swap3A_609 {strides = array<i32>} : memref<125x16x128xf32, #tpu.memory_space<vmem>>, vector<1x16x128xf32>,
    %slice3A_610 = vector.extract_strided_slice %add3A_9 {offsets = [0, 11008], sizes = [16, 128], strides = [1, 1]} : vector<16x16000xf32> to vector<16x128xf32>
    %swap3A_611 = arith.constant 86 : index
    %swap3A_612 = arith.constant 0 : index
    %swap3A_613 = arith.constant 0 : index
    %swap3A_614 = vector.load %arg4[%swap3A_611, %swap3A_612, %swap3A_613] : memref<125x16x128xf32, #tpu.memory_space<vmem>>, vector<1x16x128xf32>
    %swap3A_615 = vector.shape_cast %swap3A_614 : vector<1x16x128xf32> to vector<16x128xf32>
    %swap3A_616 = vector.shape_cast %slice3A_610 : vector<16x128xf32> to vector<1x16x128xf32>
    tpu.vector_store %arg4[%swap3A_611, %swap3A_612, %swap3A_613], %swap3A_616 {strides = array<i32>} : memref<125x16x128xf32, #tpu.memory_space<vmem>>, vector<1x16x128xf32>,
    %slice3A_617 = vector.extract_strided_slice %add3A_9 {offsets = [0, 11136], sizes = [16, 128], strides = [1, 1]} : vector<16x16000xf32> to vector<16x128xf32>
    %swap3A_618 = arith.constant 87 : index
    %swap3A_619 = arith.constant 0 : index
    %swap3A_620 = arith.constant 0 : index
    %swap3A_621 = vector.load %arg4[%swap3A_618, %swap3A_619, %swap3A_620] : memref<125x16x128xf32, #tpu.memory_space<vmem>>, vector<1x16x128xf32>
    %swap3A_622 = vector.shape_cast %swap3A_621 : vector<1x16x128xf32> to vector<16x128xf32>
    %swap3A_623 = vector.shape_cast %slice3A_617 : vector<16x128xf32> to vector<1x16x128xf32>
    tpu.vector_store %arg4[%swap3A_618, %swap3A_619, %swap3A_620], %swap3A_623 {strides = array<i32>} : memref<125x16x128xf32, #tpu.memory_space<vmem>>, vector<1x16x128xf32>,
    %slice3A_624 = vector.extract_strided_slice %add3A_9 {offsets = [0, 11264], sizes = [16, 128], strides = [1, 1]} : vector<16x16000xf32> to vector<16x128xf32>
    %swap3A_625 = arith.constant 88 : index
    %swap3A_626 = arith.constant 0 : index
    %swap3A_627 = arith.constant 0 : index
    %swap3A_628 = vector.load %arg4[%swap3A_625, %swap3A_626, %swap3A_627] : memref<125x16x128xf32, #tpu.memory_space<vmem>>, vector<1x16x128xf32>
    %swap3A_629 = vector.shape_cast %swap3A_628 : vector<1x16x128xf32> to vector<16x128xf32>
    %swap3A_630 = vector.shape_cast %slice3A_624 : vector<16x128xf32> to vector<1x16x128xf32>
    tpu.vector_store %arg4[%swap3A_625, %swap3A_626, %swap3A_627], %swap3A_630 {strides = array<i32>} : memref<125x16x128xf32, #tpu.memory_space<vmem>>, vector<1x16x128xf32>,
    %slice3A_631 = vector.extract_strided_slice %add3A_9 {offsets = [0, 11392], sizes = [16, 128], strides = [1, 1]} : vector<16x16000xf32> to vector<16x128xf32>
    %swap3A_632 = arith.constant 89 : index
    %swap3A_633 = arith.constant 0 : index
    %swap3A_634 = arith.constant 0 : index
    %swap3A_635 = vector.load %arg4[%swap3A_632, %swap3A_633, %swap3A_634] : memref<125x16x128xf32, #tpu.memory_space<vmem>>, vector<1x16x128xf32>
    %swap3A_636 = vector.shape_cast %swap3A_635 : vector<1x16x128xf32> to vector<16x128xf32>
    %swap3A_637 = vector.shape_cast %slice3A_631 : vector<16x128xf32> to vector<1x16x128xf32>
    tpu.vector_store %arg4[%swap3A_632, %swap3A_633, %swap3A_634], %swap3A_637 {strides = array<i32>} : memref<125x16x128xf32, #tpu.memory_space<vmem>>, vector<1x16x128xf32>,
    %slice3A_638 = vector.extract_strided_slice %add3A_9 {offsets = [0, 11520], sizes = [16, 128], strides = [1, 1]} : vector<16x16000xf32> to vector<16x128xf32>
    %swap3A_639 = arith.constant 90 : index
    %swap3A_640 = arith.constant 0 : index
    %swap3A_641 = arith.constant 0 : index
    %swap3A_642 = vector.load %arg4[%swap3A_639, %swap3A_640, %swap3A_641] : memref<125x16x128xf32, #tpu.memory_space<vmem>>, vector<1x16x128xf32>
    %swap3A_643 = vector.shape_cast %swap3A_642 : vector<1x16x128xf32> to vector<16x128xf32>
    %swap3A_644 = vector.shape_cast %slice3A_638 : vector<16x128xf32> to vector<1x16x128xf32>
    tpu.vector_store %arg4[%swap3A_639, %swap3A_640, %swap3A_641], %swap3A_644 {strides = array<i32>} : memref<125x16x128xf32, #tpu.memory_space<vmem>>, vector<1x16x128xf32>,
    %slice3A_645 = vector.extract_strided_slice %add3A_9 {offsets = [0, 11648], sizes = [16, 128], strides = [1, 1]} : vector<16x16000xf32> to vector<16x128xf32>
    %swap3A_646 = arith.constant 91 : index
    %swap3A_647 = arith.constant 0 : index
    %swap3A_648 = arith.constant 0 : index
    %swap3A_649 = vector.load %arg4[%swap3A_646, %swap3A_647, %swap3A_648] : memref<125x16x128xf32, #tpu.memory_space<vmem>>, vector<1x16x128xf32>
    %swap3A_650 = vector.shape_cast %swap3A_649 : vector<1x16x128xf32> to vector<16x128xf32>
    %swap3A_651 = vector.shape_cast %slice3A_645 : vector<16x128xf32> to vector<1x16x128xf32>
    tpu.vector_store %arg4[%swap3A_646, %swap3A_647, %swap3A_648], %swap3A_651 {strides = array<i32>} : memref<125x16x128xf32, #tpu.memory_space<vmem>>, vector<1x16x128xf32>,
    %slice3A_652 = vector.extract_strided_slice %add3A_9 {offsets = [0, 11776], sizes = [16, 128], strides = [1, 1]} : vector<16x16000xf32> to vector<16x128xf32>
    %swap3A_653 = arith.constant 92 : index
    %swap3A_654 = arith.constant 0 : index
    %swap3A_655 = arith.constant 0 : index
    %swap3A_656 = vector.load %arg4[%swap3A_653, %swap3A_654, %swap3A_655] : memref<125x16x128xf32, #tpu.memory_space<vmem>>, vector<1x16x128xf32>
    %swap3A_657 = vector.shape_cast %swap3A_656 : vector<1x16x128xf32> to vector<16x128xf32>
    %swap3A_658 = vector.shape_cast %slice3A_652 : vector<16x128xf32> to vector<1x16x128xf32>
    tpu.vector_store %arg4[%swap3A_653, %swap3A_654, %swap3A_655], %swap3A_658 {strides = array<i32>} : memref<125x16x128xf32, #tpu.memory_space<vmem>>, vector<1x16x128xf32>,
    %slice3A_659 = vector.extract_strided_slice %add3A_9 {offsets = [0, 11904], sizes = [16, 128], strides = [1, 1]} : vector<16x16000xf32> to vector<16x128xf32>
    %swap3A_660 = arith.constant 93 : index
    %swap3A_661 = arith.constant 0 : index
    %swap3A_662 = arith.constant 0 : index
    %swap3A_663 = vector.load %arg4[%swap3A_660, %swap3A_661, %swap3A_662] : memref<125x16x128xf32, #tpu.memory_space<vmem>>, vector<1x16x128xf32>
    %swap3A_664 = vector.shape_cast %swap3A_663 : vector<1x16x128xf32> to vector<16x128xf32>
    %swap3A_665 = vector.shape_cast %slice3A_659 : vector<16x128xf32> to vector<1x16x128xf32>
    tpu.vector_store %arg4[%swap3A_660, %swap3A_661, %swap3A_662], %swap3A_665 {strides = array<i32>} : memref<125x16x128xf32, #tpu.memory_space<vmem>>, vector<1x16x128xf32>,
    %slice3A_666 = vector.extract_strided_slice %add3A_9 {offsets = [0, 12032], sizes = [16, 128], strides = [1, 1]} : vector<16x16000xf32> to vector<16x128xf32>
    %swap3A_667 = arith.constant 94 : index
    %swap3A_668 = arith.constant 0 : index
    %swap3A_669 = arith.constant 0 : index
    %swap3A_670 = vector.load %arg4[%swap3A_667, %swap3A_668, %swap3A_669] : memref<125x16x128xf32, #tpu.memory_space<vmem>>, vector<1x16x128xf32>
    %swap3A_671 = vector.shape_cast %swap3A_670 : vector<1x16x128xf32> to vector<16x128xf32>
    %swap3A_672 = vector.shape_cast %slice3A_666 : vector<16x128xf32> to vector<1x16x128xf32>
    tpu.vector_store %arg4[%swap3A_667, %swap3A_668, %swap3A_669], %swap3A_672 {strides = array<i32>} : memref<125x16x128xf32, #tpu.memory_space<vmem>>, vector<1x16x128xf32>,
    %slice3A_673 = vector.extract_strided_slice %add3A_9 {offsets = [0, 12160], sizes = [16, 128], strides = [1, 1]} : vector<16x16000xf32> to vector<16x128xf32>
    %swap3A_674 = arith.constant 95 : index
    %swap3A_675 = arith.constant 0 : index
    %swap3A_676 = arith.constant 0 : index
    %swap3A_677 = vector.load %arg4[%swap3A_674, %swap3A_675, %swap3A_676] : memref<125x16x128xf32, #tpu.memory_space<vmem>>, vector<1x16x128xf32>
    %swap3A_678 = vector.shape_cast %swap3A_677 : vector<1x16x128xf32> to vector<16x128xf32>
    %swap3A_679 = vector.shape_cast %slice3A_673 : vector<16x128xf32> to vector<1x16x128xf32>
    tpu.vector_store %arg4[%swap3A_674, %swap3A_675, %swap3A_676], %swap3A_679 {strides = array<i32>} : memref<125x16x128xf32, #tpu.memory_space<vmem>>, vector<1x16x128xf32>,
    %slice3A_680 = vector.extract_strided_slice %add3A_9 {offsets = [0, 12288], sizes = [16, 128], strides = [1, 1]} : vector<16x16000xf32> to vector<16x128xf32>
    %swap3A_681 = arith.constant 96 : index
    %swap3A_682 = arith.constant 0 : index
    %swap3A_683 = arith.constant 0 : index
    %swap3A_684 = vector.load %arg4[%swap3A_681, %swap3A_682, %swap3A_683] : memref<125x16x128xf32, #tpu.memory_space<vmem>>, vector<1x16x128xf32>
    %swap3A_685 = vector.shape_cast %swap3A_684 : vector<1x16x128xf32> to vector<16x128xf32>
    %swap3A_686 = vector.shape_cast %slice3A_680 : vector<16x128xf32> to vector<1x16x128xf32>
    tpu.vector_store %arg4[%swap3A_681, %swap3A_682, %swap3A_683], %swap3A_686 {strides = array<i32>} : memref<125x16x128xf32, #tpu.memory_space<vmem>>, vector<1x16x128xf32>,
    %slice3A_687 = vector.extract_strided_slice %add3A_9 {offsets = [0, 12416], sizes = [16, 128], strides = [1, 1]} : vector<16x16000xf32> to vector<16x128xf32>
    %swap3A_688 = arith.constant 97 : index
    %swap3A_689 = arith.constant 0 : index
    %swap3A_690 = arith.constant 0 : index
    %swap3A_691 = vector.load %arg4[%swap3A_688, %swap3A_689, %swap3A_690] : memref<125x16x128xf32, #tpu.memory_space<vmem>>, vector<1x16x128xf32>
    %swap3A_692 = vector.shape_cast %swap3A_691 : vector<1x16x128xf32> to vector<16x128xf32>
    %swap3A_693 = vector.shape_cast %slice3A_687 : vector<16x128xf32> to vector<1x16x128xf32>
    tpu.vector_store %arg4[%swap3A_688, %swap3A_689, %swap3A_690], %swap3A_693 {strides = array<i32>} : memref<125x16x128xf32, #tpu.memory_space<vmem>>, vector<1x16x128xf32>,
    %slice3A_694 = vector.extract_strided_slice %add3A_9 {offsets = [0, 12544], sizes = [16, 128], strides = [1, 1]} : vector<16x16000xf32> to vector<16x128xf32>
    %swap3A_695 = arith.constant 98 : index
    %swap3A_696 = arith.constant 0 : index
    %swap3A_697 = arith.constant 0 : index
    %swap3A_698 = vector.load %arg4[%swap3A_695, %swap3A_696, %swap3A_697] : memref<125x16x128xf32, #tpu.memory_space<vmem>>, vector<1x16x128xf32>
    %swap3A_699 = vector.shape_cast %swap3A_698 : vector<1x16x128xf32> to vector<16x128xf32>
    %swap3A_700 = vector.shape_cast %slice3A_694 : vector<16x128xf32> to vector<1x16x128xf32>
    tpu.vector_store %arg4[%swap3A_695, %swap3A_696, %swap3A_697], %swap3A_700 {strides = array<i32>} : memref<125x16x128xf32, #tpu.memory_space<vmem>>, vector<1x16x128xf32>,
    %slice3A_701 = vector.extract_strided_slice %add3A_9 {offsets = [0, 12672], sizes = [16, 128], strides = [1, 1]} : vector<16x16000xf32> to vector<16x128xf32>
    %swap3A_702 = arith.constant 99 : index
    %swap3A_703 = arith.constant 0 : index
    %swap3A_704 = arith.constant 0 : index
    %swap3A_705 = vector.load %arg4[%swap3A_702, %swap3A_703, %swap3A_704] : memref<125x16x128xf32, #tpu.memory_space<vmem>>, vector<1x16x128xf32>
    %swap3A_706 = vector.shape_cast %swap3A_705 : vector<1x16x128xf32> to vector<16x128xf32>
    %swap3A_707 = vector.shape_cast %slice3A_701 : vector<16x128xf32> to vector<1x16x128xf32>
    tpu.vector_store %arg4[%swap3A_702, %swap3A_703, %swap3A_704], %swap3A_707 {strides = array<i32>} : memref<125x16x128xf32, #tpu.memory_space<vmem>>, vector<1x16x128xf32>,
    %slice3A_708 = vector.extract_strided_slice %add3A_9 {offsets = [0, 12800], sizes = [16, 128], strides = [1, 1]} : vector<16x16000xf32> to vector<16x128xf32>
    %swap3A_709 = arith.constant 100 : index
    %swap3A_710 = arith.constant 0 : index
    %swap3A_711 = arith.constant 0 : index
    %swap3A_712 = vector.load %arg4[%swap3A_709, %swap3A_710, %swap3A_711] : memref<125x16x128xf32, #tpu.memory_space<vmem>>, vector<1x16x128xf32>
    %swap3A_713 = vector.shape_cast %swap3A_712 : vector<1x16x128xf32> to vector<16x128xf32>
    %swap3A_714 = vector.shape_cast %slice3A_708 : vector<16x128xf32> to vector<1x16x128xf32>
    tpu.vector_store %arg4[%swap3A_709, %swap3A_710, %swap3A_711], %swap3A_714 {strides = array<i32>} : memref<125x16x128xf32, #tpu.memory_space<vmem>>, vector<1x16x128xf32>,
    %slice3A_715 = vector.extract_strided_slice %add3A_9 {offsets = [0, 12928], sizes = [16, 128], strides = [1, 1]} : vector<16x16000xf32> to vector<16x128xf32>
    %swap3A_716 = arith.constant 101 : index
    %swap3A_717 = arith.constant 0 : index
    %swap3A_718 = arith.constant 0 : index
    %swap3A_719 = vector.load %arg4[%swap3A_716, %swap3A_717, %swap3A_718] : memref<125x16x128xf32, #tpu.memory_space<vmem>>, vector<1x16x128xf32>
    %swap3A_720 = vector.shape_cast %swap3A_719 : vector<1x16x128xf32> to vector<16x128xf32>
    %swap3A_721 = vector.shape_cast %slice3A_715 : vector<16x128xf32> to vector<1x16x128xf32>
    tpu.vector_store %arg4[%swap3A_716, %swap3A_717, %swap3A_718], %swap3A_721 {strides = array<i32>} : memref<125x16x128xf32, #tpu.memory_space<vmem>>, vector<1x16x128xf32>,
    %slice3A_722 = vector.extract_strided_slice %add3A_9 {offsets = [0, 13056], sizes = [16, 128], strides = [1, 1]} : vector<16x16000xf32> to vector<16x128xf32>
    %swap3A_723 = arith.constant 102 : index
    %swap3A_724 = arith.constant 0 : index
    %swap3A_725 = arith.constant 0 : index
    %swap3A_726 = vector.load %arg4[%swap3A_723, %swap3A_724, %swap3A_725] : memref<125x16x128xf32, #tpu.memory_space<vmem>>, vector<1x16x128xf32>
    %swap3A_727 = vector.shape_cast %swap3A_726 : vector<1x16x128xf32> to vector<16x128xf32>
    %swap3A_728 = vector.shape_cast %slice3A_722 : vector<16x128xf32> to vector<1x16x128xf32>
    tpu.vector_store %arg4[%swap3A_723, %swap3A_724, %swap3A_725], %swap3A_728 {strides = array<i32>} : memref<125x16x128xf32, #tpu.memory_space<vmem>>, vector<1x16x128xf32>,
    %slice3A_729 = vector.extract_strided_slice %add3A_9 {offsets = [0, 13184], sizes = [16, 128], strides = [1, 1]} : vector<16x16000xf32> to vector<16x128xf32>
    %swap3A_730 = arith.constant 103 : index
    %swap3A_731 = arith.constant 0 : index
    %swap3A_732 = arith.constant 0 : index
    %swap3A_733 = vector.load %arg4[%swap3A_730, %swap3A_731, %swap3A_732] : memref<125x16x128xf32, #tpu.memory_space<vmem>>, vector<1x16x128xf32>
    %swap3A_734 = vector.shape_cast %swap3A_733 : vector<1x16x128xf32> to vector<16x128xf32>
    %swap3A_735 = vector.shape_cast %slice3A_729 : vector<16x128xf32> to vector<1x16x128xf32>
    tpu.vector_store %arg4[%swap3A_730, %swap3A_731, %swap3A_732], %swap3A_735 {strides = array<i32>} : memref<125x16x128xf32, #tpu.memory_space<vmem>>, vector<1x16x128xf32>,
    %slice3A_736 = vector.extract_strided_slice %add3A_9 {offsets = [0, 13312], sizes = [16, 128], strides = [1, 1]} : vector<16x16000xf32> to vector<16x128xf32>
    %swap3A_737 = arith.constant 104 : index
    %swap3A_738 = arith.constant 0 : index
    %swap3A_739 = arith.constant 0 : index
    %swap3A_740 = vector.load %arg4[%swap3A_737, %swap3A_738, %swap3A_739] : memref<125x16x128xf32, #tpu.memory_space<vmem>>, vector<1x16x128xf32>
    %swap3A_741 = vector.shape_cast %swap3A_740 : vector<1x16x128xf32> to vector<16x128xf32>
    %swap3A_742 = vector.shape_cast %slice3A_736 : vector<16x128xf32> to vector<1x16x128xf32>
    tpu.vector_store %arg4[%swap3A_737, %swap3A_738, %swap3A_739], %swap3A_742 {strides = array<i32>} : memref<125x16x128xf32, #tpu.memory_space<vmem>>, vector<1x16x128xf32>,
    %slice3A_743 = vector.extract_strided_slice %add3A_9 {offsets = [0, 13440], sizes = [16, 128], strides = [1, 1]} : vector<16x16000xf32> to vector<16x128xf32>
    %swap3A_744 = arith.constant 105 : index
    %swap3A_745 = arith.constant 0 : index
    %swap3A_746 = arith.constant 0 : index
    %swap3A_747 = vector.load %arg4[%swap3A_744, %swap3A_745, %swap3A_746] : memref<125x16x128xf32, #tpu.memory_space<vmem>>, vector<1x16x128xf32>
    %swap3A_748 = vector.shape_cast %swap3A_747 : vector<1x16x128xf32> to vector<16x128xf32>
    %swap3A_749 = vector.shape_cast %slice3A_743 : vector<16x128xf32> to vector<1x16x128xf32>
    tpu.vector_store %arg4[%swap3A_744, %swap3A_745, %swap3A_746], %swap3A_749 {strides = array<i32>} : memref<125x16x128xf32, #tpu.memory_space<vmem>>, vector<1x16x128xf32>,
    %slice3A_750 = vector.extract_strided_slice %add3A_9 {offsets = [0, 13568], sizes = [16, 128], strides = [1, 1]} : vector<16x16000xf32> to vector<16x128xf32>
    %swap3A_751 = arith.constant 106 : index
    %swap3A_752 = arith.constant 0 : index
    %swap3A_753 = arith.constant 0 : index
    %swap3A_754 = vector.load %arg4[%swap3A_751, %swap3A_752, %swap3A_753] : memref<125x16x128xf32, #tpu.memory_space<vmem>>, vector<1x16x128xf32>
    %swap3A_755 = vector.shape_cast %swap3A_754 : vector<1x16x128xf32> to vector<16x128xf32>
    %swap3A_756 = vector.shape_cast %slice3A_750 : vector<16x128xf32> to vector<1x16x128xf32>
    tpu.vector_store %arg4[%swap3A_751, %swap3A_752, %swap3A_753], %swap3A_756 {strides = array<i32>} : memref<125x16x128xf32, #tpu.memory_space<vmem>>, vector<1x16x128xf32>,
    %slice3A_757 = vector.extract_strided_slice %add3A_9 {offsets = [0, 13696], sizes = [16, 128], strides = [1, 1]} : vector<16x16000xf32> to vector<16x128xf32>
    %swap3A_758 = arith.constant 107 : index
    %swap3A_759 = arith.constant 0 : index
    %swap3A_760 = arith.constant 0 : index
    %swap3A_761 = vector.load %arg4[%swap3A_758, %swap3A_759, %swap3A_760] : memref<125x16x128xf32, #tpu.memory_space<vmem>>, vector<1x16x128xf32>
    %swap3A_762 = vector.shape_cast %swap3A_761 : vector<1x16x128xf32> to vector<16x128xf32>
    %swap3A_763 = vector.shape_cast %slice3A_757 : vector<16x128xf32> to vector<1x16x128xf32>
    tpu.vector_store %arg4[%swap3A_758, %swap3A_759, %swap3A_760], %swap3A_763 {strides = array<i32>} : memref<125x16x128xf32, #tpu.memory_space<vmem>>, vector<1x16x128xf32>,
    %slice3A_764 = vector.extract_strided_slice %add3A_9 {offsets = [0, 13824], sizes = [16, 128], strides = [1, 1]} : vector<16x16000xf32> to vector<16x128xf32>
    %swap3A_765 = arith.constant 108 : index
    %swap3A_766 = arith.constant 0 : index
    %swap3A_767 = arith.constant 0 : index
    %swap3A_768 = vector.load %arg4[%swap3A_765, %swap3A_766, %swap3A_767] : memref<125x16x128xf32, #tpu.memory_space<vmem>>, vector<1x16x128xf32>
    %swap3A_769 = vector.shape_cast %swap3A_768 : vector<1x16x128xf32> to vector<16x128xf32>
    %swap3A_770 = vector.shape_cast %slice3A_764 : vector<16x128xf32> to vector<1x16x128xf32>
    tpu.vector_store %arg4[%swap3A_765, %swap3A_766, %swap3A_767], %swap3A_770 {strides = array<i32>} : memref<125x16x128xf32, #tpu.memory_space<vmem>>, vector<1x16x128xf32>,
    %slice3A_771 = vector.extract_strided_slice %add3A_9 {offsets = [0, 13952], sizes = [16, 128], strides = [1, 1]} : vector<16x16000xf32> to vector<16x128xf32>
    %swap3A_772 = arith.constant 109 : index
    %swap3A_773 = arith.constant 0 : index
    %swap3A_774 = arith.constant 0 : index
    %swap3A_775 = vector.load %arg4[%swap3A_772, %swap3A_773, %swap3A_774] : memref<125x16x128xf32, #tpu.memory_space<vmem>>, vector<1x16x128xf32>
    %swap3A_776 = vector.shape_cast %swap3A_775 : vector<1x16x128xf32> to vector<16x128xf32>
    %swap3A_777 = vector.shape_cast %slice3A_771 : vector<16x128xf32> to vector<1x16x128xf32>
    tpu.vector_store %arg4[%swap3A_772, %swap3A_773, %swap3A_774], %swap3A_777 {strides = array<i32>} : memref<125x16x128xf32, #tpu.memory_space<vmem>>, vector<1x16x128xf32>,
    %slice3A_778 = vector.extract_strided_slice %add3A_9 {offsets = [0, 14080], sizes = [16, 128], strides = [1, 1]} : vector<16x16000xf32> to vector<16x128xf32>
    %swap3A_779 = arith.constant 110 : index
    %swap3A_780 = arith.constant 0 : index
    %swap3A_781 = arith.constant 0 : index
    %swap3A_782 = vector.load %arg4[%swap3A_779, %swap3A_780, %swap3A_781] : memref<125x16x128xf32, #tpu.memory_space<vmem>>, vector<1x16x128xf32>
    %swap3A_783 = vector.shape_cast %swap3A_782 : vector<1x16x128xf32> to vector<16x128xf32>
    %swap3A_784 = vector.shape_cast %slice3A_778 : vector<16x128xf32> to vector<1x16x128xf32>
    tpu.vector_store %arg4[%swap3A_779, %swap3A_780, %swap3A_781], %swap3A_784 {strides = array<i32>} : memref<125x16x128xf32, #tpu.memory_space<vmem>>, vector<1x16x128xf32>,
    %slice3A_785 = vector.extract_strided_slice %add3A_9 {offsets = [0, 14208], sizes = [16, 128], strides = [1, 1]} : vector<16x16000xf32> to vector<16x128xf32>
    %swap3A_786 = arith.constant 111 : index
    %swap3A_787 = arith.constant 0 : index
    %swap3A_788 = arith.constant 0 : index
    %swap3A_789 = vector.load %arg4[%swap3A_786, %swap3A_787, %swap3A_788] : memref<125x16x128xf32, #tpu.memory_space<vmem>>, vector<1x16x128xf32>
    %swap3A_790 = vector.shape_cast %swap3A_789 : vector<1x16x128xf32> to vector<16x128xf32>
    %swap3A_791 = vector.shape_cast %slice3A_785 : vector<16x128xf32> to vector<1x16x128xf32>
    tpu.vector_store %arg4[%swap3A_786, %swap3A_787, %swap3A_788], %swap3A_791 {strides = array<i32>} : memref<125x16x128xf32, #tpu.memory_space<vmem>>, vector<1x16x128xf32>,
    %slice3A_792 = vector.extract_strided_slice %add3A_9 {offsets = [0, 14336], sizes = [16, 128], strides = [1, 1]} : vector<16x16000xf32> to vector<16x128xf32>
    %swap3A_793 = arith.constant 112 : index
    %swap3A_794 = arith.constant 0 : index
    %swap3A_795 = arith.constant 0 : index
    %swap3A_796 = vector.load %arg4[%swap3A_793, %swap3A_794, %swap3A_795] : memref<125x16x128xf32, #tpu.memory_space<vmem>>, vector<1x16x128xf32>
    %swap3A_797 = vector.shape_cast %swap3A_796 : vector<1x16x128xf32> to vector<16x128xf32>
    %swap3A_798 = vector.shape_cast %slice3A_792 : vector<16x128xf32> to vector<1x16x128xf32>
    tpu.vector_store %arg4[%swap3A_793, %swap3A_794, %swap3A_795], %swap3A_798 {strides = array<i32>} : memref<125x16x128xf32, #tpu.memory_space<vmem>>, vector<1x16x128xf32>,
    %slice3A_799 = vector.extract_strided_slice %add3A_9 {offsets = [0, 14464], sizes = [16, 128], strides = [1, 1]} : vector<16x16000xf32> to vector<16x128xf32>
    %swap3A_800 = arith.constant 113 : index
    %swap3A_801 = arith.constant 0 : index
    %swap3A_802 = arith.constant 0 : index
    %swap3A_803 = vector.load %arg4[%swap3A_800, %swap3A_801, %swap3A_802] : memref<125x16x128xf32, #tpu.memory_space<vmem>>, vector<1x16x128xf32>
    %swap3A_804 = vector.shape_cast %swap3A_803 : vector<1x16x128xf32> to vector<16x128xf32>
    %swap3A_805 = vector.shape_cast %slice3A_799 : vector<16x128xf32> to vector<1x16x128xf32>
    tpu.vector_store %arg4[%swap3A_800, %swap3A_801, %swap3A_802], %swap3A_805 {strides = array<i32>} : memref<125x16x128xf32, #tpu.memory_space<vmem>>, vector<1x16x128xf32>,
    %slice3A_806 = vector.extract_strided_slice %add3A_9 {offsets = [0, 14592], sizes = [16, 128], strides = [1, 1]} : vector<16x16000xf32> to vector<16x128xf32>
    %swap3A_807 = arith.constant 114 : index
    %swap3A_808 = arith.constant 0 : index
    %swap3A_809 = arith.constant 0 : index
    %swap3A_810 = vector.load %arg4[%swap3A_807, %swap3A_808, %swap3A_809] : memref<125x16x128xf32, #tpu.memory_space<vmem>>, vector<1x16x128xf32>
    %swap3A_811 = vector.shape_cast %swap3A_810 : vector<1x16x128xf32> to vector<16x128xf32>
    %swap3A_812 = vector.shape_cast %slice3A_806 : vector<16x128xf32> to vector<1x16x128xf32>
    tpu.vector_store %arg4[%swap3A_807, %swap3A_808, %swap3A_809], %swap3A_812 {strides = array<i32>} : memref<125x16x128xf32, #tpu.memory_space<vmem>>, vector<1x16x128xf32>,
    %slice3A_813 = vector.extract_strided_slice %add3A_9 {offsets = [0, 14720], sizes = [16, 128], strides = [1, 1]} : vector<16x16000xf32> to vector<16x128xf32>
    %swap3A_814 = arith.constant 115 : index
    %swap3A_815 = arith.constant 0 : index
    %swap3A_816 = arith.constant 0 : index
    %swap3A_817 = vector.load %arg4[%swap3A_814, %swap3A_815, %swap3A_816] : memref<125x16x128xf32, #tpu.memory_space<vmem>>, vector<1x16x128xf32>
    %swap3A_818 = vector.shape_cast %swap3A_817 : vector<1x16x128xf32> to vector<16x128xf32>
    %swap3A_819 = vector.shape_cast %slice3A_813 : vector<16x128xf32> to vector<1x16x128xf32>
    tpu.vector_store %arg4[%swap3A_814, %swap3A_815, %swap3A_816], %swap3A_819 {strides = array<i32>} : memref<125x16x128xf32, #tpu.memory_space<vmem>>, vector<1x16x128xf32>,
    %slice3A_820 = vector.extract_strided_slice %add3A_9 {offsets = [0, 14848], sizes = [16, 128], strides = [1, 1]} : vector<16x16000xf32> to vector<16x128xf32>
    %swap3A_821 = arith.constant 116 : index
    %swap3A_822 = arith.constant 0 : index
    %swap3A_823 = arith.constant 0 : index
    %swap3A_824 = vector.load %arg4[%swap3A_821, %swap3A_822, %swap3A_823] : memref<125x16x128xf32, #tpu.memory_space<vmem>>, vector<1x16x128xf32>
    %swap3A_825 = vector.shape_cast %swap3A_824 : vector<1x16x128xf32> to vector<16x128xf32>
    %swap3A_826 = vector.shape_cast %slice3A_820 : vector<16x128xf32> to vector<1x16x128xf32>
    tpu.vector_store %arg4[%swap3A_821, %swap3A_822, %swap3A_823], %swap3A_826 {strides = array<i32>} : memref<125x16x128xf32, #tpu.memory_space<vmem>>, vector<1x16x128xf32>,
    %slice3A_827 = vector.extract_strided_slice %add3A_9 {offsets = [0, 14976], sizes = [16, 128], strides = [1, 1]} : vector<16x16000xf32> to vector<16x128xf32>
    %swap3A_828 = arith.constant 117 : index
    %swap3A_829 = arith.constant 0 : index
    %swap3A_830 = arith.constant 0 : index
    %swap3A_831 = vector.load %arg4[%swap3A_828, %swap3A_829, %swap3A_830] : memref<125x16x128xf32, #tpu.memory_space<vmem>>, vector<1x16x128xf32>
    %swap3A_832 = vector.shape_cast %swap3A_831 : vector<1x16x128xf32> to vector<16x128xf32>
    %swap3A_833 = vector.shape_cast %slice3A_827 : vector<16x128xf32> to vector<1x16x128xf32>
    tpu.vector_store %arg4[%swap3A_828, %swap3A_829, %swap3A_830], %swap3A_833 {strides = array<i32>} : memref<125x16x128xf32, #tpu.memory_space<vmem>>, vector<1x16x128xf32>,
    %slice3A_834 = vector.extract_strided_slice %add3A_9 {offsets = [0, 15104], sizes = [16, 128], strides = [1, 1]} : vector<16x16000xf32> to vector<16x128xf32>
    %swap3A_835 = arith.constant 118 : index
    %swap3A_836 = arith.constant 0 : index
    %swap3A_837 = arith.constant 0 : index
    %swap3A_838 = vector.load %arg4[%swap3A_835, %swap3A_836, %swap3A_837] : memref<125x16x128xf32, #tpu.memory_space<vmem>>, vector<1x16x128xf32>
    %swap3A_839 = vector.shape_cast %swap3A_838 : vector<1x16x128xf32> to vector<16x128xf32>
    %swap3A_840 = vector.shape_cast %slice3A_834 : vector<16x128xf32> to vector<1x16x128xf32>
    tpu.vector_store %arg4[%swap3A_835, %swap3A_836, %swap3A_837], %swap3A_840 {strides = array<i32>} : memref<125x16x128xf32, #tpu.memory_space<vmem>>, vector<1x16x128xf32>,
    %slice3A_841 = vector.extract_strided_slice %add3A_9 {offsets = [0, 15232], sizes = [16, 128], strides = [1, 1]} : vector<16x16000xf32> to vector<16x128xf32>
    %swap3A_842 = arith.constant 119 : index
    %swap3A_843 = arith.constant 0 : index
    %swap3A_844 = arith.constant 0 : index
    %swap3A_845 = vector.load %arg4[%swap3A_842, %swap3A_843, %swap3A_844] : memref<125x16x128xf32, #tpu.memory_space<vmem>>, vector<1x16x128xf32>
    %swap3A_846 = vector.shape_cast %swap3A_845 : vector<1x16x128xf32> to vector<16x128xf32>
    %swap3A_847 = vector.shape_cast %slice3A_841 : vector<16x128xf32> to vector<1x16x128xf32>
    tpu.vector_store %arg4[%swap3A_842, %swap3A_843, %swap3A_844], %swap3A_847 {strides = array<i32>} : memref<125x16x128xf32, #tpu.memory_space<vmem>>, vector<1x16x128xf32>,
    %slice3A_848 = vector.extract_strided_slice %add3A_9 {offsets = [0, 15360], sizes = [16, 128], strides = [1, 1]} : vector<16x16000xf32> to vector<16x128xf32>
    %swap3A_849 = arith.constant 120 : index
    %swap3A_850 = arith.constant 0 : index
    %swap3A_851 = arith.constant 0 : index
    %swap3A_852 = vector.load %arg4[%swap3A_849, %swap3A_850, %swap3A_851] : memref<125x16x128xf32, #tpu.memory_space<vmem>>, vector<1x16x128xf32>
    %swap3A_853 = vector.shape_cast %swap3A_852 : vector<1x16x128xf32> to vector<16x128xf32>
    %swap3A_854 = vector.shape_cast %slice3A_848 : vector<16x128xf32> to vector<1x16x128xf32>
    tpu.vector_store %arg4[%swap3A_849, %swap3A_850, %swap3A_851], %swap3A_854 {strides = array<i32>} : memref<125x16x128xf32, #tpu.memory_space<vmem>>, vector<1x16x128xf32>,
    %slice3A_855 = vector.extract_strided_slice %add3A_9 {offsets = [0, 15488], sizes = [16, 128], strides = [1, 1]} : vector<16x16000xf32> to vector<16x128xf32>
    %swap3A_856 = arith.constant 121 : index
    %swap3A_857 = arith.constant 0 : index
    %swap3A_858 = arith.constant 0 : index
    %swap3A_859 = vector.load %arg4[%swap3A_856, %swap3A_857, %swap3A_858] : memref<125x16x128xf32, #tpu.memory_space<vmem>>, vector<1x16x128xf32>
    %swap3A_860 = vector.shape_cast %swap3A_859 : vector<1x16x128xf32> to vector<16x128xf32>
    %swap3A_861 = vector.shape_cast %slice3A_855 : vector<16x128xf32> to vector<1x16x128xf32>
    tpu.vector_store %arg4[%swap3A_856, %swap3A_857, %swap3A_858], %swap3A_861 {strides = array<i32>} : memref<125x16x128xf32, #tpu.memory_space<vmem>>, vector<1x16x128xf32>,
    %slice3A_862 = vector.extract_strided_slice %add3A_9 {offsets = [0, 15616], sizes = [16, 128], strides = [1, 1]} : vector<16x16000xf32> to vector<16x128xf32>
    %swap3A_863 = arith.constant 122 : index
    %swap3A_864 = arith.constant 0 : index
    %swap3A_865 = arith.constant 0 : index
    %swap3A_866 = vector.load %arg4[%swap3A_863, %swap3A_864, %swap3A_865] : memref<125x16x128xf32, #tpu.memory_space<vmem>>, vector<1x16x128xf32>
    %swap3A_867 = vector.shape_cast %swap3A_866 : vector<1x16x128xf32> to vector<16x128xf32>
    %swap3A_868 = vector.shape_cast %slice3A_862 : vector<16x128xf32> to vector<1x16x128xf32>
    tpu.vector_store %arg4[%swap3A_863, %swap3A_864, %swap3A_865], %swap3A_868 {strides = array<i32>} : memref<125x16x128xf32, #tpu.memory_space<vmem>>, vector<1x16x128xf32>,
    %slice3A_869 = vector.extract_strided_slice %add3A_9 {offsets = [0, 15744], sizes = [16, 128], strides = [1, 1]} : vector<16x16000xf32> to vector<16x128xf32>
    %swap3A_870 = arith.constant 123 : index
    %swap3A_871 = arith.constant 0 : index
    %swap3A_872 = arith.constant 0 : index
    %swap3A_873 = vector.load %arg4[%swap3A_870, %swap3A_871, %swap3A_872] : memref<125x16x128xf32, #tpu.memory_space<vmem>>, vector<1x16x128xf32>
    %swap3A_874 = vector.shape_cast %swap3A_873 : vector<1x16x128xf32> to vector<16x128xf32>
    %swap3A_875 = vector.shape_cast %slice3A_869 : vector<16x128xf32> to vector<1x16x128xf32>
    tpu.vector_store %arg4[%swap3A_870, %swap3A_871, %swap3A_872], %swap3A_875 {strides = array<i32>} : memref<125x16x128xf32, #tpu.memory_space<vmem>>, vector<1x16x128xf32>,
    %slice3A_876 = vector.extract_strided_slice %add3A_9 {offsets = [0, 15872], sizes = [16, 128], strides = [1, 1]} : vector<16x16000xf32> to vector<16x128xf32>
    %swap3A_877 = arith.constant 124 : index
    %swap3A_878 = arith.constant 0 : index
    %swap3A_879 = arith.constant 0 : index
    %swap3A_880 = vector.load %arg4[%swap3A_877, %swap3A_878, %swap3A_879] : memref<125x16x128xf32, #tpu.memory_space<vmem>>, vector<1x16x128xf32>
    %swap3A_881 = vector.shape_cast %swap3A_880 : vector<1x16x128xf32> to vector<16x128xf32>
    %swap3A_882 = vector.shape_cast %slice3A_876 : vector<16x128xf32> to vector<1x16x128xf32>
    tpu.vector_store %arg4[%swap3A_877, %swap3A_878, %swap3A_879], %swap3A_882 {strides = array<i32>} : memref<125x16x128xf32, #tpu.memory_space<vmem>>, vector<1x16x128xf32>,
    return
  }
  func.func @transform_0(%arg0: i32) -> (i32, i32) {
    %c0_i32 = arith.constant 0 : i32
    %c0_i32_0 = arith.constant 0 : i32
    return %c0_i32, %arg0 : i32, i32
  }
  func.func @transform_1(%arg0: i32) -> (i32, i32) {
    %c0_i32 = arith.constant 0 : i32
    %c0_i32_0 = arith.constant 0 : i32
    %c0_i32_1 = arith.constant 0 : i32
    return %c0_i32, %c0_i32_0 : i32, i32
  }
  func.func @transform_2(%arg0: i32) -> (i32, i32) {
    %c0_i32 = arith.constant 0 : i32
    %c0_i32_0 = arith.constant 0 : i32
    %c0_i32_1 = arith.constant 0 : i32
    return %c0_i32, %c0_i32_0 : i32, i32
  }
  func.func @transform_3(%arg0: i32) -> (i32, i32, i32) {
    %c0_i32 = arith.constant 0 : i32
    %c0_i32_0 = arith.constant 0 : i32
    %c0_i32_1 = arith.constant 0 : i32
    return %arg0, %c0_i32, %c0_i32_0 : i32, i32, i32
  }
}

</mosaic_0001>

<sc_bundles>
// kernel: kernel.5.cloned.1.call-start
scs
__scs_entry_jumppad:
0x0: {  	(pc) =	sbr.rel $0x88, $3  }
0x1: {  	(tag) =	ssettag $0x0;
	lr =	simm.s32 $0x1  }
0x2: {  	[smem:$0x3F9B] =	sst lr;
	_ =	strace $0xD0000000  }
0x3: {  	_ = 	snop  }
0x4: {  	_ = 	snop  }
0x5: {  	_ = 	snop  }
0x6: {  	_ = 	snop  }
0x7: {  	_ = 	snop  }
__scs_overlays_trampoline_lowered:
0x8: {  	[smem:$0x3FAA] =	sst s0  }
0x9: {  	[smem:$0x3FAB] =	sst s1  }
0xa: {  	[smem:$0x3FAC] =	sst s2  }
0xb: {  	[smem:$0x3FAD] =	sst s3  }
0xc: {  	[smem:$0x3FAE] =	sst s4  }
0xd: {  	[smem:$0x3FAF] =	sst s5  }
0xe: {  	[smem:$0x3FB0] =	sst s6  }
0xf: {  	[smem:$0x3FB1] =	sst s7  }
0x10: {  	[smem:$0x3FB2] =	sst s8  }
0x11: {  	[smem:$0x3FB3] =	sst s9;
	s0 =	simm.s32 @!p0 $0x0  }
0x12: {  	s1 =	sld [smem:$0x3F99];
	s0 =	simm.s32 @p0 $0x1  }
0x13: {  	[smem:$0x3FB4] =	sst s0;
	s0 =	simm.s32 @!p1 $0x0  }
0x14: {  	s2 =	sld [smem:$0x3F98];
	s0 =	simm.s32 @p1 $0x1  }
0x15: {  	[smem:$0x3FB5] =	sst s0;
	s0 =	simm.s32 @!p2 $0x0  }
0x16: {  	s3 =	sld [smem:$0x3FDB];
	s0 =	simm.s32 @p2 $0x1  }
0x17: {  	s4 =	simm.s32 $0x1BF5;
	[smem:$0x3FB7] =	sst s0  }
0x18: {  	s0 =	sld [smem:$0x3F9A];
	_ =	swait.ge [sflag:s4], $0x0  }
0x19: {  	s7 =	sld [smem:$0x3F9B]  }
0x1a: {  	s8 =	sadd.s32 $0xFFFFE003, lr  }
0x1b: {  	s9 =	sadd.s32 $0xFFFFFEF7, lr;
	s5 =	simm.s32 $0xFFFFFFFF;
	p2 =	slt.u32 s8, $0xFFFFF086  }
0x1c: {  	p1 =	slt.u32 s9, $0xF7A;
	s5 =	simm.s32 @!p2 $0x0  }
0x1d: {  	s5 =	simm.s32 @p1 $0x1;
	p0 =	seq.s32 s7, s2  }
0x1e: {  	s7 =	smul.u32 @!p0 $0xF7A, s2;
	p2 =	seq.s32 @!p0 s5, $0x0  }
0x1f: {  	s9 =	smul.u32 $0xF7A, s1;
	s8 =	simm.s32 @!p0 $0x1BF5;
	p2 =	por !p2, p0  }
0x20: {  	[sflag:s8] =	ssyncset.s32 @!p0 $0xFFFFF086;
	s6 =	sadd.s32 @!p0 s3, s7;
	s7 =	simm.s32 @!p0 $0x108  }
0x21: {  	s3 =	sadd.s32 s3, s9;
	s6 =	sadd.s32 @!p0 $0x88, s6;
	s7 =	simm.s32 @p2 $0x1082  }
0x22: {  	[simem:s7], [sflag:s8] =	dma.local @!p0 [hbm:s6], $0xF7A  }
0x23: {  	s9 =	sor.u32 $0xD0000000, s2;
	s6 =	simm.s32 $0x108;
	_ =	swait.ge @!p0 [sflag:s8], $0x0  }
0x24: {  	s3 =	sadd.s32 $0x88, s3;
	s6 =	simm.s32 @!p1 $0x1082;
	[sflag:s4] =	ssyncset.s32 $0xFFFFF086  }
0x25: {  	[simem:s6], [sflag:s4] =	dma.local [hbm:s3], $0xF7A  }
0x26: {  	[smem:$0x3F9B] =	sst s1;
	(tag) =	ssettag s2;
	_ =	strace s9  }
0x27: {  	s1 =	sld [smem:$0x3FAB]  }
0x28: {  	s2 =	sld [smem:$0x3FAC]  }
0x29: {  	s4 =	sld [smem:$0x3FAE]  }
0x2a: {  	p0 =	seq.s32 s5, $0x0;
	s5 =	sld [smem:$0x3FAF]  }
0x2b: {  	s6 =	sld [smem:$0x3FB0]  }
0x2c: {  	s7 =	sld [smem:$0x3FB1]  }
0x2d: {  	s3 =	simm.s32 $0x108;
	s8 =	sld [smem:$0x3FB2]  }
0x2e: {  	s3 =	simm.s32 @!p0 $0x1082;
	s9 =	sld [smem:$0x3FB3]  }
0x2f: {  	lr =	sadd.s32 s0, s3;
	s0 =	sld [smem:$0x3FAA]  }
0x30: {  	s3 =	sld [smem:$0x3FAD]  }
0x31: {  	[smem:$0x3FB6] =	sst s10  }
0x32: {  	s10 =	sld [smem:$0x3FB4];
	_ =	sdelay $0x3  }
0x33: {  	p0 =	seq.s32 s10, $0x1;
	s10 =	sld [smem:$0x3FB6];
	_ =	sdelay $0x3  }
0x34: {  	[smem:$0x3FB6] =	sst s10  }
0x35: {  	s10 =	sld [smem:$0x3FB5];
	_ =	sdelay $0x3  }
0x36: {  	p1 =	seq.s32 s10, $0x1;
	s10 =	sld [smem:$0x3FB6];
	_ =	sdelay $0x3  }
0x37: {  	[smem:$0x3FB6] =	sst s10  }
0x38: {  	s10 =	sld [smem:$0x3FB7]  }
0x39: {  	_ = 	snop;
	(pc) =	sbr.ind lr, $3  }
0x3a: {  	_ = 	snop  }
0x3b: {  	_ = 	snop  }
0x3c: {  	p2 =	seq.s32 s10, $0x1;
	s10 =	sld [smem:$0x3FB6]  }
0x3d: {  	_ =	shalt  }
0x3e: {  	_ =	shalt  }
0x3f: {  	_ =	shalt  }
0x40: {  	_ =	shalt  }
0x41: {  	_ =	shalt  }
0x42: {  	_ =	shalt  }
0x43: {  	_ =	shalt  }
0x44: {  	_ =	shalt  }
0x45: {  	_ =	shalt  }
0x46: {  	_ =	shalt  }
0x47: {  	_ =	shalt  }
0x48: {  	_ =	shalt  }
0x49: {  	_ =	shalt  }
0x4a: {  	_ =	shalt  }
0x4b: {  	_ =	shalt  }
0x4c: {  	_ =	shalt  }
0x4d: {  	_ =	shalt  }
0x4e: {  	_ =	shalt  }
0x4f: {  	_ =	shalt  }
0x50: {  	_ =	shalt  }
0x51: {  	_ =	shalt  }
0x52: {  	_ =	shalt  }
0x53: {  	_ =	shalt  }
0x54: {  	_ =	shalt  }
0x55: {  	_ =	shalt  }
0x56: {  	_ =	shalt  }
0x57: {  	_ =	shalt  }
0x58: {  	_ =	shalt  }
0x59: {  	_ =	shalt  }
0x5a: {  	_ =	shalt  }
0x5b: {  	_ =	shalt  }
0x5c: {  	_ =	shalt  }
0x5d: {  	_ =	shalt  }
0x5e: {  	_ =	shalt  }
0x5f: {  	_ =	shalt  }
0x60: {  	_ =	shalt  }
0x61: {  	_ =	shalt  }
0x62: {  	_ =	shalt  }
0x63: {  	_ =	shalt  }
0x64: {  	_ =	shalt  }
0x65: {  	_ =	shalt  }
0x66: {  	_ =	shalt  }
0x67: {  	_ =	shalt  }
0x68: {  	_ =	shalt  }
0x69: {  	_ =	shalt  }
0x6a: {  	_ =	shalt  }
0x6b: {  	_ =	shalt  }
0x6c: {  	_ =	shalt  }
0x6d: {  	_ =	shalt  }
0x6e: {  	_ =	shalt  }
0x6f: {  	_ =	shalt  }
0x70: {  	_ =	shalt  }
0x71: {  	_ =	shalt  }
0x72: {  	_ =	shalt  }
0x73: {  	_ =	shalt  }
0x74: {  	_ =	shalt  }
0x75: {  	_ =	shalt  }
0x76: {  	_ =	shalt  }
0x77: {  	_ =	shalt  }
0x78: {  	_ =	shalt  }
0x79: {  	_ =	shalt  }
0x7a: {  	_ =	shalt  }
0x7b: {  	_ =	shalt  }
0x7c: {  	_ =	shalt  }
0x7d: {  	_ =	shalt  }
0x7e: {  	_ =	shalt  }
0x7f: {  	_ =	shalt  }
0x80: {  	_ =	shalt  }
0x81: {  	_ =	shalt  }
0x82: {  	_ =	shalt  }
0x83: {  	_ =	shalt  }
0x84: {  	_ =	shalt  }
0x85: {  	_ =	shalt  }
0x86: {  	_ =	shalt  }
0x87: {  	_ =	shalt  }
.Lfunc_end0:
.L_simem_size_0:
called_computation_lowered:
.L_overlay_start_0:
0x88: {  	s2 =	sld [smem:$0x3FD9]  }
0x89: {  	s3 =	sld [smem:$0x3FFE];
	_ =	sdelay $0x1  }
0x8a: {  	s1 =	srdreg.scid  }
0x8b: {  	s0 =	sand.u32 $0x1, s1  }
0x8c: {  	s17 =	sshll.u32 s0, $0xA;
	s2 =	sadd.s32 s3, s2  }
0x8d: {  	s2 =	sadd.s32 s2, s17  }
0x8e: {  	[smem:$0x3FC2] =	sst s2  }
0x8f: {  	_ = 	snop  }
0x90: {  	s2 =	sld [smem:$0x3FC7]  }
0x91: {  	s18 =	sld [smem:$0x3FC6]  }
0x92: {  	s4 =	sld [smem:$0x3FD0];
	(tm) =	ssettm $0x1  }
0x93: {  	s5 =	sld [smem:$0x3FFB];
	_ =	sdelay $0x3  }
0x94: {  	_ =	strace s5  }
0x95: {  	s5 =	sld [smem:$0x3FFC];
	_ =	sdelay $0x3  }
0x96: {  	_ =	strace s5  }
0x97: {  	s5 =	sld [smem:$0x3FFD];
	_ =	sdelay $0x3  }
0x98: {  	_ =	strace s5  }
0x99: {  	_ =	strace $0x8FFFFFFF  }
0x9a: {  	s19 =	sld [smem:$0x3FDB];
	_ =	sdelay $0x1  }
0x9b: {  	s6 =	simm.s32 $_scs_section_size  }
0x9c: {  	s7 =	simm.s32 $_size__tile_overlayer_lowered;
	s8 =	simm.s32 $_tile_overlayer_lowered  }
0x9d: {  	s22 =	simm.s32 $0x1BFF;
	s21 =	sshll.u32 s8, $0x1;
	s5 =	sadd.s32 s6, s19  }
0x9e: {  	s9 =	simm.s32 $0x0;
	s20 =	sshll.u32 s7, $0x1;
	s7 =	sadd.s32 s21, s5  }
0x9f: {  	[timem:s9], [sflag:s22] =	dma.local [hbm:s7], s20  }
0xa0: {  	_ =	swait.ge [sflag:s22], s20  }
0xa1: {  	s6 =	ssub.s32 $0x0, s20;
	[sflag:s22] =	ssyncset.done $0x0  }
0xa2: {  	[sflag:s22] =	ssyncadd.s32 s6;
	_ =	sdelay $0x1  }
0xa3: {  	s23 =	simm.s32 $0x1B8B  }
0xa4: {  	_ =	swait.ge [sflag:s23], $0x1  }
0xa5: {  	[sflag:s23] =	ssyncset.done $0x0  }
0xa6: {  	s25 =	simm.s32 $0x1B8E;
	s24 =	sld [smem:$0x3FFE];
	[sflag:s23] =	ssyncadd.s32 $0xFFFFFFFF  }
0xa7: {  	s26 =	simm.s32 $execute0_lowered;
	[smem:$0x3FD2] =	sst s25  }
0xa8: {  	s7 =	sshll.u32 s26, $0x1;
	_ =	strace $0x80000046;
	[dreg:$0x1] =	wrdreg $0xFFFFFFFF  }
0xa9: {  	s28 =	simm.s32 $_size_execute0_lowered;
	s5 =	sadd.s32 s5, s7;
	[dreg:$0x0] =	wrdreg $0x0  }
0xaa: {  	s7 =	sshll.u32 s28, $0x1;
	[dreg:$0x2] =	wrdreg s5  }
0xab: {  	[dreg:$0x3] =	wrdreg s7  }
0xac: {  	[dreg:$0x4] =	wrdreg $0xC0  }
0xad: {  	_ =	task [dreg:s9], $0x5FFFF  }
0xae: {  	[dreg:$0x1] =	wrdreg $0xFFFFFFFF  }
0xaf: {  	[dreg:$0x0] =	wrdreg $0x60  }
0xb0: {  	[dreg:$0x2] =	wrdreg s24  }
0xb1: {  	[dreg:$0x3] =	wrdreg s18  }
0xb2: {  	[dreg:$0x4] =	wrdreg s2  }
0xb3: {  	[dreg:$0x5] =	wrdreg s4  }
0xb4: {  	[dreg:$0x6] =	wrdreg $0x9  }
0xb5: {  	_ =	task.clear_ibuf [dreg:s9], $0x7FFFF;
	_ =	strace $0x90000046  }
0xb6: {  	s29 =	simm.s32 $0x9;
	_ =	strace $0x80000048  }
0xb7: {  	_ =	swait.ge [sflag:s29], $0x1  }
0xb8: {  	[sflag:s29] =	ssyncadd.s32 $0xFFFFFFFF  }
0xb9: {  	_ =	strace $0x90000048  }
0xba: {  	_ =	sfence  }
0xbb: {  	s30 =	sld [smem:$0x0];
	_ =	sdelay $0x2  }
0xbc: {  	s31 =	sshll.u32 s1, $0xD;
	s1 =	sshrl.u32 s1, $0x2  }
0xbd: {  	s3 =	sand.u32 $0x4000, s31;
	s1 =	sadd.s32 s1, s30  }
0xbe: {  	s0 =	sor.u32 s3, s0;
	s1 =	sshll.u32 s1, $0x11  }
0xbf: {  	s0 =	sor.u32 s1, s0  }
0xc0: {  	s0 =	sadd.s32 $0x8F2B, s0  }
0xc1: {  	[sflag:s0] =	ssyncadd.remote.s32 $0x1  }
0xc2: {  	_ =	sfence.sel $0xFFFF  }
0xc3: {  	[dreg:$0x0] =	wrdreg $0xFFFFFFFF;
	(pc) =	sbr.abs _section_cstart, $3  }
0xc4: {  	[dreg:$0x1] =	wrdreg $0xFFFFFFFF  }
0xc5: {  	_ =	task.clear_ibuf [dreg:s9], $0x2FFFF;
	_ =	strace $0x9FFFFFFF  }
0xc6: {  	(tm) =	ssettm $0x7FFFFFFF  }
0xc7: {  	_ =	shalt  }
tec
execute0_lowered:
.L_overlay_start_1:
0x0: {  	(tag) =	ssettag $0x1  }
0x1: {  	s0 =	rddreg [dreg:$0x0]  }
0x2: {  	s1 =	rddreg [dreg:$0x1]  }
0x3: {  	s10 =	rddreg [dreg:$0x2]  }
0x4: {  	s4 =	srdreg.scid;
	s2 =	stileid.u32  }
0x5: {  	s19 =	rddreg [dreg:$0x3];
	s7 =	sand.u32 $0x1, s4;
	s17 =	sshll.u32 s2, $0x1  }
0x6: {  	s3 =	simm.s32 $0x0;
	s28 =	simm.s32 $0x6800;
	s8 =	sor.u32 s7, s17  }
0x7: {  	[smem:$0x7FF] =	sst s3;
	s4 =	sadd.s32 $0x1200, s0;
	s9 =	smul.u32 $0x9C4, s8  }
0x8: {  	s5 =	sadd.s32 $0x6200, s0;
	s18 =	sadd.s32 $0xB200, s0;
	_ =	strace $0x80000047  }
0x9: {  	s20 =	ssub.s32 $0x2, s7;
	[dreg:$0x5] =	wrdreg s18;
	s21 =	sshrl.u32 s9, $0x5  }
0xa: {  	s12 =	sshrl.u32 s20, $0x1;
	p0 =	seq.s32 s8, $0x1F;
	s7 =	sand.u32 $0xFF8, s21  }
0xb: {  	s0 =	ssub.s32 s20, s12;
	s11 =	sadd.s32 $0x9C4, s9;
	s22 =	sshll.u32 s7, $0x7  }
0xc: {  	s14 =	sshll.u32 s9, $0x3;
	s0 =	smax.u32 s0, $0x1;
	s23 =	smin.u32 s22, $0x4B600  }
0xd: {  	s11 =	sshrl.u32 s11, $0x5;
	s24 =	sand.u32 $0xFF800, s14;
	s13 =	sshrl.u32 s23, $0x3  }
0xe: {  	[dreg:$0xf] =	wrdreg s0;
	s0 =	simm.s32 $0x3;
	s1 =	sadd.s32 s1, s13  }
0xf: {  	s9 =	ssub.s32 s22, s23;
	s6 =	sadd.s32 s10, s13;
	[dreg:$0x6] =	wrdreg s1  }
0x10: {  	v0 =	vlaneseq.u32;
	s8 =	sand.u32 $0x1FF8, s11;
	s25 =	sor.u32 $0x80, s9;
	[dreg:$0x7] =	wrdreg s6  }
0x11: {  	v0 =	vmul.u32 $0x10, v0;
	s8 =	simm.s32 @p0 $0x9C4;
	s26 =	sor.u32 $0x100, s9;
	[dreg:$0x8] =	wrdreg s25  }
0x12: {  	s8 =	ssub.s32 s8, s7;
	s29 =	sor.u32 $0x180, s9;
	[dreg:$0xa] =	wrdreg s26  }
.Ltmp0:
0x13: {  	v1 =	vor.u32 $0x100, v0;
	v2 =	vor.u32 $0x200, v0;
	v3 =	vor.u32 $0x300, v0;
	s30 =	sadd.s32 $0x2C80, s9;
	[dreg:$0xb] =	wrdreg s29;
	(pc) =	sbr.rel .LBB2_1-.Ltmp0, $4  }
0x14: {  	v4 =	vor.u32 $0x400, v0;
	v5 =	vor.u32 $0x500, v0;
	v6 =	vor.u32 $0x600, v0;
	s17 =	sadd.s32 $0x2C00, s9;
	s31 =	sshra.s32 s8, $0x2;
	[dreg:$0xd] =	wrdreg s30  }
0x15: {  	v7 =	vor.u32 $0x700, v0;
	v8 =	vor.u32 $0x800, v0;
	v9 =	vor.u32 $0x900, v0;
	s1 =	sadd.s32 s18, s24;
	[dreg:$0xe] =	wrdreg s31;
	p0 =	slt.s32 s31, $0x1  }
0x16: {  	v10 =	vor.u32 $0xA00, v0;
	v11 =	vor.u32 $0xB00, v0;
	v12 =	vor.u32 $0xC00, v0;
	s24 =	simm.s32 $0x5800;
	[dreg:$0x9] =	wrdreg s1;
	s1 =	sadd.s32 $0x200, s1  }
0x17: {  	v13 =	vor.u32 $0xD00, v0;
	v14 =	vor.u32 $0xE00, v0;
	v15 =	vor.u32 $0xF00, v0;
	s26 =	simm.s32 $0x4;
	s6 =	simm.s32 $0x0;
	[dreg:$0xc] =	wrdreg s1  }
.LBB2_11:
0x18: {  	s1 =	simm.s32 $0x5  }
0x19: {  	_ =	swait.ge [sflag:s1], $0x800  }
0x1a: {  	[sflag:s1] =	ssyncset.done $0x0  }
0x1b: {  	[sflag:s1] =	ssyncadd.s32 $0xFFFFF800  }
0x1c: {  	_ =	swait.ge [sflag:s1], $0x800  }
0x1d: {  	[sflag:s1] =	ssyncset.done $0x0  }
0x1e: {  	s2 =	simm.s32 $0x6;
	[sflag:s1] =	ssyncadd.s32 $0xFFFFF800  }
0x1f: {  	_ =	swait.ge [sflag:s2], $0x800  }
0x20: {  	[sflag:s2] =	ssyncset.done $0x0  }
0x21: {  	[sflag:s2] =	ssyncadd.s32 $0xFFFFF800  }
0x22: {  	_ =	swait.ge [sflag:s2], $0x800  }
0x23: {  	s6 =	rddreg [dreg:$0x10]  }
0x24: {  	s31 =	rddreg [dreg:$0xf];
	s6 =	sadd.s32 $0x1, s6  }
0x25: {  	p1 =	sne.s32 s6, s31  }
.Ltmp1:
0x26: {  	_ = 	snop;
	(pc) =	sbr.rel @!p1 .LBB2_12-.Ltmp1, $3  }
0x27: {  	_ =	sdelay $0x1  }
0x28: {  	[sflag:s2] =	ssyncset.done $0x0  }
0x29: {  	[sflag:s2] =	ssyncadd.s32 $0xFFFFF800  }
.LBB2_1:
0x2a: {  	[dreg:$0x10] =	wrdreg s6  }
0x2b: {  	s1 =	rddreg [dreg:$0x6];
	s2 =	simm.s32 $0x7  }
0x2c: {  	[tilespmem:s3], [sflag:$0x7] =	stream.linear.gather [hbm4b:s1+s3], $0x2C00, $0x38;
	[tilespmem:$0xB800] =	vst v63  }
0x2d: {  	_ =	swait.ge [sflag:s2], $0x2C00  }
0x2e: {  	[sflag:s2] =	ssyncset.done $0x0  }
0x2f: {  	s14 =	simm.s32 $0x2C00;
	s13 =	rddreg [dreg:$0x7];
	[sflag:s2] =	ssyncadd.s32 $0xFFFFD400  }
0x30: {  	[tilespmem:s14], [sflag:$0x7] =	stream.linear.gather [hbm4b:s13+s3], $0x2C00, $0x38;
	[tilespmem:$0xB800] =	vst v63  }
0x31: {  	_ =	swait.ge [sflag:s2], $0x2C00  }
0x32: {  	[sflag:s2] =	ssyncset.done $0x0  }
0x33: {  	s15 =	simm.s32 $0x80;
	[sflag:s2] =	ssyncadd.s32 $0xFFFFD400  }
0x34: {  	[tilespmem:s24], [sflag:$0x1] =	stream.indirect.gather [hbm4b:s4+s15], $0x10, s9, s15, $0xb8;
	[tilespmem:$0xB800] =	vst v63  }
0x35: {  	s18 =	simm.s32 $0x6000;
	s16 =	rddreg [dreg:$0x8]  }
0x36: {  	[tilespmem:s18], [sflag:$0x1] =	stream.indirect.gather [hbm4b:s4+s15], $0x10, s16, s15, $0xb8;
	[tilespmem:$0xB800] =	vst v63  }
0x37: {  	s10 =	simm.s32 $0x7800;
	s20 =	rddreg [dreg:$0x9]  }
0x38: {  	[tilespmem:s10], [sflag:$0x1] =	stream.linear.gather [hbm4b:s20+s3], $0x1000, $0x38;
	[tilespmem:$0xB800] =	vst v63  }
0x39: {  	s21 =	rddreg [dreg:$0xa]  }
0x3a: {  	[tilespmem:s28], [sflag:$0x2] =	stream.indirect.gather [hbm4b:s4+s15], $0x10, s21, s15, $0xb8;
	[tilespmem:$0xB800] =	vst v63  }
0x3b: {  	s23 =	simm.s32 $0x7000;
	s22 =	rddreg [dreg:$0xb]  }
0x3c: {  	[tilespmem:s23], [sflag:$0x2] =	stream.indirect.gather [hbm4b:s4+s15], $0x10, s22, s15, $0xb8;
	[tilespmem:$0xB800] =	vst v63  }
0x3d: {  	s29 =	simm.s32 $0x8800;
	s30 =	simm.s32 $0x1;
	s25 =	rddreg [dreg:$0xc]  }
0x3e: {  	[tilespmem:s29], [sflag:$0x2] =	stream.linear.gather [hbm4b:s25+s3], $0x1000, $0x38;
	[tilespmem:$0xB800] =	vst v63  }
0x3f: {  	_ =	swait.ge [sflag:s30], $0x800  }
0x40: {  	[sflag:s30] =	ssyncset.done $0x0  }
0x41: {  	[sflag:s30] =	ssyncadd.s32 $0xFFFFF800  }
0x42: {  	_ =	swait.ge [sflag:s30], $0x800  }
0x43: {  	[sflag:s30] =	ssyncset.done $0x0  }
0x44: {  	[sflag:s30] =	ssyncadd.s32 $0xFFFFF800  }
0x45: {  	_ =	swait.ge [sflag:s30], $0x1000  }
.Ltmp2:
0x46: {  	[sflag:s30] =	ssyncset.done $0x0;
	(pc) =	sbr.rel @p0 .LBB2_11-.Ltmp2, $4  }
0x47: {  	[sflag:s30] =	ssyncadd.s32 $0xFFFFF000  }
0x48: {  	[tilespmem:s24], [sflag:$0x3] =	stream.indirect.gather.add.f32 [hbm:s5], $0x10, s17, s15, $0xb8;
	[tilespmem:$0xB800] =	vst v63  }
0x49: {  	s12 =	simm.s32 $0x0;
	s31 =	rddreg [dreg:$0xd]  }
0x4a: {  	[tilespmem:s18], [sflag:$0x3] =	stream.indirect.gather.add.f32 [hbm:s5], $0x10, s31, s15, $0xb8;
	[tilespmem:$0xB800] =	vst v63  }
.LBB2_2:
0x4b: {  	_ =	swait.ge [sflag:s0], $0x800  }
0x4c: {  	[sflag:s0] =	ssyncset.done $0x0  }
0x4d: {  	s15 =	simm.s32 $0x0;
	[sflag:s0] =	ssyncadd.s32 $0xFFFFF800  }
0x4e: {  	s1 =	simm.s32 $0x1;
	v16 =	vmov s15;
	_ =	swait.ge [sflag:s0], $0x800  }
0x4f: {  	p1 =	seq.s32 s12, $0x0;
	v17 =	vmov s1;
	v16 =	vand.u32 $0xE, v16;
	[sflag:s0] =	ssyncset.done $0x0  }
0x50: {  	s1 =	simm.s32 @!p1 $0x5;
	v17 =	vand.u32 $0xF, v17;
	v16 =	vbroadcast v16, $0x0;
	[sflag:s0] =	ssyncadd.s32 $0xFFFFF800  }
0x51: {  	v17 =	vbroadcast v17, $0x0;
	_ =	swait.ge @!p1 [sflag:s1], $0x800  }
0x52: {  	v18 =	vor.u32 v0, v16;
	[sflag:s1] =	ssyncset.done @!p1 $0x0  }
0x53: {  	v19 =	vor.u32 v7, v17;
	[sflag:s1] =	ssyncadd.s32 @!p1 $0xFFFFF800  }
0x54: {  	_ =	swait.ge @!p1 [sflag:s1], $0x800  }
0x55: {  	v20 =	vor.u32 v0, v17;
	[sflag:s1] =	ssyncset.done @!p1 $0x0  }
0x56: {  	v21 =	vor.u32 v1, v17;
	[sflag:s1] =	ssyncadd.s32 @!p1 $0xFFFFF800  }
0x57: {  	v22 =	vor.u32 v2, v17;
	v28 =	vld.idx.msk [tilespmem:v18+s24+$0x0], $0xffff  }
0x58: {  	s21 =	simm.s32 $0x7880;
	v23 =	vor.u32 v3, v17;
	v33 =	vld.idx.msk [tilespmem:v19+s24+$0x0], $0xffff  }
0x59: {  	v25 =	vor.u32 v4, v17;
	v34 =	vld [tilespmem:s21+$0x70]  }
0x5a: {  	v26 =	vor.u32 v5, v17;
	v18 =	vld.idx.msk [tilespmem:v20+s24+$0x0], $0xffff  }
0x5b: {  	v27 =	vor.u32 v6, v17;
	v19 =	vld.idx.msk [tilespmem:v21+s24+$0x0], $0xffff  }
0x5c: {  	v29 =	vor.u32 v1, v16;
	v20 =	vld.idx.msk [tilespmem:v22+s24+$0x0], $0xffff  }
0x5d: {  	v30 =	vor.u32 v2, v16;
	v24 =	vld.idx.msk [tilespmem:v23+s24+$0x0], $0xffff  }
0x5e: {  	v35 =	vor.u32 v3, v16;
	v22 =	vld.idx.msk [tilespmem:v25+s24+$0x0], $0xffff  }
0x5f: {  	v23 =	vld.idx.msk [tilespmem:v26+s24+$0x0], $0xffff  }
0x60: {  	v21 =	vld.idx.msk [tilespmem:v27+s24+$0x0], $0xffff  }
0x61: {  	v25 =	vor.u32 v4, v16;
	v32 =	vld.idx.msk [tilespmem:v29+s24+$0x0], $0xffff  }
0x62: {  	v26 =	vor.u32 v5, v16;
	v31 =	vld.idx.msk [tilespmem:v30+s24+$0x0], $0xffff  }
0x63: {  	v36 =	vor.u32 v6, v16;
	v30 =	vld.idx.msk [tilespmem:v35+s24+$0x0], $0xffff  }
0x64: {  	v63 =	vld [tilespmem:s21+$0xFFFFFF80]  }
0x65: {  	v37 =	vor.u32 v7, v16;
	v35 =	vld [tilespmem:s21+$0xFFFFFFA0]  }
0x66: {  	v29 =	vld.idx.msk [tilespmem:v25+s24+$0x0], $0xffff  }
0x67: {  	v27 =	vld.idx.msk [tilespmem:v26+s24+$0x0], $0xffff  }
0x68: {  	v26 =	vld.idx.msk [tilespmem:v36+s24+$0x0], $0xffff  }
0x69: {  	s14 =	sshll.u32 s12, $0x2;
	s25 =	simm.s32 $0x0;
	v36 =	vld [tilespmem:s21+$0xFFFFFF90]  }
0x6a: {  	s10 =	simm.s32 $0x80;
	s18 =	simm.s32 $0x80F0;
	s31 =	sand.u32 $0x800, s15;
	v25 =	vld.idx.msk [tilespmem:v37+s24+$0x0], $0xffff  }
0x6b: {  	s11 =	sand.u32 $0x300, s15;
	s20 =	sand.u32 $0x380, s10;
	s13 =	sadd.s32 $0x9800, s31;
	v38 =	vadd.f32 v34, v33;
	v34 =	vld [tilespmem:s21+$0xFFFFFFB0]  }
0x6c: {  	s22 =	simm.s32 $0x0;
	s16 =	sor.u32 s11, s13;
	s10 =	sor.u32 s20, s13;
	v33 =	vld [tilespmem:s21+$0xFFFFFFC0]  }
0x6d: {  	s11 =	simm.s32 $0x2;
	s23 =	smov.u32 s16;
	s1 =	simm.s32 $0x0;
	v37 =	vadd.f32 v63, v28;
	v28 =	vld [tilespmem:s21+$0xFFFFFFD0];
	[tilespmem:s10+$0x70] =	vst v38  }
.LBB2_3:
0x6e: {  	v38 =	vmov s11;
	s29 =	sadd.s32 $0x1, s11;
	s25 =	sadd.s32 $0x10, s25;
	v32 =	vadd.f32 v36, v32;
	v36 =	vld [tilespmem:s21+$0xFFFFFFE0]  }
0x6f: {  	v38 =	vand.u32 $0xE, v38;
	v39 =	vmov s29;
	p2 =	slt.u32 s25, $0x70;
	[tilespmem:s23+$0x0] =	vst v37;
	v31 =	vadd.f32 v35, v31;
	v35 =	vld [tilespmem:s21+$0xFFFFFFF0]  }
0x70: {  	v37 =	vbroadcast v38, $0x0;
	v38 =	vand.u32 $0xF, v39;
	[tilespmem:s23+$0x10] =	vst v32;
	v30 =	vadd.f32 v34, v30;
	v32 =	vld [tilespmem:s21+$0x0]  }
0x71: {  	v34 =	vbroadcast v38, $0x0;
	[tilespmem:s23+$0x20] =	vst v31;
	v29 =	vadd.f32 v33, v29;
	v31 =	vld [tilespmem:s21+$0x10]  }
0x72: {  	v33 =	vor.u32 v0, v37;
	v38 =	vor.u32 v1, v37;
	v39 =	vor.u32 v2, v37;
	[tilespmem:s23+$0x30] =	vst v30;
	v30 =	vld [tilespmem:s21+$0x20]  }
0x73: {  	v40 =	vor.u32 v0, v34;
	v41 =	vor.u32 v1, v34;
	v42 =	vor.u32 v7, v34;
	[tilespmem:s23+$0x40] =	vst v29;
	v29 =	vld [tilespmem:s21+$0x30]  }
0x74: {  	v43 =	vor.u32 v2, v34;
	v44 =	vor.u32 v3, v34;
	v45 =	vor.u32 v4, v34;
	v46 =	vld [tilespmem:s21+$0x40]  }
0x75: {  	v47 =	vor.u32 v3, v37;
	v48 =	vor.u32 v5, v34;
	v34 =	vor.u32 v6, v34;
	v49 =	vld [tilespmem:s21+$0x50]  }
0x76: {  	v50 =	vor.u32 v4, v37;
	v51 =	vor.u32 v5, v37;
	v52 =	vor.u32 v6, v37;
	v53 =	vld [tilespmem:s21+$0x60]  }
0x77: {  	v18 =	vadd.f32 v32, v18;
	v19 =	vadd.f32 v31, v19;
	v54 =	vld.idx.msk [tilespmem:v33+s24+$0x0], $0xffff;
	v33 =	vor.u32 v7, v37  }
0x78: {  	s21 =	sadd.s32 $0x100, s21;
	v20 =	vadd.f32 v30, v20;
	v31 =	vld.idx.msk [tilespmem:v42+s24+$0x0], $0xffff;
	v24 =	vadd.f32 v29, v24  }
0x79: {  	v27 =	vadd.f32 v28, v27;
	v29 =	vld [tilespmem:s21+$0x70];
	[tilespmem:s10+$0x0] =	vst v18;
	v22 =	vadd.f32 v46, v22  }
0x7a: {  	v26 =	vadd.f32 v36, v26;
	v18 =	vld.idx.msk [tilespmem:v40+s24+$0x0], $0xffff;
	[tilespmem:s10+$0x10] =	vst v19;
	v23 =	vadd.f32 v49, v23  }
0x7b: {  	v25 =	vadd.f32 v35, v25;
	v19 =	vld.idx.msk [tilespmem:v41+s24+$0x0], $0xffff;
	[tilespmem:s10+$0x20] =	vst v20;
	v21 =	vadd.f32 v53, v21  }
0x7c: {  	s1 =	sadd.s32 $0x100, s1;
	s22 =	sadd.s32 $0x200, s22;
	v20 =	vld.idx.msk [tilespmem:v43+s24+$0x0], $0xffff;
	[tilespmem:s10+$0x30] =	vst v24  }
0x7d: {  	s29 =	sand.u32 $0x800, s22;
	s31 =	sand.u32 $0x300, s1;
	s30 =	sadd.s32 $0x80, s1;
	v24 =	vld.idx.msk [tilespmem:v44+s24+$0x0], $0xffff;
	[tilespmem:s10+$0x40] =	vst v22  }
0x7e: {  	s29 =	sadd.s32 $0x9800, s29;
	s30 =	sand.u32 $0x380, s30;
	v22 =	vld.idx.msk [tilespmem:v45+s24+$0x0], $0xffff;
	v28 =	vadd.f32 v29, v31;
	[tilespmem:s10+$0x50] =	vst v23  }
0x7f: {  	s31 =	sor.u32 s31, s29;
	v23 =	vld.idx.msk [tilespmem:v48+s24+$0x0], $0xffff;
	[tilespmem:s10+$0x60] =	vst v21;
	s10 =	sor.u32 s30, s29  }
0x80: {  	v21 =	vld.idx.msk [tilespmem:v34+s24+$0x0], $0xffff;
	[tilespmem:s10+$0x70] =	vst v28  }
0x81: {  	v32 =	vld.idx.msk [tilespmem:v38+s24+$0x0], $0xffff;
	[tilespmem:s23+$0x50] =	vst v27  }
0x82: {  	v31 =	vld.idx.msk [tilespmem:v39+s24+$0x0], $0xffff;
	[tilespmem:s23+$0x60] =	vst v26  }
0x83: {  	v30 =	vld.idx.msk [tilespmem:v47+s24+$0x0], $0xffff;
	[tilespmem:s23+$0x70] =	vst v25;
	s23 =	smov.u32 s31  }
0x84: {  	v29 =	vld.idx.msk [tilespmem:v50+s24+$0x0], $0xffff  }
0x85: {  	v27 =	vld.idx.msk [tilespmem:v51+s24+$0x0], $0xffff  }
0x86: {  	v26 =	vld.idx.msk [tilespmem:v52+s24+$0x0], $0xffff  }
0x87: {  	v25 =	vld.idx.msk [tilespmem:v33+s24+$0x0], $0xffff  }
0x88: {  	v28 =	vld [tilespmem:s21+$0xFFFFFF80]  }
.Ltmp3:
0x89: {  	v36 =	vld [tilespmem:s21+$0xFFFFFF90];
	(pc) =	sbr.rel @p2 .LBB2_3-.Ltmp3, $4  }
0x8a: {  	v35 =	vld [tilespmem:s21+$0xFFFFFFA0]  }
0x8b: {  	v34 =	vld [tilespmem:s21+$0xFFFFFFB0]  }
0x8c: {  	v33 =	vld [tilespmem:s21+$0xFFFFFFC0]  }
0x8d: {  	s11 =	sadd.s32 $0x2, s11;
	v37 =	vadd.f32 v28, v54;
	v28 =	vld [tilespmem:s21+$0xFFFFFFD0]  }
0x8e: {  	v38 =	vld [tilespmem:s21+$0x0]  }
0x8f: {  	v32 =	vadd.f32 v36, v32;
	v55 =	vld [tilespmem:s21+$0x10]  }
0x90: {  	v56 =	vld [tilespmem:s21+$0x20];
	[tilespmem:s23+$0x0] =	vst v37;
	v31 =	vadd.f32 v35, v31  }
0x91: {  	v57 =	vld [tilespmem:s21+$0x30];
	[tilespmem:s23+$0x10] =	vst v32;
	v30 =	vadd.f32 v34, v30  }
0x92: {  	[tilespmem:s23+$0x20] =	vst v31;
	v29 =	vadd.f32 v33, v29;
	v31 =	vld [tilespmem:s21+$0x40]  }
0x93: {  	[tilespmem:s23+$0x30] =	vst v30;
	v30 =	vld [tilespmem:s21+$0x50];
	v18 =	vadd.f32 v38, v18  }
0x94: {  	[tilespmem:s23+$0x40] =	vst v29;
	v29 =	vld [tilespmem:s21+$0x60];
	v19 =	vadd.f32 v55, v19  }
0x95: {  	v20 =	vadd.f32 v56, v20;
	[tilespmem:s10+$0x0] =	vst v18  }
0x96: {  	v24 =	vadd.f32 v57, v24;
	v18 =	vld [tilespmem:s21+$0xFFFFFFE0];
	[tilespmem:s10+$0x10] =	vst v19  }
0x97: {  	v19 =	vld [tilespmem:s21+$0xFFFFFFF0];
	[tilespmem:s10+$0x20] =	vst v20;
	v22 =	vadd.f32 v31, v22  }
0x98: {  	[tilespmem:s10+$0x30] =	vst v24;
	v20 =	vadd.f32 v30, v23  }
0x99: {  	v21 =	vadd.f32 v29, v21;
	[tilespmem:s10+$0x40] =	vst v22  }
0x9a: {  	v22 =	vadd.f32 v28, v27;
	[tilespmem:s10+$0x50] =	vst v20  }
0x9b: {  	v27 =	vor.u32 v9, v16;
	v18 =	vadd.f32 v18, v26;
	[tilespmem:s10+$0x60] =	vst v21  }
0x9c: {  	v28 =	vor.u32 v10, v16;
	v19 =	vadd.f32 v19, v25;
	[tilespmem:s23+$0x50] =	vst v22  }
0x9d: {  	v59 =	vor.u32 v11, v16;
	[tilespmem:s23+$0x60] =	vst v18  }
0x9e: {  	v60 =	vor.u32 v12, v16;
	[tilespmem:s23+$0x70] =	vst v19  }
0x9f: {  	v58 =	vld [tilespmem:s18+$0x0]  }
0xa0: {  	v30 =	vld.idx.msk [tilespmem:v27+s24+$0x0], $0xffff  }
0xa1: {  	v29 =	vld.idx.msk [tilespmem:v28+s24+$0x0], $0xffff  }
0xa2: {  	v28 =	vld.idx.msk [tilespmem:v59+s24+$0x0], $0xffff  }
0xa3: {  	v20 =	vor.u32 v8, v16;
	v27 =	vld.idx.msk [tilespmem:v60+s24+$0x0], $0xffff  }
0xa4: {  	v21 =	vor.u32 v15, v17;
	v62 =	vld [tilespmem:s18+$0xFFFFFF10]  }
0xa5: {  	v18 =	vor.u32 v8, v17;
	v34 =	vld [tilespmem:s18+$0xFFFFFF20]  }
0xa6: {  	v19 =	vor.u32 v9, v17;
	v33 =	vld [tilespmem:s18+$0xFFFFFF30]  }
0xa7: {  	v22 =	vor.u32 v10, v17;
	v32 =	vld [tilespmem:s18+$0xFFFFFF40]  }
0xa8: {  	v24 =	vor.u32 v13, v17;
	v26 =	vld.idx.msk [tilespmem:v20+s24+$0x0], $0xffff  }
0xa9: {  	v20 =	vor.u32 v11, v17;
	v31 =	vld.idx.msk [tilespmem:v21+s24+$0x0], $0xffff  }
0xaa: {  	v25 =	vor.u32 v14, v17;
	v18 =	vld.idx.msk [tilespmem:v18+s24+$0x0], $0xffff  }
0xab: {  	v21 =	vor.u32 v12, v17;
	v17 =	vld.idx.msk [tilespmem:v19+s24+$0x0], $0xffff  }
0xac: {  	v19 =	vld.idx.msk [tilespmem:v22+s24+$0x0], $0xffff  }
0xad: {  	v22 =	vld.idx.msk [tilespmem:v24+s24+$0x0], $0xffff  }
0xae: {  	v24 =	vor.u32 v13, v16;
	v23 =	vld.idx.msk [tilespmem:v20+s24+$0x0], $0xffff  }
0xaf: {  	v61 =	vor.u32 v14, v16;
	v20 =	vld.idx.msk [tilespmem:v25+s24+$0x0], $0xffff  }
0xb0: {  	v16 =	vor.u32 v15, v16;
	v35 =	vadd.f32 v62, v26;
	v26 =	vld [tilespmem:s18+$0xFFFFFF60]  }
0xb1: {  	v21 =	vld.idx.msk [tilespmem:v21+s24+$0x0], $0xffff  }
0xb2: {  	v63 =	vadd.f32 v58, v31;
	v31 =	vld [tilespmem:s18+$0xFFFFFF50]  }
0xb3: {  	v25 =	vld.idx.msk [tilespmem:v24+s24+$0x0], $0xffff  }
0xb4: {  	s10 =	sor.u32 s20, s13;
	v24 =	vld.idx.msk [tilespmem:v61+s24+$0x0], $0xffff  }
0xb5: {  	s11 =	simm.s32 $0x0;
	s1 =	simm.s32 $0x2;
	s13 =	simm.s32 $0x0;
	v16 =	vld.idx.msk [tilespmem:v16+s24+$0x0], $0xffff;
	[tilespmem:s10+$0x470] =	vst v63  }
.LBB2_5:
0xb6: {  	v36 =	vmov s1;
	s20 =	sadd.s32 $0x1, s1;
	s11 =	sadd.s32 $0x10, s11;
	v30 =	vadd.f32 v34, v30;
	v34 =	vld [tilespmem:s18+$0xFFFFFF70]  }
0xb7: {  	v36 =	vand.u32 $0xE, v36;
	v37 =	vmov s20;
	p2 =	slt.u32 s11, $0x70;
	[tilespmem:s16+$0x400] =	vst v35;
	v29 =	vadd.f32 v33, v29;
	v33 =	vld [tilespmem:s18+$0xFFFFFF80]  }
0xb8: {  	v35 =	vbroadcast v36, $0x0;
	v36 =	vand.u32 $0xF, v37;
	[tilespmem:s16+$0x410] =	vst v30;
	v28 =	vadd.f32 v32, v28;
	v30 =	vld [tilespmem:s18+$0xFFFFFF90]  }
0xb9: {  	v32 =	vbroadcast v36, $0x0;
	[tilespmem:s16+$0x420] =	vst v29;
	v27 =	vadd.f32 v31, v27;
	v29 =	vld [tilespmem:s18+$0xFFFFFFA0]  }
0xba: {  	v31 =	vor.u32 v8, v35;
	v36 =	vor.u32 v9, v35;
	v37 =	vor.u32 v10, v35;
	[tilespmem:s16+$0x430] =	vst v28;
	v28 =	vld [tilespmem:s18+$0xFFFFFFB0]  }
0xbb: {  	v38 =	vor.u32 v8, v32;
	v39 =	vor.u32 v9, v32;
	v40 =	vor.u32 v15, v32;
	[tilespmem:s16+$0x440] =	vst v27;
	v27 =	vld [tilespmem:s18+$0xFFFFFFC0]  }
0xbc: {  	v41 =	vor.u32 v10, v32;
	v42 =	vor.u32 v11, v32;
	v43 =	vor.u32 v12, v32;
	v44 =	vld [tilespmem:s18+$0xFFFFFFD0]  }
0xbd: {  	v45 =	vor.u32 v11, v35;
	v46 =	vor.u32 v13, v32;
	v32 =	vor.u32 v14, v32;
	v47 =	vld [tilespmem:s18+$0xFFFFFFE0]  }
0xbe: {  	v48 =	vor.u32 v12, v35;
	v49 =	vor.u32 v13, v35;
	v50 =	vor.u32 v14, v35;
	v51 =	vld [tilespmem:s18+$0xFFFFFFF0]  }
0xbf: {  	v18 =	vadd.f32 v30, v18;
	v17 =	vadd.f32 v29, v17;
	v52 =	vld.idx.msk [tilespmem:v31+s24+$0x0], $0xffff;
	v31 =	vor.u32 v15, v35  }
0xc0: {  	s18 =	sadd.s32 $0x100, s18;
	v19 =	vadd.f32 v28, v19;
	v29 =	vld.idx.msk [tilespmem:v40+s24+$0x0], $0xffff;
	v23 =	vadd.f32 v27, v23  }
0xc1: {  	v25 =	vadd.f32 v26, v25;
	v27 =	vld [tilespmem:s18+$0x0];
	[tilespmem:s10+$0x400] =	vst v18;
	v21 =	vadd.f32 v44, v21  }
0xc2: {  	v24 =	vadd.f32 v34, v24;
	v18 =	vld.idx.msk [tilespmem:v38+s24+$0x0], $0xffff;
	[tilespmem:s10+$0x410] =	vst v17;
	v22 =	vadd.f32 v47, v22  }
0xc3: {  	v16 =	vadd.f32 v33, v16;
	v17 =	vld.idx.msk [tilespmem:v39+s24+$0x0], $0xffff;
	[tilespmem:s10+$0x420] =	vst v19;
	v20 =	vadd.f32 v51, v20  }
0xc4: {  	s15 =	sadd.s32 $0x100, s15;
	s13 =	sadd.s32 $0x200, s13;
	v19 =	vld.idx.msk [tilespmem:v41+s24+$0x0], $0xffff;
	[tilespmem:s10+$0x430] =	vst v23  }
0xc5: {  	s20 =	sand.u32 $0x800, s13;
	s21 =	sand.u32 $0x300, s15;
	s22 =	sadd.s32 $0x80, s15;
	v23 =	vld.idx.msk [tilespmem:v42+s24+$0x0], $0xffff;
	[tilespmem:s10+$0x440] =	vst v21  }
0xc6: {  	s20 =	sadd.s32 $0x9800, s20;
	s22 =	sand.u32 $0x380, s22;
	v21 =	vld.idx.msk [tilespmem:v43+s24+$0x0], $0xffff;
	v26 =	vadd.f32 v27, v29;
	[tilespmem:s10+$0x450] =	vst v22  }
0xc7: {  	s21 =	sor.u32 s21, s20;
	v22 =	vld.idx.msk [tilespmem:v46+s24+$0x0], $0xffff;
	[tilespmem:s10+$0x460] =	vst v20;
	s10 =	sor.u32 s22, s20  }
0xc8: {  	v20 =	vld.idx.msk [tilespmem:v32+s24+$0x0], $0xffff;
	[tilespmem:s10+$0x470] =	vst v26  }
0xc9: {  	v30 =	vld.idx.msk [tilespmem:v36+s24+$0x0], $0xffff;
	[tilespmem:s16+$0x450] =	vst v25  }
0xca: {  	v29 =	vld.idx.msk [tilespmem:v37+s24+$0x0], $0xffff;
	[tilespmem:s16+$0x460] =	vst v24  }
0xcb: {  	v28 =	vld.idx.msk [tilespmem:v45+s24+$0x0], $0xffff;
	[tilespmem:s16+$0x470] =	vst v16;
	s16 =	smov.u32 s21  }
0xcc: {  	v27 =	vld.idx.msk [tilespmem:v48+s24+$0x0], $0xffff  }
0xcd: {  	v25 =	vld.idx.msk [tilespmem:v49+s24+$0x0], $0xffff  }
0xce: {  	v24 =	vld.idx.msk [tilespmem:v50+s24+$0x0], $0xffff  }
0xcf: {  	v16 =	vld.idx.msk [tilespmem:v31+s24+$0x0], $0xffff  }
0xd0: {  	v26 =	vld [tilespmem:s18+$0xFFFFFF10]  }
.Ltmp4:
0xd1: {  	v34 =	vld [tilespmem:s18+$0xFFFFFF20];
	(pc) =	sbr.rel @p2 .LBB2_5-.Ltmp4, $4  }
0xd2: {  	v33 =	vld [tilespmem:s18+$0xFFFFFF30]  }
0xd3: {  	v32 =	vld [tilespmem:s18+$0xFFFFFF40]  }
0xd4: {  	v31 =	vld [tilespmem:s18+$0xFFFFFF50]  }
0xd5: {  	s1 =	sadd.s32 $0x2, s1;
	v35 =	vadd.f32 v26, v52;
	v26 =	vld [tilespmem:s18+$0xFFFFFF60]  }
0xd6: {  	v36 =	vld [tilespmem:s18+$0xFFFFFF90]  }
0xd7: {  	v30 =	vadd.f32 v34, v30;
	v57 =	vld [tilespmem:s18+$0xFFFFFFA0]  }
0xd8: {  	v58 =	vld [tilespmem:s18+$0xFFFFFFB0];
	[tilespmem:s16+$0x400] =	vst v35;
	v29 =	vadd.f32 v33, v29  }
0xd9: {  	[tilespmem:s16+$0x410] =	vst v30;
	v28 =	vadd.f32 v32, v28;
	v30 =	vld [tilespmem:s18+$0xFFFFFFC0]  }
0xda: {  	[tilespmem:s16+$0x420] =	vst v29;
	v27 =	vadd.f32 v31, v27;
	v29 =	vld [tilespmem:s18+$0xFFFFFFD0]  }
0xdb: {  	[tilespmem:s16+$0x430] =	vst v28;
	v28 =	vld [tilespmem:s18+$0xFFFFFFE0];
	v18 =	vadd.f32 v36, v18  }
0xdc: {  	[tilespmem:s16+$0x440] =	vst v27;
	v27 =	vld [tilespmem:s18+$0xFFFFFFF0];
	v17 =	vadd.f32 v57, v17  }
0xdd: {  	v19 =	vadd.f32 v58, v19;
	[tilespmem:s10+$0x400] =	vst v18  }
0xde: {  	v18 =	vld [tilespmem:s18+$0xFFFFFF70];
	v23 =	vadd.f32 v30, v23;
	[tilespmem:s10+$0x410] =	vst v17  }
0xdf: {  	v17 =	vld [tilespmem:s18+$0xFFFFFF80];
	[tilespmem:s10+$0x420] =	vst v19;
	v21 =	vadd.f32 v29, v21  }
0xe0: {  	v19 =	vadd.f32 v28, v22;
	[tilespmem:s10+$0x430] =	vst v23  }
0xe1: {  	v20 =	vadd.f32 v27, v20;
	[tilespmem:s10+$0x440] =	vst v21  }
0xe2: {  	v21 =	vadd.f32 v26, v25;
	[tilespmem:s10+$0x450] =	vst v19  }
0xe3: {  	s1 =	sadd.s32 s7, s14;
	v18 =	vadd.f32 v18, v24;
	[tilespmem:s10+$0x460] =	vst v20  }
0xe4: {  	s1 =	sshll.u32 s1, $0xA;
	v16 =	vadd.f32 v17, v16;
	[tilespmem:s16+$0x450] =	vst v21  }
0xe5: {  	s2 =	simm.s32 $0x9800;
	s21 =	sshrl.u32 s1, $0x3;
	s1 =	sadd.s32 $0x271000, s1;
	[tilespmem:s16+$0x460] =	vst v18  }
0xe6: {  	s15 =	sor.u32 $0x2, s14;
	s1 =	sshrl.u32 s1, $0x3;
	s10 =	sadd.s32 s19, s21;
	[tilespmem:s16+$0x470] =	vst v16  }
0xe7: {  	[hbm4b:s10+s3] =	stream.linear.scatter [tilespmem:s2], [sflag:$0x5], $0x800, $0x38;
	[tilespmem:$0xB800] =	vst v63  }
0xe8: {  	s22 =	simm.s32 $0xA000;
	p2 =	sge.s32 s15, s8;
	s1 =	sadd.s32 s19, s1  }
0xe9: {  	[hbm4b:s1+s3] =	stream.linear.scatter [tilespmem:s22], [sflag:$0x5], $0x800, $0x38;
	[tilespmem:$0xB800] =	vst v63  }
0xea: {  	s1 =	simm.s32 @!p2 $0x2  }
0xeb: {  	_ =	swait.ge @!p2 [sflag:s1], $0x800  }
0xec: {  	[sflag:s1] =	ssyncset.done @!p2 $0x0  }
0xed: {  	[sflag:s1] =	ssyncadd.s32 @!p2 $0xFFFFF800  }
0xee: {  	_ =	swait.ge @!p2 [sflag:s1], $0x800  }
0xef: {  	[sflag:s1] =	ssyncset.done @!p2 $0x0  }
0xf0: {  	[sflag:s1] =	ssyncadd.s32 @!p2 $0xFFFFF800  }
0xf1: {  	_ =	swait.ge @!p2 [sflag:s1], $0x1000  }
0xf2: {  	s10 =	sshll.u32 @!p2 s15, $0x9;
	[sflag:s1] =	ssyncset.done @!p2 $0x0  }
0xf3: {  	[sflag:s1] =	ssyncadd.s32 @!p2 $0xFFFFF000;
	s1 =	sshra.s32 @!p2 s10, $0x2  }
0xf4: {  	s11 =	simm.s32 @!p2 $0x6800;
	s10 =	simm.s32 @!p2 $0x80;
	s1 =	sadd.s32 @!p2 s1, s17  }
0xf5: {  	[tilespmem:s11], [sflag:$0x4] =	stream.indirect.gather.add.f32 @!p2 [hbm:s5], $0x10, s1, s10, $0xb8;
	[tilespmem:$0xB800] =	vst v63  }
0xf6: {  	s1 =	sadd.s32 @!p2 $0x80, s1;
	s11 =	simm.s32 @!p2 $0x7000  }
0xf7: {  	[tilespmem:s11], [sflag:$0x4] =	stream.indirect.gather.add.f32 @!p2 [hbm:s5], $0x10, s1, s10, $0xb8;
	[tilespmem:$0xB800] =	vst v63  }
0xf8: {  	s1 =	sadd.s32 $0x4, s14  }
0xf9: {  	p2 =	sge.s32 s1, s8  }
0xfa: {  	s2 =	rddreg [dreg:$0x5];
	s10 =	sshll.u32 @!p2 s1, $0x9  }
0xfb: {  	s11 =	simm.s32 @!p2 $0x80;
	s1 =	sadd.s32 @!p2 s7, s1;
	s16 =	sshra.s32 @!p2 s10, $0x2  }
0xfc: {  	s13 =	simm.s32 @!p2 $0x5800;
	s1 =	sshll.u32 @!p2 s1, $0x8;
	s10 =	sadd.s32 @!p2 s16, s9  }
0xfd: {  	[tilespmem:s13], [sflag:$0x1] =	stream.indirect.gather @!p2 [hbm4b:s4+s11], $0x10, s10, s11, $0xb8;
	[tilespmem:$0xB800] =	vst v63  }
0xfe: {  	s1 =	sand.u32 @!p2 $0x1FFFFC00, s1;
	s10 =	sadd.s32 @!p2 $0x80, s10;
	s13 =	simm.s32 @!p2 $0x6000  }
0xff: {  	[tilespmem:s13], [sflag:$0x1] =	stream.indirect.gather @!p2 [hbm4b:s4+s11], $0x10, s10, s11, $0xb8;
	[tilespmem:$0xB800] =	vst v63  }
0x100: {  	s1 =	sadd.s32 @!p2 s2, s1;
	s10 =	simm.s32 @!p2 $0x0;
	s11 =	simm.s32 @!p2 $0x7800  }
0x101: {  	[tilespmem:s11], [sflag:$0x1] =	stream.linear.gather @!p2 [hbm4b:s1+s10], $0x1000, $0x38;
	[tilespmem:$0xB800] =	vst v63  }
0x102: {  	_ =	swait.ge [sflag:s26], $0x800  }
0x103: {  	[sflag:s26] =	ssyncset.done $0x0  }
0x104: {  	s18 =	simm.s32 $0x0;
	[sflag:s26] =	ssyncadd.s32 $0xFFFFF800  }
0x105: {  	s23 =	simm.s32 $0x1;
	v16 =	vmov s18;
	_ =	swait.ge [sflag:s26], $0x800  }
0x106: {  	v17 =	vmov s23;
	v16 =	vand.u32 $0xE, v16;
	[sflag:s26] =	ssyncset.done $0x0  }
0x107: {  	v17 =	vand.u32 $0xF, v17;
	v16 =	vbroadcast v16, $0x0;
	s1 =	simm.s32 @!p1 $0x6;
	[sflag:s26] =	ssyncadd.s32 $0xFFFFF800  }
0x108: {  	v17 =	vbroadcast v17, $0x0;
	_ =	swait.ge @!p1 [sflag:s1], $0x800  }
0x109: {  	v18 =	vor.u32 v0, v16;
	[sflag:s1] =	ssyncset.done @!p1 $0x0  }
0x10a: {  	v19 =	vor.u32 v7, v17;
	[sflag:s1] =	ssyncadd.s32 @!p1 $0xFFFFF800  }
0x10b: {  	_ =	swait.ge @!p1 [sflag:s1], $0x800  }
0x10c: {  	v20 =	vor.u32 v0, v17;
	[sflag:s1] =	ssyncset.done @!p1 $0x0  }
0x10d: {  	v21 =	vor.u32 v1, v17;
	[sflag:s1] =	ssyncadd.s32 @!p1 $0xFFFFF800  }
0x10e: {  	v22 =	vor.u32 v2, v17;
	v28 =	vld.idx.msk [tilespmem:v18+s28+$0x0], $0xffff  }
0x10f: {  	v23 =	vor.u32 v3, v17;
	s10 =	simm.s32 $0x8880;
	v59 =	vld.idx.msk [tilespmem:v19+s28+$0x0], $0xffff  }
0x110: {  	v25 =	vor.u32 v4, v17;
	v60 =	vld [tilespmem:s10+$0x70]  }
0x111: {  	v26 =	vor.u32 v5, v17;
	v18 =	vld.idx.msk [tilespmem:v20+s28+$0x0], $0xffff  }
0x112: {  	v27 =	vor.u32 v6, v17;
	v19 =	vld.idx.msk [tilespmem:v21+s28+$0x0], $0xffff  }
0x113: {  	v29 =	vor.u32 v1, v16;
	v20 =	vld.idx.msk [tilespmem:v22+s28+$0x0], $0xffff  }
0x114: {  	v30 =	vor.u32 v2, v16;
	v24 =	vld.idx.msk [tilespmem:v23+s28+$0x0], $0xffff  }
0x115: {  	v61 =	vor.u32 v3, v16;
	v22 =	vld.idx.msk [tilespmem:v25+s28+$0x0], $0xffff  }
0x116: {  	v23 =	vld.idx.msk [tilespmem:v26+s28+$0x0], $0xffff  }
0x117: {  	v21 =	vld.idx.msk [tilespmem:v27+s28+$0x0], $0xffff  }
0x118: {  	v32 =	vld.idx.msk [tilespmem:v29+s28+$0x0], $0xffff  }
0x119: {  	v31 =	vld.idx.msk [tilespmem:v30+s28+$0x0], $0xffff  }
0x11a: {  	v30 =	vld.idx.msk [tilespmem:v61+s28+$0x0], $0xffff  }
0x11b: {  	v25 =	vor.u32 v4, v16;
	v63 =	vld [tilespmem:s10+$0xFFFFFF80]  }
0x11c: {  	v26 =	vor.u32 v5, v16;
	v36 =	vld [tilespmem:s10+$0xFFFFFF90]  }
0x11d: {  	v62 =	vor.u32 v6, v16;
	v35 =	vld [tilespmem:s10+$0xFFFFFFA0]  }
0x11e: {  	v37 =	vor.u32 v7, v16;
	v34 =	vld [tilespmem:s10+$0xFFFFFFB0]  }
0x11f: {  	v33 =	vld [tilespmem:s10+$0xFFFFFFC0]  }
0x120: {  	s6 =	smov.u32 s19;
	s25 =	sand.u32 $0x800, s18;
	v29 =	vld.idx.msk [tilespmem:v25+s28+$0x0], $0xffff  }
0x121: {  	s30 =	simm.s32 $0x80;
	s20 =	sand.u32 $0x300, s18;
	s21 =	sadd.s32 $0xA800, s25;
	v27 =	vld.idx.msk [tilespmem:v26+s28+$0x0], $0xffff  }
0x122: {  	s29 =	simm.s32 $0x0;
	s23 =	sand.u32 $0x380, s30;
	s31 =	sor.u32 s20, s21;
	v26 =	vld.idx.msk [tilespmem:v62+s28+$0x0], $0xffff;
	v38 =	vadd.f32 v60, v59  }
0x123: {  	s25 =	sor.u32 s23, s21;
	s20 =	smov.u32 s31;
	s22 =	simm.s32 $0x0;
	v25 =	vld.idx.msk [tilespmem:v37+s28+$0x0], $0xffff  }
0x124: {  	s13 =	simm.s32 $0x90F0;
	s11 =	simm.s32 $0x0;
	s1 =	simm.s32 $0x2;
	v37 =	vadd.f32 v63, v28;
	v28 =	vld [tilespmem:s10+$0xFFFFFFD0];
	[tilespmem:s25+$0x70] =	vst v38  }
.LBB2_7:
0x125: {  	v38 =	vmov s1;
	s30 =	sadd.s32 $0x1, s1;
	s11 =	sadd.s32 $0x10, s11;
	v32 =	vadd.f32 v36, v32;
	v36 =	vld [tilespmem:s10+$0xFFFFFFE0]  }
0x126: {  	v38 =	vand.u32 $0xE, v38;
	v39 =	vmov s30;
	p1 =	slt.u32 s11, $0x70;
	[tilespmem:s20+$0x0] =	vst v37;
	v31 =	vadd.f32 v35, v31;
	v35 =	vld [tilespmem:s10+$0xFFFFFFF0]  }
0x127: {  	v37 =	vbroadcast v38, $0x0;
	v38 =	vand.u32 $0xF, v39;
	[tilespmem:s20+$0x10] =	vst v32;
	v30 =	vadd.f32 v34, v30;
	v32 =	vld [tilespmem:s10+$0x0]  }
0x128: {  	v34 =	vbroadcast v38, $0x0;
	[tilespmem:s20+$0x20] =	vst v31;
	v29 =	vadd.f32 v33, v29;
	v31 =	vld [tilespmem:s10+$0x10]  }
0x129: {  	v33 =	vor.u32 v0, v37;
	v38 =	vor.u32 v1, v37;
	v39 =	vor.u32 v2, v37;
	[tilespmem:s20+$0x30] =	vst v30;
	v30 =	vld [tilespmem:s10+$0x20]  }
0x12a: {  	v40 =	vor.u32 v0, v34;
	v41 =	vor.u32 v1, v34;
	v42 =	vor.u32 v7, v34;
	[tilespmem:s20+$0x40] =	vst v29;
	v29 =	vld [tilespmem:s10+$0x30]  }
0x12b: {  	v43 =	vor.u32 v2, v34;
	v44 =	vor.u32 v3, v34;
	v45 =	vor.u32 v4, v34;
	v46 =	vld [tilespmem:s10+$0x40]  }
0x12c: {  	v47 =	vor.u32 v3, v37;
	v48 =	vor.u32 v5, v34;
	v34 =	vor.u32 v6, v34;
	v49 =	vld [tilespmem:s10+$0x50]  }
0x12d: {  	v50 =	vor.u32 v4, v37;
	v51 =	vor.u32 v5, v37;
	v52 =	vor.u32 v6, v37;
	v53 =	vld [tilespmem:s10+$0x60]  }
0x12e: {  	v18 =	vadd.f32 v32, v18;
	v19 =	vadd.f32 v31, v19;
	v54 =	vld.idx.msk [tilespmem:v33+s28+$0x0], $0xffff;
	v33 =	vor.u32 v7, v37  }
0x12f: {  	s10 =	sadd.s32 $0x100, s10;
	v20 =	vadd.f32 v30, v20;
	v31 =	vld.idx.msk [tilespmem:v42+s28+$0x0], $0xffff;
	v24 =	vadd.f32 v29, v24  }
0x130: {  	v27 =	vadd.f32 v28, v27;
	v29 =	vld [tilespmem:s10+$0x70];
	[tilespmem:s25+$0x0] =	vst v18;
	v22 =	vadd.f32 v46, v22  }
0x131: {  	v26 =	vadd.f32 v36, v26;
	v18 =	vld.idx.msk [tilespmem:v40+s28+$0x0], $0xffff;
	[tilespmem:s25+$0x10] =	vst v19;
	v23 =	vadd.f32 v49, v23  }
0x132: {  	v25 =	vadd.f32 v35, v25;
	v19 =	vld.idx.msk [tilespmem:v41+s28+$0x0], $0xffff;
	[tilespmem:s25+$0x20] =	vst v20;
	v21 =	vadd.f32 v53, v21  }
0x133: {  	s22 =	sadd.s32 $0x100, s22;
	s29 =	sadd.s32 $0x200, s29;
	v20 =	vld.idx.msk [tilespmem:v43+s28+$0x0], $0xffff;
	[tilespmem:s25+$0x30] =	vst v24  }
0x134: {  	s30 =	sand.u32 $0x800, s29;
	s19 =	sand.u32 $0x300, s22;
	s2 =	sadd.s32 $0x80, s22;
	v24 =	vld.idx.msk [tilespmem:v44+s28+$0x0], $0xffff;
	[tilespmem:s25+$0x40] =	vst v22  }
0x135: {  	s30 =	sadd.s32 $0xA800, s30;
	s2 =	sand.u32 $0x380, s2;
	v22 =	vld.idx.msk [tilespmem:v45+s28+$0x0], $0xffff;
	v28 =	vadd.f32 v29, v31;
	[tilespmem:s25+$0x50] =	vst v23  }
0x136: {  	s19 =	sor.u32 s19, s30;
	v23 =	vld.idx.msk [tilespmem:v48+s28+$0x0], $0xffff;
	[tilespmem:s25+$0x60] =	vst v21;
	s25 =	sor.u32 s2, s30  }
0x137: {  	v21 =	vld.idx.msk [tilespmem:v34+s28+$0x0], $0xffff;
	[tilespmem:s25+$0x70] =	vst v28  }
0x138: {  	v32 =	vld.idx.msk [tilespmem:v38+s28+$0x0], $0xffff;
	[tilespmem:s20+$0x50] =	vst v27  }
0x139: {  	v31 =	vld.idx.msk [tilespmem:v39+s28+$0x0], $0xffff;
	[tilespmem:s20+$0x60] =	vst v26  }
0x13a: {  	v30 =	vld.idx.msk [tilespmem:v47+s28+$0x0], $0xffff;
	[tilespmem:s20+$0x70] =	vst v25;
	s20 =	smov.u32 s19  }
0x13b: {  	v29 =	vld.idx.msk [tilespmem:v50+s28+$0x0], $0xffff  }
0x13c: {  	v27 =	vld.idx.msk [tilespmem:v51+s28+$0x0], $0xffff  }
0x13d: {  	v26 =	vld.idx.msk [tilespmem:v52+s28+$0x0], $0xffff  }
0x13e: {  	v25 =	vld.idx.msk [tilespmem:v33+s28+$0x0], $0xffff  }
0x13f: {  	v28 =	vld [tilespmem:s10+$0xFFFFFF80]  }
.Ltmp5:
0x140: {  	v36 =	vld [tilespmem:s10+$0xFFFFFF90];
	(pc) =	sbr.rel @p1 .LBB2_7-.Ltmp5, $4  }
0x141: {  	v35 =	vld [tilespmem:s10+$0xFFFFFFA0]  }
0x142: {  	v34 =	vld [tilespmem:s10+$0xFFFFFFB0]  }
0x143: {  	v33 =	vld [tilespmem:s10+$0xFFFFFFC0]  }
0x144: {  	s1 =	sadd.s32 $0x2, s1;
	v37 =	vadd.f32 v28, v54;
	v28 =	vld [tilespmem:s10+$0xFFFFFFD0]  }
0x145: {  	v38 =	vld [tilespmem:s10+$0x0]  }
0x146: {  	v32 =	vadd.f32 v36, v32;
	v55 =	vld [tilespmem:s10+$0x10]  }
0x147: {  	v56 =	vld [tilespmem:s10+$0x20];
	[tilespmem:s20+$0x0] =	vst v37;
	v31 =	vadd.f32 v35, v31  }
0x148: {  	v57 =	vld [tilespmem:s10+$0x30];
	[tilespmem:s20+$0x10] =	vst v32;
	v30 =	vadd.f32 v34, v30  }
0x149: {  	[tilespmem:s20+$0x20] =	vst v31;
	v29 =	vadd.f32 v33, v29;
	v31 =	vld [tilespmem:s10+$0x40]  }
0x14a: {  	[tilespmem:s20+$0x30] =	vst v30;
	v30 =	vld [tilespmem:s10+$0x50];
	v18 =	vadd.f32 v38, v18  }
0x14b: {  	[tilespmem:s20+$0x40] =	vst v29;
	v29 =	vld [tilespmem:s10+$0x60];
	v19 =	vadd.f32 v55, v19  }
0x14c: {  	v20 =	vadd.f32 v56, v20;
	[tilespmem:s25+$0x0] =	vst v18  }
0x14d: {  	v24 =	vadd.f32 v57, v24;
	v18 =	vld [tilespmem:s10+$0xFFFFFFE0];
	[tilespmem:s25+$0x10] =	vst v19  }
0x14e: {  	v19 =	vld [tilespmem:s10+$0xFFFFFFF0];
	[tilespmem:s25+$0x20] =	vst v20;
	v22 =	vadd.f32 v31, v22  }
0x14f: {  	[tilespmem:s25+$0x30] =	vst v24;
	v20 =	vadd.f32 v30, v23  }
0x150: {  	v21 =	vadd.f32 v29, v21;
	[tilespmem:s25+$0x40] =	vst v22  }
0x151: {  	v22 =	vadd.f32 v28, v27;
	[tilespmem:s25+$0x50] =	vst v20  }
0x152: {  	v27 =	vor.u32 v9, v16;
	v18 =	vadd.f32 v18, v26;
	[tilespmem:s25+$0x60] =	vst v21  }
0x153: {  	v28 =	vor.u32 v10, v16;
	v19 =	vadd.f32 v19, v25;
	[tilespmem:s20+$0x50] =	vst v22  }
0x154: {  	v59 =	vor.u32 v11, v16;
	[tilespmem:s20+$0x60] =	vst v18  }
0x155: {  	v60 =	vor.u32 v12, v16;
	[tilespmem:s20+$0x70] =	vst v19  }
0x156: {  	v58 =	vld [tilespmem:s13+$0x0]  }
0x157: {  	v30 =	vld.idx.msk [tilespmem:v27+s28+$0x0], $0xffff  }
0x158: {  	v29 =	vld.idx.msk [tilespmem:v28+s28+$0x0], $0xffff  }
0x159: {  	v28 =	vld.idx.msk [tilespmem:v59+s28+$0x0], $0xffff  }
0x15a: {  	v20 =	vor.u32 v8, v16;
	v27 =	vld.idx.msk [tilespmem:v60+s28+$0x0], $0xffff  }
0x15b: {  	v21 =	vor.u32 v15, v17;
	v62 =	vld [tilespmem:s13+$0xFFFFFF10]  }
0x15c: {  	v18 =	vor.u32 v8, v17;
	v34 =	vld [tilespmem:s13+$0xFFFFFF20]  }
0x15d: {  	v19 =	vor.u32 v9, v17;
	v33 =	vld [tilespmem:s13+$0xFFFFFF30]  }
0x15e: {  	v22 =	vor.u32 v10, v17;
	v32 =	vld [tilespmem:s13+$0xFFFFFF40]  }
0x15f: {  	v24 =	vor.u32 v13, v17;
	v26 =	vld.idx.msk [tilespmem:v20+s28+$0x0], $0xffff  }
0x160: {  	v20 =	vor.u32 v11, v17;
	v31 =	vld.idx.msk [tilespmem:v21+s28+$0x0], $0xffff  }
0x161: {  	v25 =	vor.u32 v14, v17;
	v18 =	vld.idx.msk [tilespmem:v18+s28+$0x0], $0xffff  }
0x162: {  	v21 =	vor.u32 v12, v17;
	v17 =	vld.idx.msk [tilespmem:v19+s28+$0x0], $0xffff  }
0x163: {  	v19 =	vld.idx.msk [tilespmem:v22+s28+$0x0], $0xffff  }
0x164: {  	v22 =	vld.idx.msk [tilespmem:v24+s28+$0x0], $0xffff  }
0x165: {  	v24 =	vor.u32 v13, v16;
	v23 =	vld.idx.msk [tilespmem:v20+s28+$0x0], $0xffff  }
0x166: {  	v61 =	vor.u32 v14, v16;
	v20 =	vld.idx.msk [tilespmem:v25+s28+$0x0], $0xffff  }
0x167: {  	v16 =	vor.u32 v15, v16;
	v35 =	vadd.f32 v62, v26;
	v26 =	vld [tilespmem:s13+$0xFFFFFF60]  }
0x168: {  	v21 =	vld.idx.msk [tilespmem:v21+s28+$0x0], $0xffff  }
0x169: {  	v63 =	vadd.f32 v58, v31;
	v31 =	vld [tilespmem:s13+$0xFFFFFF50]  }
0x16a: {  	v25 =	vld.idx.msk [tilespmem:v24+s28+$0x0], $0xffff  }
0x16b: {  	s10 =	sor.u32 s23, s21;
	v24 =	vld.idx.msk [tilespmem:v61+s28+$0x0], $0xffff  }
0x16c: {  	s11 =	simm.s32 $0x0;
	s1 =	simm.s32 $0x2;
	s20 =	simm.s32 $0x0;
	v16 =	vld.idx.msk [tilespmem:v16+s28+$0x0], $0xffff;
	[tilespmem:s10+$0x470] =	vst v63  }
.LBB2_9:
0x16d: {  	v36 =	vmov s1;
	s2 =	sadd.s32 $0x1, s1;
	s11 =	sadd.s32 $0x10, s11;
	v30 =	vadd.f32 v34, v30;
	v34 =	vld [tilespmem:s13+$0xFFFFFF70]  }
0x16e: {  	v36 =	vand.u32 $0xE, v36;
	v37 =	vmov s2;
	p1 =	slt.u32 s11, $0x70;
	[tilespmem:s31+$0x400] =	vst v35;
	v29 =	vadd.f32 v33, v29;
	v33 =	vld [tilespmem:s13+$0xFFFFFF80]  }
0x16f: {  	v35 =	vbroadcast v36, $0x0;
	v36 =	vand.u32 $0xF, v37;
	[tilespmem:s31+$0x410] =	vst v30;
	v28 =	vadd.f32 v32, v28;
	v30 =	vld [tilespmem:s13+$0xFFFFFF90]  }
0x170: {  	v32 =	vbroadcast v36, $0x0;
	[tilespmem:s31+$0x420] =	vst v29;
	v27 =	vadd.f32 v31, v27;
	v29 =	vld [tilespmem:s13+$0xFFFFFFA0]  }
0x171: {  	v31 =	vor.u32 v8, v35;
	v36 =	vor.u32 v9, v35;
	v37 =	vor.u32 v10, v35;
	[tilespmem:s31+$0x430] =	vst v28;
	v28 =	vld [tilespmem:s13+$0xFFFFFFB0]  }
0x172: {  	v38 =	vor.u32 v8, v32;
	v39 =	vor.u32 v9, v32;
	v40 =	vor.u32 v15, v32;
	[tilespmem:s31+$0x440] =	vst v27;
	v27 =	vld [tilespmem:s13+$0xFFFFFFC0]  }
0x173: {  	v41 =	vor.u32 v10, v32;
	v42 =	vor.u32 v11, v32;
	v43 =	vor.u32 v12, v32;
	v44 =	vld [tilespmem:s13+$0xFFFFFFD0]  }
0x174: {  	v45 =	vor.u32 v11, v35;
	v46 =	vor.u32 v13, v32;
	v32 =	vor.u32 v14, v32;
	v47 =	vld [tilespmem:s13+$0xFFFFFFE0]  }
0x175: {  	v48 =	vor.u32 v12, v35;
	v49 =	vor.u32 v13, v35;
	v50 =	vor.u32 v14, v35;
	v51 =	vld [tilespmem:s13+$0xFFFFFFF0]  }
0x176: {  	v18 =	vadd.f32 v30, v18;
	v17 =	vadd.f32 v29, v17;
	v52 =	vld.idx.msk [tilespmem:v31+s28+$0x0], $0xffff;
	v31 =	vor.u32 v15, v35  }
0x177: {  	s13 =	sadd.s32 $0x100, s13;
	v19 =	vadd.f32 v28, v19;
	v29 =	vld.idx.msk [tilespmem:v40+s28+$0x0], $0xffff;
	v23 =	vadd.f32 v27, v23  }
0x178: {  	v25 =	vadd.f32 v26, v25;
	v27 =	vld [tilespmem:s13+$0x0];
	[tilespmem:s10+$0x400] =	vst v18;
	v21 =	vadd.f32 v44, v21  }
0x179: {  	v24 =	vadd.f32 v34, v24;
	v18 =	vld.idx.msk [tilespmem:v38+s28+$0x0], $0xffff;
	[tilespmem:s10+$0x410] =	vst v17;
	v22 =	vadd.f32 v47, v22  }
0x17a: {  	v16 =	vadd.f32 v33, v16;
	v17 =	vld.idx.msk [tilespmem:v39+s28+$0x0], $0xffff;
	[tilespmem:s10+$0x420] =	vst v19;
	v20 =	vadd.f32 v51, v20  }
0x17b: {  	s18 =	sadd.s32 $0x100, s18;
	s20 =	sadd.s32 $0x200, s20;
	v19 =	vld.idx.msk [tilespmem:v41+s28+$0x0], $0xffff;
	[tilespmem:s10+$0x430] =	vst v23  }
0x17c: {  	s2 =	sand.u32 $0x800, s20;
	s19 =	sand.u32 $0x300, s18;
	s21 =	sadd.s32 $0x80, s18;
	v23 =	vld.idx.msk [tilespmem:v42+s28+$0x0], $0xffff;
	[tilespmem:s10+$0x440] =	vst v21  }
0x17d: {  	s2 =	sadd.s32 $0xA800, s2;
	s21 =	sand.u32 $0x380, s21;
	v21 =	vld.idx.msk [tilespmem:v43+s28+$0x0], $0xffff;
	v26 =	vadd.f32 v27, v29;
	[tilespmem:s10+$0x450] =	vst v22  }
0x17e: {  	s19 =	sor.u32 s19, s2;
	v22 =	vld.idx.msk [tilespmem:v46+s28+$0x0], $0xffff;
	[tilespmem:s10+$0x460] =	vst v20;
	s10 =	sor.u32 s21, s2  }
0x17f: {  	v20 =	vld.idx.msk [tilespmem:v32+s28+$0x0], $0xffff;
	[tilespmem:s10+$0x470] =	vst v26  }
0x180: {  	v30 =	vld.idx.msk [tilespmem:v36+s28+$0x0], $0xffff;
	[tilespmem:s31+$0x450] =	vst v25  }
0x181: {  	v29 =	vld.idx.msk [tilespmem:v37+s28+$0x0], $0xffff;
	[tilespmem:s31+$0x460] =	vst v24  }
0x182: {  	v28 =	vld.idx.msk [tilespmem:v45+s28+$0x0], $0xffff;
	[tilespmem:s31+$0x470] =	vst v16;
	s31 =	smov.u32 s19  }
0x183: {  	v27 =	vld.idx.msk [tilespmem:v48+s28+$0x0], $0xffff  }
0x184: {  	v25 =	vld.idx.msk [tilespmem:v49+s28+$0x0], $0xffff  }
0x185: {  	v24 =	vld.idx.msk [tilespmem:v50+s28+$0x0], $0xffff  }
0x186: {  	v16 =	vld.idx.msk [tilespmem:v31+s28+$0x0], $0xffff  }
0x187: {  	v26 =	vld [tilespmem:s13+$0xFFFFFF10]  }
.Ltmp6:
0x188: {  	v34 =	vld [tilespmem:s13+$0xFFFFFF20];
	(pc) =	sbr.rel @p1 .LBB2_9-.Ltmp6, $4  }
0x189: {  	v33 =	vld [tilespmem:s13+$0xFFFFFF30]  }
0x18a: {  	v32 =	vld [tilespmem:s13+$0xFFFFFF40]  }
0x18b: {  	v31 =	vld [tilespmem:s13+$0xFFFFFF50]  }
0x18c: {  	s1 =	sadd.s32 $0x2, s1;
	v35 =	vadd.f32 v26, v52;
	v26 =	vld [tilespmem:s13+$0xFFFFFF60]  }
0x18d: {  	v36 =	vld [tilespmem:s13+$0xFFFFFF90];
	v30 =	vadd.f32 v34, v30  }
0x18e: {  	v55 =	vld [tilespmem:s13+$0xFFFFFFA0];
	[tilespmem:s31+$0x400] =	vst v35;
	v29 =	vadd.f32 v33, v29  }
0x18f: {  	v56 =	vld [tilespmem:s13+$0xFFFFFFB0];
	[tilespmem:s31+$0x410] =	vst v30;
	v28 =	vadd.f32 v32, v28  }
0x190: {  	v57 =	vld [tilespmem:s13+$0xFFFFFFC0];
	[tilespmem:s31+$0x420] =	vst v29;
	v27 =	vadd.f32 v31, v27  }
0x191: {  	v58 =	vld [tilespmem:s13+$0xFFFFFFD0];
	[tilespmem:s31+$0x430] =	vst v28;
	v63 =	vadd.f32 v26, v25  }
0x192: {  	v59 =	vld [tilespmem:s13+$0xFFFFFFE0];
	v18 =	vadd.f32 v36, v18;
	[tilespmem:s31+$0x440] =	vst v27  }
0x193: {  	v60 =	vld [tilespmem:s13+$0xFFFFFFF0];
	v17 =	vadd.f32 v55, v17;
	[tilespmem:s31+$0x450] =	vst v63  }
0x194: {  	v61 =	vld [tilespmem:s13+$0xFFFFFF70];
	v19 =	vadd.f32 v56, v19;
	[tilespmem:s10+$0x400] =	vst v18  }
0x195: {  	v23 =	vadd.f32 v57, v23;
	[tilespmem:s10+$0x410] =	vst v17;
	v17 =	vld [tilespmem:s13+$0xFFFFFF80]  }
0x196: {  	v21 =	vadd.f32 v58, v21;
	[tilespmem:s10+$0x420] =	vst v19  }
0x197: {  	v62 =	vadd.f32 v59, v22;
	[tilespmem:s10+$0x430] =	vst v23  }
0x198: {  	v20 =	vadd.f32 v60, v20;
	[tilespmem:s10+$0x440] =	vst v21  }
0x199: {  	s1 =	sadd.s32 s7, s15;
	[tilespmem:s10+$0x450] =	vst v62;
	v18 =	vadd.f32 v61, v24  }
0x19a: {  	s1 =	sshll.u32 s1, $0xA;
	[tilespmem:s10+$0x460] =	vst v20;
	v16 =	vadd.f32 v17, v16  }
0x19b: {  	s19 =	smov.u32 s6;
	s2 =	sshrl.u32 s1, $0x3;
	s1 =	sadd.s32 $0x271000, s1;
	[tilespmem:s31+$0x460] =	vst v18  }
0x19c: {  	s29 =	simm.s32 $0xA800;
	s2 =	sadd.s32 s6, s2;
	s1 =	sshrl.u32 s1, $0x3;
	[tilespmem:s31+$0x470] =	vst v16  }
0x19d: {  	[hbm4b:s2+s3] =	stream.linear.scatter [tilespmem:s29], [sflag:$0x6], $0x800, $0x38;
	[tilespmem:$0xB800] =	vst v63  }
0x19e: {  	s30 =	simm.s32 $0xB000;
	s1 =	sadd.s32 s19, s1  }
0x19f: {  	[hbm4b:s1+s3] =	stream.linear.scatter [tilespmem:s30], [sflag:$0x6], $0x800, $0x38;
	[tilespmem:$0xB800] =	vst v63  }
0x1a0: {  	s1 =	simm.s32 @!p2 $0x1  }
0x1a1: {  	_ =	swait.ge @!p2 [sflag:s1], $0x800  }
0x1a2: {  	[sflag:s1] =	ssyncset.done @!p2 $0x0  }
0x1a3: {  	[sflag:s1] =	ssyncadd.s32 @!p2 $0xFFFFF800  }
0x1a4: {  	_ =	swait.ge @!p2 [sflag:s1], $0x800  }
0x1a5: {  	[sflag:s1] =	ssyncset.done @!p2 $0x0  }
0x1a6: {  	[sflag:s1] =	ssyncadd.s32 @!p2 $0xFFFFF800  }
0x1a7: {  	_ =	swait.ge @!p2 [sflag:s1], $0x1000  }
0x1a8: {  	s10 =	simm.s32 @!p2 $0x5800;
	[sflag:s1] =	ssyncset.done @!p2 $0x0  }
0x1a9: {  	s2 =	simm.s32 @!p2 $0x80;
	[sflag:s1] =	ssyncadd.s32 @!p2 $0xFFFFF000;
	s1 =	sadd.s32 @!p2 s16, s17  }
0x1aa: {  	[tilespmem:s10], [sflag:$0x3] =	stream.indirect.gather.add.f32 @!p2 [hbm:s5], $0x10, s1, s2, $0xb8;
	[tilespmem:$0xB800] =	vst v63  }
0x1ab: {  	s1 =	sadd.s32 @!p2 $0x80, s1;
	s10 =	simm.s32 @!p2 $0x6000  }
0x1ac: {  	[tilespmem:s10], [sflag:$0x3] =	stream.indirect.gather.add.f32 @!p2 [hbm:s5], $0x10, s1, s2, $0xb8;
	[tilespmem:$0xB800] =	vst v63  }
0x1ad: {  	s1 =	sadd.s32 $0x6, s14  }
0x1ae: {  	p1 =	sge.s32 s1, s8  }
0x1af: {  	s2 =	sshll.u32 @!p1 s1, $0x9  }
0x1b0: {  	s31 =	rddreg [dreg:$0xe];
	s10 =	simm.s32 @!p1 $0x80;
	s2 =	sshra.s32 @!p1 s2, $0x2  }
0x1b1: {  	s11 =	simm.s32 @!p1 $0x6800;
	s1 =	sadd.s32 @!p1 s7, s1;
	s2 =	sadd.s32 @!p1 s2, s9  }
0x1b2: {  	[tilespmem:s11], [sflag:$0x2] =	stream.indirect.gather @!p1 [hbm4b:s4+s10], $0x10, s2, s10, $0xb8;
	[tilespmem:$0xB800] =	vst v63  }
0x1b3: {  	s1 =	sshll.u32 @!p1 s1, $0x8;
	s2 =	sadd.s32 @!p1 $0x80, s2;
	s11 =	simm.s32 @!p1 $0x7000  }
0x1b4: {  	[tilespmem:s11], [sflag:$0x2] =	stream.indirect.gather @!p1 [hbm4b:s4+s10], $0x10, s2, s10, $0xb8;
	[tilespmem:$0xB800] =	vst v63  }
0x1b5: {  	s12 =	sadd.s32 $0x1, s12;
	s1 =	sand.u32 @!p1 $0x1FFFFE00, s1;
	s2 =	rddreg [dreg:$0x5]  }
0x1b6: {  	s10 =	simm.s32 @!p1 $0x8800;
	s1 =	sadd.s32 @!p1 s2, s1;
	s2 =	simm.s32 @!p1 $0x0  }
0x1b7: {  	[tilespmem:s10], [sflag:$0x2] =	stream.linear.gather @!p1 [hbm4b:s1+s2], $0x1000, $0x38;
	[tilespmem:$0xB800] =	vst v63  }
0x1b8: {  	p1 =	sne.s32 s12, s31  }
.Ltmp7:
0x1b9: {  	_ = 	snop;
	(pc) =	sbr.rel @p1 .LBB2_2-.Ltmp7, $4  }
.Ltmp8:
0x1ba: {  	_ = 	snop;
	(pc) =	sbr.rel @!p1 .LBB2_11-.Ltmp8, $4  }
0x1bb: {  	_ = 	snop  }
0x1bc: {  	_ = 	snop  }
0x1bd: {  	_ = 	snop  }
0x1be: {  	_ = 	snop  }
.LBB2_12:
0x1bf: {  	_ =	sfence.sel $0x180000  }
0x1c0: {  	[bflag:$0x0] =	sbarrier.arrive $0xFFFF  }
0x1c1: {  	_ =	strace $0x90000047  }
0x1c2: {  	s0 =	stileid.u32;
	[bflag:$0x2] =	sbarrier.arrive $0xFFFF  }
0x1c3: {  	p0 =	sne.s32 s0, $0x0;
	s0 =	rddreg [dreg:$0x4]  }
0x1c4: {  	s0 =	sadd.s32 @!p0 $0x100000, s0  }
0x1c5: {  	[sflag:s0] =	ssyncadd.tile.s32 @!p0 $0x1;
	_ =	shalt  }
.Lfunc_end2:
_tile_overlayer_lowered:
.L_overlay_start_2:
0x1c6: {  	(tag) =	ssettag $0x2  }
0x1c7: {  	s0 =	rddreg [dreg:$0x0];
	s2 =	stileid.u32  }
0x1c8: {  	s1 =	rddreg [dreg:$0x1];
	p0 =	sne.s32 s2, $0x0  }
0x1c9: {  	s3 =	rddreg [dreg:$0x2];
	[bflag:$0x3] =	sbarrier.arrive $0xFFFF;
	s2 =	simm.s32 @!p0 $0x1C07  }
0x1ca: {  	[timem:s3], [sflag:s2] =	dma.local @!p0 [hbm:s0], s1  }
0x1cb: {  	s0 =	simm.s32 @!p0 $0x7  }
0x1cc: {  	_ =	swait.ge @!p0 [sflag:s0], s1  }
0x1cd: {  	s1 =	ssub.s32 @!p0 $0x0, s1;
	[sflag:s0] =	ssyncset.done @!p0 $0x0  }
0x1ce: {  	[sflag:s0] =	ssyncadd.s32 @!p0 s1  }
0x1cf: {  	[bflag:$0x3] =	sbarrier.arrive $0xFFFF  }
0x1d0: {  	_ =	shalt  }

</sc_bundles>
